<compile_context>
chip_gen: v7x
topology: tpu7x:2x2x1
jax: 0.10.2.dev20260603
libtpu: 0.0.44.dev20260713+nightly
codegen_flags: <defaults>
</compile_context>

<pallas_src>
import functools

import jax
import jax.numpy as jnp
from jax import lax
from jax.experimental import pallas as pl
from jax.experimental.pallas import tpu as pltpu
from jax.experimental.pallas import tpu_sc as plsc

EMB = 128
BATCH = 16384
NC = 2
NS = 16
NW = NC * NS
BPW = BATCH // NW
C = 128
NCH = BPW // C
LANES = 16

OUT_ROWS = BATCH * LANES // EMB
ORPW = OUT_ROWS // NW
ORPC = ORPW // NCH

_mesh = plsc.VectorSubcoreMesh(core_axis_name="c", subcore_axis_name="s")


@functools.partial(
    pl.kernel,
    mesh=_mesh,
    out_type=jax.ShapeDtypeStruct((OUT_ROWS, EMB), jnp.float32),
    scratch_types=[
        pltpu.VMEM((BPW,), jnp.int32),
        pltpu.VMEM((BPW,), jnp.int32),
        pltpu.VMEM((BPW,), jnp.int32),
        pltpu.VMEM((C, EMB), jnp.float32),
        pltpu.VMEM((C, EMB), jnp.float32),
        pltpu.VMEM((C, EMB), jnp.float32),
        pltpu.VMEM((C, EMB), jnp.float32),
        pltpu.VMEM((C, EMB), jnp.float32),
        pltpu.VMEM((C, EMB), jnp.float32),
        pltpu.VMEM((ORPC, EMB), jnp.float32),
        pltpu.SemaphoreType.DMA,
        pltpu.SemaphoreType.DMA,
    ],
)
def _sc_diffs(ut, it, uix, pix, nix, out, uidx, pidx, nidx,
              ub0, pb0, nb0, ub1, pb1, nb1, ov, sem0, sem1):
    wid = lax.axis_index("s") * NC + lax.axis_index("c")
    base = pl.multiple_of(wid * BPW, 8)
    ix0 = pltpu.async_copy(uix.at[pl.ds(base, BPW)], uidx, sem0)
    ix1 = pltpu.async_copy(pix.at[pl.ds(base, BPW)], pidx, sem0)
    ix2 = pltpu.async_copy(nix.at[pl.ds(base, BPW)], nidx, sem0)
    ix0.wait()
    ix1.wait()
    ix2.wait()
    bufs = ((ub0, pb0, nb0, sem0), (ub1, pb1, nb1, sem1))

    def start(j):
        ub, pb, nb, sem = bufs[j % 2]
        sl = pl.ds(j * C, C)
        return (pltpu.async_copy(ut.at[uidx.at[sl]], ub, sem),
                pltpu.async_copy(it.at[pidx.at[sl]], pb, sem),
                pltpu.async_copy(it.at[nidx.at[sl]], nb, sem))

    pend = start(0)
    for j in range(NCH):
        nxt = start(j + 1) if j + 1 < NCH else None
        for cpy in pend:
            cpy.wait()
        ub, pb, nb, _ = bufs[j % 2]

        def row8_body(o, _, ub=ub, pb=pb, nb=nb):
            for i in range(8):
                r = o * 8 + i
                acc = jnp.zeros((LANES,), jnp.float32)
                for k in range(EMB // LANES):
                    u = ub[r, pl.ds(k * LANES, LANES)]
                    p = pb[r, pl.ds(k * LANES, LANES)]
                    n = nb[r, pl.ds(k * LANES, LANES)]
                    acc = acc + u * (n - p)
                ov[o, pl.ds(i * LANES, LANES)] = acc
            return 0

        lax.fori_loop(0, ORPC, row8_body, 0)
        obase = pl.multiple_of(wid * ORPW + j * ORPC, 8)
        pltpu.sync_copy(ov, out.at[pl.ds(obase, ORPC)])
        pend = nxt


def _softplus_mean_body(x_ref, o_ref):
    x = x_ref[...]
    row = lax.broadcasted_iota(jnp.int32, (EMB, 8), 0)
    col = lax.broadcasted_iota(jnp.int32, (EMB, 8), 1)
    sel = (row // LANES == col).astype(jnp.float32)
    d = jax.lax.dot_general(x, sel, (((1,), (0,)), ((), ())),
                            preferred_element_type=jnp.float32)
    sp = jnp.maximum(d, 0.0) + jnp.log1p(jnp.exp(-jnp.abs(d)))
    o_ref[0, 0] = jnp.sum(sp) * (1.0 / BATCH)


_tc_reduce = pl.pallas_call(
    _softplus_mean_body,
    out_shape=jax.ShapeDtypeStruct((1, 1), jnp.float32),
    in_specs=[pl.BlockSpec(memory_space=pltpu.VMEM)],
    out_specs=pl.BlockSpec(memory_space=pltpu.SMEM),
)


def kernel(user_table, item_table, users, pos, neg):
    u = users.astype(jnp.int32)
    p = pos.astype(jnp.int32)
    n = neg.astype(jnp.int32)
    partials = _sc_diffs(user_table, item_table, u, p, n)
    return _tc_reduce(partials)[0, 0]

# --- scband reference (transcript-rebuilt; emitter-appended) ---
"""Pipeline reference for scband-bpr-15401752724062 (READ-ONLY COPY).

The authoritative reference and input builder live on the scoring server;
editing this copy changes nothing except your own understanding.
"""

import jax, jax.numpy as jnp
import numpy as np

N_USER = 1000000
N_ITEM = 1000000
EMB = 128
BATCH = 16384


def setup_inputs(seed: int = 0) -> dict:
    key = jax.random.key(seed)
    k1, k2, k3, k4, k5 = jax.random.split(key, 5)
    # xavier_uniform init, gain=1: bound = sqrt(6 / (fan_in + fan_out))
    a_u = float(np.sqrt(6.0 / (N_USER + EMB)))
    a_i = float(np.sqrt(6.0 / (N_ITEM + EMB)))
    user_table = jax.random.uniform(k1, (N_USER, EMB), jnp.float32, -a_u, a_u)
    item_table = jax.random.uniform(k2, (N_ITEM, EMB), jnp.float32, -a_i, a_i)
    users = jax.random.randint(k3, (BATCH,), 0, N_USER, dtype=jnp.int32).astype(jnp.int64)
    pos = jax.random.randint(k4, (BATCH,), 0, N_ITEM, dtype=jnp.int32).astype(jnp.int64)
    neg = jax.random.randint(k5, (BATCH,), 0, N_ITEM, dtype=jnp.int32).astype(jnp.int64)
    return {"user_table": user_table, "item_table": item_table,
            "users": users, "pos": pos, "neg": neg}


def reference(user_table, item_table, users, pos, neg):
    # BPR.bpr_loss translated faithfully
    users_emb = jnp.take(user_table, users, axis=0)
    pos_emb = jnp.take(item_table, pos, axis=0)
    neg_emb = jnp.take(item_table, neg, axis=0)
    pos_scores = jnp.sum(users_emb * pos_emb, axis=1)
    neg_scores = jnp.sum(users_emb * neg_emb, axis=1)
    loss = jnp.mean(jax.nn.softplus(neg_scores - pos_scores))
    return loss

if __name__ == "__main__":
    import jax
    _d = setup_inputs()
    print(jax.jit(kernel)(*tuple(_d.values())))

</pallas_src>

<mosaic_0001>
#map = affine_map<(d0, d1) -> (0, 0)>
#map1 = affine_map<(d0, d1) -> (0)>
module attributes {stable_mosaic.version = 14 : i64} {
  func.func @_sc_diffs(%arg0: i32, %arg1: i32, %arg2: memref<1000000x128xf32, #tpu.memory_space<hbm>>, %arg3: memref<1000000x128xf32, #tpu.memory_space<hbm>>, %arg4: memref<16384xi32, #tpu.memory_space<hbm>>, %arg5: memref<16384xi32, #tpu.memory_space<hbm>>, %arg6: memref<16384xi32, #tpu.memory_space<hbm>>, %arg7: memref<2048x128xf32, #tpu.memory_space<hbm>>, %arg8: memref<512xi32, #tpu.memory_space<vmem>>, %arg9: memref<512xi32, #tpu.memory_space<vmem>>, %arg10: memref<512xi32, #tpu.memory_space<vmem>>, %arg11: memref<128x128xf32, #tpu.memory_space<vmem>>, %arg12: memref<128x128xf32, #tpu.memory_space<vmem>>, %arg13: memref<128x128xf32, #tpu.memory_space<vmem>>, %arg14: memref<128x128xf32, #tpu.memory_space<vmem>>, %arg15: memref<128x128xf32, #tpu.memory_space<vmem>>, %arg16: memref<128x128xf32, #tpu.memory_space<vmem>>, %arg17: memref<16x128xf32, #tpu.memory_space<vmem>>, %arg18: memref<!tpu.dma_semaphore, #tpu.memory_space<semaphore_mem>>, %arg19: memref<!tpu.dma_semaphore, #tpu.memory_space<semaphore_mem>>) attributes {dimension_semantics = [#tpu.dimension_semantics<core_parallel>, #tpu.dimension_semantics<subcore_parallel>], iteration_bounds = array<i64: 2, 16>, scalar_prefetch = 0 : i64, scratch_operands = 12 : i64, tpu.core_type = #tpu.core_type<sc_vector_subcore>, window_params = [{transform_indices = #map}, {transform_indices = #map}, {transform_indices = #map1}, {transform_indices = #map1}, {transform_indices = #map1}, {transform_indices = #map}]} {
    %mul3A = arith.constant 2 : i32
    %mul3A_0 = arith.muli %arg1, %mul3A : i32
    %add3A = arith.addi %mul3A_0, %arg0 : i32
    %mul3A_1 = arith.constant 512 : i32
    %mul3A_2 = arith.muli %add3A, %mul3A_1 : i32
    %multiple_of3A = tpu.assume_multiple %mul3A_2, 8 : i32
    %dma_start3A = tpu.memref_slice %arg4[%multiple_of3A] : memref<16384xi32, #tpu.memory_space<hbm>> -> memref<512xi32, #tpu.memory_space<hbm>>
    %dma_start3A_3 = tpu.memref_slice %arg4[%multiple_of3A] : memref<16384xi32, #tpu.memory_space<hbm>> -> memref<512xi32, #tpu.memory_space<hbm>>
    tpu.enqueue_dma source(%dma_start3A_3 : memref<512xi32, #tpu.memory_space<hbm>>) target(%arg8 : memref<512xi32, #tpu.memory_space<vmem>>) target_semaphore(%arg18 : memref<!tpu.dma_semaphore, #tpu.memory_space<semaphore_mem>>)
    %dma_start3A_4 = tpu.memref_slice %arg5[%multiple_of3A] : memref<16384xi32, #tpu.memory_space<hbm>> -> memref<512xi32, #tpu.memory_space<hbm>>
    %dma_start3A_5 = tpu.memref_slice %arg5[%multiple_of3A] : memref<16384xi32, #tpu.memory_space<hbm>> -> memref<512xi32, #tpu.memory_space<hbm>>
    tpu.enqueue_dma source(%dma_start3A_5 : memref<512xi32, #tpu.memory_space<hbm>>) target(%arg9 : memref<512xi32, #tpu.memory_space<vmem>>) target_semaphore(%arg18 : memref<!tpu.dma_semaphore, #tpu.memory_space<semaphore_mem>>)
    %dma_start3A_6 = tpu.memref_slice %arg6[%multiple_of3A] : memref<16384xi32, #tpu.memory_space<hbm>> -> memref<512xi32, #tpu.memory_space<hbm>>
    %dma_start3A_7 = tpu.memref_slice %arg6[%multiple_of3A] : memref<16384xi32, #tpu.memory_space<hbm>> -> memref<512xi32, #tpu.memory_space<hbm>>
    tpu.enqueue_dma source(%dma_start3A_7 : memref<512xi32, #tpu.memory_space<hbm>>) target(%arg10 : memref<512xi32, #tpu.memory_space<vmem>>) target_semaphore(%arg18 : memref<!tpu.dma_semaphore, #tpu.memory_space<semaphore_mem>>)
    %dma_wait3A = tpu.memref_slice %arg4[%multiple_of3A] : memref<16384xi32, #tpu.memory_space<hbm>> -> memref<512xi32, #tpu.memory_space<hbm>>
    %dma_wait3A_8 = tpu.memref_slice %arg4[%multiple_of3A] : memref<16384xi32, #tpu.memory_space<hbm>> -> memref<512xi32, #tpu.memory_space<hbm>>
    tpu.wait_dma2 semaphore(%arg18 : memref<!tpu.dma_semaphore, #tpu.memory_space<semaphore_mem>>) src(%dma_wait3A_8 : memref<512xi32, #tpu.memory_space<hbm>>) dst(%arg8 : memref<512xi32, #tpu.memory_space<vmem>>)
    %dma_wait3A_9 = tpu.memref_slice %arg5[%multiple_of3A] : memref<16384xi32, #tpu.memory_space<hbm>> -> memref<512xi32, #tpu.memory_space<hbm>>
    %dma_wait3A_10 = tpu.memref_slice %arg5[%multiple_of3A] : memref<16384xi32, #tpu.memory_space<hbm>> -> memref<512xi32, #tpu.memory_space<hbm>>
    tpu.wait_dma2 semaphore(%arg18 : memref<!tpu.dma_semaphore, #tpu.memory_space<semaphore_mem>>) src(%dma_wait3A_10 : memref<512xi32, #tpu.memory_space<hbm>>) dst(%arg9 : memref<512xi32, #tpu.memory_space<vmem>>)
    %dma_wait3A_11 = tpu.memref_slice %arg6[%multiple_of3A] : memref<16384xi32, #tpu.memory_space<hbm>> -> memref<512xi32, #tpu.memory_space<hbm>>
    %dma_wait3A_12 = tpu.memref_slice %arg6[%multiple_of3A] : memref<16384xi32, #tpu.memory_space<hbm>> -> memref<512xi32, #tpu.memory_space<hbm>>
    tpu.wait_dma2 semaphore(%arg18 : memref<!tpu.dma_semaphore, #tpu.memory_space<semaphore_mem>>) src(%dma_wait3A_12 : memref<512xi32, #tpu.memory_space<hbm>>) dst(%arg10 : memref<512xi32, #tpu.memory_space<vmem>>)
    %dma_start3A_13 = arith.constant 0 : i32
    %dma_start3A_14 = tpu.memref_slice %arg8[%dma_start3A_13] : memref<512xi32, #tpu.memory_space<vmem>> -> memref<128xi32, #tpu.memory_space<vmem>>
    %dma_start3A_15 = arith.constant 0 : i32
    %dma_start3A_16 = arith.constant 0 : i32
    %dma_start3A_17 = tpu.memref_slice %arg2[%dma_start3A_15, %dma_start3A_16] : memref<1000000x128xf32, #tpu.memory_space<hbm>> -> memref<1000000x128xf32, #tpu.memory_space<hbm>>
    tpu.enqueue_indirect_dma source(%dma_start3A_17 : memref<1000000x128xf32, #tpu.memory_space<hbm>>) target(%arg11 : memref<128x128xf32, #tpu.memory_space<vmem>>) offsets(%dma_start3A_14 : memref<128xi32, #tpu.memory_space<vmem>>) semaphore(%arg18 : memref<!tpu.dma_semaphore, #tpu.memory_space<semaphore_mem>>)
    %dma_start3A_18 = arith.constant 0 : i32
    %dma_start3A_19 = tpu.memref_slice %arg9[%dma_start3A_18] : memref<512xi32, #tpu.memory_space<vmem>> -> memref<128xi32, #tpu.memory_space<vmem>>
    %dma_start3A_20 = arith.constant 0 : i32
    %dma_start3A_21 = arith.constant 0 : i32
    %dma_start3A_22 = tpu.memref_slice %arg3[%dma_start3A_20, %dma_start3A_21] : memref<1000000x128xf32, #tpu.memory_space<hbm>> -> memref<1000000x128xf32, #tpu.memory_space<hbm>>
    tpu.enqueue_indirect_dma source(%dma_start3A_22 : memref<1000000x128xf32, #tpu.memory_space<hbm>>) target(%arg12 : memref<128x128xf32, #tpu.memory_space<vmem>>) offsets(%dma_start3A_19 : memref<128xi32, #tpu.memory_space<vmem>>) semaphore(%arg18 : memref<!tpu.dma_semaphore, #tpu.memory_space<semaphore_mem>>)
    %dma_start3A_23 = arith.constant 0 : i32
    %dma_start3A_24 = tpu.memref_slice %arg10[%dma_start3A_23] : memref<512xi32, #tpu.memory_space<vmem>> -> memref<128xi32, #tpu.memory_space<vmem>>
    %dma_start3A_25 = arith.constant 0 : i32
    %dma_start3A_26 = arith.constant 0 : i32
    %dma_start3A_27 = tpu.memref_slice %arg3[%dma_start3A_25, %dma_start3A_26] : memref<1000000x128xf32, #tpu.memory_space<hbm>> -> memref<1000000x128xf32, #tpu.memory_space<hbm>>
    tpu.enqueue_indirect_dma source(%dma_start3A_27 : memref<1000000x128xf32, #tpu.memory_space<hbm>>) target(%arg13 : memref<128x128xf32, #tpu.memory_space<vmem>>) offsets(%dma_start3A_24 : memref<128xi32, #tpu.memory_space<vmem>>) semaphore(%arg18 : memref<!tpu.dma_semaphore, #tpu.memory_space<semaphore_mem>>)
    %dma_start3A_28 = arith.constant 128 : i32
    %dma_start3A_29 = tpu.memref_slice %arg8[%dma_start3A_28] : memref<512xi32, #tpu.memory_space<vmem>> -> memref<128xi32, #tpu.memory_space<vmem>>
    %dma_start3A_30 = arith.constant 0 : i32
    %dma_start3A_31 = arith.constant 0 : i32
    %dma_start3A_32 = tpu.memref_slice %arg2[%dma_start3A_30, %dma_start3A_31] : memref<1000000x128xf32, #tpu.memory_space<hbm>> -> memref<1000000x128xf32, #tpu.memory_space<hbm>>
    tpu.enqueue_indirect_dma source(%dma_start3A_32 : memref<1000000x128xf32, #tpu.memory_space<hbm>>) target(%arg14 : memref<128x128xf32, #tpu.memory_space<vmem>>) offsets(%dma_start3A_29 : memref<128xi32, #tpu.memory_space<vmem>>) semaphore(%arg19 : memref<!tpu.dma_semaphore, #tpu.memory_space<semaphore_mem>>)
    %dma_start3A_33 = arith.constant 128 : i32
    %dma_start3A_34 = tpu.memref_slice %arg9[%dma_start3A_33] : memref<512xi32, #tpu.memory_space<vmem>> -> memref<128xi32, #tpu.memory_space<vmem>>
    %dma_start3A_35 = arith.constant 0 : i32
    %dma_start3A_36 = arith.constant 0 : i32
    %dma_start3A_37 = tpu.memref_slice %arg3[%dma_start3A_35, %dma_start3A_36] : memref<1000000x128xf32, #tpu.memory_space<hbm>> -> memref<1000000x128xf32, #tpu.memory_space<hbm>>
    tpu.enqueue_indirect_dma source(%dma_start3A_37 : memref<1000000x128xf32, #tpu.memory_space<hbm>>) target(%arg15 : memref<128x128xf32, #tpu.memory_space<vmem>>) offsets(%dma_start3A_34 : memref<128xi32, #tpu.memory_space<vmem>>) semaphore(%arg19 : memref<!tpu.dma_semaphore, #tpu.memory_space<semaphore_mem>>)
    %dma_start3A_38 = arith.constant 128 : i32
    %dma_start3A_39 = tpu.memref_slice %arg10[%dma_start3A_38] : memref<512xi32, #tpu.memory_space<vmem>> -> memref<128xi32, #tpu.memory_space<vmem>>
    %dma_start3A_40 = arith.constant 0 : i32
    %dma_start3A_41 = arith.constant 0 : i32
    %dma_start3A_42 = tpu.memref_slice %arg3[%dma_start3A_40, %dma_start3A_41] : memref<1000000x128xf32, #tpu.memory_space<hbm>> -> memref<1000000x128xf32, #tpu.memory_space<hbm>>
    tpu.enqueue_indirect_dma source(%dma_start3A_42 : memref<1000000x128xf32, #tpu.memory_space<hbm>>) target(%arg16 : memref<128x128xf32, #tpu.memory_space<vmem>>) offsets(%dma_start3A_39 : memref<128xi32, #tpu.memory_space<vmem>>) semaphore(%arg19 : memref<!tpu.dma_semaphore, #tpu.memory_space<semaphore_mem>>)
    %dma_wait3A_43 = arith.constant 0 : i32
    %dma_wait3A_44 = tpu.memref_slice %arg8[%dma_wait3A_43] : memref<512xi32, #tpu.memory_space<vmem>> -> memref<128xi32, #tpu.memory_space<vmem>>
    %dma_wait3A_45 = arith.constant 0 : i32
    %dma_wait3A_46 = arith.constant 0 : i32
    %dma_wait3A_47 = tpu.memref_slice %arg2[%dma_wait3A_45, %dma_wait3A_46] : memref<1000000x128xf32, #tpu.memory_space<hbm>> -> memref<1000000x128xf32, #tpu.memory_space<hbm>>
    tpu.wait_indirect_dma semaphore(%arg18 : memref<!tpu.dma_semaphore, #tpu.memory_space<semaphore_mem>>) src(%dma_wait3A_47 : memref<1000000x128xf32, #tpu.memory_space<hbm>>) dst(%arg11 : memref<128x128xf32, #tpu.memory_space<vmem>>)
    %dma_wait3A_48 = arith.constant 0 : i32
    %dma_wait3A_49 = tpu.memref_slice %arg9[%dma_wait3A_48] : memref<512xi32, #tpu.memory_space<vmem>> -> memref<128xi32, #tpu.memory_space<vmem>>
    %dma_wait3A_50 = arith.constant 0 : i32
    %dma_wait3A_51 = arith.constant 0 : i32
    %dma_wait3A_52 = tpu.memref_slice %arg3[%dma_wait3A_50, %dma_wait3A_51] : memref<1000000x128xf32, #tpu.memory_space<hbm>> -> memref<1000000x128xf32, #tpu.memory_space<hbm>>
    tpu.wait_indirect_dma semaphore(%arg18 : memref<!tpu.dma_semaphore, #tpu.memory_space<semaphore_mem>>) src(%dma_wait3A_52 : memref<1000000x128xf32, #tpu.memory_space<hbm>>) dst(%arg12 : memref<128x128xf32, #tpu.memory_space<vmem>>)
    %dma_wait3A_53 = arith.constant 0 : i32
    %dma_wait3A_54 = tpu.memref_slice %arg10[%dma_wait3A_53] : memref<512xi32, #tpu.memory_space<vmem>> -> memref<128xi32, #tpu.memory_space<vmem>>
    %dma_wait3A_55 = arith.constant 0 : i32
    %dma_wait3A_56 = arith.constant 0 : i32
    %dma_wait3A_57 = tpu.memref_slice %arg3[%dma_wait3A_55, %dma_wait3A_56] : memref<1000000x128xf32, #tpu.memory_space<hbm>> -> memref<1000000x128xf32, #tpu.memory_space<hbm>>
    tpu.wait_indirect_dma semaphore(%arg18 : memref<!tpu.dma_semaphore, #tpu.memory_space<semaphore_mem>>) src(%dma_wait3A_57 : memref<1000000x128xf32, #tpu.memory_space<hbm>>) dst(%arg13 : memref<128x128xf32, #tpu.memory_space<vmem>>)
    %scan3A = arith.constant 0 : i32
    %scan3A_58 = arith.constant 0 : i32
    %scan3A_59 = arith.constant 16 : i32
    %scan3A_60 = arith.addi %scan3A_58, %scan3A_59 : i32
    %scan3A_61 = arith.constant 1 : i32
    %scan3A_62 = scf.for %scan3A_180 = %scan3A_58 to %scan3A_60 step %scan3A_61 iter_args(%scan3A_181 = %scan3A) -> (i32)  : i32 {
      %mul3A_182 = arith.constant 8 : i32
      %mul3A_183 = arith.muli %scan3A_180, %mul3A_182 : i32
      %add3A_184 = arith.constant 0 : i32
      %add3A_185 = arith.addi %mul3A_183, %add3A_184 : i32
      %broadcast_in_dim3A = arith.constant 0.000000e+00 : f32
      %broadcast_in_dim3A_186 = vector.broadcast %broadcast_in_dim3A : f32 to vector<16xf32>
      %get3A = arith.index_cast %add3A_185 : i32 to index
      %get3A_187 = arith.constant 0 : index
      %get3A_188 = tpu.vector_load %arg11[%get3A, %get3A_187] {strides = array<i32>} : memref<128x128xf32, #tpu.memory_space<vmem>>, vector<1x16xf32>,
      %get3A_189 = vector.shape_cast %get3A_188 : vector<1x16xf32> to vector<16xf32>
      %get3A_190 = arith.index_cast %add3A_185 : i32 to index
      %get3A_191 = arith.constant 0 : index
      %get3A_192 = tpu.vector_load %arg12[%get3A_190, %get3A_191] {strides = array<i32>} : memref<128x128xf32, #tpu.memory_space<vmem>>, vector<1x16xf32>,
      %get3A_193 = vector.shape_cast %get3A_192 : vector<1x16xf32> to vector<16xf32>
      %get3A_194 = arith.index_cast %add3A_185 : i32 to index
      %get3A_195 = arith.constant 0 : index
      %get3A_196 = tpu.vector_load %arg13[%get3A_194, %get3A_195] {strides = array<i32>} : memref<128x128xf32, #tpu.memory_space<vmem>>, vector<1x16xf32>,
      %get3A_197 = vector.shape_cast %get3A_196 : vector<1x16xf32> to vector<16xf32>
      %sub3A = arith.subf %get3A_197, %get3A_193 : vector<16xf32>
      %mul3A_198 = arith.mulf %get3A_189, %sub3A : vector<16xf32>
      %add3A_199 = arith.addf %broadcast_in_dim3A_186, %mul3A_198 : vector<16xf32>
      %get3A_200 = arith.index_cast %add3A_185 : i32 to index
      %get3A_201 = arith.constant 16 : index
      %get3A_202 = tpu.vector_load %arg11[%get3A_200, %get3A_201] {strides = array<i32>} : memref<128x128xf32, #tpu.memory_space<vmem>>, vector<1x16xf32>,
      %get3A_203 = vector.shape_cast %get3A_202 : vector<1x16xf32> to vector<16xf32>
      %get3A_204 = arith.index_cast %add3A_185 : i32 to index
      %get3A_205 = arith.constant 16 : index
      %get3A_206 = tpu.vector_load %arg12[%get3A_204, %get3A_205] {strides = array<i32>} : memref<128x128xf32, #tpu.memory_space<vmem>>, vector<1x16xf32>,
      %get3A_207 = vector.shape_cast %get3A_206 : vector<1x16xf32> to vector<16xf32>
      %get3A_208 = arith.index_cast %add3A_185 : i32 to index
      %get3A_209 = arith.constant 16 : index
      %get3A_210 = tpu.vector_load %arg13[%get3A_208, %get3A_209] {strides = array<i32>} : memref<128x128xf32, #tpu.memory_space<vmem>>, vector<1x16xf32>,
      %get3A_211 = vector.shape_cast %get3A_210 : vector<1x16xf32> to vector<16xf32>
      %sub3A_212 = arith.subf %get3A_211, %get3A_207 : vector<16xf32>
      %mul3A_213 = arith.mulf %get3A_203, %sub3A_212 : vector<16xf32>
      %add3A_214 = arith.addf %add3A_199, %mul3A_213 : vector<16xf32>
      %get3A_215 = arith.index_cast %add3A_185 : i32 to index
      %get3A_216 = arith.constant 32 : index
      %get3A_217 = tpu.vector_load %arg11[%get3A_215, %get3A_216] {strides = array<i32>} : memref<128x128xf32, #tpu.memory_space<vmem>>, vector<1x16xf32>,
      %get3A_218 = vector.shape_cast %get3A_217 : vector<1x16xf32> to vector<16xf32>
      %get3A_219 = arith.index_cast %add3A_185 : i32 to index
      %get3A_220 = arith.constant 32 : index
      %get3A_221 = tpu.vector_load %arg12[%get3A_219, %get3A_220] {strides = array<i32>} : memref<128x128xf32, #tpu.memory_space<vmem>>, vector<1x16xf32>,
      %get3A_222 = vector.shape_cast %get3A_221 : vector<1x16xf32> to vector<16xf32>
      %get3A_223 = arith.index_cast %add3A_185 : i32 to index
      %get3A_224 = arith.constant 32 : index
      %get3A_225 = tpu.vector_load %arg13[%get3A_223, %get3A_224] {strides = array<i32>} : memref<128x128xf32, #tpu.memory_space<vmem>>, vector<1x16xf32>,
      %get3A_226 = vector.shape_cast %get3A_225 : vector<1x16xf32> to vector<16xf32>
      %sub3A_227 = arith.subf %get3A_226, %get3A_222 : vector<16xf32>
      %mul3A_228 = arith.mulf %get3A_218, %sub3A_227 : vector<16xf32>
      %add3A_229 = arith.addf %add3A_214, %mul3A_228 : vector<16xf32>
      %get3A_230 = arith.index_cast %add3A_185 : i32 to index
      %get3A_231 = arith.constant 48 : index
      %get3A_232 = tpu.vector_load %arg11[%get3A_230, %get3A_231] {strides = array<i32>} : memref<128x128xf32, #tpu.memory_space<vmem>>, vector<1x16xf32>,
      %get3A_233 = vector.shape_cast %get3A_232 : vector<1x16xf32> to vector<16xf32>
      %get3A_234 = arith.index_cast %add3A_185 : i32 to index
      %get3A_235 = arith.constant 48 : index
      %get3A_236 = tpu.vector_load %arg12[%get3A_234, %get3A_235] {strides = array<i32>} : memref<128x128xf32, #tpu.memory_space<vmem>>, vector<1x16xf32>,
      %get3A_237 = vector.shape_cast %get3A_236 : vector<1x16xf32> to vector<16xf32>
      %get3A_238 = arith.index_cast %add3A_185 : i32 to index
      %get3A_239 = arith.constant 48 : index
      %get3A_240 = tpu.vector_load %arg13[%get3A_238, %get3A_239] {strides = array<i32>} : memref<128x128xf32, #tpu.memory_space<vmem>>, vector<1x16xf32>,
      %get3A_241 = vector.shape_cast %get3A_240 : vector<1x16xf32> to vector<16xf32>
      %sub3A_242 = arith.subf %get3A_241, %get3A_237 : vector<16xf32>
      %mul3A_243 = arith.mulf %get3A_233, %sub3A_242 : vector<16xf32>
      %add3A_244 = arith.addf %add3A_229, %mul3A_243 : vector<16xf32>
      %get3A_245 = arith.index_cast %add3A_185 : i32 to index
      %get3A_246 = arith.constant 64 : index
      %get3A_247 = tpu.vector_load %arg11[%get3A_245, %get3A_246] {strides = array<i32>} : memref<128x128xf32, #tpu.memory_space<vmem>>, vector<1x16xf32>,
      %get3A_248 = vector.shape_cast %get3A_247 : vector<1x16xf32> to vector<16xf32>
      %get3A_249 = arith.index_cast %add3A_185 : i32 to index
      %get3A_250 = arith.constant 64 : index
      %get3A_251 = tpu.vector_load %arg12[%get3A_249, %get3A_250] {strides = array<i32>} : memref<128x128xf32, #tpu.memory_space<vmem>>, vector<1x16xf32>,
      %get3A_252 = vector.shape_cast %get3A_251 : vector<1x16xf32> to vector<16xf32>
      %get3A_253 = arith.index_cast %add3A_185 : i32 to index
      %get3A_254 = arith.constant 64 : index
      %get3A_255 = tpu.vector_load %arg13[%get3A_253, %get3A_254] {strides = array<i32>} : memref<128x128xf32, #tpu.memory_space<vmem>>, vector<1x16xf32>,
      %get3A_256 = vector.shape_cast %get3A_255 : vector<1x16xf32> to vector<16xf32>
      %sub3A_257 = arith.subf %get3A_256, %get3A_252 : vector<16xf32>
      %mul3A_258 = arith.mulf %get3A_248, %sub3A_257 : vector<16xf32>
      %add3A_259 = arith.addf %add3A_244, %mul3A_258 : vector<16xf32>
      %get3A_260 = arith.index_cast %add3A_185 : i32 to index
      %get3A_261 = arith.constant 80 : index
      %get3A_262 = tpu.vector_load %arg11[%get3A_260, %get3A_261] {strides = array<i32>} : memref<128x128xf32, #tpu.memory_space<vmem>>, vector<1x16xf32>,
      %get3A_263 = vector.shape_cast %get3A_262 : vector<1x16xf32> to vector<16xf32>
      %get3A_264 = arith.index_cast %add3A_185 : i32 to index
      %get3A_265 = arith.constant 80 : index
      %get3A_266 = tpu.vector_load %arg12[%get3A_264, %get3A_265] {strides = array<i32>} : memref<128x128xf32, #tpu.memory_space<vmem>>, vector<1x16xf32>,
      %get3A_267 = vector.shape_cast %get3A_266 : vector<1x16xf32> to vector<16xf32>
      %get3A_268 = arith.index_cast %add3A_185 : i32 to index
      %get3A_269 = arith.constant 80 : index
      %get3A_270 = tpu.vector_load %arg13[%get3A_268, %get3A_269] {strides = array<i32>} : memref<128x128xf32, #tpu.memory_space<vmem>>, vector<1x16xf32>,
      %get3A_271 = vector.shape_cast %get3A_270 : vector<1x16xf32> to vector<16xf32>
      %sub3A_272 = arith.subf %get3A_271, %get3A_267 : vector<16xf32>
      %mul3A_273 = arith.mulf %get3A_263, %sub3A_272 : vector<16xf32>
      %add3A_274 = arith.addf %add3A_259, %mul3A_273 : vector<16xf32>
      %get3A_275 = arith.index_cast %add3A_185 : i32 to index
      %get3A_276 = arith.constant 96 : index
      %get3A_277 = tpu.vector_load %arg11[%get3A_275, %get3A_276] {strides = array<i32>} : memref<128x128xf32, #tpu.memory_space<vmem>>, vector<1x16xf32>,
      %get3A_278 = vector.shape_cast %get3A_277 : vector<1x16xf32> to vector<16xf32>
      %get3A_279 = arith.index_cast %add3A_185 : i32 to index
      %get3A_280 = arith.constant 96 : index
      %get3A_281 = tpu.vector_load %arg12[%get3A_279, %get3A_280] {strides = array<i32>} : memref<128x128xf32, #tpu.memory_space<vmem>>, vector<1x16xf32>,
      %get3A_282 = vector.shape_cast %get3A_281 : vector<1x16xf32> to vector<16xf32>
      %get3A_283 = arith.index_cast %add3A_185 : i32 to index
      %get3A_284 = arith.constant 96 : index
      %get3A_285 = tpu.vector_load %arg13[%get3A_283, %get3A_284] {strides = array<i32>} : memref<128x128xf32, #tpu.memory_space<vmem>>, vector<1x16xf32>,
      %get3A_286 = vector.shape_cast %get3A_285 : vector<1x16xf32> to vector<16xf32>
      %sub3A_287 = arith.subf %get3A_286, %get3A_282 : vector<16xf32>
      %mul3A_288 = arith.mulf %get3A_278, %sub3A_287 : vector<16xf32>
      %add3A_289 = arith.addf %add3A_274, %mul3A_288 : vector<16xf32>
      %get3A_290 = arith.index_cast %add3A_185 : i32 to index
      %get3A_291 = arith.constant 112 : index
      %get3A_292 = tpu.vector_load %arg11[%get3A_290, %get3A_291] {strides = array<i32>} : memref<128x128xf32, #tpu.memory_space<vmem>>, vector<1x16xf32>,
      %get3A_293 = vector.shape_cast %get3A_292 : vector<1x16xf32> to vector<16xf32>
      %get3A_294 = arith.index_cast %add3A_185 : i32 to index
      %get3A_295 = arith.constant 112 : index
      %get3A_296 = tpu.vector_load %arg12[%get3A_294, %get3A_295] {strides = array<i32>} : memref<128x128xf32, #tpu.memory_space<vmem>>, vector<1x16xf32>,
      %get3A_297 = vector.shape_cast %get3A_296 : vector<1x16xf32> to vector<16xf32>
      %get3A_298 = arith.index_cast %add3A_185 : i32 to index
      %get3A_299 = arith.constant 112 : index
      %get3A_300 = tpu.vector_load %arg13[%get3A_298, %get3A_299] {strides = array<i32>} : memref<128x128xf32, #tpu.memory_space<vmem>>, vector<1x16xf32>,
      %get3A_301 = vector.shape_cast %get3A_300 : vector<1x16xf32> to vector<16xf32>
      %sub3A_302 = arith.subf %get3A_301, %get3A_297 : vector<16xf32>
      %mul3A_303 = arith.mulf %get3A_293, %sub3A_302 : vector<16xf32>
      %add3A_304 = arith.addf %add3A_289, %mul3A_303 : vector<16xf32>
      %swap3A = arith.index_cast %scan3A_180 : i32 to index
      %swap3A_305 = arith.constant 0 : index
      %swap3A_306 = tpu.vector_load %arg17[%swap3A, %swap3A_305] {strides = array<i32>} : memref<16x128xf32, #tpu.memory_space<vmem>>, vector<1x16xf32>,
      %swap3A_307 = vector.shape_cast %swap3A_306 : vector<1x16xf32> to vector<16xf32>
      %swap3A_308 = vector.shape_cast %add3A_304 : vector<16xf32> to vector<1x16xf32>
      tpu.vector_store %arg17[%swap3A, %swap3A_305], %swap3A_308 {strides = array<i32>} : memref<16x128xf32, #tpu.memory_space<vmem>>, vector<1x16xf32>,
      %mul3A_309 = arith.constant 8 : i32
      %mul3A_310 = arith.muli %scan3A_180, %mul3A_309 : i32
      %add3A_311 = arith.constant 1 : i32
      %add3A_312 = arith.addi %mul3A_310, %add3A_311 : i32
      %broadcast_in_dim3A_313 = arith.constant 0.000000e+00 : f32
      %broadcast_in_dim3A_314 = vector.broadcast %broadcast_in_dim3A_313 : f32 to vector<16xf32>
      %get3A_315 = arith.index_cast %add3A_312 : i32 to index
      %get3A_316 = arith.constant 0 : index
      %get3A_317 = tpu.vector_load %arg11[%get3A_315, %get3A_316] {strides = array<i32>} : memref<128x128xf32, #tpu.memory_space<vmem>>, vector<1x16xf32>,
      %get3A_318 = vector.shape_cast %get3A_317 : vector<1x16xf32> to vector<16xf32>
      %get3A_319 = arith.index_cast %add3A_312 : i32 to index
      %get3A_320 = arith.constant 0 : index
      %get3A_321 = tpu.vector_load %arg12[%get3A_319, %get3A_320] {strides = array<i32>} : memref<128x128xf32, #tpu.memory_space<vmem>>, vector<1x16xf32>,
      %get3A_322 = vector.shape_cast %get3A_321 : vector<1x16xf32> to vector<16xf32>
      %get3A_323 = arith.index_cast %add3A_312 : i32 to index
      %get3A_324 = arith.constant 0 : index
      %get3A_325 = tpu.vector_load %arg13[%get3A_323, %get3A_324] {strides = array<i32>} : memref<128x128xf32, #tpu.memory_space<vmem>>, vector<1x16xf32>,
      %get3A_326 = vector.shape_cast %get3A_325 : vector<1x16xf32> to vector<16xf32>
      %sub3A_327 = arith.subf %get3A_326, %get3A_322 : vector<16xf32>
      %mul3A_328 = arith.mulf %get3A_318, %sub3A_327 : vector<16xf32>
      %add3A_329 = arith.addf %broadcast_in_dim3A_314, %mul3A_328 : vector<16xf32>
      %get3A_330 = arith.index_cast %add3A_312 : i32 to index
      %get3A_331 = arith.constant 16 : index
      %get3A_332 = tpu.vector_load %arg11[%get3A_330, %get3A_331] {strides = array<i32>} : memref<128x128xf32, #tpu.memory_space<vmem>>, vector<1x16xf32>,
      %get3A_333 = vector.shape_cast %get3A_332 : vector<1x16xf32> to vector<16xf32>
      %get3A_334 = arith.index_cast %add3A_312 : i32 to index
      %get3A_335 = arith.constant 16 : index
      %get3A_336 = tpu.vector_load %arg12[%get3A_334, %get3A_335] {strides = array<i32>} : memref<128x128xf32, #tpu.memory_space<vmem>>, vector<1x16xf32>,
      %get3A_337 = vector.shape_cast %get3A_336 : vector<1x16xf32> to vector<16xf32>
      %get3A_338 = arith.index_cast %add3A_312 : i32 to index
      %get3A_339 = arith.constant 16 : index
      %get3A_340 = tpu.vector_load %arg13[%get3A_338, %get3A_339] {strides = array<i32>} : memref<128x128xf32, #tpu.memory_space<vmem>>, vector<1x16xf32>,
      %get3A_341 = vector.shape_cast %get3A_340 : vector<1x16xf32> to vector<16xf32>
      %sub3A_342 = arith.subf %get3A_341, %get3A_337 : vector<16xf32>
      %mul3A_343 = arith.mulf %get3A_333, %sub3A_342 : vector<16xf32>
      %add3A_344 = arith.addf %add3A_329, %mul3A_343 : vector<16xf32>
      %get3A_345 = arith.index_cast %add3A_312 : i32 to index
      %get3A_346 = arith.constant 32 : index
      %get3A_347 = tpu.vector_load %arg11[%get3A_345, %get3A_346] {strides = array<i32>} : memref<128x128xf32, #tpu.memory_space<vmem>>, vector<1x16xf32>,
      %get3A_348 = vector.shape_cast %get3A_347 : vector<1x16xf32> to vector<16xf32>
      %get3A_349 = arith.index_cast %add3A_312 : i32 to index
      %get3A_350 = arith.constant 32 : index
      %get3A_351 = tpu.vector_load %arg12[%get3A_349, %get3A_350] {strides = array<i32>} : memref<128x128xf32, #tpu.memory_space<vmem>>, vector<1x16xf32>,
      %get3A_352 = vector.shape_cast %get3A_351 : vector<1x16xf32> to vector<16xf32>
      %get3A_353 = arith.index_cast %add3A_312 : i32 to index
      %get3A_354 = arith.constant 32 : index
      %get3A_355 = tpu.vector_load %arg13[%get3A_353, %get3A_354] {strides = array<i32>} : memref<128x128xf32, #tpu.memory_space<vmem>>, vector<1x16xf32>,
      %get3A_356 = vector.shape_cast %get3A_355 : vector<1x16xf32> to vector<16xf32>
      %sub3A_357 = arith.subf %get3A_356, %get3A_352 : vector<16xf32>
      %mul3A_358 = arith.mulf %get3A_348, %sub3A_357 : vector<16xf32>
      %add3A_359 = arith.addf %add3A_344, %mul3A_358 : vector<16xf32>
      %get3A_360 = arith.index_cast %add3A_312 : i32 to index
      %get3A_361 = arith.constant 48 : index
      %get3A_362 = tpu.vector_load %arg11[%get3A_360, %get3A_361] {strides = array<i32>} : memref<128x128xf32, #tpu.memory_space<vmem>>, vector<1x16xf32>,
      %get3A_363 = vector.shape_cast %get3A_362 : vector<1x16xf32> to vector<16xf32>
      %get3A_364 = arith.index_cast %add3A_312 : i32 to index
      %get3A_365 = arith.constant 48 : index
      %get3A_366 = tpu.vector_load %arg12[%get3A_364, %get3A_365] {strides = array<i32>} : memref<128x128xf32, #tpu.memory_space<vmem>>, vector<1x16xf32>,
      %get3A_367 = vector.shape_cast %get3A_366 : vector<1x16xf32> to vector<16xf32>
      %get3A_368 = arith.index_cast %add3A_312 : i32 to index
      %get3A_369 = arith.constant 48 : index
      %get3A_370 = tpu.vector_load %arg13[%get3A_368, %get3A_369] {strides = array<i32>} : memref<128x128xf32, #tpu.memory_space<vmem>>, vector<1x16xf32>,
      %get3A_371 = vector.shape_cast %get3A_370 : vector<1x16xf32> to vector<16xf32>
      %sub3A_372 = arith.subf %get3A_371, %get3A_367 : vector<16xf32>
      %mul3A_373 = arith.mulf %get3A_363, %sub3A_372 : vector<16xf32>
      %add3A_374 = arith.addf %add3A_359, %mul3A_373 : vector<16xf32>
      %get3A_375 = arith.index_cast %add3A_312 : i32 to index
      %get3A_376 = arith.constant 64 : index
      %get3A_377 = tpu.vector_load %arg11[%get3A_375, %get3A_376] {strides = array<i32>} : memref<128x128xf32, #tpu.memory_space<vmem>>, vector<1x16xf32>,
      %get3A_378 = vector.shape_cast %get3A_377 : vector<1x16xf32> to vector<16xf32>
      %get3A_379 = arith.index_cast %add3A_312 : i32 to index
      %get3A_380 = arith.constant 64 : index
      %get3A_381 = tpu.vector_load %arg12[%get3A_379, %get3A_380] {strides = array<i32>} : memref<128x128xf32, #tpu.memory_space<vmem>>, vector<1x16xf32>,
      %get3A_382 = vector.shape_cast %get3A_381 : vector<1x16xf32> to vector<16xf32>
      %get3A_383 = arith.index_cast %add3A_312 : i32 to index
      %get3A_384 = arith.constant 64 : index
      %get3A_385 = tpu.vector_load %arg13[%get3A_383, %get3A_384] {strides = array<i32>} : memref<128x128xf32, #tpu.memory_space<vmem>>, vector<1x16xf32>,
      %get3A_386 = vector.shape_cast %get3A_385 : vector<1x16xf32> to vector<16xf32>
      %sub3A_387 = arith.subf %get3A_386, %get3A_382 : vector<16xf32>
      %mul3A_388 = arith.mulf %get3A_378, %sub3A_387 : vector<16xf32>
      %add3A_389 = arith.addf %add3A_374, %mul3A_388 : vector<16xf32>
      %get3A_390 = arith.index_cast %add3A_312 : i32 to index
      %get3A_391 = arith.constant 80 : index
      %get3A_392 = tpu.vector_load %arg11[%get3A_390, %get3A_391] {strides = array<i32>} : memref<128x128xf32, #tpu.memory_space<vmem>>, vector<1x16xf32>,
      %get3A_393 = vector.shape_cast %get3A_392 : vector<1x16xf32> to vector<16xf32>
      %get3A_394 = arith.index_cast %add3A_312 : i32 to index
      %get3A_395 = arith.constant 80 : index
      %get3A_396 = tpu.vector_load %arg12[%get3A_394, %get3A_395] {strides = array<i32>} : memref<128x128xf32, #tpu.memory_space<vmem>>, vector<1x16xf32>,
      %get3A_397 = vector.shape_cast %get3A_396 : vector<1x16xf32> to vector<16xf32>
      %get3A_398 = arith.index_cast %add3A_312 : i32 to index
      %get3A_399 = arith.constant 80 : index
      %get3A_400 = tpu.vector_load %arg13[%get3A_398, %get3A_399] {strides = array<i32>} : memref<128x128xf32, #tpu.memory_space<vmem>>, vector<1x16xf32>,
      %get3A_401 = vector.shape_cast %get3A_400 : vector<1x16xf32> to vector<16xf32>
      %sub3A_402 = arith.subf %get3A_401, %get3A_397 : vector<16xf32>
      %mul3A_403 = arith.mulf %get3A_393, %sub3A_402 : vector<16xf32>
      %add3A_404 = arith.addf %add3A_389, %mul3A_403 : vector<16xf32>
      %get3A_405 = arith.index_cast %add3A_312 : i32 to index
      %get3A_406 = arith.constant 96 : index
      %get3A_407 = tpu.vector_load %arg11[%get3A_405, %get3A_406] {strides = array<i32>} : memref<128x128xf32, #tpu.memory_space<vmem>>, vector<1x16xf32>,
      %get3A_408 = vector.shape_cast %get3A_407 : vector<1x16xf32> to vector<16xf32>
      %get3A_409 = arith.index_cast %add3A_312 : i32 to index
      %get3A_410 = arith.constant 96 : index
      %get3A_411 = tpu.vector_load %arg12[%get3A_409, %get3A_410] {strides = array<i32>} : memref<128x128xf32, #tpu.memory_space<vmem>>, vector<1x16xf32>,
      %get3A_412 = vector.shape_cast %get3A_411 : vector<1x16xf32> to vector<16xf32>
      %get3A_413 = arith.index_cast %add3A_312 : i32 to index
      %get3A_414 = arith.constant 96 : index
      %get3A_415 = tpu.vector_load %arg13[%get3A_413, %get3A_414] {strides = array<i32>} : memref<128x128xf32, #tpu.memory_space<vmem>>, vector<1x16xf32>,
      %get3A_416 = vector.shape_cast %get3A_415 : vector<1x16xf32> to vector<16xf32>
      %sub3A_417 = arith.subf %get3A_416, %get3A_412 : vector<16xf32>
      %mul3A_418 = arith.mulf %get3A_408, %sub3A_417 : vector<16xf32>
      %add3A_419 = arith.addf %add3A_404, %mul3A_418 : vector<16xf32>
      %get3A_420 = arith.index_cast %add3A_312 : i32 to index
      %get3A_421 = arith.constant 112 : index
      %get3A_422 = tpu.vector_load %arg11[%get3A_420, %get3A_421] {strides = array<i32>} : memref<128x128xf32, #tpu.memory_space<vmem>>, vector<1x16xf32>,
      %get3A_423 = vector.shape_cast %get3A_422 : vector<1x16xf32> to vector<16xf32>
      %get3A_424 = arith.index_cast %add3A_312 : i32 to index
      %get3A_425 = arith.constant 112 : index
      %get3A_426 = tpu.vector_load %arg12[%get3A_424, %get3A_425] {strides = array<i32>} : memref<128x128xf32, #tpu.memory_space<vmem>>, vector<1x16xf32>,
      %get3A_427 = vector.shape_cast %get3A_426 : vector<1x16xf32> to vector<16xf32>
      %get3A_428 = arith.index_cast %add3A_312 : i32 to index
      %get3A_429 = arith.constant 112 : index
      %get3A_430 = tpu.vector_load %arg13[%get3A_428, %get3A_429] {strides = array<i32>} : memref<128x128xf32, #tpu.memory_space<vmem>>, vector<1x16xf32>,
      %get3A_431 = vector.shape_cast %get3A_430 : vector<1x16xf32> to vector<16xf32>
      %sub3A_432 = arith.subf %get3A_431, %get3A_427 : vector<16xf32>
      %mul3A_433 = arith.mulf %get3A_423, %sub3A_432 : vector<16xf32>
      %add3A_434 = arith.addf %add3A_419, %mul3A_433 : vector<16xf32>
      %swap3A_435 = arith.index_cast %scan3A_180 : i32 to index
      %swap3A_436 = arith.constant 16 : index
      %swap3A_437 = tpu.vector_load %arg17[%swap3A_435, %swap3A_436] {strides = array<i32>} : memref<16x128xf32, #tpu.memory_space<vmem>>, vector<1x16xf32>,
      %swap3A_438 = vector.shape_cast %swap3A_437 : vector<1x16xf32> to vector<16xf32>
      %swap3A_439 = vector.shape_cast %add3A_434 : vector<16xf32> to vector<1x16xf32>
      tpu.vector_store %arg17[%swap3A_435, %swap3A_436], %swap3A_439 {strides = array<i32>} : memref<16x128xf32, #tpu.memory_space<vmem>>, vector<1x16xf32>,
      %mul3A_440 = arith.constant 8 : i32
      %mul3A_441 = arith.muli %scan3A_180, %mul3A_440 : i32
      %add3A_442 = arith.constant 2 : i32
      %add3A_443 = arith.addi %mul3A_441, %add3A_442 : i32
      %broadcast_in_dim3A_444 = arith.constant 0.000000e+00 : f32
      %broadcast_in_dim3A_445 = vector.broadcast %broadcast_in_dim3A_444 : f32 to vector<16xf32>
      %get3A_446 = arith.index_cast %add3A_443 : i32 to index
      %get3A_447 = arith.constant 0 : index
      %get3A_448 = tpu.vector_load %arg11[%get3A_446, %get3A_447] {strides = array<i32>} : memref<128x128xf32, #tpu.memory_space<vmem>>, vector<1x16xf32>,
      %get3A_449 = vector.shape_cast %get3A_448 : vector<1x16xf32> to vector<16xf32>
      %get3A_450 = arith.index_cast %add3A_443 : i32 to index
      %get3A_451 = arith.constant 0 : index
      %get3A_452 = tpu.vector_load %arg12[%get3A_450, %get3A_451] {strides = array<i32>} : memref<128x128xf32, #tpu.memory_space<vmem>>, vector<1x16xf32>,
      %get3A_453 = vector.shape_cast %get3A_452 : vector<1x16xf32> to vector<16xf32>
      %get3A_454 = arith.index_cast %add3A_443 : i32 to index
      %get3A_455 = arith.constant 0 : index
      %get3A_456 = tpu.vector_load %arg13[%get3A_454, %get3A_455] {strides = array<i32>} : memref<128x128xf32, #tpu.memory_space<vmem>>, vector<1x16xf32>,
      %get3A_457 = vector.shape_cast %get3A_456 : vector<1x16xf32> to vector<16xf32>
      %sub3A_458 = arith.subf %get3A_457, %get3A_453 : vector<16xf32>
      %mul3A_459 = arith.mulf %get3A_449, %sub3A_458 : vector<16xf32>
      %add3A_460 = arith.addf %broadcast_in_dim3A_445, %mul3A_459 : vector<16xf32>
      %get3A_461 = arith.index_cast %add3A_443 : i32 to index
      %get3A_462 = arith.constant 16 : index
      %get3A_463 = tpu.vector_load %arg11[%get3A_461, %get3A_462] {strides = array<i32>} : memref<128x128xf32, #tpu.memory_space<vmem>>, vector<1x16xf32>,
      %get3A_464 = vector.shape_cast %get3A_463 : vector<1x16xf32> to vector<16xf32>
      %get3A_465 = arith.index_cast %add3A_443 : i32 to index
      %get3A_466 = arith.constant 16 : index
      %get3A_467 = tpu.vector_load %arg12[%get3A_465, %get3A_466] {strides = array<i32>} : memref<128x128xf32, #tpu.memory_space<vmem>>, vector<1x16xf32>,
      %get3A_468 = vector.shape_cast %get3A_467 : vector<1x16xf32> to vector<16xf32>
      %get3A_469 = arith.index_cast %add3A_443 : i32 to index
      %get3A_470 = arith.constant 16 : index
      %get3A_471 = tpu.vector_load %arg13[%get3A_469, %get3A_470] {strides = array<i32>} : memref<128x128xf32, #tpu.memory_space<vmem>>, vector<1x16xf32>,
      %get3A_472 = vector.shape_cast %get3A_471 : vector<1x16xf32> to vector<16xf32>
      %sub3A_473 = arith.subf %get3A_472, %get3A_468 : vector<16xf32>
      %mul3A_474 = arith.mulf %get3A_464, %sub3A_473 : vector<16xf32>
      %add3A_475 = arith.addf %add3A_460, %mul3A_474 : vector<16xf32>
      %get3A_476 = arith.index_cast %add3A_443 : i32 to index
      %get3A_477 = arith.constant 32 : index
      %get3A_478 = tpu.vector_load %arg11[%get3A_476, %get3A_477] {strides = array<i32>} : memref<128x128xf32, #tpu.memory_space<vmem>>, vector<1x16xf32>,
      %get3A_479 = vector.shape_cast %get3A_478 : vector<1x16xf32> to vector<16xf32>
      %get3A_480 = arith.index_cast %add3A_443 : i32 to index
      %get3A_481 = arith.constant 32 : index
      %get3A_482 = tpu.vector_load %arg12[%get3A_480, %get3A_481] {strides = array<i32>} : memref<128x128xf32, #tpu.memory_space<vmem>>, vector<1x16xf32>,
      %get3A_483 = vector.shape_cast %get3A_482 : vector<1x16xf32> to vector<16xf32>
      %get3A_484 = arith.index_cast %add3A_443 : i32 to index
      %get3A_485 = arith.constant 32 : index
      %get3A_486 = tpu.vector_load %arg13[%get3A_484, %get3A_485] {strides = array<i32>} : memref<128x128xf32, #tpu.memory_space<vmem>>, vector<1x16xf32>,
      %get3A_487 = vector.shape_cast %get3A_486 : vector<1x16xf32> to vector<16xf32>
      %sub3A_488 = arith.subf %get3A_487, %get3A_483 : vector<16xf32>
      %mul3A_489 = arith.mulf %get3A_479, %sub3A_488 : vector<16xf32>
      %add3A_490 = arith.addf %add3A_475, %mul3A_489 : vector<16xf32>
      %get3A_491 = arith.index_cast %add3A_443 : i32 to index
      %get3A_492 = arith.constant 48 : index
      %get3A_493 = tpu.vector_load %arg11[%get3A_491, %get3A_492] {strides = array<i32>} : memref<128x128xf32, #tpu.memory_space<vmem>>, vector<1x16xf32>,
      %get3A_494 = vector.shape_cast %get3A_493 : vector<1x16xf32> to vector<16xf32>
      %get3A_495 = arith.index_cast %add3A_443 : i32 to index
      %get3A_496 = arith.constant 48 : index
      %get3A_497 = tpu.vector_load %arg12[%get3A_495, %get3A_496] {strides = array<i32>} : memref<128x128xf32, #tpu.memory_space<vmem>>, vector<1x16xf32>,
      %get3A_498 = vector.shape_cast %get3A_497 : vector<1x16xf32> to vector<16xf32>
      %get3A_499 = arith.index_cast %add3A_443 : i32 to index
      %get3A_500 = arith.constant 48 : index
      %get3A_501 = tpu.vector_load %arg13[%get3A_499, %get3A_500] {strides = array<i32>} : memref<128x128xf32, #tpu.memory_space<vmem>>, vector<1x16xf32>,
      %get3A_502 = vector.shape_cast %get3A_501 : vector<1x16xf32> to vector<16xf32>
      %sub3A_503 = arith.subf %get3A_502, %get3A_498 : vector<16xf32>
      %mul3A_504 = arith.mulf %get3A_494, %sub3A_503 : vector<16xf32>
      %add3A_505 = arith.addf %add3A_490, %mul3A_504 : vector<16xf32>
      %get3A_506 = arith.index_cast %add3A_443 : i32 to index
      %get3A_507 = arith.constant 64 : index
      %get3A_508 = tpu.vector_load %arg11[%get3A_506, %get3A_507] {strides = array<i32>} : memref<128x128xf32, #tpu.memory_space<vmem>>, vector<1x16xf32>,
      %get3A_509 = vector.shape_cast %get3A_508 : vector<1x16xf32> to vector<16xf32>
      %get3A_510 = arith.index_cast %add3A_443 : i32 to index
      %get3A_511 = arith.constant 64 : index
      %get3A_512 = tpu.vector_load %arg12[%get3A_510, %get3A_511] {strides = array<i32>} : memref<128x128xf32, #tpu.memory_space<vmem>>, vector<1x16xf32>,
      %get3A_513 = vector.shape_cast %get3A_512 : vector<1x16xf32> to vector<16xf32>
      %get3A_514 = arith.index_cast %add3A_443 : i32 to index
      %get3A_515 = arith.constant 64 : index
      %get3A_516 = tpu.vector_load %arg13[%get3A_514, %get3A_515] {strides = array<i32>} : memref<128x128xf32, #tpu.memory_space<vmem>>, vector<1x16xf32>,
      %get3A_517 = vector.shape_cast %get3A_516 : vector<1x16xf32> to vector<16xf32>
      %sub3A_518 = arith.subf %get3A_517, %get3A_513 : vector<16xf32>
      %mul3A_519 = arith.mulf %get3A_509, %sub3A_518 : vector<16xf32>
      %add3A_520 = arith.addf %add3A_505, %mul3A_519 : vector<16xf32>
      %get3A_521 = arith.index_cast %add3A_443 : i32 to index
      %get3A_522 = arith.constant 80 : index
      %get3A_523 = tpu.vector_load %arg11[%get3A_521, %get3A_522] {strides = array<i32>} : memref<128x128xf32, #tpu.memory_space<vmem>>, vector<1x16xf32>,
      %get3A_524 = vector.shape_cast %get3A_523 : vector<1x16xf32> to vector<16xf32>
      %get3A_525 = arith.index_cast %add3A_443 : i32 to index
      %get3A_526 = arith.constant 80 : index
      %get3A_527 = tpu.vector_load %arg12[%get3A_525, %get3A_526] {strides = array<i32>} : memref<128x128xf32, #tpu.memory_space<vmem>>, vector<1x16xf32>,
      %get3A_528 = vector.shape_cast %get3A_527 : vector<1x16xf32> to vector<16xf32>
      %get3A_529 = arith.index_cast %add3A_443 : i32 to index
      %get3A_530 = arith.constant 80 : index
      %get3A_531 = tpu.vector_load %arg13[%get3A_529, %get3A_530] {strides = array<i32>} : memref<128x128xf32, #tpu.memory_space<vmem>>, vector<1x16xf32>,
      %get3A_532 = vector.shape_cast %get3A_531 : vector<1x16xf32> to vector<16xf32>
      %sub3A_533 = arith.subf %get3A_532, %get3A_528 : vector<16xf32>
      %mul3A_534 = arith.mulf %get3A_524, %sub3A_533 : vector<16xf32>
      %add3A_535 = arith.addf %add3A_520, %mul3A_534 : vector<16xf32>
      %get3A_536 = arith.index_cast %add3A_443 : i32 to index
      %get3A_537 = arith.constant 96 : index
      %get3A_538 = tpu.vector_load %arg11[%get3A_536, %get3A_537] {strides = array<i32>} : memref<128x128xf32, #tpu.memory_space<vmem>>, vector<1x16xf32>,
      %get3A_539 = vector.shape_cast %get3A_538 : vector<1x16xf32> to vector<16xf32>
      %get3A_540 = arith.index_cast %add3A_443 : i32 to index
      %get3A_541 = arith.constant 96 : index
      %get3A_542 = tpu.vector_load %arg12[%get3A_540, %get3A_541] {strides = array<i32>} : memref<128x128xf32, #tpu.memory_space<vmem>>, vector<1x16xf32>,
      %get3A_543 = vector.shape_cast %get3A_542 : vector<1x16xf32> to vector<16xf32>
      %get3A_544 = arith.index_cast %add3A_443 : i32 to index
      %get3A_545 = arith.constant 96 : index
      %get3A_546 = tpu.vector_load %arg13[%get3A_544, %get3A_545] {strides = array<i32>} : memref<128x128xf32, #tpu.memory_space<vmem>>, vector<1x16xf32>,
      %get3A_547 = vector.shape_cast %get3A_546 : vector<1x16xf32> to vector<16xf32>
      %sub3A_548 = arith.subf %get3A_547, %get3A_543 : vector<16xf32>
      %mul3A_549 = arith.mulf %get3A_539, %sub3A_548 : vector<16xf32>
      %add3A_550 = arith.addf %add3A_535, %mul3A_549 : vector<16xf32>
      %get3A_551 = arith.index_cast %add3A_443 : i32 to index
      %get3A_552 = arith.constant 112 : index
      %get3A_553 = tpu.vector_load %arg11[%get3A_551, %get3A_552] {strides = array<i32>} : memref<128x128xf32, #tpu.memory_space<vmem>>, vector<1x16xf32>,
      %get3A_554 = vector.shape_cast %get3A_553 : vector<1x16xf32> to vector<16xf32>
      %get3A_555 = arith.index_cast %add3A_443 : i32 to index
      %get3A_556 = arith.constant 112 : index
      %get3A_557 = tpu.vector_load %arg12[%get3A_555, %get3A_556] {strides = array<i32>} : memref<128x128xf32, #tpu.memory_space<vmem>>, vector<1x16xf32>,
      %get3A_558 = vector.shape_cast %get3A_557 : vector<1x16xf32> to vector<16xf32>
      %get3A_559 = arith.index_cast %add3A_443 : i32 to index
      %get3A_560 = arith.constant 112 : index
      %get3A_561 = tpu.vector_load %arg13[%get3A_559, %get3A_560] {strides = array<i32>} : memref<128x128xf32, #tpu.memory_space<vmem>>, vector<1x16xf32>,
      %get3A_562 = vector.shape_cast %get3A_561 : vector<1x16xf32> to vector<16xf32>
      %sub3A_563 = arith.subf %get3A_562, %get3A_558 : vector<16xf32>
      %mul3A_564 = arith.mulf %get3A_554, %sub3A_563 : vector<16xf32>
      %add3A_565 = arith.addf %add3A_550, %mul3A_564 : vector<16xf32>
      %swap3A_566 = arith.index_cast %scan3A_180 : i32 to index
      %swap3A_567 = arith.constant 32 : index
      %swap3A_568 = tpu.vector_load %arg17[%swap3A_566, %swap3A_567] {strides = array<i32>} : memref<16x128xf32, #tpu.memory_space<vmem>>, vector<1x16xf32>,
      %swap3A_569 = vector.shape_cast %swap3A_568 : vector<1x16xf32> to vector<16xf32>
      %swap3A_570 = vector.shape_cast %add3A_565 : vector<16xf32> to vector<1x16xf32>
      tpu.vector_store %arg17[%swap3A_566, %swap3A_567], %swap3A_570 {strides = array<i32>} : memref<16x128xf32, #tpu.memory_space<vmem>>, vector<1x16xf32>,
      %mul3A_571 = arith.constant 8 : i32
      %mul3A_572 = arith.muli %scan3A_180, %mul3A_571 : i32
      %add3A_573 = arith.constant 3 : i32
      %add3A_574 = arith.addi %mul3A_572, %add3A_573 : i32
      %broadcast_in_dim3A_575 = arith.constant 0.000000e+00 : f32
      %broadcast_in_dim3A_576 = vector.broadcast %broadcast_in_dim3A_575 : f32 to vector<16xf32>
      %get3A_577 = arith.index_cast %add3A_574 : i32 to index
      %get3A_578 = arith.constant 0 : index
      %get3A_579 = tpu.vector_load %arg11[%get3A_577, %get3A_578] {strides = array<i32>} : memref<128x128xf32, #tpu.memory_space<vmem>>, vector<1x16xf32>,
      %get3A_580 = vector.shape_cast %get3A_579 : vector<1x16xf32> to vector<16xf32>
      %get3A_581 = arith.index_cast %add3A_574 : i32 to index
      %get3A_582 = arith.constant 0 : index
      %get3A_583 = tpu.vector_load %arg12[%get3A_581, %get3A_582] {strides = array<i32>} : memref<128x128xf32, #tpu.memory_space<vmem>>, vector<1x16xf32>,
      %get3A_584 = vector.shape_cast %get3A_583 : vector<1x16xf32> to vector<16xf32>
      %get3A_585 = arith.index_cast %add3A_574 : i32 to index
      %get3A_586 = arith.constant 0 : index
      %get3A_587 = tpu.vector_load %arg13[%get3A_585, %get3A_586] {strides = array<i32>} : memref<128x128xf32, #tpu.memory_space<vmem>>, vector<1x16xf32>,
      %get3A_588 = vector.shape_cast %get3A_587 : vector<1x16xf32> to vector<16xf32>
      %sub3A_589 = arith.subf %get3A_588, %get3A_584 : vector<16xf32>
      %mul3A_590 = arith.mulf %get3A_580, %sub3A_589 : vector<16xf32>
      %add3A_591 = arith.addf %broadcast_in_dim3A_576, %mul3A_590 : vector<16xf32>
      %get3A_592 = arith.index_cast %add3A_574 : i32 to index
      %get3A_593 = arith.constant 16 : index
      %get3A_594 = tpu.vector_load %arg11[%get3A_592, %get3A_593] {strides = array<i32>} : memref<128x128xf32, #tpu.memory_space<vmem>>, vector<1x16xf32>,
      %get3A_595 = vector.shape_cast %get3A_594 : vector<1x16xf32> to vector<16xf32>
      %get3A_596 = arith.index_cast %add3A_574 : i32 to index
      %get3A_597 = arith.constant 16 : index
      %get3A_598 = tpu.vector_load %arg12[%get3A_596, %get3A_597] {strides = array<i32>} : memref<128x128xf32, #tpu.memory_space<vmem>>, vector<1x16xf32>,
      %get3A_599 = vector.shape_cast %get3A_598 : vector<1x16xf32> to vector<16xf32>
      %get3A_600 = arith.index_cast %add3A_574 : i32 to index
      %get3A_601 = arith.constant 16 : index
      %get3A_602 = tpu.vector_load %arg13[%get3A_600, %get3A_601] {strides = array<i32>} : memref<128x128xf32, #tpu.memory_space<vmem>>, vector<1x16xf32>,
      %get3A_603 = vector.shape_cast %get3A_602 : vector<1x16xf32> to vector<16xf32>
      %sub3A_604 = arith.subf %get3A_603, %get3A_599 : vector<16xf32>
      %mul3A_605 = arith.mulf %get3A_595, %sub3A_604 : vector<16xf32>
      %add3A_606 = arith.addf %add3A_591, %mul3A_605 : vector<16xf32>
      %get3A_607 = arith.index_cast %add3A_574 : i32 to index
      %get3A_608 = arith.constant 32 : index
      %get3A_609 = tpu.vector_load %arg11[%get3A_607, %get3A_608] {strides = array<i32>} : memref<128x128xf32, #tpu.memory_space<vmem>>, vector<1x16xf32>,
      %get3A_610 = vector.shape_cast %get3A_609 : vector<1x16xf32> to vector<16xf32>
      %get3A_611 = arith.index_cast %add3A_574 : i32 to index
      %get3A_612 = arith.constant 32 : index
      %get3A_613 = tpu.vector_load %arg12[%get3A_611, %get3A_612] {strides = array<i32>} : memref<128x128xf32, #tpu.memory_space<vmem>>, vector<1x16xf32>,
      %get3A_614 = vector.shape_cast %get3A_613 : vector<1x16xf32> to vector<16xf32>
      %get3A_615 = arith.index_cast %add3A_574 : i32 to index
      %get3A_616 = arith.constant 32 : index
      %get3A_617 = tpu.vector_load %arg13[%get3A_615, %get3A_616] {strides = array<i32>} : memref<128x128xf32, #tpu.memory_space<vmem>>, vector<1x16xf32>,
      %get3A_618 = vector.shape_cast %get3A_617 : vector<1x16xf32> to vector<16xf32>
      %sub3A_619 = arith.subf %get3A_618, %get3A_614 : vector<16xf32>
      %mul3A_620 = arith.mulf %get3A_610, %sub3A_619 : vector<16xf32>
      %add3A_621 = arith.addf %add3A_606, %mul3A_620 : vector<16xf32>
      %get3A_622 = arith.index_cast %add3A_574 : i32 to index
      %get3A_623 = arith.constant 48 : index
      %get3A_624 = tpu.vector_load %arg11[%get3A_622, %get3A_623] {strides = array<i32>} : memref<128x128xf32, #tpu.memory_space<vmem>>, vector<1x16xf32>,
      %get3A_625 = vector.shape_cast %get3A_624 : vector<1x16xf32> to vector<16xf32>
      %get3A_626 = arith.index_cast %add3A_574 : i32 to index
      %get3A_627 = arith.constant 48 : index
      %get3A_628 = tpu.vector_load %arg12[%get3A_626, %get3A_627] {strides = array<i32>} : memref<128x128xf32, #tpu.memory_space<vmem>>, vector<1x16xf32>,
      %get3A_629 = vector.shape_cast %get3A_628 : vector<1x16xf32> to vector<16xf32>
      %get3A_630 = arith.index_cast %add3A_574 : i32 to index
      %get3A_631 = arith.constant 48 : index
      %get3A_632 = tpu.vector_load %arg13[%get3A_630, %get3A_631] {strides = array<i32>} : memref<128x128xf32, #tpu.memory_space<vmem>>, vector<1x16xf32>,
      %get3A_633 = vector.shape_cast %get3A_632 : vector<1x16xf32> to vector<16xf32>
      %sub3A_634 = arith.subf %get3A_633, %get3A_629 : vector<16xf32>
      %mul3A_635 = arith.mulf %get3A_625, %sub3A_634 : vector<16xf32>
      %add3A_636 = arith.addf %add3A_621, %mul3A_635 : vector<16xf32>
      %get3A_637 = arith.index_cast %add3A_574 : i32 to index
      %get3A_638 = arith.constant 64 : index
      %get3A_639 = tpu.vector_load %arg11[%get3A_637, %get3A_638] {strides = array<i32>} : memref<128x128xf32, #tpu.memory_space<vmem>>, vector<1x16xf32>,
      %get3A_640 = vector.shape_cast %get3A_639 : vector<1x16xf32> to vector<16xf32>
      %get3A_641 = arith.index_cast %add3A_574 : i32 to index
      %get3A_642 = arith.constant 64 : index
      %get3A_643 = tpu.vector_load %arg12[%get3A_641, %get3A_642] {strides = array<i32>} : memref<128x128xf32, #tpu.memory_space<vmem>>, vector<1x16xf32>,
      %get3A_644 = vector.shape_cast %get3A_643 : vector<1x16xf32> to vector<16xf32>
      %get3A_645 = arith.index_cast %add3A_574 : i32 to index
      %get3A_646 = arith.constant 64 : index
      %get3A_647 = tpu.vector_load %arg13[%get3A_645, %get3A_646] {strides = array<i32>} : memref<128x128xf32, #tpu.memory_space<vmem>>, vector<1x16xf32>,
      %get3A_648 = vector.shape_cast %get3A_647 : vector<1x16xf32> to vector<16xf32>
      %sub3A_649 = arith.subf %get3A_648, %get3A_644 : vector<16xf32>
      %mul3A_650 = arith.mulf %get3A_640, %sub3A_649 : vector<16xf32>
      %add3A_651 = arith.addf %add3A_636, %mul3A_650 : vector<16xf32>
      %get3A_652 = arith.index_cast %add3A_574 : i32 to index
      %get3A_653 = arith.constant 80 : index
      %get3A_654 = tpu.vector_load %arg11[%get3A_652, %get3A_653] {strides = array<i32>} : memref<128x128xf32, #tpu.memory_space<vmem>>, vector<1x16xf32>,
      %get3A_655 = vector.shape_cast %get3A_654 : vector<1x16xf32> to vector<16xf32>
      %get3A_656 = arith.index_cast %add3A_574 : i32 to index
      %get3A_657 = arith.constant 80 : index
      %get3A_658 = tpu.vector_load %arg12[%get3A_656, %get3A_657] {strides = array<i32>} : memref<128x128xf32, #tpu.memory_space<vmem>>, vector<1x16xf32>,
      %get3A_659 = vector.shape_cast %get3A_658 : vector<1x16xf32> to vector<16xf32>
      %get3A_660 = arith.index_cast %add3A_574 : i32 to index
      %get3A_661 = arith.constant 80 : index
      %get3A_662 = tpu.vector_load %arg13[%get3A_660, %get3A_661] {strides = array<i32>} : memref<128x128xf32, #tpu.memory_space<vmem>>, vector<1x16xf32>,
      %get3A_663 = vector.shape_cast %get3A_662 : vector<1x16xf32> to vector<16xf32>
      %sub3A_664 = arith.subf %get3A_663, %get3A_659 : vector<16xf32>
      %mul3A_665 = arith.mulf %get3A_655, %sub3A_664 : vector<16xf32>
      %add3A_666 = arith.addf %add3A_651, %mul3A_665 : vector<16xf32>
      %get3A_667 = arith.index_cast %add3A_574 : i32 to index
      %get3A_668 = arith.constant 96 : index
      %get3A_669 = tpu.vector_load %arg11[%get3A_667, %get3A_668] {strides = array<i32>} : memref<128x128xf32, #tpu.memory_space<vmem>>, vector<1x16xf32>,
      %get3A_670 = vector.shape_cast %get3A_669 : vector<1x16xf32> to vector<16xf32>
      %get3A_671 = arith.index_cast %add3A_574 : i32 to index
      %get3A_672 = arith.constant 96 : index
      %get3A_673 = tpu.vector_load %arg12[%get3A_671, %get3A_672] {strides = array<i32>} : memref<128x128xf32, #tpu.memory_space<vmem>>, vector<1x16xf32>,
      %get3A_674 = vector.shape_cast %get3A_673 : vector<1x16xf32> to vector<16xf32>
      %get3A_675 = arith.index_cast %add3A_574 : i32 to index
      %get3A_676 = arith.constant 96 : index
      %get3A_677 = tpu.vector_load %arg13[%get3A_675, %get3A_676] {strides = array<i32>} : memref<128x128xf32, #tpu.memory_space<vmem>>, vector<1x16xf32>,
      %get3A_678 = vector.shape_cast %get3A_677 : vector<1x16xf32> to vector<16xf32>
      %sub3A_679 = arith.subf %get3A_678, %get3A_674 : vector<16xf32>
      %mul3A_680 = arith.mulf %get3A_670, %sub3A_679 : vector<16xf32>
      %add3A_681 = arith.addf %add3A_666, %mul3A_680 : vector<16xf32>
      %get3A_682 = arith.index_cast %add3A_574 : i32 to index
      %get3A_683 = arith.constant 112 : index
      %get3A_684 = tpu.vector_load %arg11[%get3A_682, %get3A_683] {strides = array<i32>} : memref<128x128xf32, #tpu.memory_space<vmem>>, vector<1x16xf32>,
      %get3A_685 = vector.shape_cast %get3A_684 : vector<1x16xf32> to vector<16xf32>
      %get3A_686 = arith.index_cast %add3A_574 : i32 to index
      %get3A_687 = arith.constant 112 : index
      %get3A_688 = tpu.vector_load %arg12[%get3A_686, %get3A_687] {strides = array<i32>} : memref<128x128xf32, #tpu.memory_space<vmem>>, vector<1x16xf32>,
      %get3A_689 = vector.shape_cast %get3A_688 : vector<1x16xf32> to vector<16xf32>
      %get3A_690 = arith.index_cast %add3A_574 : i32 to index
      %get3A_691 = arith.constant 112 : index
      %get3A_692 = tpu.vector_load %arg13[%get3A_690, %get3A_691] {strides = array<i32>} : memref<128x128xf32, #tpu.memory_space<vmem>>, vector<1x16xf32>,
      %get3A_693 = vector.shape_cast %get3A_692 : vector<1x16xf32> to vector<16xf32>
      %sub3A_694 = arith.subf %get3A_693, %get3A_689 : vector<16xf32>
      %mul3A_695 = arith.mulf %get3A_685, %sub3A_694 : vector<16xf32>
      %add3A_696 = arith.addf %add3A_681, %mul3A_695 : vector<16xf32>
      %swap3A_697 = arith.index_cast %scan3A_180 : i32 to index
      %swap3A_698 = arith.constant 48 : index
      %swap3A_699 = tpu.vector_load %arg17[%swap3A_697, %swap3A_698] {strides = array<i32>} : memref<16x128xf32, #tpu.memory_space<vmem>>, vector<1x16xf32>,
      %swap3A_700 = vector.shape_cast %swap3A_699 : vector<1x16xf32> to vector<16xf32>
      %swap3A_701 = vector.shape_cast %add3A_696 : vector<16xf32> to vector<1x16xf32>
      tpu.vector_store %arg17[%swap3A_697, %swap3A_698], %swap3A_701 {strides = array<i32>} : memref<16x128xf32, #tpu.memory_space<vmem>>, vector<1x16xf32>,
      %mul3A_702 = arith.constant 8 : i32
      %mul3A_703 = arith.muli %scan3A_180, %mul3A_702 : i32
      %add3A_704 = arith.constant 4 : i32
      %add3A_705 = arith.addi %mul3A_703, %add3A_704 : i32
      %broadcast_in_dim3A_706 = arith.constant 0.000000e+00 : f32
      %broadcast_in_dim3A_707 = vector.broadcast %broadcast_in_dim3A_706 : f32 to vector<16xf32>
      %get3A_708 = arith.index_cast %add3A_705 : i32 to index
      %get3A_709 = arith.constant 0 : index
      %get3A_710 = tpu.vector_load %arg11[%get3A_708, %get3A_709] {strides = array<i32>} : memref<128x128xf32, #tpu.memory_space<vmem>>, vector<1x16xf32>,
      %get3A_711 = vector.shape_cast %get3A_710 : vector<1x16xf32> to vector<16xf32>
      %get3A_712 = arith.index_cast %add3A_705 : i32 to index
      %get3A_713 = arith.constant 0 : index
      %get3A_714 = tpu.vector_load %arg12[%get3A_712, %get3A_713] {strides = array<i32>} : memref<128x128xf32, #tpu.memory_space<vmem>>, vector<1x16xf32>,
      %get3A_715 = vector.shape_cast %get3A_714 : vector<1x16xf32> to vector<16xf32>
      %get3A_716 = arith.index_cast %add3A_705 : i32 to index
      %get3A_717 = arith.constant 0 : index
      %get3A_718 = tpu.vector_load %arg13[%get3A_716, %get3A_717] {strides = array<i32>} : memref<128x128xf32, #tpu.memory_space<vmem>>, vector<1x16xf32>,
      %get3A_719 = vector.shape_cast %get3A_718 : vector<1x16xf32> to vector<16xf32>
      %sub3A_720 = arith.subf %get3A_719, %get3A_715 : vector<16xf32>
      %mul3A_721 = arith.mulf %get3A_711, %sub3A_720 : vector<16xf32>
      %add3A_722 = arith.addf %broadcast_in_dim3A_707, %mul3A_721 : vector<16xf32>
      %get3A_723 = arith.index_cast %add3A_705 : i32 to index
      %get3A_724 = arith.constant 16 : index
      %get3A_725 = tpu.vector_load %arg11[%get3A_723, %get3A_724] {strides = array<i32>} : memref<128x128xf32, #tpu.memory_space<vmem>>, vector<1x16xf32>,
      %get3A_726 = vector.shape_cast %get3A_725 : vector<1x16xf32> to vector<16xf32>
      %get3A_727 = arith.index_cast %add3A_705 : i32 to index
      %get3A_728 = arith.constant 16 : index
      %get3A_729 = tpu.vector_load %arg12[%get3A_727, %get3A_728] {strides = array<i32>} : memref<128x128xf32, #tpu.memory_space<vmem>>, vector<1x16xf32>,
      %get3A_730 = vector.shape_cast %get3A_729 : vector<1x16xf32> to vector<16xf32>
      %get3A_731 = arith.index_cast %add3A_705 : i32 to index
      %get3A_732 = arith.constant 16 : index
      %get3A_733 = tpu.vector_load %arg13[%get3A_731, %get3A_732] {strides = array<i32>} : memref<128x128xf32, #tpu.memory_space<vmem>>, vector<1x16xf32>,
      %get3A_734 = vector.shape_cast %get3A_733 : vector<1x16xf32> to vector<16xf32>
      %sub3A_735 = arith.subf %get3A_734, %get3A_730 : vector<16xf32>
      %mul3A_736 = arith.mulf %get3A_726, %sub3A_735 : vector<16xf32>
      %add3A_737 = arith.addf %add3A_722, %mul3A_736 : vector<16xf32>
      %get3A_738 = arith.index_cast %add3A_705 : i32 to index
      %get3A_739 = arith.constant 32 : index
      %get3A_740 = tpu.vector_load %arg11[%get3A_738, %get3A_739] {strides = array<i32>} : memref<128x128xf32, #tpu.memory_space<vmem>>, vector<1x16xf32>,
      %get3A_741 = vector.shape_cast %get3A_740 : vector<1x16xf32> to vector<16xf32>
      %get3A_742 = arith.index_cast %add3A_705 : i32 to index
      %get3A_743 = arith.constant 32 : index
      %get3A_744 = tpu.vector_load %arg12[%get3A_742, %get3A_743] {strides = array<i32>} : memref<128x128xf32, #tpu.memory_space<vmem>>, vector<1x16xf32>,
      %get3A_745 = vector.shape_cast %get3A_744 : vector<1x16xf32> to vector<16xf32>
      %get3A_746 = arith.index_cast %add3A_705 : i32 to index
      %get3A_747 = arith.constant 32 : index
      %get3A_748 = tpu.vector_load %arg13[%get3A_746, %get3A_747] {strides = array<i32>} : memref<128x128xf32, #tpu.memory_space<vmem>>, vector<1x16xf32>,
      %get3A_749 = vector.shape_cast %get3A_748 : vector<1x16xf32> to vector<16xf32>
      %sub3A_750 = arith.subf %get3A_749, %get3A_745 : vector<16xf32>
      %mul3A_751 = arith.mulf %get3A_741, %sub3A_750 : vector<16xf32>
      %add3A_752 = arith.addf %add3A_737, %mul3A_751 : vector<16xf32>
      %get3A_753 = arith.index_cast %add3A_705 : i32 to index
      %get3A_754 = arith.constant 48 : index
      %get3A_755 = tpu.vector_load %arg11[%get3A_753, %get3A_754] {strides = array<i32>} : memref<128x128xf32, #tpu.memory_space<vmem>>, vector<1x16xf32>,
      %get3A_756 = vector.shape_cast %get3A_755 : vector<1x16xf32> to vector<16xf32>
      %get3A_757 = arith.index_cast %add3A_705 : i32 to index
      %get3A_758 = arith.constant 48 : index
      %get3A_759 = tpu.vector_load %arg12[%get3A_757, %get3A_758] {strides = array<i32>} : memref<128x128xf32, #tpu.memory_space<vmem>>, vector<1x16xf32>,
      %get3A_760 = vector.shape_cast %get3A_759 : vector<1x16xf32> to vector<16xf32>
      %get3A_761 = arith.index_cast %add3A_705 : i32 to index
      %get3A_762 = arith.constant 48 : index
      %get3A_763 = tpu.vector_load %arg13[%get3A_761, %get3A_762] {strides = array<i32>} : memref<128x128xf32, #tpu.memory_space<vmem>>, vector<1x16xf32>,
      %get3A_764 = vector.shape_cast %get3A_763 : vector<1x16xf32> to vector<16xf32>
      %sub3A_765 = arith.subf %get3A_764, %get3A_760 : vector<16xf32>
      %mul3A_766 = arith.mulf %get3A_756, %sub3A_765 : vector<16xf32>
      %add3A_767 = arith.addf %add3A_752, %mul3A_766 : vector<16xf32>
      %get3A_768 = arith.index_cast %add3A_705 : i32 to index
      %get3A_769 = arith.constant 64 : index
      %get3A_770 = tpu.vector_load %arg11[%get3A_768, %get3A_769] {strides = array<i32>} : memref<128x128xf32, #tpu.memory_space<vmem>>, vector<1x16xf32>,
      %get3A_771 = vector.shape_cast %get3A_770 : vector<1x16xf32> to vector<16xf32>
      %get3A_772 = arith.index_cast %add3A_705 : i32 to index
      %get3A_773 = arith.constant 64 : index
      %get3A_774 = tpu.vector_load %arg12[%get3A_772, %get3A_773] {strides = array<i32>} : memref<128x128xf32, #tpu.memory_space<vmem>>, vector<1x16xf32>,
      %get3A_775 = vector.shape_cast %get3A_774 : vector<1x16xf32> to vector<16xf32>
      %get3A_776 = arith.index_cast %add3A_705 : i32 to index
      %get3A_777 = arith.constant 64 : index
      %get3A_778 = tpu.vector_load %arg13[%get3A_776, %get3A_777] {strides = array<i32>} : memref<128x128xf32, #tpu.memory_space<vmem>>, vector<1x16xf32>,
      %get3A_779 = vector.shape_cast %get3A_778 : vector<1x16xf32> to vector<16xf32>
      %sub3A_780 = arith.subf %get3A_779, %get3A_775 : vector<16xf32>
      %mul3A_781 = arith.mulf %get3A_771, %sub3A_780 : vector<16xf32>
      %add3A_782 = arith.addf %add3A_767, %mul3A_781 : vector<16xf32>
      %get3A_783 = arith.index_cast %add3A_705 : i32 to index
      %get3A_784 = arith.constant 80 : index
      %get3A_785 = tpu.vector_load %arg11[%get3A_783, %get3A_784] {strides = array<i32>} : memref<128x128xf32, #tpu.memory_space<vmem>>, vector<1x16xf32>,
      %get3A_786 = vector.shape_cast %get3A_785 : vector<1x16xf32> to vector<16xf32>
      %get3A_787 = arith.index_cast %add3A_705 : i32 to index
      %get3A_788 = arith.constant 80 : index
      %get3A_789 = tpu.vector_load %arg12[%get3A_787, %get3A_788] {strides = array<i32>} : memref<128x128xf32, #tpu.memory_space<vmem>>, vector<1x16xf32>,
      %get3A_790 = vector.shape_cast %get3A_789 : vector<1x16xf32> to vector<16xf32>
      %get3A_791 = arith.index_cast %add3A_705 : i32 to index
      %get3A_792 = arith.constant 80 : index
      %get3A_793 = tpu.vector_load %arg13[%get3A_791, %get3A_792] {strides = array<i32>} : memref<128x128xf32, #tpu.memory_space<vmem>>, vector<1x16xf32>,
      %get3A_794 = vector.shape_cast %get3A_793 : vector<1x16xf32> to vector<16xf32>
      %sub3A_795 = arith.subf %get3A_794, %get3A_790 : vector<16xf32>
      %mul3A_796 = arith.mulf %get3A_786, %sub3A_795 : vector<16xf32>
      %add3A_797 = arith.addf %add3A_782, %mul3A_796 : vector<16xf32>
      %get3A_798 = arith.index_cast %add3A_705 : i32 to index
      %get3A_799 = arith.constant 96 : index
      %get3A_800 = tpu.vector_load %arg11[%get3A_798, %get3A_799] {strides = array<i32>} : memref<128x128xf32, #tpu.memory_space<vmem>>, vector<1x16xf32>,
      %get3A_801 = vector.shape_cast %get3A_800 : vector<1x16xf32> to vector<16xf32>
      %get3A_802 = arith.index_cast %add3A_705 : i32 to index
      %get3A_803 = arith.constant 96 : index
      %get3A_804 = tpu.vector_load %arg12[%get3A_802, %get3A_803] {strides = array<i32>} : memref<128x128xf32, #tpu.memory_space<vmem>>, vector<1x16xf32>,
      %get3A_805 = vector.shape_cast %get3A_804 : vector<1x16xf32> to vector<16xf32>
      %get3A_806 = arith.index_cast %add3A_705 : i32 to index
      %get3A_807 = arith.constant 96 : index
      %get3A_808 = tpu.vector_load %arg13[%get3A_806, %get3A_807] {strides = array<i32>} : memref<128x128xf32, #tpu.memory_space<vmem>>, vector<1x16xf32>,
      %get3A_809 = vector.shape_cast %get3A_808 : vector<1x16xf32> to vector<16xf32>
      %sub3A_810 = arith.subf %get3A_809, %get3A_805 : vector<16xf32>
      %mul3A_811 = arith.mulf %get3A_801, %sub3A_810 : vector<16xf32>
      %add3A_812 = arith.addf %add3A_797, %mul3A_811 : vector<16xf32>
      %get3A_813 = arith.index_cast %add3A_705 : i32 to index
      %get3A_814 = arith.constant 112 : index
      %get3A_815 = tpu.vector_load %arg11[%get3A_813, %get3A_814] {strides = array<i32>} : memref<128x128xf32, #tpu.memory_space<vmem>>, vector<1x16xf32>,
      %get3A_816 = vector.shape_cast %get3A_815 : vector<1x16xf32> to vector<16xf32>
      %get3A_817 = arith.index_cast %add3A_705 : i32 to index
      %get3A_818 = arith.constant 112 : index
      %get3A_819 = tpu.vector_load %arg12[%get3A_817, %get3A_818] {strides = array<i32>} : memref<128x128xf32, #tpu.memory_space<vmem>>, vector<1x16xf32>,
      %get3A_820 = vector.shape_cast %get3A_819 : vector<1x16xf32> to vector<16xf32>
      %get3A_821 = arith.index_cast %add3A_705 : i32 to index
      %get3A_822 = arith.constant 112 : index
      %get3A_823 = tpu.vector_load %arg13[%get3A_821, %get3A_822] {strides = array<i32>} : memref<128x128xf32, #tpu.memory_space<vmem>>, vector<1x16xf32>,
      %get3A_824 = vector.shape_cast %get3A_823 : vector<1x16xf32> to vector<16xf32>
      %sub3A_825 = arith.subf %get3A_824, %get3A_820 : vector<16xf32>
      %mul3A_826 = arith.mulf %get3A_816, %sub3A_825 : vector<16xf32>
      %add3A_827 = arith.addf %add3A_812, %mul3A_826 : vector<16xf32>
      %swap3A_828 = arith.index_cast %scan3A_180 : i32 to index
      %swap3A_829 = arith.constant 64 : index
      %swap3A_830 = tpu.vector_load %arg17[%swap3A_828, %swap3A_829] {strides = array<i32>} : memref<16x128xf32, #tpu.memory_space<vmem>>, vector<1x16xf32>,
      %swap3A_831 = vector.shape_cast %swap3A_830 : vector<1x16xf32> to vector<16xf32>
      %swap3A_832 = vector.shape_cast %add3A_827 : vector<16xf32> to vector<1x16xf32>
      tpu.vector_store %arg17[%swap3A_828, %swap3A_829], %swap3A_832 {strides = array<i32>} : memref<16x128xf32, #tpu.memory_space<vmem>>, vector<1x16xf32>,
      %mul3A_833 = arith.constant 8 : i32
      %mul3A_834 = arith.muli %scan3A_180, %mul3A_833 : i32
      %add3A_835 = arith.constant 5 : i32
      %add3A_836 = arith.addi %mul3A_834, %add3A_835 : i32
      %broadcast_in_dim3A_837 = arith.constant 0.000000e+00 : f32
      %broadcast_in_dim3A_838 = vector.broadcast %broadcast_in_dim3A_837 : f32 to vector<16xf32>
      %get3A_839 = arith.index_cast %add3A_836 : i32 to index
      %get3A_840 = arith.constant 0 : index
      %get3A_841 = tpu.vector_load %arg11[%get3A_839, %get3A_840] {strides = array<i32>} : memref<128x128xf32, #tpu.memory_space<vmem>>, vector<1x16xf32>,
      %get3A_842 = vector.shape_cast %get3A_841 : vector<1x16xf32> to vector<16xf32>
      %get3A_843 = arith.index_cast %add3A_836 : i32 to index
      %get3A_844 = arith.constant 0 : index
      %get3A_845 = tpu.vector_load %arg12[%get3A_843, %get3A_844] {strides = array<i32>} : memref<128x128xf32, #tpu.memory_space<vmem>>, vector<1x16xf32>,
      %get3A_846 = vector.shape_cast %get3A_845 : vector<1x16xf32> to vector<16xf32>
      %get3A_847 = arith.index_cast %add3A_836 : i32 to index
      %get3A_848 = arith.constant 0 : index
      %get3A_849 = tpu.vector_load %arg13[%get3A_847, %get3A_848] {strides = array<i32>} : memref<128x128xf32, #tpu.memory_space<vmem>>, vector<1x16xf32>,
      %get3A_850 = vector.shape_cast %get3A_849 : vector<1x16xf32> to vector<16xf32>
      %sub3A_851 = arith.subf %get3A_850, %get3A_846 : vector<16xf32>
      %mul3A_852 = arith.mulf %get3A_842, %sub3A_851 : vector<16xf32>
      %add3A_853 = arith.addf %broadcast_in_dim3A_838, %mul3A_852 : vector<16xf32>
      %get3A_854 = arith.index_cast %add3A_836 : i32 to index
      %get3A_855 = arith.constant 16 : index
      %get3A_856 = tpu.vector_load %arg11[%get3A_854, %get3A_855] {strides = array<i32>} : memref<128x128xf32, #tpu.memory_space<vmem>>, vector<1x16xf32>,
      %get3A_857 = vector.shape_cast %get3A_856 : vector<1x16xf32> to vector<16xf32>
      %get3A_858 = arith.index_cast %add3A_836 : i32 to index
      %get3A_859 = arith.constant 16 : index
      %get3A_860 = tpu.vector_load %arg12[%get3A_858, %get3A_859] {strides = array<i32>} : memref<128x128xf32, #tpu.memory_space<vmem>>, vector<1x16xf32>,
      %get3A_861 = vector.shape_cast %get3A_860 : vector<1x16xf32> to vector<16xf32>
      %get3A_862 = arith.index_cast %add3A_836 : i32 to index
      %get3A_863 = arith.constant 16 : index
      %get3A_864 = tpu.vector_load %arg13[%get3A_862, %get3A_863] {strides = array<i32>} : memref<128x128xf32, #tpu.memory_space<vmem>>, vector<1x16xf32>,
      %get3A_865 = vector.shape_cast %get3A_864 : vector<1x16xf32> to vector<16xf32>
      %sub3A_866 = arith.subf %get3A_865, %get3A_861 : vector<16xf32>
      %mul3A_867 = arith.mulf %get3A_857, %sub3A_866 : vector<16xf32>
      %add3A_868 = arith.addf %add3A_853, %mul3A_867 : vector<16xf32>
      %get3A_869 = arith.index_cast %add3A_836 : i32 to index
      %get3A_870 = arith.constant 32 : index
      %get3A_871 = tpu.vector_load %arg11[%get3A_869, %get3A_870] {strides = array<i32>} : memref<128x128xf32, #tpu.memory_space<vmem>>, vector<1x16xf32>,
      %get3A_872 = vector.shape_cast %get3A_871 : vector<1x16xf32> to vector<16xf32>
      %get3A_873 = arith.index_cast %add3A_836 : i32 to index
      %get3A_874 = arith.constant 32 : index
      %get3A_875 = tpu.vector_load %arg12[%get3A_873, %get3A_874] {strides = array<i32>} : memref<128x128xf32, #tpu.memory_space<vmem>>, vector<1x16xf32>,
      %get3A_876 = vector.shape_cast %get3A_875 : vector<1x16xf32> to vector<16xf32>
      %get3A_877 = arith.index_cast %add3A_836 : i32 to index
      %get3A_878 = arith.constant 32 : index
      %get3A_879 = tpu.vector_load %arg13[%get3A_877, %get3A_878] {strides = array<i32>} : memref<128x128xf32, #tpu.memory_space<vmem>>, vector<1x16xf32>,
      %get3A_880 = vector.shape_cast %get3A_879 : vector<1x16xf32> to vector<16xf32>
      %sub3A_881 = arith.subf %get3A_880, %get3A_876 : vector<16xf32>
      %mul3A_882 = arith.mulf %get3A_872, %sub3A_881 : vector<16xf32>
      %add3A_883 = arith.addf %add3A_868, %mul3A_882 : vector<16xf32>
      %get3A_884 = arith.index_cast %add3A_836 : i32 to index
      %get3A_885 = arith.constant 48 : index
      %get3A_886 = tpu.vector_load %arg11[%get3A_884, %get3A_885] {strides = array<i32>} : memref<128x128xf32, #tpu.memory_space<vmem>>, vector<1x16xf32>,
      %get3A_887 = vector.shape_cast %get3A_886 : vector<1x16xf32> to vector<16xf32>
      %get3A_888 = arith.index_cast %add3A_836 : i32 to index
      %get3A_889 = arith.constant 48 : index
      %get3A_890 = tpu.vector_load %arg12[%get3A_888, %get3A_889] {strides = array<i32>} : memref<128x128xf32, #tpu.memory_space<vmem>>, vector<1x16xf32>,
      %get3A_891 = vector.shape_cast %get3A_890 : vector<1x16xf32> to vector<16xf32>
      %get3A_892 = arith.index_cast %add3A_836 : i32 to index
      %get3A_893 = arith.constant 48 : index
      %get3A_894 = tpu.vector_load %arg13[%get3A_892, %get3A_893] {strides = array<i32>} : memref<128x128xf32, #tpu.memory_space<vmem>>, vector<1x16xf32>,
      %get3A_895 = vector.shape_cast %get3A_894 : vector<1x16xf32> to vector<16xf32>
      %sub3A_896 = arith.subf %get3A_895, %get3A_891 : vector<16xf32>
      %mul3A_897 = arith.mulf %get3A_887, %sub3A_896 : vector<16xf32>
      %add3A_898 = arith.addf %add3A_883, %mul3A_897 : vector<16xf32>
      %get3A_899 = arith.index_cast %add3A_836 : i32 to index
      %get3A_900 = arith.constant 64 : index
      %get3A_901 = tpu.vector_load %arg11[%get3A_899, %get3A_900] {strides = array<i32>} : memref<128x128xf32, #tpu.memory_space<vmem>>, vector<1x16xf32>,
      %get3A_902 = vector.shape_cast %get3A_901 : vector<1x16xf32> to vector<16xf32>
      %get3A_903 = arith.index_cast %add3A_836 : i32 to index
      %get3A_904 = arith.constant 64 : index
      %get3A_905 = tpu.vector_load %arg12[%get3A_903, %get3A_904] {strides = array<i32>} : memref<128x128xf32, #tpu.memory_space<vmem>>, vector<1x16xf32>,
      %get3A_906 = vector.shape_cast %get3A_905 : vector<1x16xf32> to vector<16xf32>
      %get3A_907 = arith.index_cast %add3A_836 : i32 to index
      %get3A_908 = arith.constant 64 : index
      %get3A_909 = tpu.vector_load %arg13[%get3A_907, %get3A_908] {strides = array<i32>} : memref<128x128xf32, #tpu.memory_space<vmem>>, vector<1x16xf32>,
      %get3A_910 = vector.shape_cast %get3A_909 : vector<1x16xf32> to vector<16xf32>
      %sub3A_911 = arith.subf %get3A_910, %get3A_906 : vector<16xf32>
      %mul3A_912 = arith.mulf %get3A_902, %sub3A_911 : vector<16xf32>
      %add3A_913 = arith.addf %add3A_898, %mul3A_912 : vector<16xf32>
      %get3A_914 = arith.index_cast %add3A_836 : i32 to index
      %get3A_915 = arith.constant 80 : index
      %get3A_916 = tpu.vector_load %arg11[%get3A_914, %get3A_915] {strides = array<i32>} : memref<128x128xf32, #tpu.memory_space<vmem>>, vector<1x16xf32>,
      %get3A_917 = vector.shape_cast %get3A_916 : vector<1x16xf32> to vector<16xf32>
      %get3A_918 = arith.index_cast %add3A_836 : i32 to index
      %get3A_919 = arith.constant 80 : index
      %get3A_920 = tpu.vector_load %arg12[%get3A_918, %get3A_919] {strides = array<i32>} : memref<128x128xf32, #tpu.memory_space<vmem>>, vector<1x16xf32>,
      %get3A_921 = vector.shape_cast %get3A_920 : vector<1x16xf32> to vector<16xf32>
      %get3A_922 = arith.index_cast %add3A_836 : i32 to index
      %get3A_923 = arith.constant 80 : index
      %get3A_924 = tpu.vector_load %arg13[%get3A_922, %get3A_923] {strides = array<i32>} : memref<128x128xf32, #tpu.memory_space<vmem>>, vector<1x16xf32>,
      %get3A_925 = vector.shape_cast %get3A_924 : vector<1x16xf32> to vector<16xf32>
      %sub3A_926 = arith.subf %get3A_925, %get3A_921 : vector<16xf32>
      %mul3A_927 = arith.mulf %get3A_917, %sub3A_926 : vector<16xf32>
      %add3A_928 = arith.addf %add3A_913, %mul3A_927 : vector<16xf32>
      %get3A_929 = arith.index_cast %add3A_836 : i32 to index
      %get3A_930 = arith.constant 96 : index
      %get3A_931 = tpu.vector_load %arg11[%get3A_929, %get3A_930] {strides = array<i32>} : memref<128x128xf32, #tpu.memory_space<vmem>>, vector<1x16xf32>,
      %get3A_932 = vector.shape_cast %get3A_931 : vector<1x16xf32> to vector<16xf32>
      %get3A_933 = arith.index_cast %add3A_836 : i32 to index
      %get3A_934 = arith.constant 96 : index
      %get3A_935 = tpu.vector_load %arg12[%get3A_933, %get3A_934] {strides = array<i32>} : memref<128x128xf32, #tpu.memory_space<vmem>>, vector<1x16xf32>,
      %get3A_936 = vector.shape_cast %get3A_935 : vector<1x16xf32> to vector<16xf32>
      %get3A_937 = arith.index_cast %add3A_836 : i32 to index
      %get3A_938 = arith.constant 96 : index
      %get3A_939 = tpu.vector_load %arg13[%get3A_937, %get3A_938] {strides = array<i32>} : memref<128x128xf32, #tpu.memory_space<vmem>>, vector<1x16xf32>,
      %get3A_940 = vector.shape_cast %get3A_939 : vector<1x16xf32> to vector<16xf32>
      %sub3A_941 = arith.subf %get3A_940, %get3A_936 : vector<16xf32>
      %mul3A_942 = arith.mulf %get3A_932, %sub3A_941 : vector<16xf32>
      %add3A_943 = arith.addf %add3A_928, %mul3A_942 : vector<16xf32>
      %get3A_944 = arith.index_cast %add3A_836 : i32 to index
      %get3A_945 = arith.constant 112 : index
      %get3A_946 = tpu.vector_load %arg11[%get3A_944, %get3A_945] {strides = array<i32>} : memref<128x128xf32, #tpu.memory_space<vmem>>, vector<1x16xf32>,
      %get3A_947 = vector.shape_cast %get3A_946 : vector<1x16xf32> to vector<16xf32>
      %get3A_948 = arith.index_cast %add3A_836 : i32 to index
      %get3A_949 = arith.constant 112 : index
      %get3A_950 = tpu.vector_load %arg12[%get3A_948, %get3A_949] {strides = array<i32>} : memref<128x128xf32, #tpu.memory_space<vmem>>, vector<1x16xf32>,
      %get3A_951 = vector.shape_cast %get3A_950 : vector<1x16xf32> to vector<16xf32>
      %get3A_952 = arith.index_cast %add3A_836 : i32 to index
      %get3A_953 = arith.constant 112 : index
      %get3A_954 = tpu.vector_load %arg13[%get3A_952, %get3A_953] {strides = array<i32>} : memref<128x128xf32, #tpu.memory_space<vmem>>, vector<1x16xf32>,
      %get3A_955 = vector.shape_cast %get3A_954 : vector<1x16xf32> to vector<16xf32>
      %sub3A_956 = arith.subf %get3A_955, %get3A_951 : vector<16xf32>
      %mul3A_957 = arith.mulf %get3A_947, %sub3A_956 : vector<16xf32>
      %add3A_958 = arith.addf %add3A_943, %mul3A_957 : vector<16xf32>
      %swap3A_959 = arith.index_cast %scan3A_180 : i32 to index
      %swap3A_960 = arith.constant 80 : index
      %swap3A_961 = tpu.vector_load %arg17[%swap3A_959, %swap3A_960] {strides = array<i32>} : memref<16x128xf32, #tpu.memory_space<vmem>>, vector<1x16xf32>,
      %swap3A_962 = vector.shape_cast %swap3A_961 : vector<1x16xf32> to vector<16xf32>
      %swap3A_963 = vector.shape_cast %add3A_958 : vector<16xf32> to vector<1x16xf32>
      tpu.vector_store %arg17[%swap3A_959, %swap3A_960], %swap3A_963 {strides = array<i32>} : memref<16x128xf32, #tpu.memory_space<vmem>>, vector<1x16xf32>,
      %mul3A_964 = arith.constant 8 : i32
      %mul3A_965 = arith.muli %scan3A_180, %mul3A_964 : i32
      %add3A_966 = arith.constant 6 : i32
      %add3A_967 = arith.addi %mul3A_965, %add3A_966 : i32
      %broadcast_in_dim3A_968 = arith.constant 0.000000e+00 : f32
      %broadcast_in_dim3A_969 = vector.broadcast %broadcast_in_dim3A_968 : f32 to vector<16xf32>
      %get3A_970 = arith.index_cast %add3A_967 : i32 to index
      %get3A_971 = arith.constant 0 : index
      %get3A_972 = tpu.vector_load %arg11[%get3A_970, %get3A_971] {strides = array<i32>} : memref<128x128xf32, #tpu.memory_space<vmem>>, vector<1x16xf32>,
      %get3A_973 = vector.shape_cast %get3A_972 : vector<1x16xf32> to vector<16xf32>
      %get3A_974 = arith.index_cast %add3A_967 : i32 to index
      %get3A_975 = arith.constant 0 : index
      %get3A_976 = tpu.vector_load %arg12[%get3A_974, %get3A_975] {strides = array<i32>} : memref<128x128xf32, #tpu.memory_space<vmem>>, vector<1x16xf32>,
      %get3A_977 = vector.shape_cast %get3A_976 : vector<1x16xf32> to vector<16xf32>
      %get3A_978 = arith.index_cast %add3A_967 : i32 to index
      %get3A_979 = arith.constant 0 : index
      %get3A_980 = tpu.vector_load %arg13[%get3A_978, %get3A_979] {strides = array<i32>} : memref<128x128xf32, #tpu.memory_space<vmem>>, vector<1x16xf32>,
      %get3A_981 = vector.shape_cast %get3A_980 : vector<1x16xf32> to vector<16xf32>
      %sub3A_982 = arith.subf %get3A_981, %get3A_977 : vector<16xf32>
      %mul3A_983 = arith.mulf %get3A_973, %sub3A_982 : vector<16xf32>
      %add3A_984 = arith.addf %broadcast_in_dim3A_969, %mul3A_983 : vector<16xf32>
      %get3A_985 = arith.index_cast %add3A_967 : i32 to index
      %get3A_986 = arith.constant 16 : index
      %get3A_987 = tpu.vector_load %arg11[%get3A_985, %get3A_986] {strides = array<i32>} : memref<128x128xf32, #tpu.memory_space<vmem>>, vector<1x16xf32>,
      %get3A_988 = vector.shape_cast %get3A_987 : vector<1x16xf32> to vector<16xf32>
      %get3A_989 = arith.index_cast %add3A_967 : i32 to index
      %get3A_990 = arith.constant 16 : index
      %get3A_991 = tpu.vector_load %arg12[%get3A_989, %get3A_990] {strides = array<i32>} : memref<128x128xf32, #tpu.memory_space<vmem>>, vector<1x16xf32>,
      %get3A_992 = vector.shape_cast %get3A_991 : vector<1x16xf32> to vector<16xf32>
      %get3A_993 = arith.index_cast %add3A_967 : i32 to index
      %get3A_994 = arith.constant 16 : index
      %get3A_995 = tpu.vector_load %arg13[%get3A_993, %get3A_994] {strides = array<i32>} : memref<128x128xf32, #tpu.memory_space<vmem>>, vector<1x16xf32>,
      %get3A_996 = vector.shape_cast %get3A_995 : vector<1x16xf32> to vector<16xf32>
      %sub3A_997 = arith.subf %get3A_996, %get3A_992 : vector<16xf32>
      %mul3A_998 = arith.mulf %get3A_988, %sub3A_997 : vector<16xf32>
      %add3A_999 = arith.addf %add3A_984, %mul3A_998 : vector<16xf32>
      %get3A_1000 = arith.index_cast %add3A_967 : i32 to index
      %get3A_1001 = arith.constant 32 : index
      %get3A_1002 = tpu.vector_load %arg11[%get3A_1000, %get3A_1001] {strides = array<i32>} : memref<128x128xf32, #tpu.memory_space<vmem>>, vector<1x16xf32>,
      %get3A_1003 = vector.shape_cast %get3A_1002 : vector<1x16xf32> to vector<16xf32>
      %get3A_1004 = arith.index_cast %add3A_967 : i32 to index
      %get3A_1005 = arith.constant 32 : index
      %get3A_1006 = tpu.vector_load %arg12[%get3A_1004, %get3A_1005] {strides = array<i32>} : memref<128x128xf32, #tpu.memory_space<vmem>>, vector<1x16xf32>,
      %get3A_1007 = vector.shape_cast %get3A_1006 : vector<1x16xf32> to vector<16xf32>
      %get3A_1008 = arith.index_cast %add3A_967 : i32 to index
      %get3A_1009 = arith.constant 32 : index
      %get3A_1010 = tpu.vector_load %arg13[%get3A_1008, %get3A_1009] {strides = array<i32>} : memref<128x128xf32, #tpu.memory_space<vmem>>, vector<1x16xf32>,
      %get3A_1011 = vector.shape_cast %get3A_1010 : vector<1x16xf32> to vector<16xf32>
      %sub3A_1012 = arith.subf %get3A_1011, %get3A_1007 : vector<16xf32>
      %mul3A_1013 = arith.mulf %get3A_1003, %sub3A_1012 : vector<16xf32>
      %add3A_1014 = arith.addf %add3A_999, %mul3A_1013 : vector<16xf32>
      %get3A_1015 = arith.index_cast %add3A_967 : i32 to index
      %get3A_1016 = arith.constant 48 : index
      %get3A_1017 = tpu.vector_load %arg11[%get3A_1015, %get3A_1016] {strides = array<i32>} : memref<128x128xf32, #tpu.memory_space<vmem>>, vector<1x16xf32>,
      %get3A_1018 = vector.shape_cast %get3A_1017 : vector<1x16xf32> to vector<16xf32>
      %get3A_1019 = arith.index_cast %add3A_967 : i32 to index
      %get3A_1020 = arith.constant 48 : index
      %get3A_1021 = tpu.vector_load %arg12[%get3A_1019, %get3A_1020] {strides = array<i32>} : memref<128x128xf32, #tpu.memory_space<vmem>>, vector<1x16xf32>,
      %get3A_1022 = vector.shape_cast %get3A_1021 : vector<1x16xf32> to vector<16xf32>
      %get3A_1023 = arith.index_cast %add3A_967 : i32 to index
      %get3A_1024 = arith.constant 48 : index
      %get3A_1025 = tpu.vector_load %arg13[%get3A_1023, %get3A_1024] {strides = array<i32>} : memref<128x128xf32, #tpu.memory_space<vmem>>, vector<1x16xf32>,
      %get3A_1026 = vector.shape_cast %get3A_1025 : vector<1x16xf32> to vector<16xf32>
      %sub3A_1027 = arith.subf %get3A_1026, %get3A_1022 : vector<16xf32>
      %mul3A_1028 = arith.mulf %get3A_1018, %sub3A_1027 : vector<16xf32>
      %add3A_1029 = arith.addf %add3A_1014, %mul3A_1028 : vector<16xf32>
      %get3A_1030 = arith.index_cast %add3A_967 : i32 to index
      %get3A_1031 = arith.constant 64 : index
      %get3A_1032 = tpu.vector_load %arg11[%get3A_1030, %get3A_1031] {strides = array<i32>} : memref<128x128xf32, #tpu.memory_space<vmem>>, vector<1x16xf32>,
      %get3A_1033 = vector.shape_cast %get3A_1032 : vector<1x16xf32> to vector<16xf32>
      %get3A_1034 = arith.index_cast %add3A_967 : i32 to index
      %get3A_1035 = arith.constant 64 : index
      %get3A_1036 = tpu.vector_load %arg12[%get3A_1034, %get3A_1035] {strides = array<i32>} : memref<128x128xf32, #tpu.memory_space<vmem>>, vector<1x16xf32>,
      %get3A_1037 = vector.shape_cast %get3A_1036 : vector<1x16xf32> to vector<16xf32>
      %get3A_1038 = arith.index_cast %add3A_967 : i32 to index
      %get3A_1039 = arith.constant 64 : index
      %get3A_1040 = tpu.vector_load %arg13[%get3A_1038, %get3A_1039] {strides = array<i32>} : memref<128x128xf32, #tpu.memory_space<vmem>>, vector<1x16xf32>,
      %get3A_1041 = vector.shape_cast %get3A_1040 : vector<1x16xf32> to vector<16xf32>
      %sub3A_1042 = arith.subf %get3A_1041, %get3A_1037 : vector<16xf32>
      %mul3A_1043 = arith.mulf %get3A_1033, %sub3A_1042 : vector<16xf32>
      %add3A_1044 = arith.addf %add3A_1029, %mul3A_1043 : vector<16xf32>
      %get3A_1045 = arith.index_cast %add3A_967 : i32 to index
      %get3A_1046 = arith.constant 80 : index
      %get3A_1047 = tpu.vector_load %arg11[%get3A_1045, %get3A_1046] {strides = array<i32>} : memref<128x128xf32, #tpu.memory_space<vmem>>, vector<1x16xf32>,
      %get3A_1048 = vector.shape_cast %get3A_1047 : vector<1x16xf32> to vector<16xf32>
      %get3A_1049 = arith.index_cast %add3A_967 : i32 to index
      %get3A_1050 = arith.constant 80 : index
      %get3A_1051 = tpu.vector_load %arg12[%get3A_1049, %get3A_1050] {strides = array<i32>} : memref<128x128xf32, #tpu.memory_space<vmem>>, vector<1x16xf32>,
      %get3A_1052 = vector.shape_cast %get3A_1051 : vector<1x16xf32> to vector<16xf32>
      %get3A_1053 = arith.index_cast %add3A_967 : i32 to index
      %get3A_1054 = arith.constant 80 : index
      %get3A_1055 = tpu.vector_load %arg13[%get3A_1053, %get3A_1054] {strides = array<i32>} : memref<128x128xf32, #tpu.memory_space<vmem>>, vector<1x16xf32>,
      %get3A_1056 = vector.shape_cast %get3A_1055 : vector<1x16xf32> to vector<16xf32>
      %sub3A_1057 = arith.subf %get3A_1056, %get3A_1052 : vector<16xf32>
      %mul3A_1058 = arith.mulf %get3A_1048, %sub3A_1057 : vector<16xf32>
      %add3A_1059 = arith.addf %add3A_1044, %mul3A_1058 : vector<16xf32>
      %get3A_1060 = arith.index_cast %add3A_967 : i32 to index
      %get3A_1061 = arith.constant 96 : index
      %get3A_1062 = tpu.vector_load %arg11[%get3A_1060, %get3A_1061] {strides = array<i32>} : memref<128x128xf32, #tpu.memory_space<vmem>>, vector<1x16xf32>,
      %get3A_1063 = vector.shape_cast %get3A_1062 : vector<1x16xf32> to vector<16xf32>
      %get3A_1064 = arith.index_cast %add3A_967 : i32 to index
      %get3A_1065 = arith.constant 96 : index
      %get3A_1066 = tpu.vector_load %arg12[%get3A_1064, %get3A_1065] {strides = array<i32>} : memref<128x128xf32, #tpu.memory_space<vmem>>, vector<1x16xf32>,
      %get3A_1067 = vector.shape_cast %get3A_1066 : vector<1x16xf32> to vector<16xf32>
      %get3A_1068 = arith.index_cast %add3A_967 : i32 to index
      %get3A_1069 = arith.constant 96 : index
      %get3A_1070 = tpu.vector_load %arg13[%get3A_1068, %get3A_1069] {strides = array<i32>} : memref<128x128xf32, #tpu.memory_space<vmem>>, vector<1x16xf32>,
      %get3A_1071 = vector.shape_cast %get3A_1070 : vector<1x16xf32> to vector<16xf32>
      %sub3A_1072 = arith.subf %get3A_1071, %get3A_1067 : vector<16xf32>
      %mul3A_1073 = arith.mulf %get3A_1063, %sub3A_1072 : vector<16xf32>
      %add3A_1074 = arith.addf %add3A_1059, %mul3A_1073 : vector<16xf32>
      %get3A_1075 = arith.index_cast %add3A_967 : i32 to index
      %get3A_1076 = arith.constant 112 : index
      %get3A_1077 = tpu.vector_load %arg11[%get3A_1075, %get3A_1076] {strides = array<i32>} : memref<128x128xf32, #tpu.memory_space<vmem>>, vector<1x16xf32>,
      %get3A_1078 = vector.shape_cast %get3A_1077 : vector<1x16xf32> to vector<16xf32>
      %get3A_1079 = arith.index_cast %add3A_967 : i32 to index
      %get3A_1080 = arith.constant 112 : index
      %get3A_1081 = tpu.vector_load %arg12[%get3A_1079, %get3A_1080] {strides = array<i32>} : memref<128x128xf32, #tpu.memory_space<vmem>>, vector<1x16xf32>,
      %get3A_1082 = vector.shape_cast %get3A_1081 : vector<1x16xf32> to vector<16xf32>
      %get3A_1083 = arith.index_cast %add3A_967 : i32 to index
      %get3A_1084 = arith.constant 112 : index
      %get3A_1085 = tpu.vector_load %arg13[%get3A_1083, %get3A_1084] {strides = array<i32>} : memref<128x128xf32, #tpu.memory_space<vmem>>, vector<1x16xf32>,
      %get3A_1086 = vector.shape_cast %get3A_1085 : vector<1x16xf32> to vector<16xf32>
      %sub3A_1087 = arith.subf %get3A_1086, %get3A_1082 : vector<16xf32>
      %mul3A_1088 = arith.mulf %get3A_1078, %sub3A_1087 : vector<16xf32>
      %add3A_1089 = arith.addf %add3A_1074, %mul3A_1088 : vector<16xf32>
      %swap3A_1090 = arith.index_cast %scan3A_180 : i32 to index
      %swap3A_1091 = arith.constant 96 : index
      %swap3A_1092 = tpu.vector_load %arg17[%swap3A_1090, %swap3A_1091] {strides = array<i32>} : memref<16x128xf32, #tpu.memory_space<vmem>>, vector<1x16xf32>,
      %swap3A_1093 = vector.shape_cast %swap3A_1092 : vector<1x16xf32> to vector<16xf32>
      %swap3A_1094 = vector.shape_cast %add3A_1089 : vector<16xf32> to vector<1x16xf32>
      tpu.vector_store %arg17[%swap3A_1090, %swap3A_1091], %swap3A_1094 {strides = array<i32>} : memref<16x128xf32, #tpu.memory_space<vmem>>, vector<1x16xf32>,
      %mul3A_1095 = arith.constant 8 : i32
      %mul3A_1096 = arith.muli %scan3A_180, %mul3A_1095 : i32
      %add3A_1097 = arith.constant 7 : i32
      %add3A_1098 = arith.addi %mul3A_1096, %add3A_1097 : i32
      %broadcast_in_dim3A_1099 = arith.constant 0.000000e+00 : f32
      %broadcast_in_dim3A_1100 = vector.broadcast %broadcast_in_dim3A_1099 : f32 to vector<16xf32>
      %get3A_1101 = arith.index_cast %add3A_1098 : i32 to index
      %get3A_1102 = arith.constant 0 : index
      %get3A_1103 = tpu.vector_load %arg11[%get3A_1101, %get3A_1102] {strides = array<i32>} : memref<128x128xf32, #tpu.memory_space<vmem>>, vector<1x16xf32>,
      %get3A_1104 = vector.shape_cast %get3A_1103 : vector<1x16xf32> to vector<16xf32>
      %get3A_1105 = arith.index_cast %add3A_1098 : i32 to index
      %get3A_1106 = arith.constant 0 : index
      %get3A_1107 = tpu.vector_load %arg12[%get3A_1105, %get3A_1106] {strides = array<i32>} : memref<128x128xf32, #tpu.memory_space<vmem>>, vector<1x16xf32>,
      %get3A_1108 = vector.shape_cast %get3A_1107 : vector<1x16xf32> to vector<16xf32>
      %get3A_1109 = arith.index_cast %add3A_1098 : i32 to index
      %get3A_1110 = arith.constant 0 : index
      %get3A_1111 = tpu.vector_load %arg13[%get3A_1109, %get3A_1110] {strides = array<i32>} : memref<128x128xf32, #tpu.memory_space<vmem>>, vector<1x16xf32>,
      %get3A_1112 = vector.shape_cast %get3A_1111 : vector<1x16xf32> to vector<16xf32>
      %sub3A_1113 = arith.subf %get3A_1112, %get3A_1108 : vector<16xf32>
      %mul3A_1114 = arith.mulf %get3A_1104, %sub3A_1113 : vector<16xf32>
      %add3A_1115 = arith.addf %broadcast_in_dim3A_1100, %mul3A_1114 : vector<16xf32>
      %get3A_1116 = arith.index_cast %add3A_1098 : i32 to index
      %get3A_1117 = arith.constant 16 : index
      %get3A_1118 = tpu.vector_load %arg11[%get3A_1116, %get3A_1117] {strides = array<i32>} : memref<128x128xf32, #tpu.memory_space<vmem>>, vector<1x16xf32>,
      %get3A_1119 = vector.shape_cast %get3A_1118 : vector<1x16xf32> to vector<16xf32>
      %get3A_1120 = arith.index_cast %add3A_1098 : i32 to index
      %get3A_1121 = arith.constant 16 : index
      %get3A_1122 = tpu.vector_load %arg12[%get3A_1120, %get3A_1121] {strides = array<i32>} : memref<128x128xf32, #tpu.memory_space<vmem>>, vector<1x16xf32>,
      %get3A_1123 = vector.shape_cast %get3A_1122 : vector<1x16xf32> to vector<16xf32>
      %get3A_1124 = arith.index_cast %add3A_1098 : i32 to index
      %get3A_1125 = arith.constant 16 : index
      %get3A_1126 = tpu.vector_load %arg13[%get3A_1124, %get3A_1125] {strides = array<i32>} : memref<128x128xf32, #tpu.memory_space<vmem>>, vector<1x16xf32>,
      %get3A_1127 = vector.shape_cast %get3A_1126 : vector<1x16xf32> to vector<16xf32>
      %sub3A_1128 = arith.subf %get3A_1127, %get3A_1123 : vector<16xf32>
      %mul3A_1129 = arith.mulf %get3A_1119, %sub3A_1128 : vector<16xf32>
      %add3A_1130 = arith.addf %add3A_1115, %mul3A_1129 : vector<16xf32>
      %get3A_1131 = arith.index_cast %add3A_1098 : i32 to index
      %get3A_1132 = arith.constant 32 : index
      %get3A_1133 = tpu.vector_load %arg11[%get3A_1131, %get3A_1132] {strides = array<i32>} : memref<128x128xf32, #tpu.memory_space<vmem>>, vector<1x16xf32>,
      %get3A_1134 = vector.shape_cast %get3A_1133 : vector<1x16xf32> to vector<16xf32>
      %get3A_1135 = arith.index_cast %add3A_1098 : i32 to index
      %get3A_1136 = arith.constant 32 : index
      %get3A_1137 = tpu.vector_load %arg12[%get3A_1135, %get3A_1136] {strides = array<i32>} : memref<128x128xf32, #tpu.memory_space<vmem>>, vector<1x16xf32>,
      %get3A_1138 = vector.shape_cast %get3A_1137 : vector<1x16xf32> to vector<16xf32>
      %get3A_1139 = arith.index_cast %add3A_1098 : i32 to index
      %get3A_1140 = arith.constant 32 : index
      %get3A_1141 = tpu.vector_load %arg13[%get3A_1139, %get3A_1140] {strides = array<i32>} : memref<128x128xf32, #tpu.memory_space<vmem>>, vector<1x16xf32>,
      %get3A_1142 = vector.shape_cast %get3A_1141 : vector<1x16xf32> to vector<16xf32>
      %sub3A_1143 = arith.subf %get3A_1142, %get3A_1138 : vector<16xf32>
      %mul3A_1144 = arith.mulf %get3A_1134, %sub3A_1143 : vector<16xf32>
      %add3A_1145 = arith.addf %add3A_1130, %mul3A_1144 : vector<16xf32>
      %get3A_1146 = arith.index_cast %add3A_1098 : i32 to index
      %get3A_1147 = arith.constant 48 : index
      %get3A_1148 = tpu.vector_load %arg11[%get3A_1146, %get3A_1147] {strides = array<i32>} : memref<128x128xf32, #tpu.memory_space<vmem>>, vector<1x16xf32>,
      %get3A_1149 = vector.shape_cast %get3A_1148 : vector<1x16xf32> to vector<16xf32>
      %get3A_1150 = arith.index_cast %add3A_1098 : i32 to index
      %get3A_1151 = arith.constant 48 : index
      %get3A_1152 = tpu.vector_load %arg12[%get3A_1150, %get3A_1151] {strides = array<i32>} : memref<128x128xf32, #tpu.memory_space<vmem>>, vector<1x16xf32>,
      %get3A_1153 = vector.shape_cast %get3A_1152 : vector<1x16xf32> to vector<16xf32>
      %get3A_1154 = arith.index_cast %add3A_1098 : i32 to index
      %get3A_1155 = arith.constant 48 : index
      %get3A_1156 = tpu.vector_load %arg13[%get3A_1154, %get3A_1155] {strides = array<i32>} : memref<128x128xf32, #tpu.memory_space<vmem>>, vector<1x16xf32>,
      %get3A_1157 = vector.shape_cast %get3A_1156 : vector<1x16xf32> to vector<16xf32>
      %sub3A_1158 = arith.subf %get3A_1157, %get3A_1153 : vector<16xf32>
      %mul3A_1159 = arith.mulf %get3A_1149, %sub3A_1158 : vector<16xf32>
      %add3A_1160 = arith.addf %add3A_1145, %mul3A_1159 : vector<16xf32>
      %get3A_1161 = arith.index_cast %add3A_1098 : i32 to index
      %get3A_1162 = arith.constant 64 : index
      %get3A_1163 = tpu.vector_load %arg11[%get3A_1161, %get3A_1162] {strides = array<i32>} : memref<128x128xf32, #tpu.memory_space<vmem>>, vector<1x16xf32>,
      %get3A_1164 = vector.shape_cast %get3A_1163 : vector<1x16xf32> to vector<16xf32>
      %get3A_1165 = arith.index_cast %add3A_1098 : i32 to index
      %get3A_1166 = arith.constant 64 : index
      %get3A_1167 = tpu.vector_load %arg12[%get3A_1165, %get3A_1166] {strides = array<i32>} : memref<128x128xf32, #tpu.memory_space<vmem>>, vector<1x16xf32>,
      %get3A_1168 = vector.shape_cast %get3A_1167 : vector<1x16xf32> to vector<16xf32>
      %get3A_1169 = arith.index_cast %add3A_1098 : i32 to index
      %get3A_1170 = arith.constant 64 : index
      %get3A_1171 = tpu.vector_load %arg13[%get3A_1169, %get3A_1170] {strides = array<i32>} : memref<128x128xf32, #tpu.memory_space<vmem>>, vector<1x16xf32>,
      %get3A_1172 = vector.shape_cast %get3A_1171 : vector<1x16xf32> to vector<16xf32>
      %sub3A_1173 = arith.subf %get3A_1172, %get3A_1168 : vector<16xf32>
      %mul3A_1174 = arith.mulf %get3A_1164, %sub3A_1173 : vector<16xf32>
      %add3A_1175 = arith.addf %add3A_1160, %mul3A_1174 : vector<16xf32>
      %get3A_1176 = arith.index_cast %add3A_1098 : i32 to index
      %get3A_1177 = arith.constant 80 : index
      %get3A_1178 = tpu.vector_load %arg11[%get3A_1176, %get3A_1177] {strides = array<i32>} : memref<128x128xf32, #tpu.memory_space<vmem>>, vector<1x16xf32>,
      %get3A_1179 = vector.shape_cast %get3A_1178 : vector<1x16xf32> to vector<16xf32>
      %get3A_1180 = arith.index_cast %add3A_1098 : i32 to index
      %get3A_1181 = arith.constant 80 : index
      %get3A_1182 = tpu.vector_load %arg12[%get3A_1180, %get3A_1181] {strides = array<i32>} : memref<128x128xf32, #tpu.memory_space<vmem>>, vector<1x16xf32>,
      %get3A_1183 = vector.shape_cast %get3A_1182 : vector<1x16xf32> to vector<16xf32>
      %get3A_1184 = arith.index_cast %add3A_1098 : i32 to index
      %get3A_1185 = arith.constant 80 : index
      %get3A_1186 = tpu.vector_load %arg13[%get3A_1184, %get3A_1185] {strides = array<i32>} : memref<128x128xf32, #tpu.memory_space<vmem>>, vector<1x16xf32>,
      %get3A_1187 = vector.shape_cast %get3A_1186 : vector<1x16xf32> to vector<16xf32>
      %sub3A_1188 = arith.subf %get3A_1187, %get3A_1183 : vector<16xf32>
      %mul3A_1189 = arith.mulf %get3A_1179, %sub3A_1188 : vector<16xf32>
      %add3A_1190 = arith.addf %add3A_1175, %mul3A_1189 : vector<16xf32>
      %get3A_1191 = arith.index_cast %add3A_1098 : i32 to index
      %get3A_1192 = arith.constant 96 : index
      %get3A_1193 = tpu.vector_load %arg11[%get3A_1191, %get3A_1192] {strides = array<i32>} : memref<128x128xf32, #tpu.memory_space<vmem>>, vector<1x16xf32>,
      %get3A_1194 = vector.shape_cast %get3A_1193 : vector<1x16xf32> to vector<16xf32>
      %get3A_1195 = arith.index_cast %add3A_1098 : i32 to index
      %get3A_1196 = arith.constant 96 : index
      %get3A_1197 = tpu.vector_load %arg12[%get3A_1195, %get3A_1196] {strides = array<i32>} : memref<128x128xf32, #tpu.memory_space<vmem>>, vector<1x16xf32>,
      %get3A_1198 = vector.shape_cast %get3A_1197 : vector<1x16xf32> to vector<16xf32>
      %get3A_1199 = arith.index_cast %add3A_1098 : i32 to index
      %get3A_1200 = arith.constant 96 : index
      %get3A_1201 = tpu.vector_load %arg13[%get3A_1199, %get3A_1200] {strides = array<i32>} : memref<128x128xf32, #tpu.memory_space<vmem>>, vector<1x16xf32>,
      %get3A_1202 = vector.shape_cast %get3A_1201 : vector<1x16xf32> to vector<16xf32>
      %sub3A_1203 = arith.subf %get3A_1202, %get3A_1198 : vector<16xf32>
      %mul3A_1204 = arith.mulf %get3A_1194, %sub3A_1203 : vector<16xf32>
      %add3A_1205 = arith.addf %add3A_1190, %mul3A_1204 : vector<16xf32>
      %get3A_1206 = arith.index_cast %add3A_1098 : i32 to index
      %get3A_1207 = arith.constant 112 : index
      %get3A_1208 = tpu.vector_load %arg11[%get3A_1206, %get3A_1207] {strides = array<i32>} : memref<128x128xf32, #tpu.memory_space<vmem>>, vector<1x16xf32>,
      %get3A_1209 = vector.shape_cast %get3A_1208 : vector<1x16xf32> to vector<16xf32>
      %get3A_1210 = arith.index_cast %add3A_1098 : i32 to index
      %get3A_1211 = arith.constant 112 : index
      %get3A_1212 = tpu.vector_load %arg12[%get3A_1210, %get3A_1211] {strides = array<i32>} : memref<128x128xf32, #tpu.memory_space<vmem>>, vector<1x16xf32>,
      %get3A_1213 = vector.shape_cast %get3A_1212 : vector<1x16xf32> to vector<16xf32>
      %get3A_1214 = arith.index_cast %add3A_1098 : i32 to index
      %get3A_1215 = arith.constant 112 : index
      %get3A_1216 = tpu.vector_load %arg13[%get3A_1214, %get3A_1215] {strides = array<i32>} : memref<128x128xf32, #tpu.memory_space<vmem>>, vector<1x16xf32>,
      %get3A_1217 = vector.shape_cast %get3A_1216 : vector<1x16xf32> to vector<16xf32>
      %sub3A_1218 = arith.subf %get3A_1217, %get3A_1213 : vector<16xf32>
      %mul3A_1219 = arith.mulf %get3A_1209, %sub3A_1218 : vector<16xf32>
      %add3A_1220 = arith.addf %add3A_1205, %mul3A_1219 : vector<16xf32>
      %swap3A_1221 = arith.index_cast %scan3A_180 : i32 to index
      %swap3A_1222 = arith.constant 112 : index
      %swap3A_1223 = tpu.vector_load %arg17[%swap3A_1221, %swap3A_1222] {strides = array<i32>} : memref<16x128xf32, #tpu.memory_space<vmem>>, vector<1x16xf32>,
      %swap3A_1224 = vector.shape_cast %swap3A_1223 : vector<1x16xf32> to vector<16xf32>
      %swap3A_1225 = vector.shape_cast %add3A_1220 : vector<16xf32> to vector<1x16xf32>
      tpu.vector_store %arg17[%swap3A_1221, %swap3A_1222], %swap3A_1225 {strides = array<i32>} : memref<16x128xf32, #tpu.memory_space<vmem>>, vector<1x16xf32>,
      %scan3A_1226 = arith.constant 0 : i32
      scf.yield %scan3A_1226 : i32
    }
    %scan3A_63 = arith.constant 16 : i32
    %mul3A_64 = arith.constant 64 : i32
    %mul3A_65 = arith.muli %add3A, %mul3A_64 : i32
    %add3A_66 = arith.constant 0 : i32
    %add3A_67 = arith.addi %mul3A_65, %add3A_66 : i32
    %multiple_of3A_68 = tpu.assume_multiple %add3A_67, 8 : i32
    "tpu.region"() ({
      %run_scoped3A = tpu.sem_alloc : memref<!tpu.dma_semaphore, #tpu.memory_space<semaphore_mem>>
      %dma_start3A_180 = arith.constant 0 : i32
      %dma_start3A_181 = tpu.memref_slice %arg7[%multiple_of3A_68, %dma_start3A_180] : memref<2048x128xf32, #tpu.memory_space<hbm>> -> memref<16x128xf32, #tpu.memory_space<hbm>>
      %dma_start3A_182 = arith.constant 0 : i32
      %dma_start3A_183 = tpu.memref_slice %arg7[%multiple_of3A_68, %dma_start3A_182] : memref<2048x128xf32, #tpu.memory_space<hbm>> -> memref<16x128xf32, #tpu.memory_space<hbm>>
      tpu.enqueue_dma source(%arg17 : memref<16x128xf32, #tpu.memory_space<vmem>>) target(%dma_start3A_183 : memref<16x128xf32, #tpu.memory_space<hbm>>) target_semaphore(%run_scoped3A : memref<!tpu.dma_semaphore, #tpu.memory_space<semaphore_mem>>)
      %dma_wait3A_184 = arith.constant 0 : i32
      %dma_wait3A_185 = tpu.memref_slice %arg7[%multiple_of3A_68, %dma_wait3A_184] : memref<2048x128xf32, #tpu.memory_space<hbm>> -> memref<16x128xf32, #tpu.memory_space<hbm>>
      %dma_wait3A_186 = arith.constant 0 : i32
      %dma_wait3A_187 = tpu.memref_slice %arg7[%multiple_of3A_68, %dma_wait3A_186] : memref<2048x128xf32, #tpu.memory_space<hbm>> -> memref<16x128xf32, #tpu.memory_space<hbm>>
      tpu.wait_dma2 semaphore(%run_scoped3A : memref<!tpu.dma_semaphore, #tpu.memory_space<semaphore_mem>>) src(%arg17 : memref<16x128xf32, #tpu.memory_space<vmem>>) dst(%dma_wait3A_187 : memref<16x128xf32, #tpu.memory_space<hbm>>)
      tpu.yield
    }) : () -> ()
    %dma_start3A_69 = arith.constant 256 : i32
    %dma_start3A_70 = tpu.memref_slice %arg8[%dma_start3A_69] : memref<512xi32, #tpu.memory_space<vmem>> -> memref<128xi32, #tpu.memory_space<vmem>>
    %dma_start3A_71 = arith.constant 0 : i32
    %dma_start3A_72 = arith.constant 0 : i32
    %dma_start3A_73 = tpu.memref_slice %arg2[%dma_start3A_71, %dma_start3A_72] : memref<1000000x128xf32, #tpu.memory_space<hbm>> -> memref<1000000x128xf32, #tpu.memory_space<hbm>>
    tpu.enqueue_indirect_dma source(%dma_start3A_73 : memref<1000000x128xf32, #tpu.memory_space<hbm>>) target(%arg11 : memref<128x128xf32, #tpu.memory_space<vmem>>) offsets(%dma_start3A_70 : memref<128xi32, #tpu.memory_space<vmem>>) semaphore(%arg18 : memref<!tpu.dma_semaphore, #tpu.memory_space<semaphore_mem>>)
    %dma_start3A_74 = arith.constant 256 : i32
    %dma_start3A_75 = tpu.memref_slice %arg9[%dma_start3A_74] : memref<512xi32, #tpu.memory_space<vmem>> -> memref<128xi32, #tpu.memory_space<vmem>>
    %dma_start3A_76 = arith.constant 0 : i32
    %dma_start3A_77 = arith.constant 0 : i32
    %dma_start3A_78 = tpu.memref_slice %arg3[%dma_start3A_76, %dma_start3A_77] : memref<1000000x128xf32, #tpu.memory_space<hbm>> -> memref<1000000x128xf32, #tpu.memory_space<hbm>>
    tpu.enqueue_indirect_dma source(%dma_start3A_78 : memref<1000000x128xf32, #tpu.memory_space<hbm>>) target(%arg12 : memref<128x128xf32, #tpu.memory_space<vmem>>) offsets(%dma_start3A_75 : memref<128xi32, #tpu.memory_space<vmem>>) semaphore(%arg18 : memref<!tpu.dma_semaphore, #tpu.memory_space<semaphore_mem>>)
    %dma_start3A_79 = arith.constant 256 : i32
    %dma_start3A_80 = tpu.memref_slice %arg10[%dma_start3A_79] : memref<512xi32, #tpu.memory_space<vmem>> -> memref<128xi32, #tpu.memory_space<vmem>>
    %dma_start3A_81 = arith.constant 0 : i32
    %dma_start3A_82 = arith.constant 0 : i32
    %dma_start3A_83 = tpu.memref_slice %arg3[%dma_start3A_81, %dma_start3A_82] : memref<1000000x128xf32, #tpu.memory_space<hbm>> -> memref<1000000x128xf32, #tpu.memory_space<hbm>>
    tpu.enqueue_indirect_dma source(%dma_start3A_83 : memref<1000000x128xf32, #tpu.memory_space<hbm>>) target(%arg13 : memref<128x128xf32, #tpu.memory_space<vmem>>) offsets(%dma_start3A_80 : memref<128xi32, #tpu.memory_space<vmem>>) semaphore(%arg18 : memref<!tpu.dma_semaphore, #tpu.memory_space<semaphore_mem>>)
    %dma_wait3A_84 = arith.constant 128 : i32
    %dma_wait3A_85 = tpu.memref_slice %arg8[%dma_wait3A_84] : memref<512xi32, #tpu.memory_space<vmem>> -> memref<128xi32, #tpu.memory_space<vmem>>
    %dma_wait3A_86 = arith.constant 0 : i32
    %dma_wait3A_87 = arith.constant 0 : i32
    %dma_wait3A_88 = tpu.memref_slice %arg2[%dma_wait3A_86, %dma_wait3A_87] : memref<1000000x128xf32, #tpu.memory_space<hbm>> -> memref<1000000x128xf32, #tpu.memory_space<hbm>>
    tpu.wait_indirect_dma semaphore(%arg19 : memref<!tpu.dma_semaphore, #tpu.memory_space<semaphore_mem>>) src(%dma_wait3A_88 : memref<1000000x128xf32, #tpu.memory_space<hbm>>) dst(%arg14 : memref<128x128xf32, #tpu.memory_space<vmem>>)
    %dma_wait3A_89 = arith.constant 128 : i32
    %dma_wait3A_90 = tpu.memref_slice %arg9[%dma_wait3A_89] : memref<512xi32, #tpu.memory_space<vmem>> -> memref<128xi32, #tpu.memory_space<vmem>>
    %dma_wait3A_91 = arith.constant 0 : i32
    %dma_wait3A_92 = arith.constant 0 : i32
    %dma_wait3A_93 = tpu.memref_slice %arg3[%dma_wait3A_91, %dma_wait3A_92] : memref<1000000x128xf32, #tpu.memory_space<hbm>> -> memref<1000000x128xf32, #tpu.memory_space<hbm>>
    tpu.wait_indirect_dma semaphore(%arg19 : memref<!tpu.dma_semaphore, #tpu.memory_space<semaphore_mem>>) src(%dma_wait3A_93 : memref<1000000x128xf32, #tpu.memory_space<hbm>>) dst(%arg15 : memref<128x128xf32, #tpu.memory_space<vmem>>)
    %dma_wait3A_94 = arith.constant 128 : i32
    %dma_wait3A_95 = tpu.memref_slice %arg10[%dma_wait3A_94] : memref<512xi32, #tpu.memory_space<vmem>> -> memref<128xi32, #tpu.memory_space<vmem>>
    %dma_wait3A_96 = arith.constant 0 : i32
    %dma_wait3A_97 = arith.constant 0 : i32
    %dma_wait3A_98 = tpu.memref_slice %arg3[%dma_wait3A_96, %dma_wait3A_97] : memref<1000000x128xf32, #tpu.memory_space<hbm>> -> memref<1000000x128xf32, #tpu.memory_space<hbm>>
    tpu.wait_indirect_dma semaphore(%arg19 : memref<!tpu.dma_semaphore, #tpu.memory_space<semaphore_mem>>) src(%dma_wait3A_98 : memref<1000000x128xf32, #tpu.memory_space<hbm>>) dst(%arg16 : memref<128x128xf32, #tpu.memory_space<vmem>>)
    %scan3A_99 = arith.constant 0 : i32
    %scan3A_100 = arith.constant 0 : i32
    %scan3A_101 = arith.constant 16 : i32
    %scan3A_102 = arith.addi %scan3A_100, %scan3A_101 : i32
    %scan3A_103 = arith.constant 1 : i32
    %scan3A_104 = scf.for %scan3A_180 = %scan3A_100 to %scan3A_102 step %scan3A_103 iter_args(%scan3A_181 = %scan3A_99) -> (i32)  : i32 {
      %mul3A_182 = arith.constant 8 : i32
      %mul3A_183 = arith.muli %scan3A_180, %mul3A_182 : i32
      %add3A_184 = arith.constant 0 : i32
      %add3A_185 = arith.addi %mul3A_183, %add3A_184 : i32
      %broadcast_in_dim3A = arith.constant 0.000000e+00 : f32
      %broadcast_in_dim3A_186 = vector.broadcast %broadcast_in_dim3A : f32 to vector<16xf32>
      %get3A = arith.index_cast %add3A_185 : i32 to index
      %get3A_187 = arith.constant 0 : index
      %get3A_188 = tpu.vector_load %arg14[%get3A, %get3A_187] {strides = array<i32>} : memref<128x128xf32, #tpu.memory_space<vmem>>, vector<1x16xf32>,
      %get3A_189 = vector.shape_cast %get3A_188 : vector<1x16xf32> to vector<16xf32>
      %get3A_190 = arith.index_cast %add3A_185 : i32 to index
      %get3A_191 = arith.constant 0 : index
      %get3A_192 = tpu.vector_load %arg15[%get3A_190, %get3A_191] {strides = array<i32>} : memref<128x128xf32, #tpu.memory_space<vmem>>, vector<1x16xf32>,
      %get3A_193 = vector.shape_cast %get3A_192 : vector<1x16xf32> to vector<16xf32>
      %get3A_194 = arith.index_cast %add3A_185 : i32 to index
      %get3A_195 = arith.constant 0 : index
      %get3A_196 = tpu.vector_load %arg16[%get3A_194, %get3A_195] {strides = array<i32>} : memref<128x128xf32, #tpu.memory_space<vmem>>, vector<1x16xf32>,
      %get3A_197 = vector.shape_cast %get3A_196 : vector<1x16xf32> to vector<16xf32>
      %sub3A = arith.subf %get3A_197, %get3A_193 : vector<16xf32>
      %mul3A_198 = arith.mulf %get3A_189, %sub3A : vector<16xf32>
      %add3A_199 = arith.addf %broadcast_in_dim3A_186, %mul3A_198 : vector<16xf32>
      %get3A_200 = arith.index_cast %add3A_185 : i32 to index
      %get3A_201 = arith.constant 16 : index
      %get3A_202 = tpu.vector_load %arg14[%get3A_200, %get3A_201] {strides = array<i32>} : memref<128x128xf32, #tpu.memory_space<vmem>>, vector<1x16xf32>,
      %get3A_203 = vector.shape_cast %get3A_202 : vector<1x16xf32> to vector<16xf32>
      %get3A_204 = arith.index_cast %add3A_185 : i32 to index
      %get3A_205 = arith.constant 16 : index
      %get3A_206 = tpu.vector_load %arg15[%get3A_204, %get3A_205] {strides = array<i32>} : memref<128x128xf32, #tpu.memory_space<vmem>>, vector<1x16xf32>,
      %get3A_207 = vector.shape_cast %get3A_206 : vector<1x16xf32> to vector<16xf32>
      %get3A_208 = arith.index_cast %add3A_185 : i32 to index
      %get3A_209 = arith.constant 16 : index
      %get3A_210 = tpu.vector_load %arg16[%get3A_208, %get3A_209] {strides = array<i32>} : memref<128x128xf32, #tpu.memory_space<vmem>>, vector<1x16xf32>,
      %get3A_211 = vector.shape_cast %get3A_210 : vector<1x16xf32> to vector<16xf32>
      %sub3A_212 = arith.subf %get3A_211, %get3A_207 : vector<16xf32>
      %mul3A_213 = arith.mulf %get3A_203, %sub3A_212 : vector<16xf32>
      %add3A_214 = arith.addf %add3A_199, %mul3A_213 : vector<16xf32>
      %get3A_215 = arith.index_cast %add3A_185 : i32 to index
      %get3A_216 = arith.constant 32 : index
      %get3A_217 = tpu.vector_load %arg14[%get3A_215, %get3A_216] {strides = array<i32>} : memref<128x128xf32, #tpu.memory_space<vmem>>, vector<1x16xf32>,
      %get3A_218 = vector.shape_cast %get3A_217 : vector<1x16xf32> to vector<16xf32>
      %get3A_219 = arith.index_cast %add3A_185 : i32 to index
      %get3A_220 = arith.constant 32 : index
      %get3A_221 = tpu.vector_load %arg15[%get3A_219, %get3A_220] {strides = array<i32>} : memref<128x128xf32, #tpu.memory_space<vmem>>, vector<1x16xf32>,
      %get3A_222 = vector.shape_cast %get3A_221 : vector<1x16xf32> to vector<16xf32>
      %get3A_223 = arith.index_cast %add3A_185 : i32 to index
      %get3A_224 = arith.constant 32 : index
      %get3A_225 = tpu.vector_load %arg16[%get3A_223, %get3A_224] {strides = array<i32>} : memref<128x128xf32, #tpu.memory_space<vmem>>, vector<1x16xf32>,
      %get3A_226 = vector.shape_cast %get3A_225 : vector<1x16xf32> to vector<16xf32>
      %sub3A_227 = arith.subf %get3A_226, %get3A_222 : vector<16xf32>
      %mul3A_228 = arith.mulf %get3A_218, %sub3A_227 : vector<16xf32>
      %add3A_229 = arith.addf %add3A_214, %mul3A_228 : vector<16xf32>
      %get3A_230 = arith.index_cast %add3A_185 : i32 to index
      %get3A_231 = arith.constant 48 : index
      %get3A_232 = tpu.vector_load %arg14[%get3A_230, %get3A_231] {strides = array<i32>} : memref<128x128xf32, #tpu.memory_space<vmem>>, vector<1x16xf32>,
      %get3A_233 = vector.shape_cast %get3A_232 : vector<1x16xf32> to vector<16xf32>
      %get3A_234 = arith.index_cast %add3A_185 : i32 to index
      %get3A_235 = arith.constant 48 : index
      %get3A_236 = tpu.vector_load %arg15[%get3A_234, %get3A_235] {strides = array<i32>} : memref<128x128xf32, #tpu.memory_space<vmem>>, vector<1x16xf32>,
      %get3A_237 = vector.shape_cast %get3A_236 : vector<1x16xf32> to vector<16xf32>
      %get3A_238 = arith.index_cast %add3A_185 : i32 to index
      %get3A_239 = arith.constant 48 : index
      %get3A_240 = tpu.vector_load %arg16[%get3A_238, %get3A_239] {strides = array<i32>} : memref<128x128xf32, #tpu.memory_space<vmem>>, vector<1x16xf32>,
      %get3A_241 = vector.shape_cast %get3A_240 : vector<1x16xf32> to vector<16xf32>
      %sub3A_242 = arith.subf %get3A_241, %get3A_237 : vector<16xf32>
      %mul3A_243 = arith.mulf %get3A_233, %sub3A_242 : vector<16xf32>
      %add3A_244 = arith.addf %add3A_229, %mul3A_243 : vector<16xf32>
      %get3A_245 = arith.index_cast %add3A_185 : i32 to index
      %get3A_246 = arith.constant 64 : index
      %get3A_247 = tpu.vector_load %arg14[%get3A_245, %get3A_246] {strides = array<i32>} : memref<128x128xf32, #tpu.memory_space<vmem>>, vector<1x16xf32>,
      %get3A_248 = vector.shape_cast %get3A_247 : vector<1x16xf32> to vector<16xf32>
      %get3A_249 = arith.index_cast %add3A_185 : i32 to index
      %get3A_250 = arith.constant 64 : index
      %get3A_251 = tpu.vector_load %arg15[%get3A_249, %get3A_250] {strides = array<i32>} : memref<128x128xf32, #tpu.memory_space<vmem>>, vector<1x16xf32>,
      %get3A_252 = vector.shape_cast %get3A_251 : vector<1x16xf32> to vector<16xf32>
      %get3A_253 = arith.index_cast %add3A_185 : i32 to index
      %get3A_254 = arith.constant 64 : index
      %get3A_255 = tpu.vector_load %arg16[%get3A_253, %get3A_254] {strides = array<i32>} : memref<128x128xf32, #tpu.memory_space<vmem>>, vector<1x16xf32>,
      %get3A_256 = vector.shape_cast %get3A_255 : vector<1x16xf32> to vector<16xf32>
      %sub3A_257 = arith.subf %get3A_256, %get3A_252 : vector<16xf32>
      %mul3A_258 = arith.mulf %get3A_248, %sub3A_257 : vector<16xf32>
      %add3A_259 = arith.addf %add3A_244, %mul3A_258 : vector<16xf32>
      %get3A_260 = arith.index_cast %add3A_185 : i32 to index
      %get3A_261 = arith.constant 80 : index
      %get3A_262 = tpu.vector_load %arg14[%get3A_260, %get3A_261] {strides = array<i32>} : memref<128x128xf32, #tpu.memory_space<vmem>>, vector<1x16xf32>,
      %get3A_263 = vector.shape_cast %get3A_262 : vector<1x16xf32> to vector<16xf32>
      %get3A_264 = arith.index_cast %add3A_185 : i32 to index
      %get3A_265 = arith.constant 80 : index
      %get3A_266 = tpu.vector_load %arg15[%get3A_264, %get3A_265] {strides = array<i32>} : memref<128x128xf32, #tpu.memory_space<vmem>>, vector<1x16xf32>,
      %get3A_267 = vector.shape_cast %get3A_266 : vector<1x16xf32> to vector<16xf32>
      %get3A_268 = arith.index_cast %add3A_185 : i32 to index
      %get3A_269 = arith.constant 80 : index
      %get3A_270 = tpu.vector_load %arg16[%get3A_268, %get3A_269] {strides = array<i32>} : memref<128x128xf32, #tpu.memory_space<vmem>>, vector<1x16xf32>,
      %get3A_271 = vector.shape_cast %get3A_270 : vector<1x16xf32> to vector<16xf32>
      %sub3A_272 = arith.subf %get3A_271, %get3A_267 : vector<16xf32>
      %mul3A_273 = arith.mulf %get3A_263, %sub3A_272 : vector<16xf32>
      %add3A_274 = arith.addf %add3A_259, %mul3A_273 : vector<16xf32>
      %get3A_275 = arith.index_cast %add3A_185 : i32 to index
      %get3A_276 = arith.constant 96 : index
      %get3A_277 = tpu.vector_load %arg14[%get3A_275, %get3A_276] {strides = array<i32>} : memref<128x128xf32, #tpu.memory_space<vmem>>, vector<1x16xf32>,
      %get3A_278 = vector.shape_cast %get3A_277 : vector<1x16xf32> to vector<16xf32>
      %get3A_279 = arith.index_cast %add3A_185 : i32 to index
      %get3A_280 = arith.constant 96 : index
      %get3A_281 = tpu.vector_load %arg15[%get3A_279, %get3A_280] {strides = array<i32>} : memref<128x128xf32, #tpu.memory_space<vmem>>, vector<1x16xf32>,
      %get3A_282 = vector.shape_cast %get3A_281 : vector<1x16xf32> to vector<16xf32>
      %get3A_283 = arith.index_cast %add3A_185 : i32 to index
      %get3A_284 = arith.constant 96 : index
      %get3A_285 = tpu.vector_load %arg16[%get3A_283, %get3A_284] {strides = array<i32>} : memref<128x128xf32, #tpu.memory_space<vmem>>, vector<1x16xf32>,
      %get3A_286 = vector.shape_cast %get3A_285 : vector<1x16xf32> to vector<16xf32>
      %sub3A_287 = arith.subf %get3A_286, %get3A_282 : vector<16xf32>
      %mul3A_288 = arith.mulf %get3A_278, %sub3A_287 : vector<16xf32>
      %add3A_289 = arith.addf %add3A_274, %mul3A_288 : vector<16xf32>
      %get3A_290 = arith.index_cast %add3A_185 : i32 to index
      %get3A_291 = arith.constant 112 : index
      %get3A_292 = tpu.vector_load %arg14[%get3A_290, %get3A_291] {strides = array<i32>} : memref<128x128xf32, #tpu.memory_space<vmem>>, vector<1x16xf32>,
      %get3A_293 = vector.shape_cast %get3A_292 : vector<1x16xf32> to vector<16xf32>
      %get3A_294 = arith.index_cast %add3A_185 : i32 to index
      %get3A_295 = arith.constant 112 : index
      %get3A_296 = tpu.vector_load %arg15[%get3A_294, %get3A_295] {strides = array<i32>} : memref<128x128xf32, #tpu.memory_space<vmem>>, vector<1x16xf32>,
      %get3A_297 = vector.shape_cast %get3A_296 : vector<1x16xf32> to vector<16xf32>
      %get3A_298 = arith.index_cast %add3A_185 : i32 to index
      %get3A_299 = arith.constant 112 : index
      %get3A_300 = tpu.vector_load %arg16[%get3A_298, %get3A_299] {strides = array<i32>} : memref<128x128xf32, #tpu.memory_space<vmem>>, vector<1x16xf32>,
      %get3A_301 = vector.shape_cast %get3A_300 : vector<1x16xf32> to vector<16xf32>
      %sub3A_302 = arith.subf %get3A_301, %get3A_297 : vector<16xf32>
      %mul3A_303 = arith.mulf %get3A_293, %sub3A_302 : vector<16xf32>
      %add3A_304 = arith.addf %add3A_289, %mul3A_303 : vector<16xf32>
      %swap3A = arith.index_cast %scan3A_180 : i32 to index
      %swap3A_305 = arith.constant 0 : index
      %swap3A_306 = tpu.vector_load %arg17[%swap3A, %swap3A_305] {strides = array<i32>} : memref<16x128xf32, #tpu.memory_space<vmem>>, vector<1x16xf32>,
      %swap3A_307 = vector.shape_cast %swap3A_306 : vector<1x16xf32> to vector<16xf32>
      %swap3A_308 = vector.shape_cast %add3A_304 : vector<16xf32> to vector<1x16xf32>
      tpu.vector_store %arg17[%swap3A, %swap3A_305], %swap3A_308 {strides = array<i32>} : memref<16x128xf32, #tpu.memory_space<vmem>>, vector<1x16xf32>,
      %mul3A_309 = arith.constant 8 : i32
      %mul3A_310 = arith.muli %scan3A_180, %mul3A_309 : i32
      %add3A_311 = arith.constant 1 : i32
      %add3A_312 = arith.addi %mul3A_310, %add3A_311 : i32
      %broadcast_in_dim3A_313 = arith.constant 0.000000e+00 : f32
      %broadcast_in_dim3A_314 = vector.broadcast %broadcast_in_dim3A_313 : f32 to vector<16xf32>
      %get3A_315 = arith.index_cast %add3A_312 : i32 to index
      %get3A_316 = arith.constant 0 : index
      %get3A_317 = tpu.vector_load %arg14[%get3A_315, %get3A_316] {strides = array<i32>} : memref<128x128xf32, #tpu.memory_space<vmem>>, vector<1x16xf32>,
      %get3A_318 = vector.shape_cast %get3A_317 : vector<1x16xf32> to vector<16xf32>
      %get3A_319 = arith.index_cast %add3A_312 : i32 to index
      %get3A_320 = arith.constant 0 : index
      %get3A_321 = tpu.vector_load %arg15[%get3A_319, %get3A_320] {strides = array<i32>} : memref<128x128xf32, #tpu.memory_space<vmem>>, vector<1x16xf32>,
      %get3A_322 = vector.shape_cast %get3A_321 : vector<1x16xf32> to vector<16xf32>
      %get3A_323 = arith.index_cast %add3A_312 : i32 to index
      %get3A_324 = arith.constant 0 : index
      %get3A_325 = tpu.vector_load %arg16[%get3A_323, %get3A_324] {strides = array<i32>} : memref<128x128xf32, #tpu.memory_space<vmem>>, vector<1x16xf32>,
      %get3A_326 = vector.shape_cast %get3A_325 : vector<1x16xf32> to vector<16xf32>
      %sub3A_327 = arith.subf %get3A_326, %get3A_322 : vector<16xf32>
      %mul3A_328 = arith.mulf %get3A_318, %sub3A_327 : vector<16xf32>
      %add3A_329 = arith.addf %broadcast_in_dim3A_314, %mul3A_328 : vector<16xf32>
      %get3A_330 = arith.index_cast %add3A_312 : i32 to index
      %get3A_331 = arith.constant 16 : index
      %get3A_332 = tpu.vector_load %arg14[%get3A_330, %get3A_331] {strides = array<i32>} : memref<128x128xf32, #tpu.memory_space<vmem>>, vector<1x16xf32>,
      %get3A_333 = vector.shape_cast %get3A_332 : vector<1x16xf32> to vector<16xf32>
      %get3A_334 = arith.index_cast %add3A_312 : i32 to index
      %get3A_335 = arith.constant 16 : index
      %get3A_336 = tpu.vector_load %arg15[%get3A_334, %get3A_335] {strides = array<i32>} : memref<128x128xf32, #tpu.memory_space<vmem>>, vector<1x16xf32>,
      %get3A_337 = vector.shape_cast %get3A_336 : vector<1x16xf32> to vector<16xf32>
      %get3A_338 = arith.index_cast %add3A_312 : i32 to index
      %get3A_339 = arith.constant 16 : index
      %get3A_340 = tpu.vector_load %arg16[%get3A_338, %get3A_339] {strides = array<i32>} : memref<128x128xf32, #tpu.memory_space<vmem>>, vector<1x16xf32>,
      %get3A_341 = vector.shape_cast %get3A_340 : vector<1x16xf32> to vector<16xf32>
      %sub3A_342 = arith.subf %get3A_341, %get3A_337 : vector<16xf32>
      %mul3A_343 = arith.mulf %get3A_333, %sub3A_342 : vector<16xf32>
      %add3A_344 = arith.addf %add3A_329, %mul3A_343 : vector<16xf32>
      %get3A_345 = arith.index_cast %add3A_312 : i32 to index
      %get3A_346 = arith.constant 32 : index
      %get3A_347 = tpu.vector_load %arg14[%get3A_345, %get3A_346] {strides = array<i32>} : memref<128x128xf32, #tpu.memory_space<vmem>>, vector<1x16xf32>,
      %get3A_348 = vector.shape_cast %get3A_347 : vector<1x16xf32> to vector<16xf32>
      %get3A_349 = arith.index_cast %add3A_312 : i32 to index
      %get3A_350 = arith.constant 32 : index
      %get3A_351 = tpu.vector_load %arg15[%get3A_349, %get3A_350] {strides = array<i32>} : memref<128x128xf32, #tpu.memory_space<vmem>>, vector<1x16xf32>,
      %get3A_352 = vector.shape_cast %get3A_351 : vector<1x16xf32> to vector<16xf32>
      %get3A_353 = arith.index_cast %add3A_312 : i32 to index
      %get3A_354 = arith.constant 32 : index
      %get3A_355 = tpu.vector_load %arg16[%get3A_353, %get3A_354] {strides = array<i32>} : memref<128x128xf32, #tpu.memory_space<vmem>>, vector<1x16xf32>,
      %get3A_356 = vector.shape_cast %get3A_355 : vector<1x16xf32> to vector<16xf32>
      %sub3A_357 = arith.subf %get3A_356, %get3A_352 : vector<16xf32>
      %mul3A_358 = arith.mulf %get3A_348, %sub3A_357 : vector<16xf32>
      %add3A_359 = arith.addf %add3A_344, %mul3A_358 : vector<16xf32>
      %get3A_360 = arith.index_cast %add3A_312 : i32 to index
      %get3A_361 = arith.constant 48 : index
      %get3A_362 = tpu.vector_load %arg14[%get3A_360, %get3A_361] {strides = array<i32>} : memref<128x128xf32, #tpu.memory_space<vmem>>, vector<1x16xf32>,
      %get3A_363 = vector.shape_cast %get3A_362 : vector<1x16xf32> to vector<16xf32>
      %get3A_364 = arith.index_cast %add3A_312 : i32 to index
      %get3A_365 = arith.constant 48 : index
      %get3A_366 = tpu.vector_load %arg15[%get3A_364, %get3A_365] {strides = array<i32>} : memref<128x128xf32, #tpu.memory_space<vmem>>, vector<1x16xf32>,
      %get3A_367 = vector.shape_cast %get3A_366 : vector<1x16xf32> to vector<16xf32>
      %get3A_368 = arith.index_cast %add3A_312 : i32 to index
      %get3A_369 = arith.constant 48 : index
      %get3A_370 = tpu.vector_load %arg16[%get3A_368, %get3A_369] {strides = array<i32>} : memref<128x128xf32, #tpu.memory_space<vmem>>, vector<1x16xf32>,
      %get3A_371 = vector.shape_cast %get3A_370 : vector<1x16xf32> to vector<16xf32>
      %sub3A_372 = arith.subf %get3A_371, %get3A_367 : vector<16xf32>
      %mul3A_373 = arith.mulf %get3A_363, %sub3A_372 : vector<16xf32>
      %add3A_374 = arith.addf %add3A_359, %mul3A_373 : vector<16xf32>
      %get3A_375 = arith.index_cast %add3A_312 : i32 to index
      %get3A_376 = arith.constant 64 : index
      %get3A_377 = tpu.vector_load %arg14[%get3A_375, %get3A_376] {strides = array<i32>} : memref<128x128xf32, #tpu.memory_space<vmem>>, vector<1x16xf32>,
      %get3A_378 = vector.shape_cast %get3A_377 : vector<1x16xf32> to vector<16xf32>
      %get3A_379 = arith.index_cast %add3A_312 : i32 to index
      %get3A_380 = arith.constant 64 : index
      %get3A_381 = tpu.vector_load %arg15[%get3A_379, %get3A_380] {strides = array<i32>} : memref<128x128xf32, #tpu.memory_space<vmem>>, vector<1x16xf32>,
      %get3A_382 = vector.shape_cast %get3A_381 : vector<1x16xf32> to vector<16xf32>
      %get3A_383 = arith.index_cast %add3A_312 : i32 to index
      %get3A_384 = arith.constant 64 : index
      %get3A_385 = tpu.vector_load %arg16[%get3A_383, %get3A_384] {strides = array<i32>} : memref<128x128xf32, #tpu.memory_space<vmem>>, vector<1x16xf32>,
      %get3A_386 = vector.shape_cast %get3A_385 : vector<1x16xf32> to vector<16xf32>
      %sub3A_387 = arith.subf %get3A_386, %get3A_382 : vector<16xf32>
      %mul3A_388 = arith.mulf %get3A_378, %sub3A_387 : vector<16xf32>
      %add3A_389 = arith.addf %add3A_374, %mul3A_388 : vector<16xf32>
      %get3A_390 = arith.index_cast %add3A_312 : i32 to index
      %get3A_391 = arith.constant 80 : index
      %get3A_392 = tpu.vector_load %arg14[%get3A_390, %get3A_391] {strides = array<i32>} : memref<128x128xf32, #tpu.memory_space<vmem>>, vector<1x16xf32>,
      %get3A_393 = vector.shape_cast %get3A_392 : vector<1x16xf32> to vector<16xf32>
      %get3A_394 = arith.index_cast %add3A_312 : i32 to index
      %get3A_395 = arith.constant 80 : index
      %get3A_396 = tpu.vector_load %arg15[%get3A_394, %get3A_395] {strides = array<i32>} : memref<128x128xf32, #tpu.memory_space<vmem>>, vector<1x16xf32>,
      %get3A_397 = vector.shape_cast %get3A_396 : vector<1x16xf32> to vector<16xf32>
      %get3A_398 = arith.index_cast %add3A_312 : i32 to index
      %get3A_399 = arith.constant 80 : index
      %get3A_400 = tpu.vector_load %arg16[%get3A_398, %get3A_399] {strides = array<i32>} : memref<128x128xf32, #tpu.memory_space<vmem>>, vector<1x16xf32>,
      %get3A_401 = vector.shape_cast %get3A_400 : vector<1x16xf32> to vector<16xf32>
      %sub3A_402 = arith.subf %get3A_401, %get3A_397 : vector<16xf32>
      %mul3A_403 = arith.mulf %get3A_393, %sub3A_402 : vector<16xf32>
      %add3A_404 = arith.addf %add3A_389, %mul3A_403 : vector<16xf32>
      %get3A_405 = arith.index_cast %add3A_312 : i32 to index
      %get3A_406 = arith.constant 96 : index
      %get3A_407 = tpu.vector_load %arg14[%get3A_405, %get3A_406] {strides = array<i32>} : memref<128x128xf32, #tpu.memory_space<vmem>>, vector<1x16xf32>,
      %get3A_408 = vector.shape_cast %get3A_407 : vector<1x16xf32> to vector<16xf32>
      %get3A_409 = arith.index_cast %add3A_312 : i32 to index
      %get3A_410 = arith.constant 96 : index
      %get3A_411 = tpu.vector_load %arg15[%get3A_409, %get3A_410] {strides = array<i32>} : memref<128x128xf32, #tpu.memory_space<vmem>>, vector<1x16xf32>,
      %get3A_412 = vector.shape_cast %get3A_411 : vector<1x16xf32> to vector<16xf32>
      %get3A_413 = arith.index_cast %add3A_312 : i32 to index
      %get3A_414 = arith.constant 96 : index
      %get3A_415 = tpu.vector_load %arg16[%get3A_413, %get3A_414] {strides = array<i32>} : memref<128x128xf32, #tpu.memory_space<vmem>>, vector<1x16xf32>,
      %get3A_416 = vector.shape_cast %get3A_415 : vector<1x16xf32> to vector<16xf32>
      %sub3A_417 = arith.subf %get3A_416, %get3A_412 : vector<16xf32>
      %mul3A_418 = arith.mulf %get3A_408, %sub3A_417 : vector<16xf32>
      %add3A_419 = arith.addf %add3A_404, %mul3A_418 : vector<16xf32>
      %get3A_420 = arith.index_cast %add3A_312 : i32 to index
      %get3A_421 = arith.constant 112 : index
      %get3A_422 = tpu.vector_load %arg14[%get3A_420, %get3A_421] {strides = array<i32>} : memref<128x128xf32, #tpu.memory_space<vmem>>, vector<1x16xf32>,
      %get3A_423 = vector.shape_cast %get3A_422 : vector<1x16xf32> to vector<16xf32>
      %get3A_424 = arith.index_cast %add3A_312 : i32 to index
      %get3A_425 = arith.constant 112 : index
      %get3A_426 = tpu.vector_load %arg15[%get3A_424, %get3A_425] {strides = array<i32>} : memref<128x128xf32, #tpu.memory_space<vmem>>, vector<1x16xf32>,
      %get3A_427 = vector.shape_cast %get3A_426 : vector<1x16xf32> to vector<16xf32>
      %get3A_428 = arith.index_cast %add3A_312 : i32 to index
      %get3A_429 = arith.constant 112 : index
      %get3A_430 = tpu.vector_load %arg16[%get3A_428, %get3A_429] {strides = array<i32>} : memref<128x128xf32, #tpu.memory_space<vmem>>, vector<1x16xf32>,
      %get3A_431 = vector.shape_cast %get3A_430 : vector<1x16xf32> to vector<16xf32>
      %sub3A_432 = arith.subf %get3A_431, %get3A_427 : vector<16xf32>
      %mul3A_433 = arith.mulf %get3A_423, %sub3A_432 : vector<16xf32>
      %add3A_434 = arith.addf %add3A_419, %mul3A_433 : vector<16xf32>
      %swap3A_435 = arith.index_cast %scan3A_180 : i32 to index
      %swap3A_436 = arith.constant 16 : index
      %swap3A_437 = tpu.vector_load %arg17[%swap3A_435, %swap3A_436] {strides = array<i32>} : memref<16x128xf32, #tpu.memory_space<vmem>>, vector<1x16xf32>,
      %swap3A_438 = vector.shape_cast %swap3A_437 : vector<1x16xf32> to vector<16xf32>
      %swap3A_439 = vector.shape_cast %add3A_434 : vector<16xf32> to vector<1x16xf32>
      tpu.vector_store %arg17[%swap3A_435, %swap3A_436], %swap3A_439 {strides = array<i32>} : memref<16x128xf32, #tpu.memory_space<vmem>>, vector<1x16xf32>,
      %mul3A_440 = arith.constant 8 : i32
      %mul3A_441 = arith.muli %scan3A_180, %mul3A_440 : i32
      %add3A_442 = arith.constant 2 : i32
      %add3A_443 = arith.addi %mul3A_441, %add3A_442 : i32
      %broadcast_in_dim3A_444 = arith.constant 0.000000e+00 : f32
      %broadcast_in_dim3A_445 = vector.broadcast %broadcast_in_dim3A_444 : f32 to vector<16xf32>
      %get3A_446 = arith.index_cast %add3A_443 : i32 to index
      %get3A_447 = arith.constant 0 : index
      %get3A_448 = tpu.vector_load %arg14[%get3A_446, %get3A_447] {strides = array<i32>} : memref<128x128xf32, #tpu.memory_space<vmem>>, vector<1x16xf32>,
      %get3A_449 = vector.shape_cast %get3A_448 : vector<1x16xf32> to vector<16xf32>
      %get3A_450 = arith.index_cast %add3A_443 : i32 to index
      %get3A_451 = arith.constant 0 : index
      %get3A_452 = tpu.vector_load %arg15[%get3A_450, %get3A_451] {strides = array<i32>} : memref<128x128xf32, #tpu.memory_space<vmem>>, vector<1x16xf32>,
      %get3A_453 = vector.shape_cast %get3A_452 : vector<1x16xf32> to vector<16xf32>
      %get3A_454 = arith.index_cast %add3A_443 : i32 to index
      %get3A_455 = arith.constant 0 : index
      %get3A_456 = tpu.vector_load %arg16[%get3A_454, %get3A_455] {strides = array<i32>} : memref<128x128xf32, #tpu.memory_space<vmem>>, vector<1x16xf32>,
      %get3A_457 = vector.shape_cast %get3A_456 : vector<1x16xf32> to vector<16xf32>
      %sub3A_458 = arith.subf %get3A_457, %get3A_453 : vector<16xf32>
      %mul3A_459 = arith.mulf %get3A_449, %sub3A_458 : vector<16xf32>
      %add3A_460 = arith.addf %broadcast_in_dim3A_445, %mul3A_459 : vector<16xf32>
      %get3A_461 = arith.index_cast %add3A_443 : i32 to index
      %get3A_462 = arith.constant 16 : index
      %get3A_463 = tpu.vector_load %arg14[%get3A_461, %get3A_462] {strides = array<i32>} : memref<128x128xf32, #tpu.memory_space<vmem>>, vector<1x16xf32>,
      %get3A_464 = vector.shape_cast %get3A_463 : vector<1x16xf32> to vector<16xf32>
      %get3A_465 = arith.index_cast %add3A_443 : i32 to index
      %get3A_466 = arith.constant 16 : index
      %get3A_467 = tpu.vector_load %arg15[%get3A_465, %get3A_466] {strides = array<i32>} : memref<128x128xf32, #tpu.memory_space<vmem>>, vector<1x16xf32>,
      %get3A_468 = vector.shape_cast %get3A_467 : vector<1x16xf32> to vector<16xf32>
      %get3A_469 = arith.index_cast %add3A_443 : i32 to index
      %get3A_470 = arith.constant 16 : index
      %get3A_471 = tpu.vector_load %arg16[%get3A_469, %get3A_470] {strides = array<i32>} : memref<128x128xf32, #tpu.memory_space<vmem>>, vector<1x16xf32>,
      %get3A_472 = vector.shape_cast %get3A_471 : vector<1x16xf32> to vector<16xf32>
      %sub3A_473 = arith.subf %get3A_472, %get3A_468 : vector<16xf32>
      %mul3A_474 = arith.mulf %get3A_464, %sub3A_473 : vector<16xf32>
      %add3A_475 = arith.addf %add3A_460, %mul3A_474 : vector<16xf32>
      %get3A_476 = arith.index_cast %add3A_443 : i32 to index
      %get3A_477 = arith.constant 32 : index
      %get3A_478 = tpu.vector_load %arg14[%get3A_476, %get3A_477] {strides = array<i32>} : memref<128x128xf32, #tpu.memory_space<vmem>>, vector<1x16xf32>,
      %get3A_479 = vector.shape_cast %get3A_478 : vector<1x16xf32> to vector<16xf32>
      %get3A_480 = arith.index_cast %add3A_443 : i32 to index
      %get3A_481 = arith.constant 32 : index
      %get3A_482 = tpu.vector_load %arg15[%get3A_480, %get3A_481] {strides = array<i32>} : memref<128x128xf32, #tpu.memory_space<vmem>>, vector<1x16xf32>,
      %get3A_483 = vector.shape_cast %get3A_482 : vector<1x16xf32> to vector<16xf32>
      %get3A_484 = arith.index_cast %add3A_443 : i32 to index
      %get3A_485 = arith.constant 32 : index
      %get3A_486 = tpu.vector_load %arg16[%get3A_484, %get3A_485] {strides = array<i32>} : memref<128x128xf32, #tpu.memory_space<vmem>>, vector<1x16xf32>,
      %get3A_487 = vector.shape_cast %get3A_486 : vector<1x16xf32> to vector<16xf32>
      %sub3A_488 = arith.subf %get3A_487, %get3A_483 : vector<16xf32>
      %mul3A_489 = arith.mulf %get3A_479, %sub3A_488 : vector<16xf32>
      %add3A_490 = arith.addf %add3A_475, %mul3A_489 : vector<16xf32>
      %get3A_491 = arith.index_cast %add3A_443 : i32 to index
      %get3A_492 = arith.constant 48 : index
      %get3A_493 = tpu.vector_load %arg14[%get3A_491, %get3A_492] {strides = array<i32>} : memref<128x128xf32, #tpu.memory_space<vmem>>, vector<1x16xf32>,
      %get3A_494 = vector.shape_cast %get3A_493 : vector<1x16xf32> to vector<16xf32>
      %get3A_495 = arith.index_cast %add3A_443 : i32 to index
      %get3A_496 = arith.constant 48 : index
      %get3A_497 = tpu.vector_load %arg15[%get3A_495, %get3A_496] {strides = array<i32>} : memref<128x128xf32, #tpu.memory_space<vmem>>, vector<1x16xf32>,
      %get3A_498 = vector.shape_cast %get3A_497 : vector<1x16xf32> to vector<16xf32>
      %get3A_499 = arith.index_cast %add3A_443 : i32 to index
      %get3A_500 = arith.constant 48 : index
      %get3A_501 = tpu.vector_load %arg16[%get3A_499, %get3A_500] {strides = array<i32>} : memref<128x128xf32, #tpu.memory_space<vmem>>, vector<1x16xf32>,
      %get3A_502 = vector.shape_cast %get3A_501 : vector<1x16xf32> to vector<16xf32>
      %sub3A_503 = arith.subf %get3A_502, %get3A_498 : vector<16xf32>
      %mul3A_504 = arith.mulf %get3A_494, %sub3A_503 : vector<16xf32>
      %add3A_505 = arith.addf %add3A_490, %mul3A_504 : vector<16xf32>
      %get3A_506 = arith.index_cast %add3A_443 : i32 to index
      %get3A_507 = arith.constant 64 : index
      %get3A_508 = tpu.vector_load %arg14[%get3A_506, %get3A_507] {strides = array<i32>} : memref<128x128xf32, #tpu.memory_space<vmem>>, vector<1x16xf32>,
      %get3A_509 = vector.shape_cast %get3A_508 : vector<1x16xf32> to vector<16xf32>
      %get3A_510 = arith.index_cast %add3A_443 : i32 to index
      %get3A_511 = arith.constant 64 : index
      %get3A_512 = tpu.vector_load %arg15[%get3A_510, %get3A_511] {strides = array<i32>} : memref<128x128xf32, #tpu.memory_space<vmem>>, vector<1x16xf32>,
      %get3A_513 = vector.shape_cast %get3A_512 : vector<1x16xf32> to vector<16xf32>
      %get3A_514 = arith.index_cast %add3A_443 : i32 to index
      %get3A_515 = arith.constant 64 : index
      %get3A_516 = tpu.vector_load %arg16[%get3A_514, %get3A_515] {strides = array<i32>} : memref<128x128xf32, #tpu.memory_space<vmem>>, vector<1x16xf32>,
      %get3A_517 = vector.shape_cast %get3A_516 : vector<1x16xf32> to vector<16xf32>
      %sub3A_518 = arith.subf %get3A_517, %get3A_513 : vector<16xf32>
      %mul3A_519 = arith.mulf %get3A_509, %sub3A_518 : vector<16xf32>
      %add3A_520 = arith.addf %add3A_505, %mul3A_519 : vector<16xf32>
      %get3A_521 = arith.index_cast %add3A_443 : i32 to index
      %get3A_522 = arith.constant 80 : index
      %get3A_523 = tpu.vector_load %arg14[%get3A_521, %get3A_522] {strides = array<i32>} : memref<128x128xf32, #tpu.memory_space<vmem>>, vector<1x16xf32>,
      %get3A_524 = vector.shape_cast %get3A_523 : vector<1x16xf32> to vector<16xf32>
      %get3A_525 = arith.index_cast %add3A_443 : i32 to index
      %get3A_526 = arith.constant 80 : index
      %get3A_527 = tpu.vector_load %arg15[%get3A_525, %get3A_526] {strides = array<i32>} : memref<128x128xf32, #tpu.memory_space<vmem>>, vector<1x16xf32>,
      %get3A_528 = vector.shape_cast %get3A_527 : vector<1x16xf32> to vector<16xf32>
      %get3A_529 = arith.index_cast %add3A_443 : i32 to index
      %get3A_530 = arith.constant 80 : index
      %get3A_531 = tpu.vector_load %arg16[%get3A_529, %get3A_530] {strides = array<i32>} : memref<128x128xf32, #tpu.memory_space<vmem>>, vector<1x16xf32>,
      %get3A_532 = vector.shape_cast %get3A_531 : vector<1x16xf32> to vector<16xf32>
      %sub3A_533 = arith.subf %get3A_532, %get3A_528 : vector<16xf32>
      %mul3A_534 = arith.mulf %get3A_524, %sub3A_533 : vector<16xf32>
      %add3A_535 = arith.addf %add3A_520, %mul3A_534 : vector<16xf32>
      %get3A_536 = arith.index_cast %add3A_443 : i32 to index
      %get3A_537 = arith.constant 96 : index
      %get3A_538 = tpu.vector_load %arg14[%get3A_536, %get3A_537] {strides = array<i32>} : memref<128x128xf32, #tpu.memory_space<vmem>>, vector<1x16xf32>,
      %get3A_539 = vector.shape_cast %get3A_538 : vector<1x16xf32> to vector<16xf32>
      %get3A_540 = arith.index_cast %add3A_443 : i32 to index
      %get3A_541 = arith.constant 96 : index
      %get3A_542 = tpu.vector_load %arg15[%get3A_540, %get3A_541] {strides = array<i32>} : memref<128x128xf32, #tpu.memory_space<vmem>>, vector<1x16xf32>,
      %get3A_543 = vector.shape_cast %get3A_542 : vector<1x16xf32> to vector<16xf32>
      %get3A_544 = arith.index_cast %add3A_443 : i32 to index
      %get3A_545 = arith.constant 96 : index
      %get3A_546 = tpu.vector_load %arg16[%get3A_544, %get3A_545] {strides = array<i32>} : memref<128x128xf32, #tpu.memory_space<vmem>>, vector<1x16xf32>,
      %get3A_547 = vector.shape_cast %get3A_546 : vector<1x16xf32> to vector<16xf32>
      %sub3A_548 = arith.subf %get3A_547, %get3A_543 : vector<16xf32>
      %mul3A_549 = arith.mulf %get3A_539, %sub3A_548 : vector<16xf32>
      %add3A_550 = arith.addf %add3A_535, %mul3A_549 : vector<16xf32>
      %get3A_551 = arith.index_cast %add3A_443 : i32 to index
      %get3A_552 = arith.constant 112 : index
      %get3A_553 = tpu.vector_load %arg14[%get3A_551, %get3A_552] {strides = array<i32>} : memref<128x128xf32, #tpu.memory_space<vmem>>, vector<1x16xf32>,
      %get3A_554 = vector.shape_cast %get3A_553 : vector<1x16xf32> to vector<16xf32>
      %get3A_555 = arith.index_cast %add3A_443 : i32 to index
      %get3A_556 = arith.constant 112 : index
      %get3A_557 = tpu.vector_load %arg15[%get3A_555, %get3A_556] {strides = array<i32>} : memref<128x128xf32, #tpu.memory_space<vmem>>, vector<1x16xf32>,
      %get3A_558 = vector.shape_cast %get3A_557 : vector<1x16xf32> to vector<16xf32>
      %get3A_559 = arith.index_cast %add3A_443 : i32 to index
      %get3A_560 = arith.constant 112 : index
      %get3A_561 = tpu.vector_load %arg16[%get3A_559, %get3A_560] {strides = array<i32>} : memref<128x128xf32, #tpu.memory_space<vmem>>, vector<1x16xf32>,
      %get3A_562 = vector.shape_cast %get3A_561 : vector<1x16xf32> to vector<16xf32>
      %sub3A_563 = arith.subf %get3A_562, %get3A_558 : vector<16xf32>
      %mul3A_564 = arith.mulf %get3A_554, %sub3A_563 : vector<16xf32>
      %add3A_565 = arith.addf %add3A_550, %mul3A_564 : vector<16xf32>
      %swap3A_566 = arith.index_cast %scan3A_180 : i32 to index
      %swap3A_567 = arith.constant 32 : index
      %swap3A_568 = tpu.vector_load %arg17[%swap3A_566, %swap3A_567] {strides = array<i32>} : memref<16x128xf32, #tpu.memory_space<vmem>>, vector<1x16xf32>,
      %swap3A_569 = vector.shape_cast %swap3A_568 : vector<1x16xf32> to vector<16xf32>
      %swap3A_570 = vector.shape_cast %add3A_565 : vector<16xf32> to vector<1x16xf32>
      tpu.vector_store %arg17[%swap3A_566, %swap3A_567], %swap3A_570 {strides = array<i32>} : memref<16x128xf32, #tpu.memory_space<vmem>>, vector<1x16xf32>,
      %mul3A_571 = arith.constant 8 : i32
      %mul3A_572 = arith.muli %scan3A_180, %mul3A_571 : i32
      %add3A_573 = arith.constant 3 : i32
      %add3A_574 = arith.addi %mul3A_572, %add3A_573 : i32
      %broadcast_in_dim3A_575 = arith.constant 0.000000e+00 : f32
      %broadcast_in_dim3A_576 = vector.broadcast %broadcast_in_dim3A_575 : f32 to vector<16xf32>
      %get3A_577 = arith.index_cast %add3A_574 : i32 to index
      %get3A_578 = arith.constant 0 : index
      %get3A_579 = tpu.vector_load %arg14[%get3A_577, %get3A_578] {strides = array<i32>} : memref<128x128xf32, #tpu.memory_space<vmem>>, vector<1x16xf32>,
      %get3A_580 = vector.shape_cast %get3A_579 : vector<1x16xf32> to vector<16xf32>
      %get3A_581 = arith.index_cast %add3A_574 : i32 to index
      %get3A_582 = arith.constant 0 : index
      %get3A_583 = tpu.vector_load %arg15[%get3A_581, %get3A_582] {strides = array<i32>} : memref<128x128xf32, #tpu.memory_space<vmem>>, vector<1x16xf32>,
      %get3A_584 = vector.shape_cast %get3A_583 : vector<1x16xf32> to vector<16xf32>
      %get3A_585 = arith.index_cast %add3A_574 : i32 to index
      %get3A_586 = arith.constant 0 : index
      %get3A_587 = tpu.vector_load %arg16[%get3A_585, %get3A_586] {strides = array<i32>} : memref<128x128xf32, #tpu.memory_space<vmem>>, vector<1x16xf32>,
      %get3A_588 = vector.shape_cast %get3A_587 : vector<1x16xf32> to vector<16xf32>
      %sub3A_589 = arith.subf %get3A_588, %get3A_584 : vector<16xf32>
      %mul3A_590 = arith.mulf %get3A_580, %sub3A_589 : vector<16xf32>
      %add3A_591 = arith.addf %broadcast_in_dim3A_576, %mul3A_590 : vector<16xf32>
      %get3A_592 = arith.index_cast %add3A_574 : i32 to index
      %get3A_593 = arith.constant 16 : index
      %get3A_594 = tpu.vector_load %arg14[%get3A_592, %get3A_593] {strides = array<i32>} : memref<128x128xf32, #tpu.memory_space<vmem>>, vector<1x16xf32>,
      %get3A_595 = vector.shape_cast %get3A_594 : vector<1x16xf32> to vector<16xf32>
      %get3A_596 = arith.index_cast %add3A_574 : i32 to index
      %get3A_597 = arith.constant 16 : index
      %get3A_598 = tpu.vector_load %arg15[%get3A_596, %get3A_597] {strides = array<i32>} : memref<128x128xf32, #tpu.memory_space<vmem>>, vector<1x16xf32>,
      %get3A_599 = vector.shape_cast %get3A_598 : vector<1x16xf32> to vector<16xf32>
      %get3A_600 = arith.index_cast %add3A_574 : i32 to index
      %get3A_601 = arith.constant 16 : index
      %get3A_602 = tpu.vector_load %arg16[%get3A_600, %get3A_601] {strides = array<i32>} : memref<128x128xf32, #tpu.memory_space<vmem>>, vector<1x16xf32>,
      %get3A_603 = vector.shape_cast %get3A_602 : vector<1x16xf32> to vector<16xf32>
      %sub3A_604 = arith.subf %get3A_603, %get3A_599 : vector<16xf32>
      %mul3A_605 = arith.mulf %get3A_595, %sub3A_604 : vector<16xf32>
      %add3A_606 = arith.addf %add3A_591, %mul3A_605 : vector<16xf32>
      %get3A_607 = arith.index_cast %add3A_574 : i32 to index
      %get3A_608 = arith.constant 32 : index
      %get3A_609 = tpu.vector_load %arg14[%get3A_607, %get3A_608] {strides = array<i32>} : memref<128x128xf32, #tpu.memory_space<vmem>>, vector<1x16xf32>,
      %get3A_610 = vector.shape_cast %get3A_609 : vector<1x16xf32> to vector<16xf32>
      %get3A_611 = arith.index_cast %add3A_574 : i32 to index
      %get3A_612 = arith.constant 32 : index
      %get3A_613 = tpu.vector_load %arg15[%get3A_611, %get3A_612] {strides = array<i32>} : memref<128x128xf32, #tpu.memory_space<vmem>>, vector<1x16xf32>,
      %get3A_614 = vector.shape_cast %get3A_613 : vector<1x16xf32> to vector<16xf32>
      %get3A_615 = arith.index_cast %add3A_574 : i32 to index
      %get3A_616 = arith.constant 32 : index
      %get3A_617 = tpu.vector_load %arg16[%get3A_615, %get3A_616] {strides = array<i32>} : memref<128x128xf32, #tpu.memory_space<vmem>>, vector<1x16xf32>,
      %get3A_618 = vector.shape_cast %get3A_617 : vector<1x16xf32> to vector<16xf32>
      %sub3A_619 = arith.subf %get3A_618, %get3A_614 : vector<16xf32>
      %mul3A_620 = arith.mulf %get3A_610, %sub3A_619 : vector<16xf32>
      %add3A_621 = arith.addf %add3A_606, %mul3A_620 : vector<16xf32>
      %get3A_622 = arith.index_cast %add3A_574 : i32 to index
      %get3A_623 = arith.constant 48 : index
      %get3A_624 = tpu.vector_load %arg14[%get3A_622, %get3A_623] {strides = array<i32>} : memref<128x128xf32, #tpu.memory_space<vmem>>, vector<1x16xf32>,
      %get3A_625 = vector.shape_cast %get3A_624 : vector<1x16xf32> to vector<16xf32>
      %get3A_626 = arith.index_cast %add3A_574 : i32 to index
      %get3A_627 = arith.constant 48 : index
      %get3A_628 = tpu.vector_load %arg15[%get3A_626, %get3A_627] {strides = array<i32>} : memref<128x128xf32, #tpu.memory_space<vmem>>, vector<1x16xf32>,
      %get3A_629 = vector.shape_cast %get3A_628 : vector<1x16xf32> to vector<16xf32>
      %get3A_630 = arith.index_cast %add3A_574 : i32 to index
      %get3A_631 = arith.constant 48 : index
      %get3A_632 = tpu.vector_load %arg16[%get3A_630, %get3A_631] {strides = array<i32>} : memref<128x128xf32, #tpu.memory_space<vmem>>, vector<1x16xf32>,
      %get3A_633 = vector.shape_cast %get3A_632 : vector<1x16xf32> to vector<16xf32>
      %sub3A_634 = arith.subf %get3A_633, %get3A_629 : vector<16xf32>
      %mul3A_635 = arith.mulf %get3A_625, %sub3A_634 : vector<16xf32>
      %add3A_636 = arith.addf %add3A_621, %mul3A_635 : vector<16xf32>
      %get3A_637 = arith.index_cast %add3A_574 : i32 to index
      %get3A_638 = arith.constant 64 : index
      %get3A_639 = tpu.vector_load %arg14[%get3A_637, %get3A_638] {strides = array<i32>} : memref<128x128xf32, #tpu.memory_space<vmem>>, vector<1x16xf32>,
      %get3A_640 = vector.shape_cast %get3A_639 : vector<1x16xf32> to vector<16xf32>
      %get3A_641 = arith.index_cast %add3A_574 : i32 to index
      %get3A_642 = arith.constant 64 : index
      %get3A_643 = tpu.vector_load %arg15[%get3A_641, %get3A_642] {strides = array<i32>} : memref<128x128xf32, #tpu.memory_space<vmem>>, vector<1x16xf32>,
      %get3A_644 = vector.shape_cast %get3A_643 : vector<1x16xf32> to vector<16xf32>
      %get3A_645 = arith.index_cast %add3A_574 : i32 to index
      %get3A_646 = arith.constant 64 : index
      %get3A_647 = tpu.vector_load %arg16[%get3A_645, %get3A_646] {strides = array<i32>} : memref<128x128xf32, #tpu.memory_space<vmem>>, vector<1x16xf32>,
      %get3A_648 = vector.shape_cast %get3A_647 : vector<1x16xf32> to vector<16xf32>
      %sub3A_649 = arith.subf %get3A_648, %get3A_644 : vector<16xf32>
      %mul3A_650 = arith.mulf %get3A_640, %sub3A_649 : vector<16xf32>
      %add3A_651 = arith.addf %add3A_636, %mul3A_650 : vector<16xf32>
      %get3A_652 = arith.index_cast %add3A_574 : i32 to index
      %get3A_653 = arith.constant 80 : index
      %get3A_654 = tpu.vector_load %arg14[%get3A_652, %get3A_653] {strides = array<i32>} : memref<128x128xf32, #tpu.memory_space<vmem>>, vector<1x16xf32>,
      %get3A_655 = vector.shape_cast %get3A_654 : vector<1x16xf32> to vector<16xf32>
      %get3A_656 = arith.index_cast %add3A_574 : i32 to index
      %get3A_657 = arith.constant 80 : index
      %get3A_658 = tpu.vector_load %arg15[%get3A_656, %get3A_657] {strides = array<i32>} : memref<128x128xf32, #tpu.memory_space<vmem>>, vector<1x16xf32>,
      %get3A_659 = vector.shape_cast %get3A_658 : vector<1x16xf32> to vector<16xf32>
      %get3A_660 = arith.index_cast %add3A_574 : i32 to index
      %get3A_661 = arith.constant 80 : index
      %get3A_662 = tpu.vector_load %arg16[%get3A_660, %get3A_661] {strides = array<i32>} : memref<128x128xf32, #tpu.memory_space<vmem>>, vector<1x16xf32>,
      %get3A_663 = vector.shape_cast %get3A_662 : vector<1x16xf32> to vector<16xf32>
      %sub3A_664 = arith.subf %get3A_663, %get3A_659 : vector<16xf32>
      %mul3A_665 = arith.mulf %get3A_655, %sub3A_664 : vector<16xf32>
      %add3A_666 = arith.addf %add3A_651, %mul3A_665 : vector<16xf32>
      %get3A_667 = arith.index_cast %add3A_574 : i32 to index
      %get3A_668 = arith.constant 96 : index
      %get3A_669 = tpu.vector_load %arg14[%get3A_667, %get3A_668] {strides = array<i32>} : memref<128x128xf32, #tpu.memory_space<vmem>>, vector<1x16xf32>,
      %get3A_670 = vector.shape_cast %get3A_669 : vector<1x16xf32> to vector<16xf32>
      %get3A_671 = arith.index_cast %add3A_574 : i32 to index
      %get3A_672 = arith.constant 96 : index
      %get3A_673 = tpu.vector_load %arg15[%get3A_671, %get3A_672] {strides = array<i32>} : memref<128x128xf32, #tpu.memory_space<vmem>>, vector<1x16xf32>,
      %get3A_674 = vector.shape_cast %get3A_673 : vector<1x16xf32> to vector<16xf32>
      %get3A_675 = arith.index_cast %add3A_574 : i32 to index
      %get3A_676 = arith.constant 96 : index
      %get3A_677 = tpu.vector_load %arg16[%get3A_675, %get3A_676] {strides = array<i32>} : memref<128x128xf32, #tpu.memory_space<vmem>>, vector<1x16xf32>,
      %get3A_678 = vector.shape_cast %get3A_677 : vector<1x16xf32> to vector<16xf32>
      %sub3A_679 = arith.subf %get3A_678, %get3A_674 : vector<16xf32>
      %mul3A_680 = arith.mulf %get3A_670, %sub3A_679 : vector<16xf32>
      %add3A_681 = arith.addf %add3A_666, %mul3A_680 : vector<16xf32>
      %get3A_682 = arith.index_cast %add3A_574 : i32 to index
      %get3A_683 = arith.constant 112 : index
      %get3A_684 = tpu.vector_load %arg14[%get3A_682, %get3A_683] {strides = array<i32>} : memref<128x128xf32, #tpu.memory_space<vmem>>, vector<1x16xf32>,
      %get3A_685 = vector.shape_cast %get3A_684 : vector<1x16xf32> to vector<16xf32>
      %get3A_686 = arith.index_cast %add3A_574 : i32 to index
      %get3A_687 = arith.constant 112 : index
      %get3A_688 = tpu.vector_load %arg15[%get3A_686, %get3A_687] {strides = array<i32>} : memref<128x128xf32, #tpu.memory_space<vmem>>, vector<1x16xf32>,
      %get3A_689 = vector.shape_cast %get3A_688 : vector<1x16xf32> to vector<16xf32>
      %get3A_690 = arith.index_cast %add3A_574 : i32 to index
      %get3A_691 = arith.constant 112 : index
      %get3A_692 = tpu.vector_load %arg16[%get3A_690, %get3A_691] {strides = array<i32>} : memref<128x128xf32, #tpu.memory_space<vmem>>, vector<1x16xf32>,
      %get3A_693 = vector.shape_cast %get3A_692 : vector<1x16xf32> to vector<16xf32>
      %sub3A_694 = arith.subf %get3A_693, %get3A_689 : vector<16xf32>
      %mul3A_695 = arith.mulf %get3A_685, %sub3A_694 : vector<16xf32>
      %add3A_696 = arith.addf %add3A_681, %mul3A_695 : vector<16xf32>
      %swap3A_697 = arith.index_cast %scan3A_180 : i32 to index
      %swap3A_698 = arith.constant 48 : index
      %swap3A_699 = tpu.vector_load %arg17[%swap3A_697, %swap3A_698] {strides = array<i32>} : memref<16x128xf32, #tpu.memory_space<vmem>>, vector<1x16xf32>,
      %swap3A_700 = vector.shape_cast %swap3A_699 : vector<1x16xf32> to vector<16xf32>
      %swap3A_701 = vector.shape_cast %add3A_696 : vector<16xf32> to vector<1x16xf32>
      tpu.vector_store %arg17[%swap3A_697, %swap3A_698], %swap3A_701 {strides = array<i32>} : memref<16x128xf32, #tpu.memory_space<vmem>>, vector<1x16xf32>,
      %mul3A_702 = arith.constant 8 : i32
      %mul3A_703 = arith.muli %scan3A_180, %mul3A_702 : i32
      %add3A_704 = arith.constant 4 : i32
      %add3A_705 = arith.addi %mul3A_703, %add3A_704 : i32
      %broadcast_in_dim3A_706 = arith.constant 0.000000e+00 : f32
      %broadcast_in_dim3A_707 = vector.broadcast %broadcast_in_dim3A_706 : f32 to vector<16xf32>
      %get3A_708 = arith.index_cast %add3A_705 : i32 to index
      %get3A_709 = arith.constant 0 : index
      %get3A_710 = tpu.vector_load %arg14[%get3A_708, %get3A_709] {strides = array<i32>} : memref<128x128xf32, #tpu.memory_space<vmem>>, vector<1x16xf32>,
      %get3A_711 = vector.shape_cast %get3A_710 : vector<1x16xf32> to vector<16xf32>
      %get3A_712 = arith.index_cast %add3A_705 : i32 to index
      %get3A_713 = arith.constant 0 : index
      %get3A_714 = tpu.vector_load %arg15[%get3A_712, %get3A_713] {strides = array<i32>} : memref<128x128xf32, #tpu.memory_space<vmem>>, vector<1x16xf32>,
      %get3A_715 = vector.shape_cast %get3A_714 : vector<1x16xf32> to vector<16xf32>
      %get3A_716 = arith.index_cast %add3A_705 : i32 to index
      %get3A_717 = arith.constant 0 : index
      %get3A_718 = tpu.vector_load %arg16[%get3A_716, %get3A_717] {strides = array<i32>} : memref<128x128xf32, #tpu.memory_space<vmem>>, vector<1x16xf32>,
      %get3A_719 = vector.shape_cast %get3A_718 : vector<1x16xf32> to vector<16xf32>
      %sub3A_720 = arith.subf %get3A_719, %get3A_715 : vector<16xf32>
      %mul3A_721 = arith.mulf %get3A_711, %sub3A_720 : vector<16xf32>
      %add3A_722 = arith.addf %broadcast_in_dim3A_707, %mul3A_721 : vector<16xf32>
      %get3A_723 = arith.index_cast %add3A_705 : i32 to index
      %get3A_724 = arith.constant 16 : index
      %get3A_725 = tpu.vector_load %arg14[%get3A_723, %get3A_724] {strides = array<i32>} : memref<128x128xf32, #tpu.memory_space<vmem>>, vector<1x16xf32>,
      %get3A_726 = vector.shape_cast %get3A_725 : vector<1x16xf32> to vector<16xf32>
      %get3A_727 = arith.index_cast %add3A_705 : i32 to index
      %get3A_728 = arith.constant 16 : index
      %get3A_729 = tpu.vector_load %arg15[%get3A_727, %get3A_728] {strides = array<i32>} : memref<128x128xf32, #tpu.memory_space<vmem>>, vector<1x16xf32>,
      %get3A_730 = vector.shape_cast %get3A_729 : vector<1x16xf32> to vector<16xf32>
      %get3A_731 = arith.index_cast %add3A_705 : i32 to index
      %get3A_732 = arith.constant 16 : index
      %get3A_733 = tpu.vector_load %arg16[%get3A_731, %get3A_732] {strides = array<i32>} : memref<128x128xf32, #tpu.memory_space<vmem>>, vector<1x16xf32>,
      %get3A_734 = vector.shape_cast %get3A_733 : vector<1x16xf32> to vector<16xf32>
      %sub3A_735 = arith.subf %get3A_734, %get3A_730 : vector<16xf32>
      %mul3A_736 = arith.mulf %get3A_726, %sub3A_735 : vector<16xf32>
      %add3A_737 = arith.addf %add3A_722, %mul3A_736 : vector<16xf32>
      %get3A_738 = arith.index_cast %add3A_705 : i32 to index
      %get3A_739 = arith.constant 32 : index
      %get3A_740 = tpu.vector_load %arg14[%get3A_738, %get3A_739] {strides = array<i32>} : memref<128x128xf32, #tpu.memory_space<vmem>>, vector<1x16xf32>,
      %get3A_741 = vector.shape_cast %get3A_740 : vector<1x16xf32> to vector<16xf32>
      %get3A_742 = arith.index_cast %add3A_705 : i32 to index
      %get3A_743 = arith.constant 32 : index
      %get3A_744 = tpu.vector_load %arg15[%get3A_742, %get3A_743] {strides = array<i32>} : memref<128x128xf32, #tpu.memory_space<vmem>>, vector<1x16xf32>,
      %get3A_745 = vector.shape_cast %get3A_744 : vector<1x16xf32> to vector<16xf32>
      %get3A_746 = arith.index_cast %add3A_705 : i32 to index
      %get3A_747 = arith.constant 32 : index
      %get3A_748 = tpu.vector_load %arg16[%get3A_746, %get3A_747] {strides = array<i32>} : memref<128x128xf32, #tpu.memory_space<vmem>>, vector<1x16xf32>,
      %get3A_749 = vector.shape_cast %get3A_748 : vector<1x16xf32> to vector<16xf32>
      %sub3A_750 = arith.subf %get3A_749, %get3A_745 : vector<16xf32>
      %mul3A_751 = arith.mulf %get3A_741, %sub3A_750 : vector<16xf32>
      %add3A_752 = arith.addf %add3A_737, %mul3A_751 : vector<16xf32>
      %get3A_753 = arith.index_cast %add3A_705 : i32 to index
      %get3A_754 = arith.constant 48 : index
      %get3A_755 = tpu.vector_load %arg14[%get3A_753, %get3A_754] {strides = array<i32>} : memref<128x128xf32, #tpu.memory_space<vmem>>, vector<1x16xf32>,
      %get3A_756 = vector.shape_cast %get3A_755 : vector<1x16xf32> to vector<16xf32>
      %get3A_757 = arith.index_cast %add3A_705 : i32 to index
      %get3A_758 = arith.constant 48 : index
      %get3A_759 = tpu.vector_load %arg15[%get3A_757, %get3A_758] {strides = array<i32>} : memref<128x128xf32, #tpu.memory_space<vmem>>, vector<1x16xf32>,
      %get3A_760 = vector.shape_cast %get3A_759 : vector<1x16xf32> to vector<16xf32>
      %get3A_761 = arith.index_cast %add3A_705 : i32 to index
      %get3A_762 = arith.constant 48 : index
      %get3A_763 = tpu.vector_load %arg16[%get3A_761, %get3A_762] {strides = array<i32>} : memref<128x128xf32, #tpu.memory_space<vmem>>, vector<1x16xf32>,
      %get3A_764 = vector.shape_cast %get3A_763 : vector<1x16xf32> to vector<16xf32>
      %sub3A_765 = arith.subf %get3A_764, %get3A_760 : vector<16xf32>
      %mul3A_766 = arith.mulf %get3A_756, %sub3A_765 : vector<16xf32>
      %add3A_767 = arith.addf %add3A_752, %mul3A_766 : vector<16xf32>
      %get3A_768 = arith.index_cast %add3A_705 : i32 to index
      %get3A_769 = arith.constant 64 : index
      %get3A_770 = tpu.vector_load %arg14[%get3A_768, %get3A_769] {strides = array<i32>} : memref<128x128xf32, #tpu.memory_space<vmem>>, vector<1x16xf32>,
      %get3A_771 = vector.shape_cast %get3A_770 : vector<1x16xf32> to vector<16xf32>
      %get3A_772 = arith.index_cast %add3A_705 : i32 to index
      %get3A_773 = arith.constant 64 : index
      %get3A_774 = tpu.vector_load %arg15[%get3A_772, %get3A_773] {strides = array<i32>} : memref<128x128xf32, #tpu.memory_space<vmem>>, vector<1x16xf32>,
      %get3A_775 = vector.shape_cast %get3A_774 : vector<1x16xf32> to vector<16xf32>
      %get3A_776 = arith.index_cast %add3A_705 : i32 to index
      %get3A_777 = arith.constant 64 : index
      %get3A_778 = tpu.vector_load %arg16[%get3A_776, %get3A_777] {strides = array<i32>} : memref<128x128xf32, #tpu.memory_space<vmem>>, vector<1x16xf32>,
      %get3A_779 = vector.shape_cast %get3A_778 : vector<1x16xf32> to vector<16xf32>
      %sub3A_780 = arith.subf %get3A_779, %get3A_775 : vector<16xf32>
      %mul3A_781 = arith.mulf %get3A_771, %sub3A_780 : vector<16xf32>
      %add3A_782 = arith.addf %add3A_767, %mul3A_781 : vector<16xf32>
      %get3A_783 = arith.index_cast %add3A_705 : i32 to index
      %get3A_784 = arith.constant 80 : index
      %get3A_785 = tpu.vector_load %arg14[%get3A_783, %get3A_784] {strides = array<i32>} : memref<128x128xf32, #tpu.memory_space<vmem>>, vector<1x16xf32>,
      %get3A_786 = vector.shape_cast %get3A_785 : vector<1x16xf32> to vector<16xf32>
      %get3A_787 = arith.index_cast %add3A_705 : i32 to index
      %get3A_788 = arith.constant 80 : index
      %get3A_789 = tpu.vector_load %arg15[%get3A_787, %get3A_788] {strides = array<i32>} : memref<128x128xf32, #tpu.memory_space<vmem>>, vector<1x16xf32>,
      %get3A_790 = vector.shape_cast %get3A_789 : vector<1x16xf32> to vector<16xf32>
      %get3A_791 = arith.index_cast %add3A_705 : i32 to index
      %get3A_792 = arith.constant 80 : index
      %get3A_793 = tpu.vector_load %arg16[%get3A_791, %get3A_792] {strides = array<i32>} : memref<128x128xf32, #tpu.memory_space<vmem>>, vector<1x16xf32>,
      %get3A_794 = vector.shape_cast %get3A_793 : vector<1x16xf32> to vector<16xf32>
      %sub3A_795 = arith.subf %get3A_794, %get3A_790 : vector<16xf32>
      %mul3A_796 = arith.mulf %get3A_786, %sub3A_795 : vector<16xf32>
      %add3A_797 = arith.addf %add3A_782, %mul3A_796 : vector<16xf32>
      %get3A_798 = arith.index_cast %add3A_705 : i32 to index
      %get3A_799 = arith.constant 96 : index
      %get3A_800 = tpu.vector_load %arg14[%get3A_798, %get3A_799] {strides = array<i32>} : memref<128x128xf32, #tpu.memory_space<vmem>>, vector<1x16xf32>,
      %get3A_801 = vector.shape_cast %get3A_800 : vector<1x16xf32> to vector<16xf32>
      %get3A_802 = arith.index_cast %add3A_705 : i32 to index
      %get3A_803 = arith.constant 96 : index
      %get3A_804 = tpu.vector_load %arg15[%get3A_802, %get3A_803] {strides = array<i32>} : memref<128x128xf32, #tpu.memory_space<vmem>>, vector<1x16xf32>,
      %get3A_805 = vector.shape_cast %get3A_804 : vector<1x16xf32> to vector<16xf32>
      %get3A_806 = arith.index_cast %add3A_705 : i32 to index
      %get3A_807 = arith.constant 96 : index
      %get3A_808 = tpu.vector_load %arg16[%get3A_806, %get3A_807] {strides = array<i32>} : memref<128x128xf32, #tpu.memory_space<vmem>>, vector<1x16xf32>,
      %get3A_809 = vector.shape_cast %get3A_808 : vector<1x16xf32> to vector<16xf32>
      %sub3A_810 = arith.subf %get3A_809, %get3A_805 : vector<16xf32>
      %mul3A_811 = arith.mulf %get3A_801, %sub3A_810 : vector<16xf32>
      %add3A_812 = arith.addf %add3A_797, %mul3A_811 : vector<16xf32>
      %get3A_813 = arith.index_cast %add3A_705 : i32 to index
      %get3A_814 = arith.constant 112 : index
      %get3A_815 = tpu.vector_load %arg14[%get3A_813, %get3A_814] {strides = array<i32>} : memref<128x128xf32, #tpu.memory_space<vmem>>, vector<1x16xf32>,
      %get3A_816 = vector.shape_cast %get3A_815 : vector<1x16xf32> to vector<16xf32>
      %get3A_817 = arith.index_cast %add3A_705 : i32 to index
      %get3A_818 = arith.constant 112 : index
      %get3A_819 = tpu.vector_load %arg15[%get3A_817, %get3A_818] {strides = array<i32>} : memref<128x128xf32, #tpu.memory_space<vmem>>, vector<1x16xf32>,
      %get3A_820 = vector.shape_cast %get3A_819 : vector<1x16xf32> to vector<16xf32>
      %get3A_821 = arith.index_cast %add3A_705 : i32 to index
      %get3A_822 = arith.constant 112 : index
      %get3A_823 = tpu.vector_load %arg16[%get3A_821, %get3A_822] {strides = array<i32>} : memref<128x128xf32, #tpu.memory_space<vmem>>, vector<1x16xf32>,
      %get3A_824 = vector.shape_cast %get3A_823 : vector<1x16xf32> to vector<16xf32>
      %sub3A_825 = arith.subf %get3A_824, %get3A_820 : vector<16xf32>
      %mul3A_826 = arith.mulf %get3A_816, %sub3A_825 : vector<16xf32>
      %add3A_827 = arith.addf %add3A_812, %mul3A_826 : vector<16xf32>
      %swap3A_828 = arith.index_cast %scan3A_180 : i32 to index
      %swap3A_829 = arith.constant 64 : index
      %swap3A_830 = tpu.vector_load %arg17[%swap3A_828, %swap3A_829] {strides = array<i32>} : memref<16x128xf32, #tpu.memory_space<vmem>>, vector<1x16xf32>,
      %swap3A_831 = vector.shape_cast %swap3A_830 : vector<1x16xf32> to vector<16xf32>
      %swap3A_832 = vector.shape_cast %add3A_827 : vector<16xf32> to vector<1x16xf32>
      tpu.vector_store %arg17[%swap3A_828, %swap3A_829], %swap3A_832 {strides = array<i32>} : memref<16x128xf32, #tpu.memory_space<vmem>>, vector<1x16xf32>,
      %mul3A_833 = arith.constant 8 : i32
      %mul3A_834 = arith.muli %scan3A_180, %mul3A_833 : i32
      %add3A_835 = arith.constant 5 : i32
      %add3A_836 = arith.addi %mul3A_834, %add3A_835 : i32
      %broadcast_in_dim3A_837 = arith.constant 0.000000e+00 : f32
      %broadcast_in_dim3A_838 = vector.broadcast %broadcast_in_dim3A_837 : f32 to vector<16xf32>
      %get3A_839 = arith.index_cast %add3A_836 : i32 to index
      %get3A_840 = arith.constant 0 : index
      %get3A_841 = tpu.vector_load %arg14[%get3A_839, %get3A_840] {strides = array<i32>} : memref<128x128xf32, #tpu.memory_space<vmem>>, vector<1x16xf32>,
      %get3A_842 = vector.shape_cast %get3A_841 : vector<1x16xf32> to vector<16xf32>
      %get3A_843 = arith.index_cast %add3A_836 : i32 to index
      %get3A_844 = arith.constant 0 : index
      %get3A_845 = tpu.vector_load %arg15[%get3A_843, %get3A_844] {strides = array<i32>} : memref<128x128xf32, #tpu.memory_space<vmem>>, vector<1x16xf32>,
      %get3A_846 = vector.shape_cast %get3A_845 : vector<1x16xf32> to vector<16xf32>
      %get3A_847 = arith.index_cast %add3A_836 : i32 to index
      %get3A_848 = arith.constant 0 : index
      %get3A_849 = tpu.vector_load %arg16[%get3A_847, %get3A_848] {strides = array<i32>} : memref<128x128xf32, #tpu.memory_space<vmem>>, vector<1x16xf32>,
      %get3A_850 = vector.shape_cast %get3A_849 : vector<1x16xf32> to vector<16xf32>
      %sub3A_851 = arith.subf %get3A_850, %get3A_846 : vector<16xf32>
      %mul3A_852 = arith.mulf %get3A_842, %sub3A_851 : vector<16xf32>
      %add3A_853 = arith.addf %broadcast_in_dim3A_838, %mul3A_852 : vector<16xf32>
      %get3A_854 = arith.index_cast %add3A_836 : i32 to index
      %get3A_855 = arith.constant 16 : index
      %get3A_856 = tpu.vector_load %arg14[%get3A_854, %get3A_855] {strides = array<i32>} : memref<128x128xf32, #tpu.memory_space<vmem>>, vector<1x16xf32>,
      %get3A_857 = vector.shape_cast %get3A_856 : vector<1x16xf32> to vector<16xf32>
      %get3A_858 = arith.index_cast %add3A_836 : i32 to index
      %get3A_859 = arith.constant 16 : index
      %get3A_860 = tpu.vector_load %arg15[%get3A_858, %get3A_859] {strides = array<i32>} : memref<128x128xf32, #tpu.memory_space<vmem>>, vector<1x16xf32>,
      %get3A_861 = vector.shape_cast %get3A_860 : vector<1x16xf32> to vector<16xf32>
      %get3A_862 = arith.index_cast %add3A_836 : i32 to index
      %get3A_863 = arith.constant 16 : index
      %get3A_864 = tpu.vector_load %arg16[%get3A_862, %get3A_863] {strides = array<i32>} : memref<128x128xf32, #tpu.memory_space<vmem>>, vector<1x16xf32>,
      %get3A_865 = vector.shape_cast %get3A_864 : vector<1x16xf32> to vector<16xf32>
      %sub3A_866 = arith.subf %get3A_865, %get3A_861 : vector<16xf32>
      %mul3A_867 = arith.mulf %get3A_857, %sub3A_866 : vector<16xf32>
      %add3A_868 = arith.addf %add3A_853, %mul3A_867 : vector<16xf32>
      %get3A_869 = arith.index_cast %add3A_836 : i32 to index
      %get3A_870 = arith.constant 32 : index
      %get3A_871 = tpu.vector_load %arg14[%get3A_869, %get3A_870] {strides = array<i32>} : memref<128x128xf32, #tpu.memory_space<vmem>>, vector<1x16xf32>,
      %get3A_872 = vector.shape_cast %get3A_871 : vector<1x16xf32> to vector<16xf32>
      %get3A_873 = arith.index_cast %add3A_836 : i32 to index
      %get3A_874 = arith.constant 32 : index
      %get3A_875 = tpu.vector_load %arg15[%get3A_873, %get3A_874] {strides = array<i32>} : memref<128x128xf32, #tpu.memory_space<vmem>>, vector<1x16xf32>,
      %get3A_876 = vector.shape_cast %get3A_875 : vector<1x16xf32> to vector<16xf32>
      %get3A_877 = arith.index_cast %add3A_836 : i32 to index
      %get3A_878 = arith.constant 32 : index
      %get3A_879 = tpu.vector_load %arg16[%get3A_877, %get3A_878] {strides = array<i32>} : memref<128x128xf32, #tpu.memory_space<vmem>>, vector<1x16xf32>,
      %get3A_880 = vector.shape_cast %get3A_879 : vector<1x16xf32> to vector<16xf32>
      %sub3A_881 = arith.subf %get3A_880, %get3A_876 : vector<16xf32>
      %mul3A_882 = arith.mulf %get3A_872, %sub3A_881 : vector<16xf32>
      %add3A_883 = arith.addf %add3A_868, %mul3A_882 : vector<16xf32>
      %get3A_884 = arith.index_cast %add3A_836 : i32 to index
      %get3A_885 = arith.constant 48 : index
      %get3A_886 = tpu.vector_load %arg14[%get3A_884, %get3A_885] {strides = array<i32>} : memref<128x128xf32, #tpu.memory_space<vmem>>, vector<1x16xf32>,
      %get3A_887 = vector.shape_cast %get3A_886 : vector<1x16xf32> to vector<16xf32>
      %get3A_888 = arith.index_cast %add3A_836 : i32 to index
      %get3A_889 = arith.constant 48 : index
      %get3A_890 = tpu.vector_load %arg15[%get3A_888, %get3A_889] {strides = array<i32>} : memref<128x128xf32, #tpu.memory_space<vmem>>, vector<1x16xf32>,
      %get3A_891 = vector.shape_cast %get3A_890 : vector<1x16xf32> to vector<16xf32>
      %get3A_892 = arith.index_cast %add3A_836 : i32 to index
      %get3A_893 = arith.constant 48 : index
      %get3A_894 = tpu.vector_load %arg16[%get3A_892, %get3A_893] {strides = array<i32>} : memref<128x128xf32, #tpu.memory_space<vmem>>, vector<1x16xf32>,
      %get3A_895 = vector.shape_cast %get3A_894 : vector<1x16xf32> to vector<16xf32>
      %sub3A_896 = arith.subf %get3A_895, %get3A_891 : vector<16xf32>
      %mul3A_897 = arith.mulf %get3A_887, %sub3A_896 : vector<16xf32>
      %add3A_898 = arith.addf %add3A_883, %mul3A_897 : vector<16xf32>
      %get3A_899 = arith.index_cast %add3A_836 : i32 to index
      %get3A_900 = arith.constant 64 : index
      %get3A_901 = tpu.vector_load %arg14[%get3A_899, %get3A_900] {strides = array<i32>} : memref<128x128xf32, #tpu.memory_space<vmem>>, vector<1x16xf32>,
      %get3A_902 = vector.shape_cast %get3A_901 : vector<1x16xf32> to vector<16xf32>
      %get3A_903 = arith.index_cast %add3A_836 : i32 to index
      %get3A_904 = arith.constant 64 : index
      %get3A_905 = tpu.vector_load %arg15[%get3A_903, %get3A_904] {strides = array<i32>} : memref<128x128xf32, #tpu.memory_space<vmem>>, vector<1x16xf32>,
      %get3A_906 = vector.shape_cast %get3A_905 : vector<1x16xf32> to vector<16xf32>
      %get3A_907 = arith.index_cast %add3A_836 : i32 to index
      %get3A_908 = arith.constant 64 : index
      %get3A_909 = tpu.vector_load %arg16[%get3A_907, %get3A_908] {strides = array<i32>} : memref<128x128xf32, #tpu.memory_space<vmem>>, vector<1x16xf32>,
      %get3A_910 = vector.shape_cast %get3A_909 : vector<1x16xf32> to vector<16xf32>
      %sub3A_911 = arith.subf %get3A_910, %get3A_906 : vector<16xf32>
      %mul3A_912 = arith.mulf %get3A_902, %sub3A_911 : vector<16xf32>
      %add3A_913 = arith.addf %add3A_898, %mul3A_912 : vector<16xf32>
      %get3A_914 = arith.index_cast %add3A_836 : i32 to index
      %get3A_915 = arith.constant 80 : index
      %get3A_916 = tpu.vector_load %arg14[%get3A_914, %get3A_915] {strides = array<i32>} : memref<128x128xf32, #tpu.memory_space<vmem>>, vector<1x16xf32>,
      %get3A_917 = vector.shape_cast %get3A_916 : vector<1x16xf32> to vector<16xf32>
      %get3A_918 = arith.index_cast %add3A_836 : i32 to index
      %get3A_919 = arith.constant 80 : index
      %get3A_920 = tpu.vector_load %arg15[%get3A_918, %get3A_919] {strides = array<i32>} : memref<128x128xf32, #tpu.memory_space<vmem>>, vector<1x16xf32>,
      %get3A_921 = vector.shape_cast %get3A_920 : vector<1x16xf32> to vector<16xf32>
      %get3A_922 = arith.index_cast %add3A_836 : i32 to index
      %get3A_923 = arith.constant 80 : index
      %get3A_924 = tpu.vector_load %arg16[%get3A_922, %get3A_923] {strides = array<i32>} : memref<128x128xf32, #tpu.memory_space<vmem>>, vector<1x16xf32>,
      %get3A_925 = vector.shape_cast %get3A_924 : vector<1x16xf32> to vector<16xf32>
      %sub3A_926 = arith.subf %get3A_925, %get3A_921 : vector<16xf32>
      %mul3A_927 = arith.mulf %get3A_917, %sub3A_926 : vector<16xf32>
      %add3A_928 = arith.addf %add3A_913, %mul3A_927 : vector<16xf32>
      %get3A_929 = arith.index_cast %add3A_836 : i32 to index
      %get3A_930 = arith.constant 96 : index
      %get3A_931 = tpu.vector_load %arg14[%get3A_929, %get3A_930] {strides = array<i32>} : memref<128x128xf32, #tpu.memory_space<vmem>>, vector<1x16xf32>,
      %get3A_932 = vector.shape_cast %get3A_931 : vector<1x16xf32> to vector<16xf32>
      %get3A_933 = arith.index_cast %add3A_836 : i32 to index
      %get3A_934 = arith.constant 96 : index
      %get3A_935 = tpu.vector_load %arg15[%get3A_933, %get3A_934] {strides = array<i32>} : memref<128x128xf32, #tpu.memory_space<vmem>>, vector<1x16xf32>,
      %get3A_936 = vector.shape_cast %get3A_935 : vector<1x16xf32> to vector<16xf32>
      %get3A_937 = arith.index_cast %add3A_836 : i32 to index
      %get3A_938 = arith.constant 96 : index
      %get3A_939 = tpu.vector_load %arg16[%get3A_937, %get3A_938] {strides = array<i32>} : memref<128x128xf32, #tpu.memory_space<vmem>>, vector<1x16xf32>,
      %get3A_940 = vector.shape_cast %get3A_939 : vector<1x16xf32> to vector<16xf32>
      %sub3A_941 = arith.subf %get3A_940, %get3A_936 : vector<16xf32>
      %mul3A_942 = arith.mulf %get3A_932, %sub3A_941 : vector<16xf32>
      %add3A_943 = arith.addf %add3A_928, %mul3A_942 : vector<16xf32>
      %get3A_944 = arith.index_cast %add3A_836 : i32 to index
      %get3A_945 = arith.constant 112 : index
      %get3A_946 = tpu.vector_load %arg14[%get3A_944, %get3A_945] {strides = array<i32>} : memref<128x128xf32, #tpu.memory_space<vmem>>, vector<1x16xf32>,
      %get3A_947 = vector.shape_cast %get3A_946 : vector<1x16xf32> to vector<16xf32>
      %get3A_948 = arith.index_cast %add3A_836 : i32 to index
      %get3A_949 = arith.constant 112 : index
      %get3A_950 = tpu.vector_load %arg15[%get3A_948, %get3A_949] {strides = array<i32>} : memref<128x128xf32, #tpu.memory_space<vmem>>, vector<1x16xf32>,
      %get3A_951 = vector.shape_cast %get3A_950 : vector<1x16xf32> to vector<16xf32>
      %get3A_952 = arith.index_cast %add3A_836 : i32 to index
      %get3A_953 = arith.constant 112 : index
      %get3A_954 = tpu.vector_load %arg16[%get3A_952, %get3A_953] {strides = array<i32>} : memref<128x128xf32, #tpu.memory_space<vmem>>, vector<1x16xf32>,
      %get3A_955 = vector.shape_cast %get3A_954 : vector<1x16xf32> to vector<16xf32>
      %sub3A_956 = arith.subf %get3A_955, %get3A_951 : vector<16xf32>
      %mul3A_957 = arith.mulf %get3A_947, %sub3A_956 : vector<16xf32>
      %add3A_958 = arith.addf %add3A_943, %mul3A_957 : vector<16xf32>
      %swap3A_959 = arith.index_cast %scan3A_180 : i32 to index
      %swap3A_960 = arith.constant 80 : index
      %swap3A_961 = tpu.vector_load %arg17[%swap3A_959, %swap3A_960] {strides = array<i32>} : memref<16x128xf32, #tpu.memory_space<vmem>>, vector<1x16xf32>,
      %swap3A_962 = vector.shape_cast %swap3A_961 : vector<1x16xf32> to vector<16xf32>
      %swap3A_963 = vector.shape_cast %add3A_958 : vector<16xf32> to vector<1x16xf32>
      tpu.vector_store %arg17[%swap3A_959, %swap3A_960], %swap3A_963 {strides = array<i32>} : memref<16x128xf32, #tpu.memory_space<vmem>>, vector<1x16xf32>,
      %mul3A_964 = arith.constant 8 : i32
      %mul3A_965 = arith.muli %scan3A_180, %mul3A_964 : i32
      %add3A_966 = arith.constant 6 : i32
      %add3A_967 = arith.addi %mul3A_965, %add3A_966 : i32
      %broadcast_in_dim3A_968 = arith.constant 0.000000e+00 : f32
      %broadcast_in_dim3A_969 = vector.broadcast %broadcast_in_dim3A_968 : f32 to vector<16xf32>
      %get3A_970 = arith.index_cast %add3A_967 : i32 to index
      %get3A_971 = arith.constant 0 : index
      %get3A_972 = tpu.vector_load %arg14[%get3A_970, %get3A_971] {strides = array<i32>} : memref<128x128xf32, #tpu.memory_space<vmem>>, vector<1x16xf32>,
      %get3A_973 = vector.shape_cast %get3A_972 : vector<1x16xf32> to vector<16xf32>
      %get3A_974 = arith.index_cast %add3A_967 : i32 to index
      %get3A_975 = arith.constant 0 : index
      %get3A_976 = tpu.vector_load %arg15[%get3A_974, %get3A_975] {strides = array<i32>} : memref<128x128xf32, #tpu.memory_space<vmem>>, vector<1x16xf32>,
      %get3A_977 = vector.shape_cast %get3A_976 : vector<1x16xf32> to vector<16xf32>
      %get3A_978 = arith.index_cast %add3A_967 : i32 to index
      %get3A_979 = arith.constant 0 : index
      %get3A_980 = tpu.vector_load %arg16[%get3A_978, %get3A_979] {strides = array<i32>} : memref<128x128xf32, #tpu.memory_space<vmem>>, vector<1x16xf32>,
      %get3A_981 = vector.shape_cast %get3A_980 : vector<1x16xf32> to vector<16xf32>
      %sub3A_982 = arith.subf %get3A_981, %get3A_977 : vector<16xf32>
      %mul3A_983 = arith.mulf %get3A_973, %sub3A_982 : vector<16xf32>
      %add3A_984 = arith.addf %broadcast_in_dim3A_969, %mul3A_983 : vector<16xf32>
      %get3A_985 = arith.index_cast %add3A_967 : i32 to index
      %get3A_986 = arith.constant 16 : index
      %get3A_987 = tpu.vector_load %arg14[%get3A_985, %get3A_986] {strides = array<i32>} : memref<128x128xf32, #tpu.memory_space<vmem>>, vector<1x16xf32>,
      %get3A_988 = vector.shape_cast %get3A_987 : vector<1x16xf32> to vector<16xf32>
      %get3A_989 = arith.index_cast %add3A_967 : i32 to index
      %get3A_990 = arith.constant 16 : index
      %get3A_991 = tpu.vector_load %arg15[%get3A_989, %get3A_990] {strides = array<i32>} : memref<128x128xf32, #tpu.memory_space<vmem>>, vector<1x16xf32>,
      %get3A_992 = vector.shape_cast %get3A_991 : vector<1x16xf32> to vector<16xf32>
      %get3A_993 = arith.index_cast %add3A_967 : i32 to index
      %get3A_994 = arith.constant 16 : index
      %get3A_995 = tpu.vector_load %arg16[%get3A_993, %get3A_994] {strides = array<i32>} : memref<128x128xf32, #tpu.memory_space<vmem>>, vector<1x16xf32>,
      %get3A_996 = vector.shape_cast %get3A_995 : vector<1x16xf32> to vector<16xf32>
      %sub3A_997 = arith.subf %get3A_996, %get3A_992 : vector<16xf32>
      %mul3A_998 = arith.mulf %get3A_988, %sub3A_997 : vector<16xf32>
      %add3A_999 = arith.addf %add3A_984, %mul3A_998 : vector<16xf32>
      %get3A_1000 = arith.index_cast %add3A_967 : i32 to index
      %get3A_1001 = arith.constant 32 : index
      %get3A_1002 = tpu.vector_load %arg14[%get3A_1000, %get3A_1001] {strides = array<i32>} : memref<128x128xf32, #tpu.memory_space<vmem>>, vector<1x16xf32>,
      %get3A_1003 = vector.shape_cast %get3A_1002 : vector<1x16xf32> to vector<16xf32>
      %get3A_1004 = arith.index_cast %add3A_967 : i32 to index
      %get3A_1005 = arith.constant 32 : index
      %get3A_1006 = tpu.vector_load %arg15[%get3A_1004, %get3A_1005] {strides = array<i32>} : memref<128x128xf32, #tpu.memory_space<vmem>>, vector<1x16xf32>,
      %get3A_1007 = vector.shape_cast %get3A_1006 : vector<1x16xf32> to vector<16xf32>
      %get3A_1008 = arith.index_cast %add3A_967 : i32 to index
      %get3A_1009 = arith.constant 32 : index
      %get3A_1010 = tpu.vector_load %arg16[%get3A_1008, %get3A_1009] {strides = array<i32>} : memref<128x128xf32, #tpu.memory_space<vmem>>, vector<1x16xf32>,
      %get3A_1011 = vector.shape_cast %get3A_1010 : vector<1x16xf32> to vector<16xf32>
      %sub3A_1012 = arith.subf %get3A_1011, %get3A_1007 : vector<16xf32>
      %mul3A_1013 = arith.mulf %get3A_1003, %sub3A_1012 : vector<16xf32>
      %add3A_1014 = arith.addf %add3A_999, %mul3A_1013 : vector<16xf32>
      %get3A_1015 = arith.index_cast %add3A_967 : i32 to index
      %get3A_1016 = arith.constant 48 : index
      %get3A_1017 = tpu.vector_load %arg14[%get3A_1015, %get3A_1016] {strides = array<i32>} : memref<128x128xf32, #tpu.memory_space<vmem>>, vector<1x16xf32>,
      %get3A_1018 = vector.shape_cast %get3A_1017 : vector<1x16xf32> to vector<16xf32>
      %get3A_1019 = arith.index_cast %add3A_967 : i32 to index
      %get3A_1020 = arith.constant 48 : index
      %get3A_1021 = tpu.vector_load %arg15[%get3A_1019, %get3A_1020] {strides = array<i32>} : memref<128x128xf32, #tpu.memory_space<vmem>>, vector<1x16xf32>,
      %get3A_1022 = vector.shape_cast %get3A_1021 : vector<1x16xf32> to vector<16xf32>
      %get3A_1023 = arith.index_cast %add3A_967 : i32 to index
      %get3A_1024 = arith.constant 48 : index
      %get3A_1025 = tpu.vector_load %arg16[%get3A_1023, %get3A_1024] {strides = array<i32>} : memref<128x128xf32, #tpu.memory_space<vmem>>, vector<1x16xf32>,
      %get3A_1026 = vector.shape_cast %get3A_1025 : vector<1x16xf32> to vector<16xf32>
      %sub3A_1027 = arith.subf %get3A_1026, %get3A_1022 : vector<16xf32>
      %mul3A_1028 = arith.mulf %get3A_1018, %sub3A_1027 : vector<16xf32>
      %add3A_1029 = arith.addf %add3A_1014, %mul3A_1028 : vector<16xf32>
      %get3A_1030 = arith.index_cast %add3A_967 : i32 to index
      %get3A_1031 = arith.constant 64 : index
      %get3A_1032 = tpu.vector_load %arg14[%get3A_1030, %get3A_1031] {strides = array<i32>} : memref<128x128xf32, #tpu.memory_space<vmem>>, vector<1x16xf32>,
      %get3A_1033 = vector.shape_cast %get3A_1032 : vector<1x16xf32> to vector<16xf32>
      %get3A_1034 = arith.index_cast %add3A_967 : i32 to index
      %get3A_1035 = arith.constant 64 : index
      %get3A_1036 = tpu.vector_load %arg15[%get3A_1034, %get3A_1035] {strides = array<i32>} : memref<128x128xf32, #tpu.memory_space<vmem>>, vector<1x16xf32>,
      %get3A_1037 = vector.shape_cast %get3A_1036 : vector<1x16xf32> to vector<16xf32>
      %get3A_1038 = arith.index_cast %add3A_967 : i32 to index
      %get3A_1039 = arith.constant 64 : index
      %get3A_1040 = tpu.vector_load %arg16[%get3A_1038, %get3A_1039] {strides = array<i32>} : memref<128x128xf32, #tpu.memory_space<vmem>>, vector<1x16xf32>,
      %get3A_1041 = vector.shape_cast %get3A_1040 : vector<1x16xf32> to vector<16xf32>
      %sub3A_1042 = arith.subf %get3A_1041, %get3A_1037 : vector<16xf32>
      %mul3A_1043 = arith.mulf %get3A_1033, %sub3A_1042 : vector<16xf32>
      %add3A_1044 = arith.addf %add3A_1029, %mul3A_1043 : vector<16xf32>
      %get3A_1045 = arith.index_cast %add3A_967 : i32 to index
      %get3A_1046 = arith.constant 80 : index
      %get3A_1047 = tpu.vector_load %arg14[%get3A_1045, %get3A_1046] {strides = array<i32>} : memref<128x128xf32, #tpu.memory_space<vmem>>, vector<1x16xf32>,
      %get3A_1048 = vector.shape_cast %get3A_1047 : vector<1x16xf32> to vector<16xf32>
      %get3A_1049 = arith.index_cast %add3A_967 : i32 to index
      %get3A_1050 = arith.constant 80 : index
      %get3A_1051 = tpu.vector_load %arg15[%get3A_1049, %get3A_1050] {strides = array<i32>} : memref<128x128xf32, #tpu.memory_space<vmem>>, vector<1x16xf32>,
      %get3A_1052 = vector.shape_cast %get3A_1051 : vector<1x16xf32> to vector<16xf32>
      %get3A_1053 = arith.index_cast %add3A_967 : i32 to index
      %get3A_1054 = arith.constant 80 : index
      %get3A_1055 = tpu.vector_load %arg16[%get3A_1053, %get3A_1054] {strides = array<i32>} : memref<128x128xf32, #tpu.memory_space<vmem>>, vector<1x16xf32>,
      %get3A_1056 = vector.shape_cast %get3A_1055 : vector<1x16xf32> to vector<16xf32>
      %sub3A_1057 = arith.subf %get3A_1056, %get3A_1052 : vector<16xf32>
      %mul3A_1058 = arith.mulf %get3A_1048, %sub3A_1057 : vector<16xf32>
      %add3A_1059 = arith.addf %add3A_1044, %mul3A_1058 : vector<16xf32>
      %get3A_1060 = arith.index_cast %add3A_967 : i32 to index
      %get3A_1061 = arith.constant 96 : index
      %get3A_1062 = tpu.vector_load %arg14[%get3A_1060, %get3A_1061] {strides = array<i32>} : memref<128x128xf32, #tpu.memory_space<vmem>>, vector<1x16xf32>,
      %get3A_1063 = vector.shape_cast %get3A_1062 : vector<1x16xf32> to vector<16xf32>
      %get3A_1064 = arith.index_cast %add3A_967 : i32 to index
      %get3A_1065 = arith.constant 96 : index
      %get3A_1066 = tpu.vector_load %arg15[%get3A_1064, %get3A_1065] {strides = array<i32>} : memref<128x128xf32, #tpu.memory_space<vmem>>, vector<1x16xf32>,
      %get3A_1067 = vector.shape_cast %get3A_1066 : vector<1x16xf32> to vector<16xf32>
      %get3A_1068 = arith.index_cast %add3A_967 : i32 to index
      %get3A_1069 = arith.constant 96 : index
      %get3A_1070 = tpu.vector_load %arg16[%get3A_1068, %get3A_1069] {strides = array<i32>} : memref<128x128xf32, #tpu.memory_space<vmem>>, vector<1x16xf32>,
      %get3A_1071 = vector.shape_cast %get3A_1070 : vector<1x16xf32> to vector<16xf32>
      %sub3A_1072 = arith.subf %get3A_1071, %get3A_1067 : vector<16xf32>
      %mul3A_1073 = arith.mulf %get3A_1063, %sub3A_1072 : vector<16xf32>
      %add3A_1074 = arith.addf %add3A_1059, %mul3A_1073 : vector<16xf32>
      %get3A_1075 = arith.index_cast %add3A_967 : i32 to index
      %get3A_1076 = arith.constant 112 : index
      %get3A_1077 = tpu.vector_load %arg14[%get3A_1075, %get3A_1076] {strides = array<i32>} : memref<128x128xf32, #tpu.memory_space<vmem>>, vector<1x16xf32>,
      %get3A_1078 = vector.shape_cast %get3A_1077 : vector<1x16xf32> to vector<16xf32>
      %get3A_1079 = arith.index_cast %add3A_967 : i32 to index
      %get3A_1080 = arith.constant 112 : index
      %get3A_1081 = tpu.vector_load %arg15[%get3A_1079, %get3A_1080] {strides = array<i32>} : memref<128x128xf32, #tpu.memory_space<vmem>>, vector<1x16xf32>,
      %get3A_1082 = vector.shape_cast %get3A_1081 : vector<1x16xf32> to vector<16xf32>
      %get3A_1083 = arith.index_cast %add3A_967 : i32 to index
      %get3A_1084 = arith.constant 112 : index
      %get3A_1085 = tpu.vector_load %arg16[%get3A_1083, %get3A_1084] {strides = array<i32>} : memref<128x128xf32, #tpu.memory_space<vmem>>, vector<1x16xf32>,
      %get3A_1086 = vector.shape_cast %get3A_1085 : vector<1x16xf32> to vector<16xf32>
      %sub3A_1087 = arith.subf %get3A_1086, %get3A_1082 : vector<16xf32>
      %mul3A_1088 = arith.mulf %get3A_1078, %sub3A_1087 : vector<16xf32>
      %add3A_1089 = arith.addf %add3A_1074, %mul3A_1088 : vector<16xf32>
      %swap3A_1090 = arith.index_cast %scan3A_180 : i32 to index
      %swap3A_1091 = arith.constant 96 : index
      %swap3A_1092 = tpu.vector_load %arg17[%swap3A_1090, %swap3A_1091] {strides = array<i32>} : memref<16x128xf32, #tpu.memory_space<vmem>>, vector<1x16xf32>,
      %swap3A_1093 = vector.shape_cast %swap3A_1092 : vector<1x16xf32> to vector<16xf32>
      %swap3A_1094 = vector.shape_cast %add3A_1089 : vector<16xf32> to vector<1x16xf32>
      tpu.vector_store %arg17[%swap3A_1090, %swap3A_1091], %swap3A_1094 {strides = array<i32>} : memref<16x128xf32, #tpu.memory_space<vmem>>, vector<1x16xf32>,
      %mul3A_1095 = arith.constant 8 : i32
      %mul3A_1096 = arith.muli %scan3A_180, %mul3A_1095 : i32
      %add3A_1097 = arith.constant 7 : i32
      %add3A_1098 = arith.addi %mul3A_1096, %add3A_1097 : i32
      %broadcast_in_dim3A_1099 = arith.constant 0.000000e+00 : f32
      %broadcast_in_dim3A_1100 = vector.broadcast %broadcast_in_dim3A_1099 : f32 to vector<16xf32>
      %get3A_1101 = arith.index_cast %add3A_1098 : i32 to index
      %get3A_1102 = arith.constant 0 : index
      %get3A_1103 = tpu.vector_load %arg14[%get3A_1101, %get3A_1102] {strides = array<i32>} : memref<128x128xf32, #tpu.memory_space<vmem>>, vector<1x16xf32>,
      %get3A_1104 = vector.shape_cast %get3A_1103 : vector<1x16xf32> to vector<16xf32>
      %get3A_1105 = arith.index_cast %add3A_1098 : i32 to index
      %get3A_1106 = arith.constant 0 : index
      %get3A_1107 = tpu.vector_load %arg15[%get3A_1105, %get3A_1106] {strides = array<i32>} : memref<128x128xf32, #tpu.memory_space<vmem>>, vector<1x16xf32>,
      %get3A_1108 = vector.shape_cast %get3A_1107 : vector<1x16xf32> to vector<16xf32>
      %get3A_1109 = arith.index_cast %add3A_1098 : i32 to index
      %get3A_1110 = arith.constant 0 : index
      %get3A_1111 = tpu.vector_load %arg16[%get3A_1109, %get3A_1110] {strides = array<i32>} : memref<128x128xf32, #tpu.memory_space<vmem>>, vector<1x16xf32>,
      %get3A_1112 = vector.shape_cast %get3A_1111 : vector<1x16xf32> to vector<16xf32>
      %sub3A_1113 = arith.subf %get3A_1112, %get3A_1108 : vector<16xf32>
      %mul3A_1114 = arith.mulf %get3A_1104, %sub3A_1113 : vector<16xf32>
      %add3A_1115 = arith.addf %broadcast_in_dim3A_1100, %mul3A_1114 : vector<16xf32>
      %get3A_1116 = arith.index_cast %add3A_1098 : i32 to index
      %get3A_1117 = arith.constant 16 : index
      %get3A_1118 = tpu.vector_load %arg14[%get3A_1116, %get3A_1117] {strides = array<i32>} : memref<128x128xf32, #tpu.memory_space<vmem>>, vector<1x16xf32>,
      %get3A_1119 = vector.shape_cast %get3A_1118 : vector<1x16xf32> to vector<16xf32>
      %get3A_1120 = arith.index_cast %add3A_1098 : i32 to index
      %get3A_1121 = arith.constant 16 : index
      %get3A_1122 = tpu.vector_load %arg15[%get3A_1120, %get3A_1121] {strides = array<i32>} : memref<128x128xf32, #tpu.memory_space<vmem>>, vector<1x16xf32>,
      %get3A_1123 = vector.shape_cast %get3A_1122 : vector<1x16xf32> to vector<16xf32>
      %get3A_1124 = arith.index_cast %add3A_1098 : i32 to index
      %get3A_1125 = arith.constant 16 : index
      %get3A_1126 = tpu.vector_load %arg16[%get3A_1124, %get3A_1125] {strides = array<i32>} : memref<128x128xf32, #tpu.memory_space<vmem>>, vector<1x16xf32>,
      %get3A_1127 = vector.shape_cast %get3A_1126 : vector<1x16xf32> to vector<16xf32>
      %sub3A_1128 = arith.subf %get3A_1127, %get3A_1123 : vector<16xf32>
      %mul3A_1129 = arith.mulf %get3A_1119, %sub3A_1128 : vector<16xf32>
      %add3A_1130 = arith.addf %add3A_1115, %mul3A_1129 : vector<16xf32>
      %get3A_1131 = arith.index_cast %add3A_1098 : i32 to index
      %get3A_1132 = arith.constant 32 : index
      %get3A_1133 = tpu.vector_load %arg14[%get3A_1131, %get3A_1132] {strides = array<i32>} : memref<128x128xf32, #tpu.memory_space<vmem>>, vector<1x16xf32>,
      %get3A_1134 = vector.shape_cast %get3A_1133 : vector<1x16xf32> to vector<16xf32>
      %get3A_1135 = arith.index_cast %add3A_1098 : i32 to index
      %get3A_1136 = arith.constant 32 : index
      %get3A_1137 = tpu.vector_load %arg15[%get3A_1135, %get3A_1136] {strides = array<i32>} : memref<128x128xf32, #tpu.memory_space<vmem>>, vector<1x16xf32>,
      %get3A_1138 = vector.shape_cast %get3A_1137 : vector<1x16xf32> to vector<16xf32>
      %get3A_1139 = arith.index_cast %add3A_1098 : i32 to index
      %get3A_1140 = arith.constant 32 : index
      %get3A_1141 = tpu.vector_load %arg16[%get3A_1139, %get3A_1140] {strides = array<i32>} : memref<128x128xf32, #tpu.memory_space<vmem>>, vector<1x16xf32>,
      %get3A_1142 = vector.shape_cast %get3A_1141 : vector<1x16xf32> to vector<16xf32>
      %sub3A_1143 = arith.subf %get3A_1142, %get3A_1138 : vector<16xf32>
      %mul3A_1144 = arith.mulf %get3A_1134, %sub3A_1143 : vector<16xf32>
      %add3A_1145 = arith.addf %add3A_1130, %mul3A_1144 : vector<16xf32>
      %get3A_1146 = arith.index_cast %add3A_1098 : i32 to index
      %get3A_1147 = arith.constant 48 : index
      %get3A_1148 = tpu.vector_load %arg14[%get3A_1146, %get3A_1147] {strides = array<i32>} : memref<128x128xf32, #tpu.memory_space<vmem>>, vector<1x16xf32>,
      %get3A_1149 = vector.shape_cast %get3A_1148 : vector<1x16xf32> to vector<16xf32>
      %get3A_1150 = arith.index_cast %add3A_1098 : i32 to index
      %get3A_1151 = arith.constant 48 : index
      %get3A_1152 = tpu.vector_load %arg15[%get3A_1150, %get3A_1151] {strides = array<i32>} : memref<128x128xf32, #tpu.memory_space<vmem>>, vector<1x16xf32>,
      %get3A_1153 = vector.shape_cast %get3A_1152 : vector<1x16xf32> to vector<16xf32>
      %get3A_1154 = arith.index_cast %add3A_1098 : i32 to index
      %get3A_1155 = arith.constant 48 : index
      %get3A_1156 = tpu.vector_load %arg16[%get3A_1154, %get3A_1155] {strides = array<i32>} : memref<128x128xf32, #tpu.memory_space<vmem>>, vector<1x16xf32>,
      %get3A_1157 = vector.shape_cast %get3A_1156 : vector<1x16xf32> to vector<16xf32>
      %sub3A_1158 = arith.subf %get3A_1157, %get3A_1153 : vector<16xf32>
      %mul3A_1159 = arith.mulf %get3A_1149, %sub3A_1158 : vector<16xf32>
      %add3A_1160 = arith.addf %add3A_1145, %mul3A_1159 : vector<16xf32>
      %get3A_1161 = arith.index_cast %add3A_1098 : i32 to index
      %get3A_1162 = arith.constant 64 : index
      %get3A_1163 = tpu.vector_load %arg14[%get3A_1161, %get3A_1162] {strides = array<i32>} : memref<128x128xf32, #tpu.memory_space<vmem>>, vector<1x16xf32>,
      %get3A_1164 = vector.shape_cast %get3A_1163 : vector<1x16xf32> to vector<16xf32>
      %get3A_1165 = arith.index_cast %add3A_1098 : i32 to index
      %get3A_1166 = arith.constant 64 : index
      %get3A_1167 = tpu.vector_load %arg15[%get3A_1165, %get3A_1166] {strides = array<i32>} : memref<128x128xf32, #tpu.memory_space<vmem>>, vector<1x16xf32>,
      %get3A_1168 = vector.shape_cast %get3A_1167 : vector<1x16xf32> to vector<16xf32>
      %get3A_1169 = arith.index_cast %add3A_1098 : i32 to index
      %get3A_1170 = arith.constant 64 : index
      %get3A_1171 = tpu.vector_load %arg16[%get3A_1169, %get3A_1170] {strides = array<i32>} : memref<128x128xf32, #tpu.memory_space<vmem>>, vector<1x16xf32>,
      %get3A_1172 = vector.shape_cast %get3A_1171 : vector<1x16xf32> to vector<16xf32>
      %sub3A_1173 = arith.subf %get3A_1172, %get3A_1168 : vector<16xf32>
      %mul3A_1174 = arith.mulf %get3A_1164, %sub3A_1173 : vector<16xf32>
      %add3A_1175 = arith.addf %add3A_1160, %mul3A_1174 : vector<16xf32>
      %get3A_1176 = arith.index_cast %add3A_1098 : i32 to index
      %get3A_1177 = arith.constant 80 : index
      %get3A_1178 = tpu.vector_load %arg14[%get3A_1176, %get3A_1177] {strides = array<i32>} : memref<128x128xf32, #tpu.memory_space<vmem>>, vector<1x16xf32>,
      %get3A_1179 = vector.shape_cast %get3A_1178 : vector<1x16xf32> to vector<16xf32>
      %get3A_1180 = arith.index_cast %add3A_1098 : i32 to index
      %get3A_1181 = arith.constant 80 : index
      %get3A_1182 = tpu.vector_load %arg15[%get3A_1180, %get3A_1181] {strides = array<i32>} : memref<128x128xf32, #tpu.memory_space<vmem>>, vector<1x16xf32>,
      %get3A_1183 = vector.shape_cast %get3A_1182 : vector<1x16xf32> to vector<16xf32>
      %get3A_1184 = arith.index_cast %add3A_1098 : i32 to index
      %get3A_1185 = arith.constant 80 : index
      %get3A_1186 = tpu.vector_load %arg16[%get3A_1184, %get3A_1185] {strides = array<i32>} : memref<128x128xf32, #tpu.memory_space<vmem>>, vector<1x16xf32>,
      %get3A_1187 = vector.shape_cast %get3A_1186 : vector<1x16xf32> to vector<16xf32>
      %sub3A_1188 = arith.subf %get3A_1187, %get3A_1183 : vector<16xf32>
      %mul3A_1189 = arith.mulf %get3A_1179, %sub3A_1188 : vector<16xf32>
      %add3A_1190 = arith.addf %add3A_1175, %mul3A_1189 : vector<16xf32>
      %get3A_1191 = arith.index_cast %add3A_1098 : i32 to index
      %get3A_1192 = arith.constant 96 : index
      %get3A_1193 = tpu.vector_load %arg14[%get3A_1191, %get3A_1192] {strides = array<i32>} : memref<128x128xf32, #tpu.memory_space<vmem>>, vector<1x16xf32>,
      %get3A_1194 = vector.shape_cast %get3A_1193 : vector<1x16xf32> to vector<16xf32>
      %get3A_1195 = arith.index_cast %add3A_1098 : i32 to index
      %get3A_1196 = arith.constant 96 : index
      %get3A_1197 = tpu.vector_load %arg15[%get3A_1195, %get3A_1196] {strides = array<i32>} : memref<128x128xf32, #tpu.memory_space<vmem>>, vector<1x16xf32>,
      %get3A_1198 = vector.shape_cast %get3A_1197 : vector<1x16xf32> to vector<16xf32>
      %get3A_1199 = arith.index_cast %add3A_1098 : i32 to index
      %get3A_1200 = arith.constant 96 : index
      %get3A_1201 = tpu.vector_load %arg16[%get3A_1199, %get3A_1200] {strides = array<i32>} : memref<128x128xf32, #tpu.memory_space<vmem>>, vector<1x16xf32>,
      %get3A_1202 = vector.shape_cast %get3A_1201 : vector<1x16xf32> to vector<16xf32>
      %sub3A_1203 = arith.subf %get3A_1202, %get3A_1198 : vector<16xf32>
      %mul3A_1204 = arith.mulf %get3A_1194, %sub3A_1203 : vector<16xf32>
      %add3A_1205 = arith.addf %add3A_1190, %mul3A_1204 : vector<16xf32>
      %get3A_1206 = arith.index_cast %add3A_1098 : i32 to index
      %get3A_1207 = arith.constant 112 : index
      %get3A_1208 = tpu.vector_load %arg14[%get3A_1206, %get3A_1207] {strides = array<i32>} : memref<128x128xf32, #tpu.memory_space<vmem>>, vector<1x16xf32>,
      %get3A_1209 = vector.shape_cast %get3A_1208 : vector<1x16xf32> to vector<16xf32>
      %get3A_1210 = arith.index_cast %add3A_1098 : i32 to index
      %get3A_1211 = arith.constant 112 : index
      %get3A_1212 = tpu.vector_load %arg15[%get3A_1210, %get3A_1211] {strides = array<i32>} : memref<128x128xf32, #tpu.memory_space<vmem>>, vector<1x16xf32>,
      %get3A_1213 = vector.shape_cast %get3A_1212 : vector<1x16xf32> to vector<16xf32>
      %get3A_1214 = arith.index_cast %add3A_1098 : i32 to index
      %get3A_1215 = arith.constant 112 : index
      %get3A_1216 = tpu.vector_load %arg16[%get3A_1214, %get3A_1215] {strides = array<i32>} : memref<128x128xf32, #tpu.memory_space<vmem>>, vector<1x16xf32>,
      %get3A_1217 = vector.shape_cast %get3A_1216 : vector<1x16xf32> to vector<16xf32>
      %sub3A_1218 = arith.subf %get3A_1217, %get3A_1213 : vector<16xf32>
      %mul3A_1219 = arith.mulf %get3A_1209, %sub3A_1218 : vector<16xf32>
      %add3A_1220 = arith.addf %add3A_1205, %mul3A_1219 : vector<16xf32>
      %swap3A_1221 = arith.index_cast %scan3A_180 : i32 to index
      %swap3A_1222 = arith.constant 112 : index
      %swap3A_1223 = tpu.vector_load %arg17[%swap3A_1221, %swap3A_1222] {strides = array<i32>} : memref<16x128xf32, #tpu.memory_space<vmem>>, vector<1x16xf32>,
      %swap3A_1224 = vector.shape_cast %swap3A_1223 : vector<1x16xf32> to vector<16xf32>
      %swap3A_1225 = vector.shape_cast %add3A_1220 : vector<16xf32> to vector<1x16xf32>
      tpu.vector_store %arg17[%swap3A_1221, %swap3A_1222], %swap3A_1225 {strides = array<i32>} : memref<16x128xf32, #tpu.memory_space<vmem>>, vector<1x16xf32>,
      %scan3A_1226 = arith.constant 0 : i32
      scf.yield %scan3A_1226 : i32
    }
    %scan3A_105 = arith.constant 16 : i32
    %mul3A_106 = arith.constant 64 : i32
    %mul3A_107 = arith.muli %add3A, %mul3A_106 : i32
    %add3A_108 = arith.constant 16 : i32
    %add3A_109 = arith.addi %mul3A_107, %add3A_108 : i32
    %multiple_of3A_110 = tpu.assume_multiple %add3A_109, 8 : i32
    "tpu.region"() ({
      %run_scoped3A = tpu.sem_alloc : memref<!tpu.dma_semaphore, #tpu.memory_space<semaphore_mem>>
      %dma_start3A_180 = arith.constant 0 : i32
      %dma_start3A_181 = tpu.memref_slice %arg7[%multiple_of3A_110, %dma_start3A_180] : memref<2048x128xf32, #tpu.memory_space<hbm>> -> memref<16x128xf32, #tpu.memory_space<hbm>>
      %dma_start3A_182 = arith.constant 0 : i32
      %dma_start3A_183 = tpu.memref_slice %arg7[%multiple_of3A_110, %dma_start3A_182] : memref<2048x128xf32, #tpu.memory_space<hbm>> -> memref<16x128xf32, #tpu.memory_space<hbm>>
      tpu.enqueue_dma source(%arg17 : memref<16x128xf32, #tpu.memory_space<vmem>>) target(%dma_start3A_183 : memref<16x128xf32, #tpu.memory_space<hbm>>) target_semaphore(%run_scoped3A : memref<!tpu.dma_semaphore, #tpu.memory_space<semaphore_mem>>)
      %dma_wait3A_184 = arith.constant 0 : i32
      %dma_wait3A_185 = tpu.memref_slice %arg7[%multiple_of3A_110, %dma_wait3A_184] : memref<2048x128xf32, #tpu.memory_space<hbm>> -> memref<16x128xf32, #tpu.memory_space<hbm>>
      %dma_wait3A_186 = arith.constant 0 : i32
      %dma_wait3A_187 = tpu.memref_slice %arg7[%multiple_of3A_110, %dma_wait3A_186] : memref<2048x128xf32, #tpu.memory_space<hbm>> -> memref<16x128xf32, #tpu.memory_space<hbm>>
      tpu.wait_dma2 semaphore(%run_scoped3A : memref<!tpu.dma_semaphore, #tpu.memory_space<semaphore_mem>>) src(%arg17 : memref<16x128xf32, #tpu.memory_space<vmem>>) dst(%dma_wait3A_187 : memref<16x128xf32, #tpu.memory_space<hbm>>)
      tpu.yield
    }) : () -> ()
    %dma_start3A_111 = arith.constant 384 : i32
    %dma_start3A_112 = tpu.memref_slice %arg8[%dma_start3A_111] : memref<512xi32, #tpu.memory_space<vmem>> -> memref<128xi32, #tpu.memory_space<vmem>>
    %dma_start3A_113 = arith.constant 0 : i32
    %dma_start3A_114 = arith.constant 0 : i32
    %dma_start3A_115 = tpu.memref_slice %arg2[%dma_start3A_113, %dma_start3A_114] : memref<1000000x128xf32, #tpu.memory_space<hbm>> -> memref<1000000x128xf32, #tpu.memory_space<hbm>>
    tpu.enqueue_indirect_dma source(%dma_start3A_115 : memref<1000000x128xf32, #tpu.memory_space<hbm>>) target(%arg14 : memref<128x128xf32, #tpu.memory_space<vmem>>) offsets(%dma_start3A_112 : memref<128xi32, #tpu.memory_space<vmem>>) semaphore(%arg19 : memref<!tpu.dma_semaphore, #tpu.memory_space<semaphore_mem>>)
    %dma_start3A_116 = arith.constant 384 : i32
    %dma_start3A_117 = tpu.memref_slice %arg9[%dma_start3A_116] : memref<512xi32, #tpu.memory_space<vmem>> -> memref<128xi32, #tpu.memory_space<vmem>>
    %dma_start3A_118 = arith.constant 0 : i32
    %dma_start3A_119 = arith.constant 0 : i32
    %dma_start3A_120 = tpu.memref_slice %arg3[%dma_start3A_118, %dma_start3A_119] : memref<1000000x128xf32, #tpu.memory_space<hbm>> -> memref<1000000x128xf32, #tpu.memory_space<hbm>>
    tpu.enqueue_indirect_dma source(%dma_start3A_120 : memref<1000000x128xf32, #tpu.memory_space<hbm>>) target(%arg15 : memref<128x128xf32, #tpu.memory_space<vmem>>) offsets(%dma_start3A_117 : memref<128xi32, #tpu.memory_space<vmem>>) semaphore(%arg19 : memref<!tpu.dma_semaphore, #tpu.memory_space<semaphore_mem>>)
    %dma_start3A_121 = arith.constant 384 : i32
    %dma_start3A_122 = tpu.memref_slice %arg10[%dma_start3A_121] : memref<512xi32, #tpu.memory_space<vmem>> -> memref<128xi32, #tpu.memory_space<vmem>>
    %dma_start3A_123 = arith.constant 0 : i32
    %dma_start3A_124 = arith.constant 0 : i32
    %dma_start3A_125 = tpu.memref_slice %arg3[%dma_start3A_123, %dma_start3A_124] : memref<1000000x128xf32, #tpu.memory_space<hbm>> -> memref<1000000x128xf32, #tpu.memory_space<hbm>>
    tpu.enqueue_indirect_dma source(%dma_start3A_125 : memref<1000000x128xf32, #tpu.memory_space<hbm>>) target(%arg16 : memref<128x128xf32, #tpu.memory_space<vmem>>) offsets(%dma_start3A_122 : memref<128xi32, #tpu.memory_space<vmem>>) semaphore(%arg19 : memref<!tpu.dma_semaphore, #tpu.memory_space<semaphore_mem>>)
    %dma_wait3A_126 = arith.constant 256 : i32
    %dma_wait3A_127 = tpu.memref_slice %arg8[%dma_wait3A_126] : memref<512xi32, #tpu.memory_space<vmem>> -> memref<128xi32, #tpu.memory_space<vmem>>
    %dma_wait3A_128 = arith.constant 0 : i32
    %dma_wait3A_129 = arith.constant 0 : i32
    %dma_wait3A_130 = tpu.memref_slice %arg2[%dma_wait3A_128, %dma_wait3A_129] : memref<1000000x128xf32, #tpu.memory_space<hbm>> -> memref<1000000x128xf32, #tpu.memory_space<hbm>>
    tpu.wait_indirect_dma semaphore(%arg18 : memref<!tpu.dma_semaphore, #tpu.memory_space<semaphore_mem>>) src(%dma_wait3A_130 : memref<1000000x128xf32, #tpu.memory_space<hbm>>) dst(%arg11 : memref<128x128xf32, #tpu.memory_space<vmem>>)
    %dma_wait3A_131 = arith.constant 256 : i32
    %dma_wait3A_132 = tpu.memref_slice %arg9[%dma_wait3A_131] : memref<512xi32, #tpu.memory_space<vmem>> -> memref<128xi32, #tpu.memory_space<vmem>>
    %dma_wait3A_133 = arith.constant 0 : i32
    %dma_wait3A_134 = arith.constant 0 : i32
    %dma_wait3A_135 = tpu.memref_slice %arg3[%dma_wait3A_133, %dma_wait3A_134] : memref<1000000x128xf32, #tpu.memory_space<hbm>> -> memref<1000000x128xf32, #tpu.memory_space<hbm>>
    tpu.wait_indirect_dma semaphore(%arg18 : memref<!tpu.dma_semaphore, #tpu.memory_space<semaphore_mem>>) src(%dma_wait3A_135 : memref<1000000x128xf32, #tpu.memory_space<hbm>>) dst(%arg12 : memref<128x128xf32, #tpu.memory_space<vmem>>)
    %dma_wait3A_136 = arith.constant 256 : i32
    %dma_wait3A_137 = tpu.memref_slice %arg10[%dma_wait3A_136] : memref<512xi32, #tpu.memory_space<vmem>> -> memref<128xi32, #tpu.memory_space<vmem>>
    %dma_wait3A_138 = arith.constant 0 : i32
    %dma_wait3A_139 = arith.constant 0 : i32
    %dma_wait3A_140 = tpu.memref_slice %arg3[%dma_wait3A_138, %dma_wait3A_139] : memref<1000000x128xf32, #tpu.memory_space<hbm>> -> memref<1000000x128xf32, #tpu.memory_space<hbm>>
    tpu.wait_indirect_dma semaphore(%arg18 : memref<!tpu.dma_semaphore, #tpu.memory_space<semaphore_mem>>) src(%dma_wait3A_140 : memref<1000000x128xf32, #tpu.memory_space<hbm>>) dst(%arg13 : memref<128x128xf32, #tpu.memory_space<vmem>>)
    %scan3A_141 = arith.constant 0 : i32
    %scan3A_142 = arith.constant 0 : i32
    %scan3A_143 = arith.constant 16 : i32
    %scan3A_144 = arith.addi %scan3A_142, %scan3A_143 : i32
    %scan3A_145 = arith.constant 1 : i32
    %scan3A_146 = scf.for %scan3A_180 = %scan3A_142 to %scan3A_144 step %scan3A_145 iter_args(%scan3A_181 = %scan3A_141) -> (i32)  : i32 {
      %mul3A_182 = arith.constant 8 : i32
      %mul3A_183 = arith.muli %scan3A_180, %mul3A_182 : i32
      %add3A_184 = arith.constant 0 : i32
      %add3A_185 = arith.addi %mul3A_183, %add3A_184 : i32
      %broadcast_in_dim3A = arith.constant 0.000000e+00 : f32
      %broadcast_in_dim3A_186 = vector.broadcast %broadcast_in_dim3A : f32 to vector<16xf32>
      %get3A = arith.index_cast %add3A_185 : i32 to index
      %get3A_187 = arith.constant 0 : index
      %get3A_188 = tpu.vector_load %arg11[%get3A, %get3A_187] {strides = array<i32>} : memref<128x128xf32, #tpu.memory_space<vmem>>, vector<1x16xf32>,
      %get3A_189 = vector.shape_cast %get3A_188 : vector<1x16xf32> to vector<16xf32>
      %get3A_190 = arith.index_cast %add3A_185 : i32 to index
      %get3A_191 = arith.constant 0 : index
      %get3A_192 = tpu.vector_load %arg12[%get3A_190, %get3A_191] {strides = array<i32>} : memref<128x128xf32, #tpu.memory_space<vmem>>, vector<1x16xf32>,
      %get3A_193 = vector.shape_cast %get3A_192 : vector<1x16xf32> to vector<16xf32>
      %get3A_194 = arith.index_cast %add3A_185 : i32 to index
      %get3A_195 = arith.constant 0 : index
      %get3A_196 = tpu.vector_load %arg13[%get3A_194, %get3A_195] {strides = array<i32>} : memref<128x128xf32, #tpu.memory_space<vmem>>, vector<1x16xf32>,
      %get3A_197 = vector.shape_cast %get3A_196 : vector<1x16xf32> to vector<16xf32>
      %sub3A = arith.subf %get3A_197, %get3A_193 : vector<16xf32>
      %mul3A_198 = arith.mulf %get3A_189, %sub3A : vector<16xf32>
      %add3A_199 = arith.addf %broadcast_in_dim3A_186, %mul3A_198 : vector<16xf32>
      %get3A_200 = arith.index_cast %add3A_185 : i32 to index
      %get3A_201 = arith.constant 16 : index
      %get3A_202 = tpu.vector_load %arg11[%get3A_200, %get3A_201] {strides = array<i32>} : memref<128x128xf32, #tpu.memory_space<vmem>>, vector<1x16xf32>,
      %get3A_203 = vector.shape_cast %get3A_202 : vector<1x16xf32> to vector<16xf32>
      %get3A_204 = arith.index_cast %add3A_185 : i32 to index
      %get3A_205 = arith.constant 16 : index
      %get3A_206 = tpu.vector_load %arg12[%get3A_204, %get3A_205] {strides = array<i32>} : memref<128x128xf32, #tpu.memory_space<vmem>>, vector<1x16xf32>,
      %get3A_207 = vector.shape_cast %get3A_206 : vector<1x16xf32> to vector<16xf32>
      %get3A_208 = arith.index_cast %add3A_185 : i32 to index
      %get3A_209 = arith.constant 16 : index
      %get3A_210 = tpu.vector_load %arg13[%get3A_208, %get3A_209] {strides = array<i32>} : memref<128x128xf32, #tpu.memory_space<vmem>>, vector<1x16xf32>,
      %get3A_211 = vector.shape_cast %get3A_210 : vector<1x16xf32> to vector<16xf32>
      %sub3A_212 = arith.subf %get3A_211, %get3A_207 : vector<16xf32>
      %mul3A_213 = arith.mulf %get3A_203, %sub3A_212 : vector<16xf32>
      %add3A_214 = arith.addf %add3A_199, %mul3A_213 : vector<16xf32>
      %get3A_215 = arith.index_cast %add3A_185 : i32 to index
      %get3A_216 = arith.constant 32 : index
      %get3A_217 = tpu.vector_load %arg11[%get3A_215, %get3A_216] {strides = array<i32>} : memref<128x128xf32, #tpu.memory_space<vmem>>, vector<1x16xf32>,
      %get3A_218 = vector.shape_cast %get3A_217 : vector<1x16xf32> to vector<16xf32>
      %get3A_219 = arith.index_cast %add3A_185 : i32 to index
      %get3A_220 = arith.constant 32 : index
      %get3A_221 = tpu.vector_load %arg12[%get3A_219, %get3A_220] {strides = array<i32>} : memref<128x128xf32, #tpu.memory_space<vmem>>, vector<1x16xf32>,
      %get3A_222 = vector.shape_cast %get3A_221 : vector<1x16xf32> to vector<16xf32>
      %get3A_223 = arith.index_cast %add3A_185 : i32 to index
      %get3A_224 = arith.constant 32 : index
      %get3A_225 = tpu.vector_load %arg13[%get3A_223, %get3A_224] {strides = array<i32>} : memref<128x128xf32, #tpu.memory_space<vmem>>, vector<1x16xf32>,
      %get3A_226 = vector.shape_cast %get3A_225 : vector<1x16xf32> to vector<16xf32>
      %sub3A_227 = arith.subf %get3A_226, %get3A_222 : vector<16xf32>
      %mul3A_228 = arith.mulf %get3A_218, %sub3A_227 : vector<16xf32>
      %add3A_229 = arith.addf %add3A_214, %mul3A_228 : vector<16xf32>
      %get3A_230 = arith.index_cast %add3A_185 : i32 to index
      %get3A_231 = arith.constant 48 : index
      %get3A_232 = tpu.vector_load %arg11[%get3A_230, %get3A_231] {strides = array<i32>} : memref<128x128xf32, #tpu.memory_space<vmem>>, vector<1x16xf32>,
      %get3A_233 = vector.shape_cast %get3A_232 : vector<1x16xf32> to vector<16xf32>
      %get3A_234 = arith.index_cast %add3A_185 : i32 to index
      %get3A_235 = arith.constant 48 : index
      %get3A_236 = tpu.vector_load %arg12[%get3A_234, %get3A_235] {strides = array<i32>} : memref<128x128xf32, #tpu.memory_space<vmem>>, vector<1x16xf32>,
      %get3A_237 = vector.shape_cast %get3A_236 : vector<1x16xf32> to vector<16xf32>
      %get3A_238 = arith.index_cast %add3A_185 : i32 to index
      %get3A_239 = arith.constant 48 : index
      %get3A_240 = tpu.vector_load %arg13[%get3A_238, %get3A_239] {strides = array<i32>} : memref<128x128xf32, #tpu.memory_space<vmem>>, vector<1x16xf32>,
      %get3A_241 = vector.shape_cast %get3A_240 : vector<1x16xf32> to vector<16xf32>
      %sub3A_242 = arith.subf %get3A_241, %get3A_237 : vector<16xf32>
      %mul3A_243 = arith.mulf %get3A_233, %sub3A_242 : vector<16xf32>
      %add3A_244 = arith.addf %add3A_229, %mul3A_243 : vector<16xf32>
      %get3A_245 = arith.index_cast %add3A_185 : i32 to index
      %get3A_246 = arith.constant 64 : index
      %get3A_247 = tpu.vector_load %arg11[%get3A_245, %get3A_246] {strides = array<i32>} : memref<128x128xf32, #tpu.memory_space<vmem>>, vector<1x16xf32>,
      %get3A_248 = vector.shape_cast %get3A_247 : vector<1x16xf32> to vector<16xf32>
      %get3A_249 = arith.index_cast %add3A_185 : i32 to index
      %get3A_250 = arith.constant 64 : index
      %get3A_251 = tpu.vector_load %arg12[%get3A_249, %get3A_250] {strides = array<i32>} : memref<128x128xf32, #tpu.memory_space<vmem>>, vector<1x16xf32>,
      %get3A_252 = vector.shape_cast %get3A_251 : vector<1x16xf32> to vector<16xf32>
      %get3A_253 = arith.index_cast %add3A_185 : i32 to index
      %get3A_254 = arith.constant 64 : index
      %get3A_255 = tpu.vector_load %arg13[%get3A_253, %get3A_254] {strides = array<i32>} : memref<128x128xf32, #tpu.memory_space<vmem>>, vector<1x16xf32>,
      %get3A_256 = vector.shape_cast %get3A_255 : vector<1x16xf32> to vector<16xf32>
      %sub3A_257 = arith.subf %get3A_256, %get3A_252 : vector<16xf32>
      %mul3A_258 = arith.mulf %get3A_248, %sub3A_257 : vector<16xf32>
      %add3A_259 = arith.addf %add3A_244, %mul3A_258 : vector<16xf32>
      %get3A_260 = arith.index_cast %add3A_185 : i32 to index
      %get3A_261 = arith.constant 80 : index
      %get3A_262 = tpu.vector_load %arg11[%get3A_260, %get3A_261] {strides = array<i32>} : memref<128x128xf32, #tpu.memory_space<vmem>>, vector<1x16xf32>,
      %get3A_263 = vector.shape_cast %get3A_262 : vector<1x16xf32> to vector<16xf32>
      %get3A_264 = arith.index_cast %add3A_185 : i32 to index
      %get3A_265 = arith.constant 80 : index
      %get3A_266 = tpu.vector_load %arg12[%get3A_264, %get3A_265] {strides = array<i32>} : memref<128x128xf32, #tpu.memory_space<vmem>>, vector<1x16xf32>,
      %get3A_267 = vector.shape_cast %get3A_266 : vector<1x16xf32> to vector<16xf32>
      %get3A_268 = arith.index_cast %add3A_185 : i32 to index
      %get3A_269 = arith.constant 80 : index
      %get3A_270 = tpu.vector_load %arg13[%get3A_268, %get3A_269] {strides = array<i32>} : memref<128x128xf32, #tpu.memory_space<vmem>>, vector<1x16xf32>,
      %get3A_271 = vector.shape_cast %get3A_270 : vector<1x16xf32> to vector<16xf32>
      %sub3A_272 = arith.subf %get3A_271, %get3A_267 : vector<16xf32>
      %mul3A_273 = arith.mulf %get3A_263, %sub3A_272 : vector<16xf32>
      %add3A_274 = arith.addf %add3A_259, %mul3A_273 : vector<16xf32>
      %get3A_275 = arith.index_cast %add3A_185 : i32 to index
      %get3A_276 = arith.constant 96 : index
      %get3A_277 = tpu.vector_load %arg11[%get3A_275, %get3A_276] {strides = array<i32>} : memref<128x128xf32, #tpu.memory_space<vmem>>, vector<1x16xf32>,
      %get3A_278 = vector.shape_cast %get3A_277 : vector<1x16xf32> to vector<16xf32>
      %get3A_279 = arith.index_cast %add3A_185 : i32 to index
      %get3A_280 = arith.constant 96 : index
      %get3A_281 = tpu.vector_load %arg12[%get3A_279, %get3A_280] {strides = array<i32>} : memref<128x128xf32, #tpu.memory_space<vmem>>, vector<1x16xf32>,
      %get3A_282 = vector.shape_cast %get3A_281 : vector<1x16xf32> to vector<16xf32>
      %get3A_283 = arith.index_cast %add3A_185 : i32 to index
      %get3A_284 = arith.constant 96 : index
      %get3A_285 = tpu.vector_load %arg13[%get3A_283, %get3A_284] {strides = array<i32>} : memref<128x128xf32, #tpu.memory_space<vmem>>, vector<1x16xf32>,
      %get3A_286 = vector.shape_cast %get3A_285 : vector<1x16xf32> to vector<16xf32>
      %sub3A_287 = arith.subf %get3A_286, %get3A_282 : vector<16xf32>
      %mul3A_288 = arith.mulf %get3A_278, %sub3A_287 : vector<16xf32>
      %add3A_289 = arith.addf %add3A_274, %mul3A_288 : vector<16xf32>
      %get3A_290 = arith.index_cast %add3A_185 : i32 to index
      %get3A_291 = arith.constant 112 : index
      %get3A_292 = tpu.vector_load %arg11[%get3A_290, %get3A_291] {strides = array<i32>} : memref<128x128xf32, #tpu.memory_space<vmem>>, vector<1x16xf32>,
      %get3A_293 = vector.shape_cast %get3A_292 : vector<1x16xf32> to vector<16xf32>
      %get3A_294 = arith.index_cast %add3A_185 : i32 to index
      %get3A_295 = arith.constant 112 : index
      %get3A_296 = tpu.vector_load %arg12[%get3A_294, %get3A_295] {strides = array<i32>} : memref<128x128xf32, #tpu.memory_space<vmem>>, vector<1x16xf32>,
      %get3A_297 = vector.shape_cast %get3A_296 : vector<1x16xf32> to vector<16xf32>
      %get3A_298 = arith.index_cast %add3A_185 : i32 to index
      %get3A_299 = arith.constant 112 : index
      %get3A_300 = tpu.vector_load %arg13[%get3A_298, %get3A_299] {strides = array<i32>} : memref<128x128xf32, #tpu.memory_space<vmem>>, vector<1x16xf32>,
      %get3A_301 = vector.shape_cast %get3A_300 : vector<1x16xf32> to vector<16xf32>
      %sub3A_302 = arith.subf %get3A_301, %get3A_297 : vector<16xf32>
      %mul3A_303 = arith.mulf %get3A_293, %sub3A_302 : vector<16xf32>
      %add3A_304 = arith.addf %add3A_289, %mul3A_303 : vector<16xf32>
      %swap3A = arith.index_cast %scan3A_180 : i32 to index
      %swap3A_305 = arith.constant 0 : index
      %swap3A_306 = tpu.vector_load %arg17[%swap3A, %swap3A_305] {strides = array<i32>} : memref<16x128xf32, #tpu.memory_space<vmem>>, vector<1x16xf32>,
      %swap3A_307 = vector.shape_cast %swap3A_306 : vector<1x16xf32> to vector<16xf32>
      %swap3A_308 = vector.shape_cast %add3A_304 : vector<16xf32> to vector<1x16xf32>
      tpu.vector_store %arg17[%swap3A, %swap3A_305], %swap3A_308 {strides = array<i32>} : memref<16x128xf32, #tpu.memory_space<vmem>>, vector<1x16xf32>,
      %mul3A_309 = arith.constant 8 : i32
      %mul3A_310 = arith.muli %scan3A_180, %mul3A_309 : i32
      %add3A_311 = arith.constant 1 : i32
      %add3A_312 = arith.addi %mul3A_310, %add3A_311 : i32
      %broadcast_in_dim3A_313 = arith.constant 0.000000e+00 : f32
      %broadcast_in_dim3A_314 = vector.broadcast %broadcast_in_dim3A_313 : f32 to vector<16xf32>
      %get3A_315 = arith.index_cast %add3A_312 : i32 to index
      %get3A_316 = arith.constant 0 : index
      %get3A_317 = tpu.vector_load %arg11[%get3A_315, %get3A_316] {strides = array<i32>} : memref<128x128xf32, #tpu.memory_space<vmem>>, vector<1x16xf32>,
      %get3A_318 = vector.shape_cast %get3A_317 : vector<1x16xf32> to vector<16xf32>
      %get3A_319 = arith.index_cast %add3A_312 : i32 to index
      %get3A_320 = arith.constant 0 : index
      %get3A_321 = tpu.vector_load %arg12[%get3A_319, %get3A_320] {strides = array<i32>} : memref<128x128xf32, #tpu.memory_space<vmem>>, vector<1x16xf32>,
      %get3A_322 = vector.shape_cast %get3A_321 : vector<1x16xf32> to vector<16xf32>
      %get3A_323 = arith.index_cast %add3A_312 : i32 to index
      %get3A_324 = arith.constant 0 : index
      %get3A_325 = tpu.vector_load %arg13[%get3A_323, %get3A_324] {strides = array<i32>} : memref<128x128xf32, #tpu.memory_space<vmem>>, vector<1x16xf32>,
      %get3A_326 = vector.shape_cast %get3A_325 : vector<1x16xf32> to vector<16xf32>
      %sub3A_327 = arith.subf %get3A_326, %get3A_322 : vector<16xf32>
      %mul3A_328 = arith.mulf %get3A_318, %sub3A_327 : vector<16xf32>
      %add3A_329 = arith.addf %broadcast_in_dim3A_314, %mul3A_328 : vector<16xf32>
      %get3A_330 = arith.index_cast %add3A_312 : i32 to index
      %get3A_331 = arith.constant 16 : index
      %get3A_332 = tpu.vector_load %arg11[%get3A_330, %get3A_331] {strides = array<i32>} : memref<128x128xf32, #tpu.memory_space<vmem>>, vector<1x16xf32>,
      %get3A_333 = vector.shape_cast %get3A_332 : vector<1x16xf32> to vector<16xf32>
      %get3A_334 = arith.index_cast %add3A_312 : i32 to index
      %get3A_335 = arith.constant 16 : index
      %get3A_336 = tpu.vector_load %arg12[%get3A_334, %get3A_335] {strides = array<i32>} : memref<128x128xf32, #tpu.memory_space<vmem>>, vector<1x16xf32>,
      %get3A_337 = vector.shape_cast %get3A_336 : vector<1x16xf32> to vector<16xf32>
      %get3A_338 = arith.index_cast %add3A_312 : i32 to index
      %get3A_339 = arith.constant 16 : index
      %get3A_340 = tpu.vector_load %arg13[%get3A_338, %get3A_339] {strides = array<i32>} : memref<128x128xf32, #tpu.memory_space<vmem>>, vector<1x16xf32>,
      %get3A_341 = vector.shape_cast %get3A_340 : vector<1x16xf32> to vector<16xf32>
      %sub3A_342 = arith.subf %get3A_341, %get3A_337 : vector<16xf32>
      %mul3A_343 = arith.mulf %get3A_333, %sub3A_342 : vector<16xf32>
      %add3A_344 = arith.addf %add3A_329, %mul3A_343 : vector<16xf32>
      %get3A_345 = arith.index_cast %add3A_312 : i32 to index
      %get3A_346 = arith.constant 32 : index
      %get3A_347 = tpu.vector_load %arg11[%get3A_345, %get3A_346] {strides = array<i32>} : memref<128x128xf32, #tpu.memory_space<vmem>>, vector<1x16xf32>,
      %get3A_348 = vector.shape_cast %get3A_347 : vector<1x16xf32> to vector<16xf32>
      %get3A_349 = arith.index_cast %add3A_312 : i32 to index
      %get3A_350 = arith.constant 32 : index
      %get3A_351 = tpu.vector_load %arg12[%get3A_349, %get3A_350] {strides = array<i32>} : memref<128x128xf32, #tpu.memory_space<vmem>>, vector<1x16xf32>,
      %get3A_352 = vector.shape_cast %get3A_351 : vector<1x16xf32> to vector<16xf32>
      %get3A_353 = arith.index_cast %add3A_312 : i32 to index
      %get3A_354 = arith.constant 32 : index
      %get3A_355 = tpu.vector_load %arg13[%get3A_353, %get3A_354] {strides = array<i32>} : memref<128x128xf32, #tpu.memory_space<vmem>>, vector<1x16xf32>,
      %get3A_356 = vector.shape_cast %get3A_355 : vector<1x16xf32> to vector<16xf32>
      %sub3A_357 = arith.subf %get3A_356, %get3A_352 : vector<16xf32>
      %mul3A_358 = arith.mulf %get3A_348, %sub3A_357 : vector<16xf32>
      %add3A_359 = arith.addf %add3A_344, %mul3A_358 : vector<16xf32>
      %get3A_360 = arith.index_cast %add3A_312 : i32 to index
      %get3A_361 = arith.constant 48 : index
      %get3A_362 = tpu.vector_load %arg11[%get3A_360, %get3A_361] {strides = array<i32>} : memref<128x128xf32, #tpu.memory_space<vmem>>, vector<1x16xf32>,
      %get3A_363 = vector.shape_cast %get3A_362 : vector<1x16xf32> to vector<16xf32>
      %get3A_364 = arith.index_cast %add3A_312 : i32 to index
      %get3A_365 = arith.constant 48 : index
      %get3A_366 = tpu.vector_load %arg12[%get3A_364, %get3A_365] {strides = array<i32>} : memref<128x128xf32, #tpu.memory_space<vmem>>, vector<1x16xf32>,
      %get3A_367 = vector.shape_cast %get3A_366 : vector<1x16xf32> to vector<16xf32>
      %get3A_368 = arith.index_cast %add3A_312 : i32 to index
      %get3A_369 = arith.constant 48 : index
      %get3A_370 = tpu.vector_load %arg13[%get3A_368, %get3A_369] {strides = array<i32>} : memref<128x128xf32, #tpu.memory_space<vmem>>, vector<1x16xf32>,
      %get3A_371 = vector.shape_cast %get3A_370 : vector<1x16xf32> to vector<16xf32>
      %sub3A_372 = arith.subf %get3A_371, %get3A_367 : vector<16xf32>
      %mul3A_373 = arith.mulf %get3A_363, %sub3A_372 : vector<16xf32>
      %add3A_374 = arith.addf %add3A_359, %mul3A_373 : vector<16xf32>
      %get3A_375 = arith.index_cast %add3A_312 : i32 to index
      %get3A_376 = arith.constant 64 : index
      %get3A_377 = tpu.vector_load %arg11[%get3A_375, %get3A_376] {strides = array<i32>} : memref<128x128xf32, #tpu.memory_space<vmem>>, vector<1x16xf32>,
      %get3A_378 = vector.shape_cast %get3A_377 : vector<1x16xf32> to vector<16xf32>
      %get3A_379 = arith.index_cast %add3A_312 : i32 to index
      %get3A_380 = arith.constant 64 : index
      %get3A_381 = tpu.vector_load %arg12[%get3A_379, %get3A_380] {strides = array<i32>} : memref<128x128xf32, #tpu.memory_space<vmem>>, vector<1x16xf32>,
      %get3A_382 = vector.shape_cast %get3A_381 : vector<1x16xf32> to vector<16xf32>
      %get3A_383 = arith.index_cast %add3A_312 : i32 to index
      %get3A_384 = arith.constant 64 : index
      %get3A_385 = tpu.vector_load %arg13[%get3A_383, %get3A_384] {strides = array<i32>} : memref<128x128xf32, #tpu.memory_space<vmem>>, vector<1x16xf32>,
      %get3A_386 = vector.shape_cast %get3A_385 : vector<1x16xf32> to vector<16xf32>
      %sub3A_387 = arith.subf %get3A_386, %get3A_382 : vector<16xf32>
      %mul3A_388 = arith.mulf %get3A_378, %sub3A_387 : vector<16xf32>
      %add3A_389 = arith.addf %add3A_374, %mul3A_388 : vector<16xf32>
      %get3A_390 = arith.index_cast %add3A_312 : i32 to index
      %get3A_391 = arith.constant 80 : index
      %get3A_392 = tpu.vector_load %arg11[%get3A_390, %get3A_391] {strides = array<i32>} : memref<128x128xf32, #tpu.memory_space<vmem>>, vector<1x16xf32>,
      %get3A_393 = vector.shape_cast %get3A_392 : vector<1x16xf32> to vector<16xf32>
      %get3A_394 = arith.index_cast %add3A_312 : i32 to index
      %get3A_395 = arith.constant 80 : index
      %get3A_396 = tpu.vector_load %arg12[%get3A_394, %get3A_395] {strides = array<i32>} : memref<128x128xf32, #tpu.memory_space<vmem>>, vector<1x16xf32>,
      %get3A_397 = vector.shape_cast %get3A_396 : vector<1x16xf32> to vector<16xf32>
      %get3A_398 = arith.index_cast %add3A_312 : i32 to index
      %get3A_399 = arith.constant 80 : index
      %get3A_400 = tpu.vector_load %arg13[%get3A_398, %get3A_399] {strides = array<i32>} : memref<128x128xf32, #tpu.memory_space<vmem>>, vector<1x16xf32>,
      %get3A_401 = vector.shape_cast %get3A_400 : vector<1x16xf32> to vector<16xf32>
      %sub3A_402 = arith.subf %get3A_401, %get3A_397 : vector<16xf32>
      %mul3A_403 = arith.mulf %get3A_393, %sub3A_402 : vector<16xf32>
      %add3A_404 = arith.addf %add3A_389, %mul3A_403 : vector<16xf32>
      %get3A_405 = arith.index_cast %add3A_312 : i32 to index
      %get3A_406 = arith.constant 96 : index
      %get3A_407 = tpu.vector_load %arg11[%get3A_405, %get3A_406] {strides = array<i32>} : memref<128x128xf32, #tpu.memory_space<vmem>>, vector<1x16xf32>,
      %get3A_408 = vector.shape_cast %get3A_407 : vector<1x16xf32> to vector<16xf32>
      %get3A_409 = arith.index_cast %add3A_312 : i32 to index
      %get3A_410 = arith.constant 96 : index
      %get3A_411 = tpu.vector_load %arg12[%get3A_409, %get3A_410] {strides = array<i32>} : memref<128x128xf32, #tpu.memory_space<vmem>>, vector<1x16xf32>,
      %get3A_412 = vector.shape_cast %get3A_411 : vector<1x16xf32> to vector<16xf32>
      %get3A_413 = arith.index_cast %add3A_312 : i32 to index
      %get3A_414 = arith.constant 96 : index
      %get3A_415 = tpu.vector_load %arg13[%get3A_413, %get3A_414] {strides = array<i32>} : memref<128x128xf32, #tpu.memory_space<vmem>>, vector<1x16xf32>,
      %get3A_416 = vector.shape_cast %get3A_415 : vector<1x16xf32> to vector<16xf32>
      %sub3A_417 = arith.subf %get3A_416, %get3A_412 : vector<16xf32>
      %mul3A_418 = arith.mulf %get3A_408, %sub3A_417 : vector<16xf32>
      %add3A_419 = arith.addf %add3A_404, %mul3A_418 : vector<16xf32>
      %get3A_420 = arith.index_cast %add3A_312 : i32 to index
      %get3A_421 = arith.constant 112 : index
      %get3A_422 = tpu.vector_load %arg11[%get3A_420, %get3A_421] {strides = array<i32>} : memref<128x128xf32, #tpu.memory_space<vmem>>, vector<1x16xf32>,
      %get3A_423 = vector.shape_cast %get3A_422 : vector<1x16xf32> to vector<16xf32>
      %get3A_424 = arith.index_cast %add3A_312 : i32 to index
      %get3A_425 = arith.constant 112 : index
      %get3A_426 = tpu.vector_load %arg12[%get3A_424, %get3A_425] {strides = array<i32>} : memref<128x128xf32, #tpu.memory_space<vmem>>, vector<1x16xf32>,
      %get3A_427 = vector.shape_cast %get3A_426 : vector<1x16xf32> to vector<16xf32>
      %get3A_428 = arith.index_cast %add3A_312 : i32 to index
      %get3A_429 = arith.constant 112 : index
      %get3A_430 = tpu.vector_load %arg13[%get3A_428, %get3A_429] {strides = array<i32>} : memref<128x128xf32, #tpu.memory_space<vmem>>, vector<1x16xf32>,
      %get3A_431 = vector.shape_cast %get3A_430 : vector<1x16xf32> to vector<16xf32>
      %sub3A_432 = arith.subf %get3A_431, %get3A_427 : vector<16xf32>
      %mul3A_433 = arith.mulf %get3A_423, %sub3A_432 : vector<16xf32>
      %add3A_434 = arith.addf %add3A_419, %mul3A_433 : vector<16xf32>
      %swap3A_435 = arith.index_cast %scan3A_180 : i32 to index
      %swap3A_436 = arith.constant 16 : index
      %swap3A_437 = tpu.vector_load %arg17[%swap3A_435, %swap3A_436] {strides = array<i32>} : memref<16x128xf32, #tpu.memory_space<vmem>>, vector<1x16xf32>,
      %swap3A_438 = vector.shape_cast %swap3A_437 : vector<1x16xf32> to vector<16xf32>
      %swap3A_439 = vector.shape_cast %add3A_434 : vector<16xf32> to vector<1x16xf32>
      tpu.vector_store %arg17[%swap3A_435, %swap3A_436], %swap3A_439 {strides = array<i32>} : memref<16x128xf32, #tpu.memory_space<vmem>>, vector<1x16xf32>,
      %mul3A_440 = arith.constant 8 : i32
      %mul3A_441 = arith.muli %scan3A_180, %mul3A_440 : i32
      %add3A_442 = arith.constant 2 : i32
      %add3A_443 = arith.addi %mul3A_441, %add3A_442 : i32
      %broadcast_in_dim3A_444 = arith.constant 0.000000e+00 : f32
      %broadcast_in_dim3A_445 = vector.broadcast %broadcast_in_dim3A_444 : f32 to vector<16xf32>
      %get3A_446 = arith.index_cast %add3A_443 : i32 to index
      %get3A_447 = arith.constant 0 : index
      %get3A_448 = tpu.vector_load %arg11[%get3A_446, %get3A_447] {strides = array<i32>} : memref<128x128xf32, #tpu.memory_space<vmem>>, vector<1x16xf32>,
      %get3A_449 = vector.shape_cast %get3A_448 : vector<1x16xf32> to vector<16xf32>
      %get3A_450 = arith.index_cast %add3A_443 : i32 to index
      %get3A_451 = arith.constant 0 : index
      %get3A_452 = tpu.vector_load %arg12[%get3A_450, %get3A_451] {strides = array<i32>} : memref<128x128xf32, #tpu.memory_space<vmem>>, vector<1x16xf32>,
      %get3A_453 = vector.shape_cast %get3A_452 : vector<1x16xf32> to vector<16xf32>
      %get3A_454 = arith.index_cast %add3A_443 : i32 to index
      %get3A_455 = arith.constant 0 : index
      %get3A_456 = tpu.vector_load %arg13[%get3A_454, %get3A_455] {strides = array<i32>} : memref<128x128xf32, #tpu.memory_space<vmem>>, vector<1x16xf32>,
      %get3A_457 = vector.shape_cast %get3A_456 : vector<1x16xf32> to vector<16xf32>
      %sub3A_458 = arith.subf %get3A_457, %get3A_453 : vector<16xf32>
      %mul3A_459 = arith.mulf %get3A_449, %sub3A_458 : vector<16xf32>
      %add3A_460 = arith.addf %broadcast_in_dim3A_445, %mul3A_459 : vector<16xf32>
      %get3A_461 = arith.index_cast %add3A_443 : i32 to index
      %get3A_462 = arith.constant 16 : index
      %get3A_463 = tpu.vector_load %arg11[%get3A_461, %get3A_462] {strides = array<i32>} : memref<128x128xf32, #tpu.memory_space<vmem>>, vector<1x16xf32>,
      %get3A_464 = vector.shape_cast %get3A_463 : vector<1x16xf32> to vector<16xf32>
      %get3A_465 = arith.index_cast %add3A_443 : i32 to index
      %get3A_466 = arith.constant 16 : index
      %get3A_467 = tpu.vector_load %arg12[%get3A_465, %get3A_466] {strides = array<i32>} : memref<128x128xf32, #tpu.memory_space<vmem>>, vector<1x16xf32>,
      %get3A_468 = vector.shape_cast %get3A_467 : vector<1x16xf32> to vector<16xf32>
      %get3A_469 = arith.index_cast %add3A_443 : i32 to index
      %get3A_470 = arith.constant 16 : index
      %get3A_471 = tpu.vector_load %arg13[%get3A_469, %get3A_470] {strides = array<i32>} : memref<128x128xf32, #tpu.memory_space<vmem>>, vector<1x16xf32>,
      %get3A_472 = vector.shape_cast %get3A_471 : vector<1x16xf32> to vector<16xf32>
      %sub3A_473 = arith.subf %get3A_472, %get3A_468 : vector<16xf32>
      %mul3A_474 = arith.mulf %get3A_464, %sub3A_473 : vector<16xf32>
      %add3A_475 = arith.addf %add3A_460, %mul3A_474 : vector<16xf32>
      %get3A_476 = arith.index_cast %add3A_443 : i32 to index
      %get3A_477 = arith.constant 32 : index
      %get3A_478 = tpu.vector_load %arg11[%get3A_476, %get3A_477] {strides = array<i32>} : memref<128x128xf32, #tpu.memory_space<vmem>>, vector<1x16xf32>,
      %get3A_479 = vector.shape_cast %get3A_478 : vector<1x16xf32> to vector<16xf32>
      %get3A_480 = arith.index_cast %add3A_443 : i32 to index
      %get3A_481 = arith.constant 32 : index
      %get3A_482 = tpu.vector_load %arg12[%get3A_480, %get3A_481] {strides = array<i32>} : memref<128x128xf32, #tpu.memory_space<vmem>>, vector<1x16xf32>,
      %get3A_483 = vector.shape_cast %get3A_482 : vector<1x16xf32> to vector<16xf32>
      %get3A_484 = arith.index_cast %add3A_443 : i32 to index
      %get3A_485 = arith.constant 32 : index
      %get3A_486 = tpu.vector_load %arg13[%get3A_484, %get3A_485] {strides = array<i32>} : memref<128x128xf32, #tpu.memory_space<vmem>>, vector<1x16xf32>,
      %get3A_487 = vector.shape_cast %get3A_486 : vector<1x16xf32> to vector<16xf32>
      %sub3A_488 = arith.subf %get3A_487, %get3A_483 : vector<16xf32>
      %mul3A_489 = arith.mulf %get3A_479, %sub3A_488 : vector<16xf32>
      %add3A_490 = arith.addf %add3A_475, %mul3A_489 : vector<16xf32>
      %get3A_491 = arith.index_cast %add3A_443 : i32 to index
      %get3A_492 = arith.constant 48 : index
      %get3A_493 = tpu.vector_load %arg11[%get3A_491, %get3A_492] {strides = array<i32>} : memref<128x128xf32, #tpu.memory_space<vmem>>, vector<1x16xf32>,
      %get3A_494 = vector.shape_cast %get3A_493 : vector<1x16xf32> to vector<16xf32>
      %get3A_495 = arith.index_cast %add3A_443 : i32 to index
      %get3A_496 = arith.constant 48 : index
      %get3A_497 = tpu.vector_load %arg12[%get3A_495, %get3A_496] {strides = array<i32>} : memref<128x128xf32, #tpu.memory_space<vmem>>, vector<1x16xf32>,
      %get3A_498 = vector.shape_cast %get3A_497 : vector<1x16xf32> to vector<16xf32>
      %get3A_499 = arith.index_cast %add3A_443 : i32 to index
      %get3A_500 = arith.constant 48 : index
      %get3A_501 = tpu.vector_load %arg13[%get3A_499, %get3A_500] {strides = array<i32>} : memref<128x128xf32, #tpu.memory_space<vmem>>, vector<1x16xf32>,
      %get3A_502 = vector.shape_cast %get3A_501 : vector<1x16xf32> to vector<16xf32>
      %sub3A_503 = arith.subf %get3A_502, %get3A_498 : vector<16xf32>
      %mul3A_504 = arith.mulf %get3A_494, %sub3A_503 : vector<16xf32>
      %add3A_505 = arith.addf %add3A_490, %mul3A_504 : vector<16xf32>
      %get3A_506 = arith.index_cast %add3A_443 : i32 to index
      %get3A_507 = arith.constant 64 : index
      %get3A_508 = tpu.vector_load %arg11[%get3A_506, %get3A_507] {strides = array<i32>} : memref<128x128xf32, #tpu.memory_space<vmem>>, vector<1x16xf32>,
      %get3A_509 = vector.shape_cast %get3A_508 : vector<1x16xf32> to vector<16xf32>
      %get3A_510 = arith.index_cast %add3A_443 : i32 to index
      %get3A_511 = arith.constant 64 : index
      %get3A_512 = tpu.vector_load %arg12[%get3A_510, %get3A_511] {strides = array<i32>} : memref<128x128xf32, #tpu.memory_space<vmem>>, vector<1x16xf32>,
      %get3A_513 = vector.shape_cast %get3A_512 : vector<1x16xf32> to vector<16xf32>
      %get3A_514 = arith.index_cast %add3A_443 : i32 to index
      %get3A_515 = arith.constant 64 : index
      %get3A_516 = tpu.vector_load %arg13[%get3A_514, %get3A_515] {strides = array<i32>} : memref<128x128xf32, #tpu.memory_space<vmem>>, vector<1x16xf32>,
      %get3A_517 = vector.shape_cast %get3A_516 : vector<1x16xf32> to vector<16xf32>
      %sub3A_518 = arith.subf %get3A_517, %get3A_513 : vector<16xf32>
      %mul3A_519 = arith.mulf %get3A_509, %sub3A_518 : vector<16xf32>
      %add3A_520 = arith.addf %add3A_505, %mul3A_519 : vector<16xf32>
      %get3A_521 = arith.index_cast %add3A_443 : i32 to index
      %get3A_522 = arith.constant 80 : index
      %get3A_523 = tpu.vector_load %arg11[%get3A_521, %get3A_522] {strides = array<i32>} : memref<128x128xf32, #tpu.memory_space<vmem>>, vector<1x16xf32>,
      %get3A_524 = vector.shape_cast %get3A_523 : vector<1x16xf32> to vector<16xf32>
      %get3A_525 = arith.index_cast %add3A_443 : i32 to index
      %get3A_526 = arith.constant 80 : index
      %get3A_527 = tpu.vector_load %arg12[%get3A_525, %get3A_526] {strides = array<i32>} : memref<128x128xf32, #tpu.memory_space<vmem>>, vector<1x16xf32>,
      %get3A_528 = vector.shape_cast %get3A_527 : vector<1x16xf32> to vector<16xf32>
      %get3A_529 = arith.index_cast %add3A_443 : i32 to index
      %get3A_530 = arith.constant 80 : index
      %get3A_531 = tpu.vector_load %arg13[%get3A_529, %get3A_530] {strides = array<i32>} : memref<128x128xf32, #tpu.memory_space<vmem>>, vector<1x16xf32>,
      %get3A_532 = vector.shape_cast %get3A_531 : vector<1x16xf32> to vector<16xf32>
      %sub3A_533 = arith.subf %get3A_532, %get3A_528 : vector<16xf32>
      %mul3A_534 = arith.mulf %get3A_524, %sub3A_533 : vector<16xf32>
      %add3A_535 = arith.addf %add3A_520, %mul3A_534 : vector<16xf32>
      %get3A_536 = arith.index_cast %add3A_443 : i32 to index
      %get3A_537 = arith.constant 96 : index
      %get3A_538 = tpu.vector_load %arg11[%get3A_536, %get3A_537] {strides = array<i32>} : memref<128x128xf32, #tpu.memory_space<vmem>>, vector<1x16xf32>,
      %get3A_539 = vector.shape_cast %get3A_538 : vector<1x16xf32> to vector<16xf32>
      %get3A_540 = arith.index_cast %add3A_443 : i32 to index
      %get3A_541 = arith.constant 96 : index
      %get3A_542 = tpu.vector_load %arg12[%get3A_540, %get3A_541] {strides = array<i32>} : memref<128x128xf32, #tpu.memory_space<vmem>>, vector<1x16xf32>,
      %get3A_543 = vector.shape_cast %get3A_542 : vector<1x16xf32> to vector<16xf32>
      %get3A_544 = arith.index_cast %add3A_443 : i32 to index
      %get3A_545 = arith.constant 96 : index
      %get3A_546 = tpu.vector_load %arg13[%get3A_544, %get3A_545] {strides = array<i32>} : memref<128x128xf32, #tpu.memory_space<vmem>>, vector<1x16xf32>,
      %get3A_547 = vector.shape_cast %get3A_546 : vector<1x16xf32> to vector<16xf32>
      %sub3A_548 = arith.subf %get3A_547, %get3A_543 : vector<16xf32>
      %mul3A_549 = arith.mulf %get3A_539, %sub3A_548 : vector<16xf32>
      %add3A_550 = arith.addf %add3A_535, %mul3A_549 : vector<16xf32>
      %get3A_551 = arith.index_cast %add3A_443 : i32 to index
      %get3A_552 = arith.constant 112 : index
      %get3A_553 = tpu.vector_load %arg11[%get3A_551, %get3A_552] {strides = array<i32>} : memref<128x128xf32, #tpu.memory_space<vmem>>, vector<1x16xf32>,
      %get3A_554 = vector.shape_cast %get3A_553 : vector<1x16xf32> to vector<16xf32>
      %get3A_555 = arith.index_cast %add3A_443 : i32 to index
      %get3A_556 = arith.constant 112 : index
      %get3A_557 = tpu.vector_load %arg12[%get3A_555, %get3A_556] {strides = array<i32>} : memref<128x128xf32, #tpu.memory_space<vmem>>, vector<1x16xf32>,
      %get3A_558 = vector.shape_cast %get3A_557 : vector<1x16xf32> to vector<16xf32>
      %get3A_559 = arith.index_cast %add3A_443 : i32 to index
      %get3A_560 = arith.constant 112 : index
      %get3A_561 = tpu.vector_load %arg13[%get3A_559, %get3A_560] {strides = array<i32>} : memref<128x128xf32, #tpu.memory_space<vmem>>, vector<1x16xf32>,
      %get3A_562 = vector.shape_cast %get3A_561 : vector<1x16xf32> to vector<16xf32>
      %sub3A_563 = arith.subf %get3A_562, %get3A_558 : vector<16xf32>
      %mul3A_564 = arith.mulf %get3A_554, %sub3A_563 : vector<16xf32>
      %add3A_565 = arith.addf %add3A_550, %mul3A_564 : vector<16xf32>
      %swap3A_566 = arith.index_cast %scan3A_180 : i32 to index
      %swap3A_567 = arith.constant 32 : index
      %swap3A_568 = tpu.vector_load %arg17[%swap3A_566, %swap3A_567] {strides = array<i32>} : memref<16x128xf32, #tpu.memory_space<vmem>>, vector<1x16xf32>,
      %swap3A_569 = vector.shape_cast %swap3A_568 : vector<1x16xf32> to vector<16xf32>
      %swap3A_570 = vector.shape_cast %add3A_565 : vector<16xf32> to vector<1x16xf32>
      tpu.vector_store %arg17[%swap3A_566, %swap3A_567], %swap3A_570 {strides = array<i32>} : memref<16x128xf32, #tpu.memory_space<vmem>>, vector<1x16xf32>,
      %mul3A_571 = arith.constant 8 : i32
      %mul3A_572 = arith.muli %scan3A_180, %mul3A_571 : i32
      %add3A_573 = arith.constant 3 : i32
      %add3A_574 = arith.addi %mul3A_572, %add3A_573 : i32
      %broadcast_in_dim3A_575 = arith.constant 0.000000e+00 : f32
      %broadcast_in_dim3A_576 = vector.broadcast %broadcast_in_dim3A_575 : f32 to vector<16xf32>
      %get3A_577 = arith.index_cast %add3A_574 : i32 to index
      %get3A_578 = arith.constant 0 : index
      %get3A_579 = tpu.vector_load %arg11[%get3A_577, %get3A_578] {strides = array<i32>} : memref<128x128xf32, #tpu.memory_space<vmem>>, vector<1x16xf32>,
      %get3A_580 = vector.shape_cast %get3A_579 : vector<1x16xf32> to vector<16xf32>
      %get3A_581 = arith.index_cast %add3A_574 : i32 to index
      %get3A_582 = arith.constant 0 : index
      %get3A_583 = tpu.vector_load %arg12[%get3A_581, %get3A_582] {strides = array<i32>} : memref<128x128xf32, #tpu.memory_space<vmem>>, vector<1x16xf32>,
      %get3A_584 = vector.shape_cast %get3A_583 : vector<1x16xf32> to vector<16xf32>
      %get3A_585 = arith.index_cast %add3A_574 : i32 to index
      %get3A_586 = arith.constant 0 : index
      %get3A_587 = tpu.vector_load %arg13[%get3A_585, %get3A_586] {strides = array<i32>} : memref<128x128xf32, #tpu.memory_space<vmem>>, vector<1x16xf32>,
      %get3A_588 = vector.shape_cast %get3A_587 : vector<1x16xf32> to vector<16xf32>
      %sub3A_589 = arith.subf %get3A_588, %get3A_584 : vector<16xf32>
      %mul3A_590 = arith.mulf %get3A_580, %sub3A_589 : vector<16xf32>
      %add3A_591 = arith.addf %broadcast_in_dim3A_576, %mul3A_590 : vector<16xf32>
      %get3A_592 = arith.index_cast %add3A_574 : i32 to index
      %get3A_593 = arith.constant 16 : index
      %get3A_594 = tpu.vector_load %arg11[%get3A_592, %get3A_593] {strides = array<i32>} : memref<128x128xf32, #tpu.memory_space<vmem>>, vector<1x16xf32>,
      %get3A_595 = vector.shape_cast %get3A_594 : vector<1x16xf32> to vector<16xf32>
      %get3A_596 = arith.index_cast %add3A_574 : i32 to index
      %get3A_597 = arith.constant 16 : index
      %get3A_598 = tpu.vector_load %arg12[%get3A_596, %get3A_597] {strides = array<i32>} : memref<128x128xf32, #tpu.memory_space<vmem>>, vector<1x16xf32>,
      %get3A_599 = vector.shape_cast %get3A_598 : vector<1x16xf32> to vector<16xf32>
      %get3A_600 = arith.index_cast %add3A_574 : i32 to index
      %get3A_601 = arith.constant 16 : index
      %get3A_602 = tpu.vector_load %arg13[%get3A_600, %get3A_601] {strides = array<i32>} : memref<128x128xf32, #tpu.memory_space<vmem>>, vector<1x16xf32>,
      %get3A_603 = vector.shape_cast %get3A_602 : vector<1x16xf32> to vector<16xf32>
      %sub3A_604 = arith.subf %get3A_603, %get3A_599 : vector<16xf32>
      %mul3A_605 = arith.mulf %get3A_595, %sub3A_604 : vector<16xf32>
      %add3A_606 = arith.addf %add3A_591, %mul3A_605 : vector<16xf32>
      %get3A_607 = arith.index_cast %add3A_574 : i32 to index
      %get3A_608 = arith.constant 32 : index
      %get3A_609 = tpu.vector_load %arg11[%get3A_607, %get3A_608] {strides = array<i32>} : memref<128x128xf32, #tpu.memory_space<vmem>>, vector<1x16xf32>,
      %get3A_610 = vector.shape_cast %get3A_609 : vector<1x16xf32> to vector<16xf32>
      %get3A_611 = arith.index_cast %add3A_574 : i32 to index
      %get3A_612 = arith.constant 32 : index
      %get3A_613 = tpu.vector_load %arg12[%get3A_611, %get3A_612] {strides = array<i32>} : memref<128x128xf32, #tpu.memory_space<vmem>>, vector<1x16xf32>,
      %get3A_614 = vector.shape_cast %get3A_613 : vector<1x16xf32> to vector<16xf32>
      %get3A_615 = arith.index_cast %add3A_574 : i32 to index
      %get3A_616 = arith.constant 32 : index
      %get3A_617 = tpu.vector_load %arg13[%get3A_615, %get3A_616] {strides = array<i32>} : memref<128x128xf32, #tpu.memory_space<vmem>>, vector<1x16xf32>,
      %get3A_618 = vector.shape_cast %get3A_617 : vector<1x16xf32> to vector<16xf32>
      %sub3A_619 = arith.subf %get3A_618, %get3A_614 : vector<16xf32>
      %mul3A_620 = arith.mulf %get3A_610, %sub3A_619 : vector<16xf32>
      %add3A_621 = arith.addf %add3A_606, %mul3A_620 : vector<16xf32>
      %get3A_622 = arith.index_cast %add3A_574 : i32 to index
      %get3A_623 = arith.constant 48 : index
      %get3A_624 = tpu.vector_load %arg11[%get3A_622, %get3A_623] {strides = array<i32>} : memref<128x128xf32, #tpu.memory_space<vmem>>, vector<1x16xf32>,
      %get3A_625 = vector.shape_cast %get3A_624 : vector<1x16xf32> to vector<16xf32>
      %get3A_626 = arith.index_cast %add3A_574 : i32 to index
      %get3A_627 = arith.constant 48 : index
      %get3A_628 = tpu.vector_load %arg12[%get3A_626, %get3A_627] {strides = array<i32>} : memref<128x128xf32, #tpu.memory_space<vmem>>, vector<1x16xf32>,
      %get3A_629 = vector.shape_cast %get3A_628 : vector<1x16xf32> to vector<16xf32>
      %get3A_630 = arith.index_cast %add3A_574 : i32 to index
      %get3A_631 = arith.constant 48 : index
      %get3A_632 = tpu.vector_load %arg13[%get3A_630, %get3A_631] {strides = array<i32>} : memref<128x128xf32, #tpu.memory_space<vmem>>, vector<1x16xf32>,
      %get3A_633 = vector.shape_cast %get3A_632 : vector<1x16xf32> to vector<16xf32>
      %sub3A_634 = arith.subf %get3A_633, %get3A_629 : vector<16xf32>
      %mul3A_635 = arith.mulf %get3A_625, %sub3A_634 : vector<16xf32>
      %add3A_636 = arith.addf %add3A_621, %mul3A_635 : vector<16xf32>
      %get3A_637 = arith.index_cast %add3A_574 : i32 to index
      %get3A_638 = arith.constant 64 : index
      %get3A_639 = tpu.vector_load %arg11[%get3A_637, %get3A_638] {strides = array<i32>} : memref<128x128xf32, #tpu.memory_space<vmem>>, vector<1x16xf32>,
      %get3A_640 = vector.shape_cast %get3A_639 : vector<1x16xf32> to vector<16xf32>
      %get3A_641 = arith.index_cast %add3A_574 : i32 to index
      %get3A_642 = arith.constant 64 : index
      %get3A_643 = tpu.vector_load %arg12[%get3A_641, %get3A_642] {strides = array<i32>} : memref<128x128xf32, #tpu.memory_space<vmem>>, vector<1x16xf32>,
      %get3A_644 = vector.shape_cast %get3A_643 : vector<1x16xf32> to vector<16xf32>
      %get3A_645 = arith.index_cast %add3A_574 : i32 to index
      %get3A_646 = arith.constant 64 : index
      %get3A_647 = tpu.vector_load %arg13[%get3A_645, %get3A_646] {strides = array<i32>} : memref<128x128xf32, #tpu.memory_space<vmem>>, vector<1x16xf32>,
      %get3A_648 = vector.shape_cast %get3A_647 : vector<1x16xf32> to vector<16xf32>
      %sub3A_649 = arith.subf %get3A_648, %get3A_644 : vector<16xf32>
      %mul3A_650 = arith.mulf %get3A_640, %sub3A_649 : vector<16xf32>
      %add3A_651 = arith.addf %add3A_636, %mul3A_650 : vector<16xf32>
      %get3A_652 = arith.index_cast %add3A_574 : i32 to index
      %get3A_653 = arith.constant 80 : index
      %get3A_654 = tpu.vector_load %arg11[%get3A_652, %get3A_653] {strides = array<i32>} : memref<128x128xf32, #tpu.memory_space<vmem>>, vector<1x16xf32>,
      %get3A_655 = vector.shape_cast %get3A_654 : vector<1x16xf32> to vector<16xf32>
      %get3A_656 = arith.index_cast %add3A_574 : i32 to index
      %get3A_657 = arith.constant 80 : index
      %get3A_658 = tpu.vector_load %arg12[%get3A_656, %get3A_657] {strides = array<i32>} : memref<128x128xf32, #tpu.memory_space<vmem>>, vector<1x16xf32>,
      %get3A_659 = vector.shape_cast %get3A_658 : vector<1x16xf32> to vector<16xf32>
      %get3A_660 = arith.index_cast %add3A_574 : i32 to index
      %get3A_661 = arith.constant 80 : index
      %get3A_662 = tpu.vector_load %arg13[%get3A_660, %get3A_661] {strides = array<i32>} : memref<128x128xf32, #tpu.memory_space<vmem>>, vector<1x16xf32>,
      %get3A_663 = vector.shape_cast %get3A_662 : vector<1x16xf32> to vector<16xf32>
      %sub3A_664 = arith.subf %get3A_663, %get3A_659 : vector<16xf32>
      %mul3A_665 = arith.mulf %get3A_655, %sub3A_664 : vector<16xf32>
      %add3A_666 = arith.addf %add3A_651, %mul3A_665 : vector<16xf32>
      %get3A_667 = arith.index_cast %add3A_574 : i32 to index
      %get3A_668 = arith.constant 96 : index
      %get3A_669 = tpu.vector_load %arg11[%get3A_667, %get3A_668] {strides = array<i32>} : memref<128x128xf32, #tpu.memory_space<vmem>>, vector<1x16xf32>,
      %get3A_670 = vector.shape_cast %get3A_669 : vector<1x16xf32> to vector<16xf32>
      %get3A_671 = arith.index_cast %add3A_574 : i32 to index
      %get3A_672 = arith.constant 96 : index
      %get3A_673 = tpu.vector_load %arg12[%get3A_671, %get3A_672] {strides = array<i32>} : memref<128x128xf32, #tpu.memory_space<vmem>>, vector<1x16xf32>,
      %get3A_674 = vector.shape_cast %get3A_673 : vector<1x16xf32> to vector<16xf32>
      %get3A_675 = arith.index_cast %add3A_574 : i32 to index
      %get3A_676 = arith.constant 96 : index
      %get3A_677 = tpu.vector_load %arg13[%get3A_675, %get3A_676] {strides = array<i32>} : memref<128x128xf32, #tpu.memory_space<vmem>>, vector<1x16xf32>,
      %get3A_678 = vector.shape_cast %get3A_677 : vector<1x16xf32> to vector<16xf32>
      %sub3A_679 = arith.subf %get3A_678, %get3A_674 : vector<16xf32>
      %mul3A_680 = arith.mulf %get3A_670, %sub3A_679 : vector<16xf32>
      %add3A_681 = arith.addf %add3A_666, %mul3A_680 : vector<16xf32>
      %get3A_682 = arith.index_cast %add3A_574 : i32 to index
      %get3A_683 = arith.constant 112 : index
      %get3A_684 = tpu.vector_load %arg11[%get3A_682, %get3A_683] {strides = array<i32>} : memref<128x128xf32, #tpu.memory_space<vmem>>, vector<1x16xf32>,
      %get3A_685 = vector.shape_cast %get3A_684 : vector<1x16xf32> to vector<16xf32>
      %get3A_686 = arith.index_cast %add3A_574 : i32 to index
      %get3A_687 = arith.constant 112 : index
      %get3A_688 = tpu.vector_load %arg12[%get3A_686, %get3A_687] {strides = array<i32>} : memref<128x128xf32, #tpu.memory_space<vmem>>, vector<1x16xf32>,
      %get3A_689 = vector.shape_cast %get3A_688 : vector<1x16xf32> to vector<16xf32>
      %get3A_690 = arith.index_cast %add3A_574 : i32 to index
      %get3A_691 = arith.constant 112 : index
      %get3A_692 = tpu.vector_load %arg13[%get3A_690, %get3A_691] {strides = array<i32>} : memref<128x128xf32, #tpu.memory_space<vmem>>, vector<1x16xf32>,
      %get3A_693 = vector.shape_cast %get3A_692 : vector<1x16xf32> to vector<16xf32>
      %sub3A_694 = arith.subf %get3A_693, %get3A_689 : vector<16xf32>
      %mul3A_695 = arith.mulf %get3A_685, %sub3A_694 : vector<16xf32>
      %add3A_696 = arith.addf %add3A_681, %mul3A_695 : vector<16xf32>
      %swap3A_697 = arith.index_cast %scan3A_180 : i32 to index
      %swap3A_698 = arith.constant 48 : index
      %swap3A_699 = tpu.vector_load %arg17[%swap3A_697, %swap3A_698] {strides = array<i32>} : memref<16x128xf32, #tpu.memory_space<vmem>>, vector<1x16xf32>,
      %swap3A_700 = vector.shape_cast %swap3A_699 : vector<1x16xf32> to vector<16xf32>
      %swap3A_701 = vector.shape_cast %add3A_696 : vector<16xf32> to vector<1x16xf32>
      tpu.vector_store %arg17[%swap3A_697, %swap3A_698], %swap3A_701 {strides = array<i32>} : memref<16x128xf32, #tpu.memory_space<vmem>>, vector<1x16xf32>,
      %mul3A_702 = arith.constant 8 : i32
      %mul3A_703 = arith.muli %scan3A_180, %mul3A_702 : i32
      %add3A_704 = arith.constant 4 : i32
      %add3A_705 = arith.addi %mul3A_703, %add3A_704 : i32
      %broadcast_in_dim3A_706 = arith.constant 0.000000e+00 : f32
      %broadcast_in_dim3A_707 = vector.broadcast %broadcast_in_dim3A_706 : f32 to vector<16xf32>
      %get3A_708 = arith.index_cast %add3A_705 : i32 to index
      %get3A_709 = arith.constant 0 : index
      %get3A_710 = tpu.vector_load %arg11[%get3A_708, %get3A_709] {strides = array<i32>} : memref<128x128xf32, #tpu.memory_space<vmem>>, vector<1x16xf32>,
      %get3A_711 = vector.shape_cast %get3A_710 : vector<1x16xf32> to vector<16xf32>
      %get3A_712 = arith.index_cast %add3A_705 : i32 to index
      %get3A_713 = arith.constant 0 : index
      %get3A_714 = tpu.vector_load %arg12[%get3A_712, %get3A_713] {strides = array<i32>} : memref<128x128xf32, #tpu.memory_space<vmem>>, vector<1x16xf32>,
      %get3A_715 = vector.shape_cast %get3A_714 : vector<1x16xf32> to vector<16xf32>
      %get3A_716 = arith.index_cast %add3A_705 : i32 to index
      %get3A_717 = arith.constant 0 : index
      %get3A_718 = tpu.vector_load %arg13[%get3A_716, %get3A_717] {strides = array<i32>} : memref<128x128xf32, #tpu.memory_space<vmem>>, vector<1x16xf32>,
      %get3A_719 = vector.shape_cast %get3A_718 : vector<1x16xf32> to vector<16xf32>
      %sub3A_720 = arith.subf %get3A_719, %get3A_715 : vector<16xf32>
      %mul3A_721 = arith.mulf %get3A_711, %sub3A_720 : vector<16xf32>
      %add3A_722 = arith.addf %broadcast_in_dim3A_707, %mul3A_721 : vector<16xf32>
      %get3A_723 = arith.index_cast %add3A_705 : i32 to index
      %get3A_724 = arith.constant 16 : index
      %get3A_725 = tpu.vector_load %arg11[%get3A_723, %get3A_724] {strides = array<i32>} : memref<128x128xf32, #tpu.memory_space<vmem>>, vector<1x16xf32>,
      %get3A_726 = vector.shape_cast %get3A_725 : vector<1x16xf32> to vector<16xf32>
      %get3A_727 = arith.index_cast %add3A_705 : i32 to index
      %get3A_728 = arith.constant 16 : index
      %get3A_729 = tpu.vector_load %arg12[%get3A_727, %get3A_728] {strides = array<i32>} : memref<128x128xf32, #tpu.memory_space<vmem>>, vector<1x16xf32>,
      %get3A_730 = vector.shape_cast %get3A_729 : vector<1x16xf32> to vector<16xf32>
      %get3A_731 = arith.index_cast %add3A_705 : i32 to index
      %get3A_732 = arith.constant 16 : index
      %get3A_733 = tpu.vector_load %arg13[%get3A_731, %get3A_732] {strides = array<i32>} : memref<128x128xf32, #tpu.memory_space<vmem>>, vector<1x16xf32>,
      %get3A_734 = vector.shape_cast %get3A_733 : vector<1x16xf32> to vector<16xf32>
      %sub3A_735 = arith.subf %get3A_734, %get3A_730 : vector<16xf32>
      %mul3A_736 = arith.mulf %get3A_726, %sub3A_735 : vector<16xf32>
      %add3A_737 = arith.addf %add3A_722, %mul3A_736 : vector<16xf32>
      %get3A_738 = arith.index_cast %add3A_705 : i32 to index
      %get3A_739 = arith.constant 32 : index
      %get3A_740 = tpu.vector_load %arg11[%get3A_738, %get3A_739] {strides = array<i32>} : memref<128x128xf32, #tpu.memory_space<vmem>>, vector<1x16xf32>,
      %get3A_741 = vector.shape_cast %get3A_740 : vector<1x16xf32> to vector<16xf32>
      %get3A_742 = arith.index_cast %add3A_705 : i32 to index
      %get3A_743 = arith.constant 32 : index
      %get3A_744 = tpu.vector_load %arg12[%get3A_742, %get3A_743] {strides = array<i32>} : memref<128x128xf32, #tpu.memory_space<vmem>>, vector<1x16xf32>,
      %get3A_745 = vector.shape_cast %get3A_744 : vector<1x16xf32> to vector<16xf32>
      %get3A_746 = arith.index_cast %add3A_705 : i32 to index
      %get3A_747 = arith.constant 32 : index
      %get3A_748 = tpu.vector_load %arg13[%get3A_746, %get3A_747] {strides = array<i32>} : memref<128x128xf32, #tpu.memory_space<vmem>>, vector<1x16xf32>,
      %get3A_749 = vector.shape_cast %get3A_748 : vector<1x16xf32> to vector<16xf32>
      %sub3A_750 = arith.subf %get3A_749, %get3A_745 : vector<16xf32>
      %mul3A_751 = arith.mulf %get3A_741, %sub3A_750 : vector<16xf32>
      %add3A_752 = arith.addf %add3A_737, %mul3A_751 : vector<16xf32>
      %get3A_753 = arith.index_cast %add3A_705 : i32 to index
      %get3A_754 = arith.constant 48 : index
      %get3A_755 = tpu.vector_load %arg11[%get3A_753, %get3A_754] {strides = array<i32>} : memref<128x128xf32, #tpu.memory_space<vmem>>, vector<1x16xf32>,
      %get3A_756 = vector.shape_cast %get3A_755 : vector<1x16xf32> to vector<16xf32>
      %get3A_757 = arith.index_cast %add3A_705 : i32 to index
      %get3A_758 = arith.constant 48 : index
      %get3A_759 = tpu.vector_load %arg12[%get3A_757, %get3A_758] {strides = array<i32>} : memref<128x128xf32, #tpu.memory_space<vmem>>, vector<1x16xf32>,
      %get3A_760 = vector.shape_cast %get3A_759 : vector<1x16xf32> to vector<16xf32>
      %get3A_761 = arith.index_cast %add3A_705 : i32 to index
      %get3A_762 = arith.constant 48 : index
      %get3A_763 = tpu.vector_load %arg13[%get3A_761, %get3A_762] {strides = array<i32>} : memref<128x128xf32, #tpu.memory_space<vmem>>, vector<1x16xf32>,
      %get3A_764 = vector.shape_cast %get3A_763 : vector<1x16xf32> to vector<16xf32>
      %sub3A_765 = arith.subf %get3A_764, %get3A_760 : vector<16xf32>
      %mul3A_766 = arith.mulf %get3A_756, %sub3A_765 : vector<16xf32>
      %add3A_767 = arith.addf %add3A_752, %mul3A_766 : vector<16xf32>
      %get3A_768 = arith.index_cast %add3A_705 : i32 to index
      %get3A_769 = arith.constant 64 : index
      %get3A_770 = tpu.vector_load %arg11[%get3A_768, %get3A_769] {strides = array<i32>} : memref<128x128xf32, #tpu.memory_space<vmem>>, vector<1x16xf32>,
      %get3A_771 = vector.shape_cast %get3A_770 : vector<1x16xf32> to vector<16xf32>
      %get3A_772 = arith.index_cast %add3A_705 : i32 to index
      %get3A_773 = arith.constant 64 : index
      %get3A_774 = tpu.vector_load %arg12[%get3A_772, %get3A_773] {strides = array<i32>} : memref<128x128xf32, #tpu.memory_space<vmem>>, vector<1x16xf32>,
      %get3A_775 = vector.shape_cast %get3A_774 : vector<1x16xf32> to vector<16xf32>
      %get3A_776 = arith.index_cast %add3A_705 : i32 to index
      %get3A_777 = arith.constant 64 : index
      %get3A_778 = tpu.vector_load %arg13[%get3A_776, %get3A_777] {strides = array<i32>} : memref<128x128xf32, #tpu.memory_space<vmem>>, vector<1x16xf32>,
      %get3A_779 = vector.shape_cast %get3A_778 : vector<1x16xf32> to vector<16xf32>
      %sub3A_780 = arith.subf %get3A_779, %get3A_775 : vector<16xf32>
      %mul3A_781 = arith.mulf %get3A_771, %sub3A_780 : vector<16xf32>
      %add3A_782 = arith.addf %add3A_767, %mul3A_781 : vector<16xf32>
      %get3A_783 = arith.index_cast %add3A_705 : i32 to index
      %get3A_784 = arith.constant 80 : index
      %get3A_785 = tpu.vector_load %arg11[%get3A_783, %get3A_784] {strides = array<i32>} : memref<128x128xf32, #tpu.memory_space<vmem>>, vector<1x16xf32>,
      %get3A_786 = vector.shape_cast %get3A_785 : vector<1x16xf32> to vector<16xf32>
      %get3A_787 = arith.index_cast %add3A_705 : i32 to index
      %get3A_788 = arith.constant 80 : index
      %get3A_789 = tpu.vector_load %arg12[%get3A_787, %get3A_788] {strides = array<i32>} : memref<128x128xf32, #tpu.memory_space<vmem>>, vector<1x16xf32>,
      %get3A_790 = vector.shape_cast %get3A_789 : vector<1x16xf32> to vector<16xf32>
      %get3A_791 = arith.index_cast %add3A_705 : i32 to index
      %get3A_792 = arith.constant 80 : index
      %get3A_793 = tpu.vector_load %arg13[%get3A_791, %get3A_792] {strides = array<i32>} : memref<128x128xf32, #tpu.memory_space<vmem>>, vector<1x16xf32>,
      %get3A_794 = vector.shape_cast %get3A_793 : vector<1x16xf32> to vector<16xf32>
      %sub3A_795 = arith.subf %get3A_794, %get3A_790 : vector<16xf32>
      %mul3A_796 = arith.mulf %get3A_786, %sub3A_795 : vector<16xf32>
      %add3A_797 = arith.addf %add3A_782, %mul3A_796 : vector<16xf32>
      %get3A_798 = arith.index_cast %add3A_705 : i32 to index
      %get3A_799 = arith.constant 96 : index
      %get3A_800 = tpu.vector_load %arg11[%get3A_798, %get3A_799] {strides = array<i32>} : memref<128x128xf32, #tpu.memory_space<vmem>>, vector<1x16xf32>,
      %get3A_801 = vector.shape_cast %get3A_800 : vector<1x16xf32> to vector<16xf32>
      %get3A_802 = arith.index_cast %add3A_705 : i32 to index
      %get3A_803 = arith.constant 96 : index
      %get3A_804 = tpu.vector_load %arg12[%get3A_802, %get3A_803] {strides = array<i32>} : memref<128x128xf32, #tpu.memory_space<vmem>>, vector<1x16xf32>,
      %get3A_805 = vector.shape_cast %get3A_804 : vector<1x16xf32> to vector<16xf32>
      %get3A_806 = arith.index_cast %add3A_705 : i32 to index
      %get3A_807 = arith.constant 96 : index
      %get3A_808 = tpu.vector_load %arg13[%get3A_806, %get3A_807] {strides = array<i32>} : memref<128x128xf32, #tpu.memory_space<vmem>>, vector<1x16xf32>,
      %get3A_809 = vector.shape_cast %get3A_808 : vector<1x16xf32> to vector<16xf32>
      %sub3A_810 = arith.subf %get3A_809, %get3A_805 : vector<16xf32>
      %mul3A_811 = arith.mulf %get3A_801, %sub3A_810 : vector<16xf32>
      %add3A_812 = arith.addf %add3A_797, %mul3A_811 : vector<16xf32>
      %get3A_813 = arith.index_cast %add3A_705 : i32 to index
      %get3A_814 = arith.constant 112 : index
      %get3A_815 = tpu.vector_load %arg11[%get3A_813, %get3A_814] {strides = array<i32>} : memref<128x128xf32, #tpu.memory_space<vmem>>, vector<1x16xf32>,
      %get3A_816 = vector.shape_cast %get3A_815 : vector<1x16xf32> to vector<16xf32>
      %get3A_817 = arith.index_cast %add3A_705 : i32 to index
      %get3A_818 = arith.constant 112 : index
      %get3A_819 = tpu.vector_load %arg12[%get3A_817, %get3A_818] {strides = array<i32>} : memref<128x128xf32, #tpu.memory_space<vmem>>, vector<1x16xf32>,
      %get3A_820 = vector.shape_cast %get3A_819 : vector<1x16xf32> to vector<16xf32>
      %get3A_821 = arith.index_cast %add3A_705 : i32 to index
      %get3A_822 = arith.constant 112 : index
      %get3A_823 = tpu.vector_load %arg13[%get3A_821, %get3A_822] {strides = array<i32>} : memref<128x128xf32, #tpu.memory_space<vmem>>, vector<1x16xf32>,
      %get3A_824 = vector.shape_cast %get3A_823 : vector<1x16xf32> to vector<16xf32>
      %sub3A_825 = arith.subf %get3A_824, %get3A_820 : vector<16xf32>
      %mul3A_826 = arith.mulf %get3A_816, %sub3A_825 : vector<16xf32>
      %add3A_827 = arith.addf %add3A_812, %mul3A_826 : vector<16xf32>
      %swap3A_828 = arith.index_cast %scan3A_180 : i32 to index
      %swap3A_829 = arith.constant 64 : index
      %swap3A_830 = tpu.vector_load %arg17[%swap3A_828, %swap3A_829] {strides = array<i32>} : memref<16x128xf32, #tpu.memory_space<vmem>>, vector<1x16xf32>,
      %swap3A_831 = vector.shape_cast %swap3A_830 : vector<1x16xf32> to vector<16xf32>
      %swap3A_832 = vector.shape_cast %add3A_827 : vector<16xf32> to vector<1x16xf32>
      tpu.vector_store %arg17[%swap3A_828, %swap3A_829], %swap3A_832 {strides = array<i32>} : memref<16x128xf32, #tpu.memory_space<vmem>>, vector<1x16xf32>,
      %mul3A_833 = arith.constant 8 : i32
      %mul3A_834 = arith.muli %scan3A_180, %mul3A_833 : i32
      %add3A_835 = arith.constant 5 : i32
      %add3A_836 = arith.addi %mul3A_834, %add3A_835 : i32
      %broadcast_in_dim3A_837 = arith.constant 0.000000e+00 : f32
      %broadcast_in_dim3A_838 = vector.broadcast %broadcast_in_dim3A_837 : f32 to vector<16xf32>
      %get3A_839 = arith.index_cast %add3A_836 : i32 to index
      %get3A_840 = arith.constant 0 : index
      %get3A_841 = tpu.vector_load %arg11[%get3A_839, %get3A_840] {strides = array<i32>} : memref<128x128xf32, #tpu.memory_space<vmem>>, vector<1x16xf32>,
      %get3A_842 = vector.shape_cast %get3A_841 : vector<1x16xf32> to vector<16xf32>
      %get3A_843 = arith.index_cast %add3A_836 : i32 to index
      %get3A_844 = arith.constant 0 : index
      %get3A_845 = tpu.vector_load %arg12[%get3A_843, %get3A_844] {strides = array<i32>} : memref<128x128xf32, #tpu.memory_space<vmem>>, vector<1x16xf32>,
      %get3A_846 = vector.shape_cast %get3A_845 : vector<1x16xf32> to vector<16xf32>
      %get3A_847 = arith.index_cast %add3A_836 : i32 to index
      %get3A_848 = arith.constant 0 : index
      %get3A_849 = tpu.vector_load %arg13[%get3A_847, %get3A_848] {strides = array<i32>} : memref<128x128xf32, #tpu.memory_space<vmem>>, vector<1x16xf32>,
      %get3A_850 = vector.shape_cast %get3A_849 : vector<1x16xf32> to vector<16xf32>
      %sub3A_851 = arith.subf %get3A_850, %get3A_846 : vector<16xf32>
      %mul3A_852 = arith.mulf %get3A_842, %sub3A_851 : vector<16xf32>
      %add3A_853 = arith.addf %broadcast_in_dim3A_838, %mul3A_852 : vector<16xf32>
      %get3A_854 = arith.index_cast %add3A_836 : i32 to index
      %get3A_855 = arith.constant 16 : index
      %get3A_856 = tpu.vector_load %arg11[%get3A_854, %get3A_855] {strides = array<i32>} : memref<128x128xf32, #tpu.memory_space<vmem>>, vector<1x16xf32>,
      %get3A_857 = vector.shape_cast %get3A_856 : vector<1x16xf32> to vector<16xf32>
      %get3A_858 = arith.index_cast %add3A_836 : i32 to index
      %get3A_859 = arith.constant 16 : index
      %get3A_860 = tpu.vector_load %arg12[%get3A_858, %get3A_859] {strides = array<i32>} : memref<128x128xf32, #tpu.memory_space<vmem>>, vector<1x16xf32>,
      %get3A_861 = vector.shape_cast %get3A_860 : vector<1x16xf32> to vector<16xf32>
      %get3A_862 = arith.index_cast %add3A_836 : i32 to index
      %get3A_863 = arith.constant 16 : index
      %get3A_864 = tpu.vector_load %arg13[%get3A_862, %get3A_863] {strides = array<i32>} : memref<128x128xf32, #tpu.memory_space<vmem>>, vector<1x16xf32>,
      %get3A_865 = vector.shape_cast %get3A_864 : vector<1x16xf32> to vector<16xf32>
      %sub3A_866 = arith.subf %get3A_865, %get3A_861 : vector<16xf32>
      %mul3A_867 = arith.mulf %get3A_857, %sub3A_866 : vector<16xf32>
      %add3A_868 = arith.addf %add3A_853, %mul3A_867 : vector<16xf32>
      %get3A_869 = arith.index_cast %add3A_836 : i32 to index
      %get3A_870 = arith.constant 32 : index
      %get3A_871 = tpu.vector_load %arg11[%get3A_869, %get3A_870] {strides = array<i32>} : memref<128x128xf32, #tpu.memory_space<vmem>>, vector<1x16xf32>,
      %get3A_872 = vector.shape_cast %get3A_871 : vector<1x16xf32> to vector<16xf32>
      %get3A_873 = arith.index_cast %add3A_836 : i32 to index
      %get3A_874 = arith.constant 32 : index
      %get3A_875 = tpu.vector_load %arg12[%get3A_873, %get3A_874] {strides = array<i32>} : memref<128x128xf32, #tpu.memory_space<vmem>>, vector<1x16xf32>,
      %get3A_876 = vector.shape_cast %get3A_875 : vector<1x16xf32> to vector<16xf32>
      %get3A_877 = arith.index_cast %add3A_836 : i32 to index
      %get3A_878 = arith.constant 32 : index
      %get3A_879 = tpu.vector_load %arg13[%get3A_877, %get3A_878] {strides = array<i32>} : memref<128x128xf32, #tpu.memory_space<vmem>>, vector<1x16xf32>,
      %get3A_880 = vector.shape_cast %get3A_879 : vector<1x16xf32> to vector<16xf32>
      %sub3A_881 = arith.subf %get3A_880, %get3A_876 : vector<16xf32>
      %mul3A_882 = arith.mulf %get3A_872, %sub3A_881 : vector<16xf32>
      %add3A_883 = arith.addf %add3A_868, %mul3A_882 : vector<16xf32>
      %get3A_884 = arith.index_cast %add3A_836 : i32 to index
      %get3A_885 = arith.constant 48 : index
      %get3A_886 = tpu.vector_load %arg11[%get3A_884, %get3A_885] {strides = array<i32>} : memref<128x128xf32, #tpu.memory_space<vmem>>, vector<1x16xf32>,
      %get3A_887 = vector.shape_cast %get3A_886 : vector<1x16xf32> to vector<16xf32>
      %get3A_888 = arith.index_cast %add3A_836 : i32 to index
      %get3A_889 = arith.constant 48 : index
      %get3A_890 = tpu.vector_load %arg12[%get3A_888, %get3A_889] {strides = array<i32>} : memref<128x128xf32, #tpu.memory_space<vmem>>, vector<1x16xf32>,
      %get3A_891 = vector.shape_cast %get3A_890 : vector<1x16xf32> to vector<16xf32>
      %get3A_892 = arith.index_cast %add3A_836 : i32 to index
      %get3A_893 = arith.constant 48 : index
      %get3A_894 = tpu.vector_load %arg13[%get3A_892, %get3A_893] {strides = array<i32>} : memref<128x128xf32, #tpu.memory_space<vmem>>, vector<1x16xf32>,
      %get3A_895 = vector.shape_cast %get3A_894 : vector<1x16xf32> to vector<16xf32>
      %sub3A_896 = arith.subf %get3A_895, %get3A_891 : vector<16xf32>
      %mul3A_897 = arith.mulf %get3A_887, %sub3A_896 : vector<16xf32>
      %add3A_898 = arith.addf %add3A_883, %mul3A_897 : vector<16xf32>
      %get3A_899 = arith.index_cast %add3A_836 : i32 to index
      %get3A_900 = arith.constant 64 : index
      %get3A_901 = tpu.vector_load %arg11[%get3A_899, %get3A_900] {strides = array<i32>} : memref<128x128xf32, #tpu.memory_space<vmem>>, vector<1x16xf32>,
      %get3A_902 = vector.shape_cast %get3A_901 : vector<1x16xf32> to vector<16xf32>
      %get3A_903 = arith.index_cast %add3A_836 : i32 to index
      %get3A_904 = arith.constant 64 : index
      %get3A_905 = tpu.vector_load %arg12[%get3A_903, %get3A_904] {strides = array<i32>} : memref<128x128xf32, #tpu.memory_space<vmem>>, vector<1x16xf32>,
      %get3A_906 = vector.shape_cast %get3A_905 : vector<1x16xf32> to vector<16xf32>
      %get3A_907 = arith.index_cast %add3A_836 : i32 to index
      %get3A_908 = arith.constant 64 : index
      %get3A_909 = tpu.vector_load %arg13[%get3A_907, %get3A_908] {strides = array<i32>} : memref<128x128xf32, #tpu.memory_space<vmem>>, vector<1x16xf32>,
      %get3A_910 = vector.shape_cast %get3A_909 : vector<1x16xf32> to vector<16xf32>
      %sub3A_911 = arith.subf %get3A_910, %get3A_906 : vector<16xf32>
      %mul3A_912 = arith.mulf %get3A_902, %sub3A_911 : vector<16xf32>
      %add3A_913 = arith.addf %add3A_898, %mul3A_912 : vector<16xf32>
      %get3A_914 = arith.index_cast %add3A_836 : i32 to index
      %get3A_915 = arith.constant 80 : index
      %get3A_916 = tpu.vector_load %arg11[%get3A_914, %get3A_915] {strides = array<i32>} : memref<128x128xf32, #tpu.memory_space<vmem>>, vector<1x16xf32>,
      %get3A_917 = vector.shape_cast %get3A_916 : vector<1x16xf32> to vector<16xf32>
      %get3A_918 = arith.index_cast %add3A_836 : i32 to index
      %get3A_919 = arith.constant 80 : index
      %get3A_920 = tpu.vector_load %arg12[%get3A_918, %get3A_919] {strides = array<i32>} : memref<128x128xf32, #tpu.memory_space<vmem>>, vector<1x16xf32>,
      %get3A_921 = vector.shape_cast %get3A_920 : vector<1x16xf32> to vector<16xf32>
      %get3A_922 = arith.index_cast %add3A_836 : i32 to index
      %get3A_923 = arith.constant 80 : index
      %get3A_924 = tpu.vector_load %arg13[%get3A_922, %get3A_923] {strides = array<i32>} : memref<128x128xf32, #tpu.memory_space<vmem>>, vector<1x16xf32>,
      %get3A_925 = vector.shape_cast %get3A_924 : vector<1x16xf32> to vector<16xf32>
      %sub3A_926 = arith.subf %get3A_925, %get3A_921 : vector<16xf32>
      %mul3A_927 = arith.mulf %get3A_917, %sub3A_926 : vector<16xf32>
      %add3A_928 = arith.addf %add3A_913, %mul3A_927 : vector<16xf32>
      %get3A_929 = arith.index_cast %add3A_836 : i32 to index
      %get3A_930 = arith.constant 96 : index
      %get3A_931 = tpu.vector_load %arg11[%get3A_929, %get3A_930] {strides = array<i32>} : memref<128x128xf32, #tpu.memory_space<vmem>>, vector<1x16xf32>,
      %get3A_932 = vector.shape_cast %get3A_931 : vector<1x16xf32> to vector<16xf32>
      %get3A_933 = arith.index_cast %add3A_836 : i32 to index
      %get3A_934 = arith.constant 96 : index
      %get3A_935 = tpu.vector_load %arg12[%get3A_933, %get3A_934] {strides = array<i32>} : memref<128x128xf32, #tpu.memory_space<vmem>>, vector<1x16xf32>,
      %get3A_936 = vector.shape_cast %get3A_935 : vector<1x16xf32> to vector<16xf32>
      %get3A_937 = arith.index_cast %add3A_836 : i32 to index
      %get3A_938 = arith.constant 96 : index
      %get3A_939 = tpu.vector_load %arg13[%get3A_937, %get3A_938] {strides = array<i32>} : memref<128x128xf32, #tpu.memory_space<vmem>>, vector<1x16xf32>,
      %get3A_940 = vector.shape_cast %get3A_939 : vector<1x16xf32> to vector<16xf32>
      %sub3A_941 = arith.subf %get3A_940, %get3A_936 : vector<16xf32>
      %mul3A_942 = arith.mulf %get3A_932, %sub3A_941 : vector<16xf32>
      %add3A_943 = arith.addf %add3A_928, %mul3A_942 : vector<16xf32>
      %get3A_944 = arith.index_cast %add3A_836 : i32 to index
      %get3A_945 = arith.constant 112 : index
      %get3A_946 = tpu.vector_load %arg11[%get3A_944, %get3A_945] {strides = array<i32>} : memref<128x128xf32, #tpu.memory_space<vmem>>, vector<1x16xf32>,
      %get3A_947 = vector.shape_cast %get3A_946 : vector<1x16xf32> to vector<16xf32>
      %get3A_948 = arith.index_cast %add3A_836 : i32 to index
      %get3A_949 = arith.constant 112 : index
      %get3A_950 = tpu.vector_load %arg12[%get3A_948, %get3A_949] {strides = array<i32>} : memref<128x128xf32, #tpu.memory_space<vmem>>, vector<1x16xf32>,
      %get3A_951 = vector.shape_cast %get3A_950 : vector<1x16xf32> to vector<16xf32>
      %get3A_952 = arith.index_cast %add3A_836 : i32 to index
      %get3A_953 = arith.constant 112 : index
      %get3A_954 = tpu.vector_load %arg13[%get3A_952, %get3A_953] {strides = array<i32>} : memref<128x128xf32, #tpu.memory_space<vmem>>, vector<1x16xf32>,
      %get3A_955 = vector.shape_cast %get3A_954 : vector<1x16xf32> to vector<16xf32>
      %sub3A_956 = arith.subf %get3A_955, %get3A_951 : vector<16xf32>
      %mul3A_957 = arith.mulf %get3A_947, %sub3A_956 : vector<16xf32>
      %add3A_958 = arith.addf %add3A_943, %mul3A_957 : vector<16xf32>
      %swap3A_959 = arith.index_cast %scan3A_180 : i32 to index
      %swap3A_960 = arith.constant 80 : index
      %swap3A_961 = tpu.vector_load %arg17[%swap3A_959, %swap3A_960] {strides = array<i32>} : memref<16x128xf32, #tpu.memory_space<vmem>>, vector<1x16xf32>,
      %swap3A_962 = vector.shape_cast %swap3A_961 : vector<1x16xf32> to vector<16xf32>
      %swap3A_963 = vector.shape_cast %add3A_958 : vector<16xf32> to vector<1x16xf32>
      tpu.vector_store %arg17[%swap3A_959, %swap3A_960], %swap3A_963 {strides = array<i32>} : memref<16x128xf32, #tpu.memory_space<vmem>>, vector<1x16xf32>,
      %mul3A_964 = arith.constant 8 : i32
      %mul3A_965 = arith.muli %scan3A_180, %mul3A_964 : i32
      %add3A_966 = arith.constant 6 : i32
      %add3A_967 = arith.addi %mul3A_965, %add3A_966 : i32
      %broadcast_in_dim3A_968 = arith.constant 0.000000e+00 : f32
      %broadcast_in_dim3A_969 = vector.broadcast %broadcast_in_dim3A_968 : f32 to vector<16xf32>
      %get3A_970 = arith.index_cast %add3A_967 : i32 to index
      %get3A_971 = arith.constant 0 : index
      %get3A_972 = tpu.vector_load %arg11[%get3A_970, %get3A_971] {strides = array<i32>} : memref<128x128xf32, #tpu.memory_space<vmem>>, vector<1x16xf32>,
      %get3A_973 = vector.shape_cast %get3A_972 : vector<1x16xf32> to vector<16xf32>
      %get3A_974 = arith.index_cast %add3A_967 : i32 to index
      %get3A_975 = arith.constant 0 : index
      %get3A_976 = tpu.vector_load %arg12[%get3A_974, %get3A_975] {strides = array<i32>} : memref<128x128xf32, #tpu.memory_space<vmem>>, vector<1x16xf32>,
      %get3A_977 = vector.shape_cast %get3A_976 : vector<1x16xf32> to vector<16xf32>
      %get3A_978 = arith.index_cast %add3A_967 : i32 to index
      %get3A_979 = arith.constant 0 : index
      %get3A_980 = tpu.vector_load %arg13[%get3A_978, %get3A_979] {strides = array<i32>} : memref<128x128xf32, #tpu.memory_space<vmem>>, vector<1x16xf32>,
      %get3A_981 = vector.shape_cast %get3A_980 : vector<1x16xf32> to vector<16xf32>
      %sub3A_982 = arith.subf %get3A_981, %get3A_977 : vector<16xf32>
      %mul3A_983 = arith.mulf %get3A_973, %sub3A_982 : vector<16xf32>
      %add3A_984 = arith.addf %broadcast_in_dim3A_969, %mul3A_983 : vector<16xf32>
      %get3A_985 = arith.index_cast %add3A_967 : i32 to index
      %get3A_986 = arith.constant 16 : index
      %get3A_987 = tpu.vector_load %arg11[%get3A_985, %get3A_986] {strides = array<i32>} : memref<128x128xf32, #tpu.memory_space<vmem>>, vector<1x16xf32>,
      %get3A_988 = vector.shape_cast %get3A_987 : vector<1x16xf32> to vector<16xf32>
      %get3A_989 = arith.index_cast %add3A_967 : i32 to index
      %get3A_990 = arith.constant 16 : index
      %get3A_991 = tpu.vector_load %arg12[%get3A_989, %get3A_990] {strides = array<i32>} : memref<128x128xf32, #tpu.memory_space<vmem>>, vector<1x16xf32>,
      %get3A_992 = vector.shape_cast %get3A_991 : vector<1x16xf32> to vector<16xf32>
      %get3A_993 = arith.index_cast %add3A_967 : i32 to index
      %get3A_994 = arith.constant 16 : index
      %get3A_995 = tpu.vector_load %arg13[%get3A_993, %get3A_994] {strides = array<i32>} : memref<128x128xf32, #tpu.memory_space<vmem>>, vector<1x16xf32>,
      %get3A_996 = vector.shape_cast %get3A_995 : vector<1x16xf32> to vector<16xf32>
      %sub3A_997 = arith.subf %get3A_996, %get3A_992 : vector<16xf32>
      %mul3A_998 = arith.mulf %get3A_988, %sub3A_997 : vector<16xf32>
      %add3A_999 = arith.addf %add3A_984, %mul3A_998 : vector<16xf32>
      %get3A_1000 = arith.index_cast %add3A_967 : i32 to index
      %get3A_1001 = arith.constant 32 : index
      %get3A_1002 = tpu.vector_load %arg11[%get3A_1000, %get3A_1001] {strides = array<i32>} : memref<128x128xf32, #tpu.memory_space<vmem>>, vector<1x16xf32>,
      %get3A_1003 = vector.shape_cast %get3A_1002 : vector<1x16xf32> to vector<16xf32>
      %get3A_1004 = arith.index_cast %add3A_967 : i32 to index
      %get3A_1005 = arith.constant 32 : index
      %get3A_1006 = tpu.vector_load %arg12[%get3A_1004, %get3A_1005] {strides = array<i32>} : memref<128x128xf32, #tpu.memory_space<vmem>>, vector<1x16xf32>,
      %get3A_1007 = vector.shape_cast %get3A_1006 : vector<1x16xf32> to vector<16xf32>
      %get3A_1008 = arith.index_cast %add3A_967 : i32 to index
      %get3A_1009 = arith.constant 32 : index
      %get3A_1010 = tpu.vector_load %arg13[%get3A_1008, %get3A_1009] {strides = array<i32>} : memref<128x128xf32, #tpu.memory_space<vmem>>, vector<1x16xf32>,
      %get3A_1011 = vector.shape_cast %get3A_1010 : vector<1x16xf32> to vector<16xf32>
      %sub3A_1012 = arith.subf %get3A_1011, %get3A_1007 : vector<16xf32>
      %mul3A_1013 = arith.mulf %get3A_1003, %sub3A_1012 : vector<16xf32>
      %add3A_1014 = arith.addf %add3A_999, %mul3A_1013 : vector<16xf32>
      %get3A_1015 = arith.index_cast %add3A_967 : i32 to index
      %get3A_1016 = arith.constant 48 : index
      %get3A_1017 = tpu.vector_load %arg11[%get3A_1015, %get3A_1016] {strides = array<i32>} : memref<128x128xf32, #tpu.memory_space<vmem>>, vector<1x16xf32>,
      %get3A_1018 = vector.shape_cast %get3A_1017 : vector<1x16xf32> to vector<16xf32>
      %get3A_1019 = arith.index_cast %add3A_967 : i32 to index
      %get3A_1020 = arith.constant 48 : index
      %get3A_1021 = tpu.vector_load %arg12[%get3A_1019, %get3A_1020] {strides = array<i32>} : memref<128x128xf32, #tpu.memory_space<vmem>>, vector<1x16xf32>,
      %get3A_1022 = vector.shape_cast %get3A_1021 : vector<1x16xf32> to vector<16xf32>
      %get3A_1023 = arith.index_cast %add3A_967 : i32 to index
      %get3A_1024 = arith.constant 48 : index
      %get3A_1025 = tpu.vector_load %arg13[%get3A_1023, %get3A_1024] {strides = array<i32>} : memref<128x128xf32, #tpu.memory_space<vmem>>, vector<1x16xf32>,
      %get3A_1026 = vector.shape_cast %get3A_1025 : vector<1x16xf32> to vector<16xf32>
      %sub3A_1027 = arith.subf %get3A_1026, %get3A_1022 : vector<16xf32>
      %mul3A_1028 = arith.mulf %get3A_1018, %sub3A_1027 : vector<16xf32>
      %add3A_1029 = arith.addf %add3A_1014, %mul3A_1028 : vector<16xf32>
      %get3A_1030 = arith.index_cast %add3A_967 : i32 to index
      %get3A_1031 = arith.constant 64 : index
      %get3A_1032 = tpu.vector_load %arg11[%get3A_1030, %get3A_1031] {strides = array<i32>} : memref<128x128xf32, #tpu.memory_space<vmem>>, vector<1x16xf32>,
      %get3A_1033 = vector.shape_cast %get3A_1032 : vector<1x16xf32> to vector<16xf32>
      %get3A_1034 = arith.index_cast %add3A_967 : i32 to index
      %get3A_1035 = arith.constant 64 : index
      %get3A_1036 = tpu.vector_load %arg12[%get3A_1034, %get3A_1035] {strides = array<i32>} : memref<128x128xf32, #tpu.memory_space<vmem>>, vector<1x16xf32>,
      %get3A_1037 = vector.shape_cast %get3A_1036 : vector<1x16xf32> to vector<16xf32>
      %get3A_1038 = arith.index_cast %add3A_967 : i32 to index
      %get3A_1039 = arith.constant 64 : index
      %get3A_1040 = tpu.vector_load %arg13[%get3A_1038, %get3A_1039] {strides = array<i32>} : memref<128x128xf32, #tpu.memory_space<vmem>>, vector<1x16xf32>,
      %get3A_1041 = vector.shape_cast %get3A_1040 : vector<1x16xf32> to vector<16xf32>
      %sub3A_1042 = arith.subf %get3A_1041, %get3A_1037 : vector<16xf32>
      %mul3A_1043 = arith.mulf %get3A_1033, %sub3A_1042 : vector<16xf32>
      %add3A_1044 = arith.addf %add3A_1029, %mul3A_1043 : vector<16xf32>
      %get3A_1045 = arith.index_cast %add3A_967 : i32 to index
      %get3A_1046 = arith.constant 80 : index
      %get3A_1047 = tpu.vector_load %arg11[%get3A_1045, %get3A_1046] {strides = array<i32>} : memref<128x128xf32, #tpu.memory_space<vmem>>, vector<1x16xf32>,
      %get3A_1048 = vector.shape_cast %get3A_1047 : vector<1x16xf32> to vector<16xf32>
      %get3A_1049 = arith.index_cast %add3A_967 : i32 to index
      %get3A_1050 = arith.constant 80 : index
      %get3A_1051 = tpu.vector_load %arg12[%get3A_1049, %get3A_1050] {strides = array<i32>} : memref<128x128xf32, #tpu.memory_space<vmem>>, vector<1x16xf32>,
      %get3A_1052 = vector.shape_cast %get3A_1051 : vector<1x16xf32> to vector<16xf32>
      %get3A_1053 = arith.index_cast %add3A_967 : i32 to index
      %get3A_1054 = arith.constant 80 : index
      %get3A_1055 = tpu.vector_load %arg13[%get3A_1053, %get3A_1054] {strides = array<i32>} : memref<128x128xf32, #tpu.memory_space<vmem>>, vector<1x16xf32>,
      %get3A_1056 = vector.shape_cast %get3A_1055 : vector<1x16xf32> to vector<16xf32>
      %sub3A_1057 = arith.subf %get3A_1056, %get3A_1052 : vector<16xf32>
      %mul3A_1058 = arith.mulf %get3A_1048, %sub3A_1057 : vector<16xf32>
      %add3A_1059 = arith.addf %add3A_1044, %mul3A_1058 : vector<16xf32>
      %get3A_1060 = arith.index_cast %add3A_967 : i32 to index
      %get3A_1061 = arith.constant 96 : index
      %get3A_1062 = tpu.vector_load %arg11[%get3A_1060, %get3A_1061] {strides = array<i32>} : memref<128x128xf32, #tpu.memory_space<vmem>>, vector<1x16xf32>,
      %get3A_1063 = vector.shape_cast %get3A_1062 : vector<1x16xf32> to vector<16xf32>
      %get3A_1064 = arith.index_cast %add3A_967 : i32 to index
      %get3A_1065 = arith.constant 96 : index
      %get3A_1066 = tpu.vector_load %arg12[%get3A_1064, %get3A_1065] {strides = array<i32>} : memref<128x128xf32, #tpu.memory_space<vmem>>, vector<1x16xf32>,
      %get3A_1067 = vector.shape_cast %get3A_1066 : vector<1x16xf32> to vector<16xf32>
      %get3A_1068 = arith.index_cast %add3A_967 : i32 to index
      %get3A_1069 = arith.constant 96 : index
      %get3A_1070 = tpu.vector_load %arg13[%get3A_1068, %get3A_1069] {strides = array<i32>} : memref<128x128xf32, #tpu.memory_space<vmem>>, vector<1x16xf32>,
      %get3A_1071 = vector.shape_cast %get3A_1070 : vector<1x16xf32> to vector<16xf32>
      %sub3A_1072 = arith.subf %get3A_1071, %get3A_1067 : vector<16xf32>
      %mul3A_1073 = arith.mulf %get3A_1063, %sub3A_1072 : vector<16xf32>
      %add3A_1074 = arith.addf %add3A_1059, %mul3A_1073 : vector<16xf32>
      %get3A_1075 = arith.index_cast %add3A_967 : i32 to index
      %get3A_1076 = arith.constant 112 : index
      %get3A_1077 = tpu.vector_load %arg11[%get3A_1075, %get3A_1076] {strides = array<i32>} : memref<128x128xf32, #tpu.memory_space<vmem>>, vector<1x16xf32>,
      %get3A_1078 = vector.shape_cast %get3A_1077 : vector<1x16xf32> to vector<16xf32>
      %get3A_1079 = arith.index_cast %add3A_967 : i32 to index
      %get3A_1080 = arith.constant 112 : index
      %get3A_1081 = tpu.vector_load %arg12[%get3A_1079, %get3A_1080] {strides = array<i32>} : memref<128x128xf32, #tpu.memory_space<vmem>>, vector<1x16xf32>,
      %get3A_1082 = vector.shape_cast %get3A_1081 : vector<1x16xf32> to vector<16xf32>
      %get3A_1083 = arith.index_cast %add3A_967 : i32 to index
      %get3A_1084 = arith.constant 112 : index
      %get3A_1085 = tpu.vector_load %arg13[%get3A_1083, %get3A_1084] {strides = array<i32>} : memref<128x128xf32, #tpu.memory_space<vmem>>, vector<1x16xf32>,
      %get3A_1086 = vector.shape_cast %get3A_1085 : vector<1x16xf32> to vector<16xf32>
      %sub3A_1087 = arith.subf %get3A_1086, %get3A_1082 : vector<16xf32>
      %mul3A_1088 = arith.mulf %get3A_1078, %sub3A_1087 : vector<16xf32>
      %add3A_1089 = arith.addf %add3A_1074, %mul3A_1088 : vector<16xf32>
      %swap3A_1090 = arith.index_cast %scan3A_180 : i32 to index
      %swap3A_1091 = arith.constant 96 : index
      %swap3A_1092 = tpu.vector_load %arg17[%swap3A_1090, %swap3A_1091] {strides = array<i32>} : memref<16x128xf32, #tpu.memory_space<vmem>>, vector<1x16xf32>,
      %swap3A_1093 = vector.shape_cast %swap3A_1092 : vector<1x16xf32> to vector<16xf32>
      %swap3A_1094 = vector.shape_cast %add3A_1089 : vector<16xf32> to vector<1x16xf32>
      tpu.vector_store %arg17[%swap3A_1090, %swap3A_1091], %swap3A_1094 {strides = array<i32>} : memref<16x128xf32, #tpu.memory_space<vmem>>, vector<1x16xf32>,
      %mul3A_1095 = arith.constant 8 : i32
      %mul3A_1096 = arith.muli %scan3A_180, %mul3A_1095 : i32
      %add3A_1097 = arith.constant 7 : i32
      %add3A_1098 = arith.addi %mul3A_1096, %add3A_1097 : i32
      %broadcast_in_dim3A_1099 = arith.constant 0.000000e+00 : f32
      %broadcast_in_dim3A_1100 = vector.broadcast %broadcast_in_dim3A_1099 : f32 to vector<16xf32>
      %get3A_1101 = arith.index_cast %add3A_1098 : i32 to index
      %get3A_1102 = arith.constant 0 : index
      %get3A_1103 = tpu.vector_load %arg11[%get3A_1101, %get3A_1102] {strides = array<i32>} : memref<128x128xf32, #tpu.memory_space<vmem>>, vector<1x16xf32>,
      %get3A_1104 = vector.shape_cast %get3A_1103 : vector<1x16xf32> to vector<16xf32>
      %get3A_1105 = arith.index_cast %add3A_1098 : i32 to index
      %get3A_1106 = arith.constant 0 : index
      %get3A_1107 = tpu.vector_load %arg12[%get3A_1105, %get3A_1106] {strides = array<i32>} : memref<128x128xf32, #tpu.memory_space<vmem>>, vector<1x16xf32>,
      %get3A_1108 = vector.shape_cast %get3A_1107 : vector<1x16xf32> to vector<16xf32>
      %get3A_1109 = arith.index_cast %add3A_1098 : i32 to index
      %get3A_1110 = arith.constant 0 : index
      %get3A_1111 = tpu.vector_load %arg13[%get3A_1109, %get3A_1110] {strides = array<i32>} : memref<128x128xf32, #tpu.memory_space<vmem>>, vector<1x16xf32>,
      %get3A_1112 = vector.shape_cast %get3A_1111 : vector<1x16xf32> to vector<16xf32>
      %sub3A_1113 = arith.subf %get3A_1112, %get3A_1108 : vector<16xf32>
      %mul3A_1114 = arith.mulf %get3A_1104, %sub3A_1113 : vector<16xf32>
      %add3A_1115 = arith.addf %broadcast_in_dim3A_1100, %mul3A_1114 : vector<16xf32>
      %get3A_1116 = arith.index_cast %add3A_1098 : i32 to index
      %get3A_1117 = arith.constant 16 : index
      %get3A_1118 = tpu.vector_load %arg11[%get3A_1116, %get3A_1117] {strides = array<i32>} : memref<128x128xf32, #tpu.memory_space<vmem>>, vector<1x16xf32>,
      %get3A_1119 = vector.shape_cast %get3A_1118 : vector<1x16xf32> to vector<16xf32>
      %get3A_1120 = arith.index_cast %add3A_1098 : i32 to index
      %get3A_1121 = arith.constant 16 : index
      %get3A_1122 = tpu.vector_load %arg12[%get3A_1120, %get3A_1121] {strides = array<i32>} : memref<128x128xf32, #tpu.memory_space<vmem>>, vector<1x16xf32>,
      %get3A_1123 = vector.shape_cast %get3A_1122 : vector<1x16xf32> to vector<16xf32>
      %get3A_1124 = arith.index_cast %add3A_1098 : i32 to index
      %get3A_1125 = arith.constant 16 : index
      %get3A_1126 = tpu.vector_load %arg13[%get3A_1124, %get3A_1125] {strides = array<i32>} : memref<128x128xf32, #tpu.memory_space<vmem>>, vector<1x16xf32>,
      %get3A_1127 = vector.shape_cast %get3A_1126 : vector<1x16xf32> to vector<16xf32>
      %sub3A_1128 = arith.subf %get3A_1127, %get3A_1123 : vector<16xf32>
      %mul3A_1129 = arith.mulf %get3A_1119, %sub3A_1128 : vector<16xf32>
      %add3A_1130 = arith.addf %add3A_1115, %mul3A_1129 : vector<16xf32>
      %get3A_1131 = arith.index_cast %add3A_1098 : i32 to index
      %get3A_1132 = arith.constant 32 : index
      %get3A_1133 = tpu.vector_load %arg11[%get3A_1131, %get3A_1132] {strides = array<i32>} : memref<128x128xf32, #tpu.memory_space<vmem>>, vector<1x16xf32>,
      %get3A_1134 = vector.shape_cast %get3A_1133 : vector<1x16xf32> to vector<16xf32>
      %get3A_1135 = arith.index_cast %add3A_1098 : i32 to index
      %get3A_1136 = arith.constant 32 : index
      %get3A_1137 = tpu.vector_load %arg12[%get3A_1135, %get3A_1136] {strides = array<i32>} : memref<128x128xf32, #tpu.memory_space<vmem>>, vector<1x16xf32>,
      %get3A_1138 = vector.shape_cast %get3A_1137 : vector<1x16xf32> to vector<16xf32>
      %get3A_1139 = arith.index_cast %add3A_1098 : i32 to index
      %get3A_1140 = arith.constant 32 : index
      %get3A_1141 = tpu.vector_load %arg13[%get3A_1139, %get3A_1140] {strides = array<i32>} : memref<128x128xf32, #tpu.memory_space<vmem>>, vector<1x16xf32>,
      %get3A_1142 = vector.shape_cast %get3A_1141 : vector<1x16xf32> to vector<16xf32>
      %sub3A_1143 = arith.subf %get3A_1142, %get3A_1138 : vector<16xf32>
      %mul3A_1144 = arith.mulf %get3A_1134, %sub3A_1143 : vector<16xf32>
      %add3A_1145 = arith.addf %add3A_1130, %mul3A_1144 : vector<16xf32>
      %get3A_1146 = arith.index_cast %add3A_1098 : i32 to index
      %get3A_1147 = arith.constant 48 : index
      %get3A_1148 = tpu.vector_load %arg11[%get3A_1146, %get3A_1147] {strides = array<i32>} : memref<128x128xf32, #tpu.memory_space<vmem>>, vector<1x16xf32>,
      %get3A_1149 = vector.shape_cast %get3A_1148 : vector<1x16xf32> to vector<16xf32>
      %get3A_1150 = arith.index_cast %add3A_1098 : i32 to index
      %get3A_1151 = arith.constant 48 : index
      %get3A_1152 = tpu.vector_load %arg12[%get3A_1150, %get3A_1151] {strides = array<i32>} : memref<128x128xf32, #tpu.memory_space<vmem>>, vector<1x16xf32>,
      %get3A_1153 = vector.shape_cast %get3A_1152 : vector<1x16xf32> to vector<16xf32>
      %get3A_1154 = arith.index_cast %add3A_1098 : i32 to index
      %get3A_1155 = arith.constant 48 : index
      %get3A_1156 = tpu.vector_load %arg13[%get3A_1154, %get3A_1155] {strides = array<i32>} : memref<128x128xf32, #tpu.memory_space<vmem>>, vector<1x16xf32>,
      %get3A_1157 = vector.shape_cast %get3A_1156 : vector<1x16xf32> to vector<16xf32>
      %sub3A_1158 = arith.subf %get3A_1157, %get3A_1153 : vector<16xf32>
      %mul3A_1159 = arith.mulf %get3A_1149, %sub3A_1158 : vector<16xf32>
      %add3A_1160 = arith.addf %add3A_1145, %mul3A_1159 : vector<16xf32>
      %get3A_1161 = arith.index_cast %add3A_1098 : i32 to index
      %get3A_1162 = arith.constant 64 : index
      %get3A_1163 = tpu.vector_load %arg11[%get3A_1161, %get3A_1162] {strides = array<i32>} : memref<128x128xf32, #tpu.memory_space<vmem>>, vector<1x16xf32>,
      %get3A_1164 = vector.shape_cast %get3A_1163 : vector<1x16xf32> to vector<16xf32>
      %get3A_1165 = arith.index_cast %add3A_1098 : i32 to index
      %get3A_1166 = arith.constant 64 : index
      %get3A_1167 = tpu.vector_load %arg12[%get3A_1165, %get3A_1166] {strides = array<i32>} : memref<128x128xf32, #tpu.memory_space<vmem>>, vector<1x16xf32>,
      %get3A_1168 = vector.shape_cast %get3A_1167 : vector<1x16xf32> to vector<16xf32>
      %get3A_1169 = arith.index_cast %add3A_1098 : i32 to index
      %get3A_1170 = arith.constant 64 : index
      %get3A_1171 = tpu.vector_load %arg13[%get3A_1169, %get3A_1170] {strides = array<i32>} : memref<128x128xf32, #tpu.memory_space<vmem>>, vector<1x16xf32>,
      %get3A_1172 = vector.shape_cast %get3A_1171 : vector<1x16xf32> to vector<16xf32>
      %sub3A_1173 = arith.subf %get3A_1172, %get3A_1168 : vector<16xf32>
      %mul3A_1174 = arith.mulf %get3A_1164, %sub3A_1173 : vector<16xf32>
      %add3A_1175 = arith.addf %add3A_1160, %mul3A_1174 : vector<16xf32>
      %get3A_1176 = arith.index_cast %add3A_1098 : i32 to index
      %get3A_1177 = arith.constant 80 : index
      %get3A_1178 = tpu.vector_load %arg11[%get3A_1176, %get3A_1177] {strides = array<i32>} : memref<128x128xf32, #tpu.memory_space<vmem>>, vector<1x16xf32>,
      %get3A_1179 = vector.shape_cast %get3A_1178 : vector<1x16xf32> to vector<16xf32>
      %get3A_1180 = arith.index_cast %add3A_1098 : i32 to index
      %get3A_1181 = arith.constant 80 : index
      %get3A_1182 = tpu.vector_load %arg12[%get3A_1180, %get3A_1181] {strides = array<i32>} : memref<128x128xf32, #tpu.memory_space<vmem>>, vector<1x16xf32>,
      %get3A_1183 = vector.shape_cast %get3A_1182 : vector<1x16xf32> to vector<16xf32>
      %get3A_1184 = arith.index_cast %add3A_1098 : i32 to index
      %get3A_1185 = arith.constant 80 : index
      %get3A_1186 = tpu.vector_load %arg13[%get3A_1184, %get3A_1185] {strides = array<i32>} : memref<128x128xf32, #tpu.memory_space<vmem>>, vector<1x16xf32>,
      %get3A_1187 = vector.shape_cast %get3A_1186 : vector<1x16xf32> to vector<16xf32>
      %sub3A_1188 = arith.subf %get3A_1187, %get3A_1183 : vector<16xf32>
      %mul3A_1189 = arith.mulf %get3A_1179, %sub3A_1188 : vector<16xf32>
      %add3A_1190 = arith.addf %add3A_1175, %mul3A_1189 : vector<16xf32>
      %get3A_1191 = arith.index_cast %add3A_1098 : i32 to index
      %get3A_1192 = arith.constant 96 : index
      %get3A_1193 = tpu.vector_load %arg11[%get3A_1191, %get3A_1192] {strides = array<i32>} : memref<128x128xf32, #tpu.memory_space<vmem>>, vector<1x16xf32>,
      %get3A_1194 = vector.shape_cast %get3A_1193 : vector<1x16xf32> to vector<16xf32>
      %get3A_1195 = arith.index_cast %add3A_1098 : i32 to index
      %get3A_1196 = arith.constant 96 : index
      %get3A_1197 = tpu.vector_load %arg12[%get3A_1195, %get3A_1196] {strides = array<i32>} : memref<128x128xf32, #tpu.memory_space<vmem>>, vector<1x16xf32>,
      %get3A_1198 = vector.shape_cast %get3A_1197 : vector<1x16xf32> to vector<16xf32>
      %get3A_1199 = arith.index_cast %add3A_1098 : i32 to index
      %get3A_1200 = arith.constant 96 : index
      %get3A_1201 = tpu.vector_load %arg13[%get3A_1199, %get3A_1200] {strides = array<i32>} : memref<128x128xf32, #tpu.memory_space<vmem>>, vector<1x16xf32>,
      %get3A_1202 = vector.shape_cast %get3A_1201 : vector<1x16xf32> to vector<16xf32>
      %sub3A_1203 = arith.subf %get3A_1202, %get3A_1198 : vector<16xf32>
      %mul3A_1204 = arith.mulf %get3A_1194, %sub3A_1203 : vector<16xf32>
      %add3A_1205 = arith.addf %add3A_1190, %mul3A_1204 : vector<16xf32>
      %get3A_1206 = arith.index_cast %add3A_1098 : i32 to index
      %get3A_1207 = arith.constant 112 : index
      %get3A_1208 = tpu.vector_load %arg11[%get3A_1206, %get3A_1207] {strides = array<i32>} : memref<128x128xf32, #tpu.memory_space<vmem>>, vector<1x16xf32>,
      %get3A_1209 = vector.shape_cast %get3A_1208 : vector<1x16xf32> to vector<16xf32>
      %get3A_1210 = arith.index_cast %add3A_1098 : i32 to index
      %get3A_1211 = arith.constant 112 : index
      %get3A_1212 = tpu.vector_load %arg12[%get3A_1210, %get3A_1211] {strides = array<i32>} : memref<128x128xf32, #tpu.memory_space<vmem>>, vector<1x16xf32>,
      %get3A_1213 = vector.shape_cast %get3A_1212 : vector<1x16xf32> to vector<16xf32>
      %get3A_1214 = arith.index_cast %add3A_1098 : i32 to index
      %get3A_1215 = arith.constant 112 : index
      %get3A_1216 = tpu.vector_load %arg13[%get3A_1214, %get3A_1215] {strides = array<i32>} : memref<128x128xf32, #tpu.memory_space<vmem>>, vector<1x16xf32>,
      %get3A_1217 = vector.shape_cast %get3A_1216 : vector<1x16xf32> to vector<16xf32>
      %sub3A_1218 = arith.subf %get3A_1217, %get3A_1213 : vector<16xf32>
      %mul3A_1219 = arith.mulf %get3A_1209, %sub3A_1218 : vector<16xf32>
      %add3A_1220 = arith.addf %add3A_1205, %mul3A_1219 : vector<16xf32>
      %swap3A_1221 = arith.index_cast %scan3A_180 : i32 to index
      %swap3A_1222 = arith.constant 112 : index
      %swap3A_1223 = tpu.vector_load %arg17[%swap3A_1221, %swap3A_1222] {strides = array<i32>} : memref<16x128xf32, #tpu.memory_space<vmem>>, vector<1x16xf32>,
      %swap3A_1224 = vector.shape_cast %swap3A_1223 : vector<1x16xf32> to vector<16xf32>
      %swap3A_1225 = vector.shape_cast %add3A_1220 : vector<16xf32> to vector<1x16xf32>
      tpu.vector_store %arg17[%swap3A_1221, %swap3A_1222], %swap3A_1225 {strides = array<i32>} : memref<16x128xf32, #tpu.memory_space<vmem>>, vector<1x16xf32>,
      %scan3A_1226 = arith.constant 0 : i32
      scf.yield %scan3A_1226 : i32
    }
    %scan3A_147 = arith.constant 16 : i32
    %mul3A_148 = arith.constant 64 : i32
    %mul3A_149 = arith.muli %add3A, %mul3A_148 : i32
    %add3A_150 = arith.constant 32 : i32
    %add3A_151 = arith.addi %mul3A_149, %add3A_150 : i32
    %multiple_of3A_152 = tpu.assume_multiple %add3A_151, 8 : i32
    "tpu.region"() ({
      %run_scoped3A = tpu.sem_alloc : memref<!tpu.dma_semaphore, #tpu.memory_space<semaphore_mem>>
      %dma_start3A_180 = arith.constant 0 : i32
      %dma_start3A_181 = tpu.memref_slice %arg7[%multiple_of3A_152, %dma_start3A_180] : memref<2048x128xf32, #tpu.memory_space<hbm>> -> memref<16x128xf32, #tpu.memory_space<hbm>>
      %dma_start3A_182 = arith.constant 0 : i32
      %dma_start3A_183 = tpu.memref_slice %arg7[%multiple_of3A_152, %dma_start3A_182] : memref<2048x128xf32, #tpu.memory_space<hbm>> -> memref<16x128xf32, #tpu.memory_space<hbm>>
      tpu.enqueue_dma source(%arg17 : memref<16x128xf32, #tpu.memory_space<vmem>>) target(%dma_start3A_183 : memref<16x128xf32, #tpu.memory_space<hbm>>) target_semaphore(%run_scoped3A : memref<!tpu.dma_semaphore, #tpu.memory_space<semaphore_mem>>)
      %dma_wait3A_184 = arith.constant 0 : i32
      %dma_wait3A_185 = tpu.memref_slice %arg7[%multiple_of3A_152, %dma_wait3A_184] : memref<2048x128xf32, #tpu.memory_space<hbm>> -> memref<16x128xf32, #tpu.memory_space<hbm>>
      %dma_wait3A_186 = arith.constant 0 : i32
      %dma_wait3A_187 = tpu.memref_slice %arg7[%multiple_of3A_152, %dma_wait3A_186] : memref<2048x128xf32, #tpu.memory_space<hbm>> -> memref<16x128xf32, #tpu.memory_space<hbm>>
      tpu.wait_dma2 semaphore(%run_scoped3A : memref<!tpu.dma_semaphore, #tpu.memory_space<semaphore_mem>>) src(%arg17 : memref<16x128xf32, #tpu.memory_space<vmem>>) dst(%dma_wait3A_187 : memref<16x128xf32, #tpu.memory_space<hbm>>)
      tpu.yield
    }) : () -> ()
    %dma_wait3A_153 = arith.constant 384 : i32
    %dma_wait3A_154 = tpu.memref_slice %arg8[%dma_wait3A_153] : memref<512xi32, #tpu.memory_space<vmem>> -> memref<128xi32, #tpu.memory_space<vmem>>
    %dma_wait3A_155 = arith.constant 0 : i32
    %dma_wait3A_156 = arith.constant 0 : i32
    %dma_wait3A_157 = tpu.memref_slice %arg2[%dma_wait3A_155, %dma_wait3A_156] : memref<1000000x128xf32, #tpu.memory_space<hbm>> -> memref<1000000x128xf32, #tpu.memory_space<hbm>>
    tpu.wait_indirect_dma semaphore(%arg19 : memref<!tpu.dma_semaphore, #tpu.memory_space<semaphore_mem>>) src(%dma_wait3A_157 : memref<1000000x128xf32, #tpu.memory_space<hbm>>) dst(%arg14 : memref<128x128xf32, #tpu.memory_space<vmem>>)
    %dma_wait3A_158 = arith.constant 384 : i32
    %dma_wait3A_159 = tpu.memref_slice %arg9[%dma_wait3A_158] : memref<512xi32, #tpu.memory_space<vmem>> -> memref<128xi32, #tpu.memory_space<vmem>>
    %dma_wait3A_160 = arith.constant 0 : i32
    %dma_wait3A_161 = arith.constant 0 : i32
    %dma_wait3A_162 = tpu.memref_slice %arg3[%dma_wait3A_160, %dma_wait3A_161] : memref<1000000x128xf32, #tpu.memory_space<hbm>> -> memref<1000000x128xf32, #tpu.memory_space<hbm>>
    tpu.wait_indirect_dma semaphore(%arg19 : memref<!tpu.dma_semaphore, #tpu.memory_space<semaphore_mem>>) src(%dma_wait3A_162 : memref<1000000x128xf32, #tpu.memory_space<hbm>>) dst(%arg15 : memref<128x128xf32, #tpu.memory_space<vmem>>)
    %dma_wait3A_163 = arith.constant 384 : i32
    %dma_wait3A_164 = tpu.memref_slice %arg10[%dma_wait3A_163] : memref<512xi32, #tpu.memory_space<vmem>> -> memref<128xi32, #tpu.memory_space<vmem>>
    %dma_wait3A_165 = arith.constant 0 : i32
    %dma_wait3A_166 = arith.constant 0 : i32
    %dma_wait3A_167 = tpu.memref_slice %arg3[%dma_wait3A_165, %dma_wait3A_166] : memref<1000000x128xf32, #tpu.memory_space<hbm>> -> memref<1000000x128xf32, #tpu.memory_space<hbm>>
    tpu.wait_indirect_dma semaphore(%arg19 : memref<!tpu.dma_semaphore, #tpu.memory_space<semaphore_mem>>) src(%dma_wait3A_167 : memref<1000000x128xf32, #tpu.memory_space<hbm>>) dst(%arg16 : memref<128x128xf32, #tpu.memory_space<vmem>>)
    %scan3A_168 = arith.constant 0 : i32
    %scan3A_169 = arith.constant 0 : i32
    %scan3A_170 = arith.constant 16 : i32
    %scan3A_171 = arith.addi %scan3A_169, %scan3A_170 : i32
    %scan3A_172 = arith.constant 1 : i32
    %scan3A_173 = scf.for %scan3A_180 = %scan3A_169 to %scan3A_171 step %scan3A_172 iter_args(%scan3A_181 = %scan3A_168) -> (i32)  : i32 {
      %mul3A_182 = arith.constant 8 : i32
      %mul3A_183 = arith.muli %scan3A_180, %mul3A_182 : i32
      %add3A_184 = arith.constant 0 : i32
      %add3A_185 = arith.addi %mul3A_183, %add3A_184 : i32
      %broadcast_in_dim3A = arith.constant 0.000000e+00 : f32
      %broadcast_in_dim3A_186 = vector.broadcast %broadcast_in_dim3A : f32 to vector<16xf32>
      %get3A = arith.index_cast %add3A_185 : i32 to index
      %get3A_187 = arith.constant 0 : index
      %get3A_188 = tpu.vector_load %arg14[%get3A, %get3A_187] {strides = array<i32>} : memref<128x128xf32, #tpu.memory_space<vmem>>, vector<1x16xf32>,
      %get3A_189 = vector.shape_cast %get3A_188 : vector<1x16xf32> to vector<16xf32>
      %get3A_190 = arith.index_cast %add3A_185 : i32 to index
      %get3A_191 = arith.constant 0 : index
      %get3A_192 = tpu.vector_load %arg15[%get3A_190, %get3A_191] {strides = array<i32>} : memref<128x128xf32, #tpu.memory_space<vmem>>, vector<1x16xf32>,
      %get3A_193 = vector.shape_cast %get3A_192 : vector<1x16xf32> to vector<16xf32>
      %get3A_194 = arith.index_cast %add3A_185 : i32 to index
      %get3A_195 = arith.constant 0 : index
      %get3A_196 = tpu.vector_load %arg16[%get3A_194, %get3A_195] {strides = array<i32>} : memref<128x128xf32, #tpu.memory_space<vmem>>, vector<1x16xf32>,
      %get3A_197 = vector.shape_cast %get3A_196 : vector<1x16xf32> to vector<16xf32>
      %sub3A = arith.subf %get3A_197, %get3A_193 : vector<16xf32>
      %mul3A_198 = arith.mulf %get3A_189, %sub3A : vector<16xf32>
      %add3A_199 = arith.addf %broadcast_in_dim3A_186, %mul3A_198 : vector<16xf32>
      %get3A_200 = arith.index_cast %add3A_185 : i32 to index
      %get3A_201 = arith.constant 16 : index
      %get3A_202 = tpu.vector_load %arg14[%get3A_200, %get3A_201] {strides = array<i32>} : memref<128x128xf32, #tpu.memory_space<vmem>>, vector<1x16xf32>,
      %get3A_203 = vector.shape_cast %get3A_202 : vector<1x16xf32> to vector<16xf32>
      %get3A_204 = arith.index_cast %add3A_185 : i32 to index
      %get3A_205 = arith.constant 16 : index
      %get3A_206 = tpu.vector_load %arg15[%get3A_204, %get3A_205] {strides = array<i32>} : memref<128x128xf32, #tpu.memory_space<vmem>>, vector<1x16xf32>,
      %get3A_207 = vector.shape_cast %get3A_206 : vector<1x16xf32> to vector<16xf32>
      %get3A_208 = arith.index_cast %add3A_185 : i32 to index
      %get3A_209 = arith.constant 16 : index
      %get3A_210 = tpu.vector_load %arg16[%get3A_208, %get3A_209] {strides = array<i32>} : memref<128x128xf32, #tpu.memory_space<vmem>>, vector<1x16xf32>,
      %get3A_211 = vector.shape_cast %get3A_210 : vector<1x16xf32> to vector<16xf32>
      %sub3A_212 = arith.subf %get3A_211, %get3A_207 : vector<16xf32>
      %mul3A_213 = arith.mulf %get3A_203, %sub3A_212 : vector<16xf32>
      %add3A_214 = arith.addf %add3A_199, %mul3A_213 : vector<16xf32>
      %get3A_215 = arith.index_cast %add3A_185 : i32 to index
      %get3A_216 = arith.constant 32 : index
      %get3A_217 = tpu.vector_load %arg14[%get3A_215, %get3A_216] {strides = array<i32>} : memref<128x128xf32, #tpu.memory_space<vmem>>, vector<1x16xf32>,
      %get3A_218 = vector.shape_cast %get3A_217 : vector<1x16xf32> to vector<16xf32>
      %get3A_219 = arith.index_cast %add3A_185 : i32 to index
      %get3A_220 = arith.constant 32 : index
      %get3A_221 = tpu.vector_load %arg15[%get3A_219, %get3A_220] {strides = array<i32>} : memref<128x128xf32, #tpu.memory_space<vmem>>, vector<1x16xf32>,
      %get3A_222 = vector.shape_cast %get3A_221 : vector<1x16xf32> to vector<16xf32>
      %get3A_223 = arith.index_cast %add3A_185 : i32 to index
      %get3A_224 = arith.constant 32 : index
      %get3A_225 = tpu.vector_load %arg16[%get3A_223, %get3A_224] {strides = array<i32>} : memref<128x128xf32, #tpu.memory_space<vmem>>, vector<1x16xf32>,
      %get3A_226 = vector.shape_cast %get3A_225 : vector<1x16xf32> to vector<16xf32>
      %sub3A_227 = arith.subf %get3A_226, %get3A_222 : vector<16xf32>
      %mul3A_228 = arith.mulf %get3A_218, %sub3A_227 : vector<16xf32>
      %add3A_229 = arith.addf %add3A_214, %mul3A_228 : vector<16xf32>
      %get3A_230 = arith.index_cast %add3A_185 : i32 to index
      %get3A_231 = arith.constant 48 : index
      %get3A_232 = tpu.vector_load %arg14[%get3A_230, %get3A_231] {strides = array<i32>} : memref<128x128xf32, #tpu.memory_space<vmem>>, vector<1x16xf32>,
      %get3A_233 = vector.shape_cast %get3A_232 : vector<1x16xf32> to vector<16xf32>
      %get3A_234 = arith.index_cast %add3A_185 : i32 to index
      %get3A_235 = arith.constant 48 : index
      %get3A_236 = tpu.vector_load %arg15[%get3A_234, %get3A_235] {strides = array<i32>} : memref<128x128xf32, #tpu.memory_space<vmem>>, vector<1x16xf32>,
      %get3A_237 = vector.shape_cast %get3A_236 : vector<1x16xf32> to vector<16xf32>
      %get3A_238 = arith.index_cast %add3A_185 : i32 to index
      %get3A_239 = arith.constant 48 : index
      %get3A_240 = tpu.vector_load %arg16[%get3A_238, %get3A_239] {strides = array<i32>} : memref<128x128xf32, #tpu.memory_space<vmem>>, vector<1x16xf32>,
      %get3A_241 = vector.shape_cast %get3A_240 : vector<1x16xf32> to vector<16xf32>
      %sub3A_242 = arith.subf %get3A_241, %get3A_237 : vector<16xf32>
      %mul3A_243 = arith.mulf %get3A_233, %sub3A_242 : vector<16xf32>
      %add3A_244 = arith.addf %add3A_229, %mul3A_243 : vector<16xf32>
      %get3A_245 = arith.index_cast %add3A_185 : i32 to index
      %get3A_246 = arith.constant 64 : index
      %get3A_247 = tpu.vector_load %arg14[%get3A_245, %get3A_246] {strides = array<i32>} : memref<128x128xf32, #tpu.memory_space<vmem>>, vector<1x16xf32>,
      %get3A_248 = vector.shape_cast %get3A_247 : vector<1x16xf32> to vector<16xf32>
      %get3A_249 = arith.index_cast %add3A_185 : i32 to index
      %get3A_250 = arith.constant 64 : index
      %get3A_251 = tpu.vector_load %arg15[%get3A_249, %get3A_250] {strides = array<i32>} : memref<128x128xf32, #tpu.memory_space<vmem>>, vector<1x16xf32>,
      %get3A_252 = vector.shape_cast %get3A_251 : vector<1x16xf32> to vector<16xf32>
      %get3A_253 = arith.index_cast %add3A_185 : i32 to index
      %get3A_254 = arith.constant 64 : index
      %get3A_255 = tpu.vector_load %arg16[%get3A_253, %get3A_254] {strides = array<i32>} : memref<128x128xf32, #tpu.memory_space<vmem>>, vector<1x16xf32>,
      %get3A_256 = vector.shape_cast %get3A_255 : vector<1x16xf32> to vector<16xf32>
      %sub3A_257 = arith.subf %get3A_256, %get3A_252 : vector<16xf32>
      %mul3A_258 = arith.mulf %get3A_248, %sub3A_257 : vector<16xf32>
      %add3A_259 = arith.addf %add3A_244, %mul3A_258 : vector<16xf32>
      %get3A_260 = arith.index_cast %add3A_185 : i32 to index
      %get3A_261 = arith.constant 80 : index
      %get3A_262 = tpu.vector_load %arg14[%get3A_260, %get3A_261] {strides = array<i32>} : memref<128x128xf32, #tpu.memory_space<vmem>>, vector<1x16xf32>,
      %get3A_263 = vector.shape_cast %get3A_262 : vector<1x16xf32> to vector<16xf32>
      %get3A_264 = arith.index_cast %add3A_185 : i32 to index
      %get3A_265 = arith.constant 80 : index
      %get3A_266 = tpu.vector_load %arg15[%get3A_264, %get3A_265] {strides = array<i32>} : memref<128x128xf32, #tpu.memory_space<vmem>>, vector<1x16xf32>,
      %get3A_267 = vector.shape_cast %get3A_266 : vector<1x16xf32> to vector<16xf32>
      %get3A_268 = arith.index_cast %add3A_185 : i32 to index
      %get3A_269 = arith.constant 80 : index
      %get3A_270 = tpu.vector_load %arg16[%get3A_268, %get3A_269] {strides = array<i32>} : memref<128x128xf32, #tpu.memory_space<vmem>>, vector<1x16xf32>,
      %get3A_271 = vector.shape_cast %get3A_270 : vector<1x16xf32> to vector<16xf32>
      %sub3A_272 = arith.subf %get3A_271, %get3A_267 : vector<16xf32>
      %mul3A_273 = arith.mulf %get3A_263, %sub3A_272 : vector<16xf32>
      %add3A_274 = arith.addf %add3A_259, %mul3A_273 : vector<16xf32>
      %get3A_275 = arith.index_cast %add3A_185 : i32 to index
      %get3A_276 = arith.constant 96 : index
      %get3A_277 = tpu.vector_load %arg14[%get3A_275, %get3A_276] {strides = array<i32>} : memref<128x128xf32, #tpu.memory_space<vmem>>, vector<1x16xf32>,
      %get3A_278 = vector.shape_cast %get3A_277 : vector<1x16xf32> to vector<16xf32>
      %get3A_279 = arith.index_cast %add3A_185 : i32 to index
      %get3A_280 = arith.constant 96 : index
      %get3A_281 = tpu.vector_load %arg15[%get3A_279, %get3A_280] {strides = array<i32>} : memref<128x128xf32, #tpu.memory_space<vmem>>, vector<1x16xf32>,
      %get3A_282 = vector.shape_cast %get3A_281 : vector<1x16xf32> to vector<16xf32>
      %get3A_283 = arith.index_cast %add3A_185 : i32 to index
      %get3A_284 = arith.constant 96 : index
      %get3A_285 = tpu.vector_load %arg16[%get3A_283, %get3A_284] {strides = array<i32>} : memref<128x128xf32, #tpu.memory_space<vmem>>, vector<1x16xf32>,
      %get3A_286 = vector.shape_cast %get3A_285 : vector<1x16xf32> to vector<16xf32>
      %sub3A_287 = arith.subf %get3A_286, %get3A_282 : vector<16xf32>
      %mul3A_288 = arith.mulf %get3A_278, %sub3A_287 : vector<16xf32>
      %add3A_289 = arith.addf %add3A_274, %mul3A_288 : vector<16xf32>
      %get3A_290 = arith.index_cast %add3A_185 : i32 to index
      %get3A_291 = arith.constant 112 : index
      %get3A_292 = tpu.vector_load %arg14[%get3A_290, %get3A_291] {strides = array<i32>} : memref<128x128xf32, #tpu.memory_space<vmem>>, vector<1x16xf32>,
      %get3A_293 = vector.shape_cast %get3A_292 : vector<1x16xf32> to vector<16xf32>
      %get3A_294 = arith.index_cast %add3A_185 : i32 to index
      %get3A_295 = arith.constant 112 : index
      %get3A_296 = tpu.vector_load %arg15[%get3A_294, %get3A_295] {strides = array<i32>} : memref<128x128xf32, #tpu.memory_space<vmem>>, vector<1x16xf32>,
      %get3A_297 = vector.shape_cast %get3A_296 : vector<1x16xf32> to vector<16xf32>
      %get3A_298 = arith.index_cast %add3A_185 : i32 to index
      %get3A_299 = arith.constant 112 : index
      %get3A_300 = tpu.vector_load %arg16[%get3A_298, %get3A_299] {strides = array<i32>} : memref<128x128xf32, #tpu.memory_space<vmem>>, vector<1x16xf32>,
      %get3A_301 = vector.shape_cast %get3A_300 : vector<1x16xf32> to vector<16xf32>
      %sub3A_302 = arith.subf %get3A_301, %get3A_297 : vector<16xf32>
      %mul3A_303 = arith.mulf %get3A_293, %sub3A_302 : vector<16xf32>
      %add3A_304 = arith.addf %add3A_289, %mul3A_303 : vector<16xf32>
      %swap3A = arith.index_cast %scan3A_180 : i32 to index
      %swap3A_305 = arith.constant 0 : index
      %swap3A_306 = tpu.vector_load %arg17[%swap3A, %swap3A_305] {strides = array<i32>} : memref<16x128xf32, #tpu.memory_space<vmem>>, vector<1x16xf32>,
      %swap3A_307 = vector.shape_cast %swap3A_306 : vector<1x16xf32> to vector<16xf32>
      %swap3A_308 = vector.shape_cast %add3A_304 : vector<16xf32> to vector<1x16xf32>
      tpu.vector_store %arg17[%swap3A, %swap3A_305], %swap3A_308 {strides = array<i32>} : memref<16x128xf32, #tpu.memory_space<vmem>>, vector<1x16xf32>,
      %mul3A_309 = arith.constant 8 : i32
      %mul3A_310 = arith.muli %scan3A_180, %mul3A_309 : i32
      %add3A_311 = arith.constant 1 : i32
      %add3A_312 = arith.addi %mul3A_310, %add3A_311 : i32
      %broadcast_in_dim3A_313 = arith.constant 0.000000e+00 : f32
      %broadcast_in_dim3A_314 = vector.broadcast %broadcast_in_dim3A_313 : f32 to vector<16xf32>
      %get3A_315 = arith.index_cast %add3A_312 : i32 to index
      %get3A_316 = arith.constant 0 : index
      %get3A_317 = tpu.vector_load %arg14[%get3A_315, %get3A_316] {strides = array<i32>} : memref<128x128xf32, #tpu.memory_space<vmem>>, vector<1x16xf32>,
      %get3A_318 = vector.shape_cast %get3A_317 : vector<1x16xf32> to vector<16xf32>
      %get3A_319 = arith.index_cast %add3A_312 : i32 to index
      %get3A_320 = arith.constant 0 : index
      %get3A_321 = tpu.vector_load %arg15[%get3A_319, %get3A_320] {strides = array<i32>} : memref<128x128xf32, #tpu.memory_space<vmem>>, vector<1x16xf32>,
      %get3A_322 = vector.shape_cast %get3A_321 : vector<1x16xf32> to vector<16xf32>
      %get3A_323 = arith.index_cast %add3A_312 : i32 to index
      %get3A_324 = arith.constant 0 : index
      %get3A_325 = tpu.vector_load %arg16[%get3A_323, %get3A_324] {strides = array<i32>} : memref<128x128xf32, #tpu.memory_space<vmem>>, vector<1x16xf32>,
      %get3A_326 = vector.shape_cast %get3A_325 : vector<1x16xf32> to vector<16xf32>
      %sub3A_327 = arith.subf %get3A_326, %get3A_322 : vector<16xf32>
      %mul3A_328 = arith.mulf %get3A_318, %sub3A_327 : vector<16xf32>
      %add3A_329 = arith.addf %broadcast_in_dim3A_314, %mul3A_328 : vector<16xf32>
      %get3A_330 = arith.index_cast %add3A_312 : i32 to index
      %get3A_331 = arith.constant 16 : index
      %get3A_332 = tpu.vector_load %arg14[%get3A_330, %get3A_331] {strides = array<i32>} : memref<128x128xf32, #tpu.memory_space<vmem>>, vector<1x16xf32>,
      %get3A_333 = vector.shape_cast %get3A_332 : vector<1x16xf32> to vector<16xf32>
      %get3A_334 = arith.index_cast %add3A_312 : i32 to index
      %get3A_335 = arith.constant 16 : index
      %get3A_336 = tpu.vector_load %arg15[%get3A_334, %get3A_335] {strides = array<i32>} : memref<128x128xf32, #tpu.memory_space<vmem>>, vector<1x16xf32>,
      %get3A_337 = vector.shape_cast %get3A_336 : vector<1x16xf32> to vector<16xf32>
      %get3A_338 = arith.index_cast %add3A_312 : i32 to index
      %get3A_339 = arith.constant 16 : index
      %get3A_340 = tpu.vector_load %arg16[%get3A_338, %get3A_339] {strides = array<i32>} : memref<128x128xf32, #tpu.memory_space<vmem>>, vector<1x16xf32>,
      %get3A_341 = vector.shape_cast %get3A_340 : vector<1x16xf32> to vector<16xf32>
      %sub3A_342 = arith.subf %get3A_341, %get3A_337 : vector<16xf32>
      %mul3A_343 = arith.mulf %get3A_333, %sub3A_342 : vector<16xf32>
      %add3A_344 = arith.addf %add3A_329, %mul3A_343 : vector<16xf32>
      %get3A_345 = arith.index_cast %add3A_312 : i32 to index
      %get3A_346 = arith.constant 32 : index
      %get3A_347 = tpu.vector_load %arg14[%get3A_345, %get3A_346] {strides = array<i32>} : memref<128x128xf32, #tpu.memory_space<vmem>>, vector<1x16xf32>,
      %get3A_348 = vector.shape_cast %get3A_347 : vector<1x16xf32> to vector<16xf32>
      %get3A_349 = arith.index_cast %add3A_312 : i32 to index
      %get3A_350 = arith.constant 32 : index
      %get3A_351 = tpu.vector_load %arg15[%get3A_349, %get3A_350] {strides = array<i32>} : memref<128x128xf32, #tpu.memory_space<vmem>>, vector<1x16xf32>,
      %get3A_352 = vector.shape_cast %get3A_351 : vector<1x16xf32> to vector<16xf32>
      %get3A_353 = arith.index_cast %add3A_312 : i32 to index
      %get3A_354 = arith.constant 32 : index
      %get3A_355 = tpu.vector_load %arg16[%get3A_353, %get3A_354] {strides = array<i32>} : memref<128x128xf32, #tpu.memory_space<vmem>>, vector<1x16xf32>,
      %get3A_356 = vector.shape_cast %get3A_355 : vector<1x16xf32> to vector<16xf32>
      %sub3A_357 = arith.subf %get3A_356, %get3A_352 : vector<16xf32>
      %mul3A_358 = arith.mulf %get3A_348, %sub3A_357 : vector<16xf32>
      %add3A_359 = arith.addf %add3A_344, %mul3A_358 : vector<16xf32>
      %get3A_360 = arith.index_cast %add3A_312 : i32 to index
      %get3A_361 = arith.constant 48 : index
      %get3A_362 = tpu.vector_load %arg14[%get3A_360, %get3A_361] {strides = array<i32>} : memref<128x128xf32, #tpu.memory_space<vmem>>, vector<1x16xf32>,
      %get3A_363 = vector.shape_cast %get3A_362 : vector<1x16xf32> to vector<16xf32>
      %get3A_364 = arith.index_cast %add3A_312 : i32 to index
      %get3A_365 = arith.constant 48 : index
      %get3A_366 = tpu.vector_load %arg15[%get3A_364, %get3A_365] {strides = array<i32>} : memref<128x128xf32, #tpu.memory_space<vmem>>, vector<1x16xf32>,
      %get3A_367 = vector.shape_cast %get3A_366 : vector<1x16xf32> to vector<16xf32>
      %get3A_368 = arith.index_cast %add3A_312 : i32 to index
      %get3A_369 = arith.constant 48 : index
      %get3A_370 = tpu.vector_load %arg16[%get3A_368, %get3A_369] {strides = array<i32>} : memref<128x128xf32, #tpu.memory_space<vmem>>, vector<1x16xf32>,
      %get3A_371 = vector.shape_cast %get3A_370 : vector<1x16xf32> to vector<16xf32>
      %sub3A_372 = arith.subf %get3A_371, %get3A_367 : vector<16xf32>
      %mul3A_373 = arith.mulf %get3A_363, %sub3A_372 : vector<16xf32>
      %add3A_374 = arith.addf %add3A_359, %mul3A_373 : vector<16xf32>
      %get3A_375 = arith.index_cast %add3A_312 : i32 to index
      %get3A_376 = arith.constant 64 : index
      %get3A_377 = tpu.vector_load %arg14[%get3A_375, %get3A_376] {strides = array<i32>} : memref<128x128xf32, #tpu.memory_space<vmem>>, vector<1x16xf32>,
      %get3A_378 = vector.shape_cast %get3A_377 : vector<1x16xf32> to vector<16xf32>
      %get3A_379 = arith.index_cast %add3A_312 : i32 to index
      %get3A_380 = arith.constant 64 : index
      %get3A_381 = tpu.vector_load %arg15[%get3A_379, %get3A_380] {strides = array<i32>} : memref<128x128xf32, #tpu.memory_space<vmem>>, vector<1x16xf32>,
      %get3A_382 = vector.shape_cast %get3A_381 : vector<1x16xf32> to vector<16xf32>
      %get3A_383 = arith.index_cast %add3A_312 : i32 to index
      %get3A_384 = arith.constant 64 : index
      %get3A_385 = tpu.vector_load %arg16[%get3A_383, %get3A_384] {strides = array<i32>} : memref<128x128xf32, #tpu.memory_space<vmem>>, vector<1x16xf32>,
      %get3A_386 = vector.shape_cast %get3A_385 : vector<1x16xf32> to vector<16xf32>
      %sub3A_387 = arith.subf %get3A_386, %get3A_382 : vector<16xf32>
      %mul3A_388 = arith.mulf %get3A_378, %sub3A_387 : vector<16xf32>
      %add3A_389 = arith.addf %add3A_374, %mul3A_388 : vector<16xf32>
      %get3A_390 = arith.index_cast %add3A_312 : i32 to index
      %get3A_391 = arith.constant 80 : index
      %get3A_392 = tpu.vector_load %arg14[%get3A_390, %get3A_391] {strides = array<i32>} : memref<128x128xf32, #tpu.memory_space<vmem>>, vector<1x16xf32>,
      %get3A_393 = vector.shape_cast %get3A_392 : vector<1x16xf32> to vector<16xf32>
      %get3A_394 = arith.index_cast %add3A_312 : i32 to index
      %get3A_395 = arith.constant 80 : index
      %get3A_396 = tpu.vector_load %arg15[%get3A_394, %get3A_395] {strides = array<i32>} : memref<128x128xf32, #tpu.memory_space<vmem>>, vector<1x16xf32>,
      %get3A_397 = vector.shape_cast %get3A_396 : vector<1x16xf32> to vector<16xf32>
      %get3A_398 = arith.index_cast %add3A_312 : i32 to index
      %get3A_399 = arith.constant 80 : index
      %get3A_400 = tpu.vector_load %arg16[%get3A_398, %get3A_399] {strides = array<i32>} : memref<128x128xf32, #tpu.memory_space<vmem>>, vector<1x16xf32>,
      %get3A_401 = vector.shape_cast %get3A_400 : vector<1x16xf32> to vector<16xf32>
      %sub3A_402 = arith.subf %get3A_401, %get3A_397 : vector<16xf32>
      %mul3A_403 = arith.mulf %get3A_393, %sub3A_402 : vector<16xf32>
      %add3A_404 = arith.addf %add3A_389, %mul3A_403 : vector<16xf32>
      %get3A_405 = arith.index_cast %add3A_312 : i32 to index
      %get3A_406 = arith.constant 96 : index
      %get3A_407 = tpu.vector_load %arg14[%get3A_405, %get3A_406] {strides = array<i32>} : memref<128x128xf32, #tpu.memory_space<vmem>>, vector<1x16xf32>,
      %get3A_408 = vector.shape_cast %get3A_407 : vector<1x16xf32> to vector<16xf32>
      %get3A_409 = arith.index_cast %add3A_312 : i32 to index
      %get3A_410 = arith.constant 96 : index
      %get3A_411 = tpu.vector_load %arg15[%get3A_409, %get3A_410] {strides = array<i32>} : memref<128x128xf32, #tpu.memory_space<vmem>>, vector<1x16xf32>,
      %get3A_412 = vector.shape_cast %get3A_411 : vector<1x16xf32> to vector<16xf32>
      %get3A_413 = arith.index_cast %add3A_312 : i32 to index
      %get3A_414 = arith.constant 96 : index
      %get3A_415 = tpu.vector_load %arg16[%get3A_413, %get3A_414] {strides = array<i32>} : memref<128x128xf32, #tpu.memory_space<vmem>>, vector<1x16xf32>,
      %get3A_416 = vector.shape_cast %get3A_415 : vector<1x16xf32> to vector<16xf32>
      %sub3A_417 = arith.subf %get3A_416, %get3A_412 : vector<16xf32>
      %mul3A_418 = arith.mulf %get3A_408, %sub3A_417 : vector<16xf32>
      %add3A_419 = arith.addf %add3A_404, %mul3A_418 : vector<16xf32>
      %get3A_420 = arith.index_cast %add3A_312 : i32 to index
      %get3A_421 = arith.constant 112 : index
      %get3A_422 = tpu.vector_load %arg14[%get3A_420, %get3A_421] {strides = array<i32>} : memref<128x128xf32, #tpu.memory_space<vmem>>, vector<1x16xf32>,
      %get3A_423 = vector.shape_cast %get3A_422 : vector<1x16xf32> to vector<16xf32>
      %get3A_424 = arith.index_cast %add3A_312 : i32 to index
      %get3A_425 = arith.constant 112 : index
      %get3A_426 = tpu.vector_load %arg15[%get3A_424, %get3A_425] {strides = array<i32>} : memref<128x128xf32, #tpu.memory_space<vmem>>, vector<1x16xf32>,
      %get3A_427 = vector.shape_cast %get3A_426 : vector<1x16xf32> to vector<16xf32>
      %get3A_428 = arith.index_cast %add3A_312 : i32 to index
      %get3A_429 = arith.constant 112 : index
      %get3A_430 = tpu.vector_load %arg16[%get3A_428, %get3A_429] {strides = array<i32>} : memref<128x128xf32, #tpu.memory_space<vmem>>, vector<1x16xf32>,
      %get3A_431 = vector.shape_cast %get3A_430 : vector<1x16xf32> to vector<16xf32>
      %sub3A_432 = arith.subf %get3A_431, %get3A_427 : vector<16xf32>
      %mul3A_433 = arith.mulf %get3A_423, %sub3A_432 : vector<16xf32>
      %add3A_434 = arith.addf %add3A_419, %mul3A_433 : vector<16xf32>
      %swap3A_435 = arith.index_cast %scan3A_180 : i32 to index
      %swap3A_436 = arith.constant 16 : index
      %swap3A_437 = tpu.vector_load %arg17[%swap3A_435, %swap3A_436] {strides = array<i32>} : memref<16x128xf32, #tpu.memory_space<vmem>>, vector<1x16xf32>,
      %swap3A_438 = vector.shape_cast %swap3A_437 : vector<1x16xf32> to vector<16xf32>
      %swap3A_439 = vector.shape_cast %add3A_434 : vector<16xf32> to vector<1x16xf32>
      tpu.vector_store %arg17[%swap3A_435, %swap3A_436], %swap3A_439 {strides = array<i32>} : memref<16x128xf32, #tpu.memory_space<vmem>>, vector<1x16xf32>,
      %mul3A_440 = arith.constant 8 : i32
      %mul3A_441 = arith.muli %scan3A_180, %mul3A_440 : i32
      %add3A_442 = arith.constant 2 : i32
      %add3A_443 = arith.addi %mul3A_441, %add3A_442 : i32
      %broadcast_in_dim3A_444 = arith.constant 0.000000e+00 : f32
      %broadcast_in_dim3A_445 = vector.broadcast %broadcast_in_dim3A_444 : f32 to vector<16xf32>
      %get3A_446 = arith.index_cast %add3A_443 : i32 to index
      %get3A_447 = arith.constant 0 : index
      %get3A_448 = tpu.vector_load %arg14[%get3A_446, %get3A_447] {strides = array<i32>} : memref<128x128xf32, #tpu.memory_space<vmem>>, vector<1x16xf32>,
      %get3A_449 = vector.shape_cast %get3A_448 : vector<1x16xf32> to vector<16xf32>
      %get3A_450 = arith.index_cast %add3A_443 : i32 to index
      %get3A_451 = arith.constant 0 : index
      %get3A_452 = tpu.vector_load %arg15[%get3A_450, %get3A_451] {strides = array<i32>} : memref<128x128xf32, #tpu.memory_space<vmem>>, vector<1x16xf32>,
      %get3A_453 = vector.shape_cast %get3A_452 : vector<1x16xf32> to vector<16xf32>
      %get3A_454 = arith.index_cast %add3A_443 : i32 to index
      %get3A_455 = arith.constant 0 : index
      %get3A_456 = tpu.vector_load %arg16[%get3A_454, %get3A_455] {strides = array<i32>} : memref<128x128xf32, #tpu.memory_space<vmem>>, vector<1x16xf32>,
      %get3A_457 = vector.shape_cast %get3A_456 : vector<1x16xf32> to vector<16xf32>
      %sub3A_458 = arith.subf %get3A_457, %get3A_453 : vector<16xf32>
      %mul3A_459 = arith.mulf %get3A_449, %sub3A_458 : vector<16xf32>
      %add3A_460 = arith.addf %broadcast_in_dim3A_445, %mul3A_459 : vector<16xf32>
      %get3A_461 = arith.index_cast %add3A_443 : i32 to index
      %get3A_462 = arith.constant 16 : index
      %get3A_463 = tpu.vector_load %arg14[%get3A_461, %get3A_462] {strides = array<i32>} : memref<128x128xf32, #tpu.memory_space<vmem>>, vector<1x16xf32>,
      %get3A_464 = vector.shape_cast %get3A_463 : vector<1x16xf32> to vector<16xf32>
      %get3A_465 = arith.index_cast %add3A_443 : i32 to index
      %get3A_466 = arith.constant 16 : index
      %get3A_467 = tpu.vector_load %arg15[%get3A_465, %get3A_466] {strides = array<i32>} : memref<128x128xf32, #tpu.memory_space<vmem>>, vector<1x16xf32>,
      %get3A_468 = vector.shape_cast %get3A_467 : vector<1x16xf32> to vector<16xf32>
      %get3A_469 = arith.index_cast %add3A_443 : i32 to index
      %get3A_470 = arith.constant 16 : index
      %get3A_471 = tpu.vector_load %arg16[%get3A_469, %get3A_470] {strides = array<i32>} : memref<128x128xf32, #tpu.memory_space<vmem>>, vector<1x16xf32>,
      %get3A_472 = vector.shape_cast %get3A_471 : vector<1x16xf32> to vector<16xf32>
      %sub3A_473 = arith.subf %get3A_472, %get3A_468 : vector<16xf32>
      %mul3A_474 = arith.mulf %get3A_464, %sub3A_473 : vector<16xf32>
      %add3A_475 = arith.addf %add3A_460, %mul3A_474 : vector<16xf32>
      %get3A_476 = arith.index_cast %add3A_443 : i32 to index
      %get3A_477 = arith.constant 32 : index
      %get3A_478 = tpu.vector_load %arg14[%get3A_476, %get3A_477] {strides = array<i32>} : memref<128x128xf32, #tpu.memory_space<vmem>>, vector<1x16xf32>,
      %get3A_479 = vector.shape_cast %get3A_478 : vector<1x16xf32> to vector<16xf32>
      %get3A_480 = arith.index_cast %add3A_443 : i32 to index
      %get3A_481 = arith.constant 32 : index
      %get3A_482 = tpu.vector_load %arg15[%get3A_480, %get3A_481] {strides = array<i32>} : memref<128x128xf32, #tpu.memory_space<vmem>>, vector<1x16xf32>,
      %get3A_483 = vector.shape_cast %get3A_482 : vector<1x16xf32> to vector<16xf32>
      %get3A_484 = arith.index_cast %add3A_443 : i32 to index
      %get3A_485 = arith.constant 32 : index
      %get3A_486 = tpu.vector_load %arg16[%get3A_484, %get3A_485] {strides = array<i32>} : memref<128x128xf32, #tpu.memory_space<vmem>>, vector<1x16xf32>,
      %get3A_487 = vector.shape_cast %get3A_486 : vector<1x16xf32> to vector<16xf32>
      %sub3A_488 = arith.subf %get3A_487, %get3A_483 : vector<16xf32>
      %mul3A_489 = arith.mulf %get3A_479, %sub3A_488 : vector<16xf32>
      %add3A_490 = arith.addf %add3A_475, %mul3A_489 : vector<16xf32>
      %get3A_491 = arith.index_cast %add3A_443 : i32 to index
      %get3A_492 = arith.constant 48 : index
      %get3A_493 = tpu.vector_load %arg14[%get3A_491, %get3A_492] {strides = array<i32>} : memref<128x128xf32, #tpu.memory_space<vmem>>, vector<1x16xf32>,
      %get3A_494 = vector.shape_cast %get3A_493 : vector<1x16xf32> to vector<16xf32>
      %get3A_495 = arith.index_cast %add3A_443 : i32 to index
      %get3A_496 = arith.constant 48 : index
      %get3A_497 = tpu.vector_load %arg15[%get3A_495, %get3A_496] {strides = array<i32>} : memref<128x128xf32, #tpu.memory_space<vmem>>, vector<1x16xf32>,
      %get3A_498 = vector.shape_cast %get3A_497 : vector<1x16xf32> to vector<16xf32>
      %get3A_499 = arith.index_cast %add3A_443 : i32 to index
      %get3A_500 = arith.constant 48 : index
      %get3A_501 = tpu.vector_load %arg16[%get3A_499, %get3A_500] {strides = array<i32>} : memref<128x128xf32, #tpu.memory_space<vmem>>, vector<1x16xf32>,
      %get3A_502 = vector.shape_cast %get3A_501 : vector<1x16xf32> to vector<16xf32>
      %sub3A_503 = arith.subf %get3A_502, %get3A_498 : vector<16xf32>
      %mul3A_504 = arith.mulf %get3A_494, %sub3A_503 : vector<16xf32>
      %add3A_505 = arith.addf %add3A_490, %mul3A_504 : vector<16xf32>
      %get3A_506 = arith.index_cast %add3A_443 : i32 to index
      %get3A_507 = arith.constant 64 : index
      %get3A_508 = tpu.vector_load %arg14[%get3A_506, %get3A_507] {strides = array<i32>} : memref<128x128xf32, #tpu.memory_space<vmem>>, vector<1x16xf32>,
      %get3A_509 = vector.shape_cast %get3A_508 : vector<1x16xf32> to vector<16xf32>
      %get3A_510 = arith.index_cast %add3A_443 : i32 to index
      %get3A_511 = arith.constant 64 : index
      %get3A_512 = tpu.vector_load %arg15[%get3A_510, %get3A_511] {strides = array<i32>} : memref<128x128xf32, #tpu.memory_space<vmem>>, vector<1x16xf32>,
      %get3A_513 = vector.shape_cast %get3A_512 : vector<1x16xf32> to vector<16xf32>
      %get3A_514 = arith.index_cast %add3A_443 : i32 to index
      %get3A_515 = arith.constant 64 : index
      %get3A_516 = tpu.vector_load %arg16[%get3A_514, %get3A_515] {strides = array<i32>} : memref<128x128xf32, #tpu.memory_space<vmem>>, vector<1x16xf32>,
      %get3A_517 = vector.shape_cast %get3A_516 : vector<1x16xf32> to vector<16xf32>
      %sub3A_518 = arith.subf %get3A_517, %get3A_513 : vector<16xf32>
      %mul3A_519 = arith.mulf %get3A_509, %sub3A_518 : vector<16xf32>
      %add3A_520 = arith.addf %add3A_505, %mul3A_519 : vector<16xf32>
      %get3A_521 = arith.index_cast %add3A_443 : i32 to index
      %get3A_522 = arith.constant 80 : index
      %get3A_523 = tpu.vector_load %arg14[%get3A_521, %get3A_522] {strides = array<i32>} : memref<128x128xf32, #tpu.memory_space<vmem>>, vector<1x16xf32>,
      %get3A_524 = vector.shape_cast %get3A_523 : vector<1x16xf32> to vector<16xf32>
      %get3A_525 = arith.index_cast %add3A_443 : i32 to index
      %get3A_526 = arith.constant 80 : index
      %get3A_527 = tpu.vector_load %arg15[%get3A_525, %get3A_526] {strides = array<i32>} : memref<128x128xf32, #tpu.memory_space<vmem>>, vector<1x16xf32>,
      %get3A_528 = vector.shape_cast %get3A_527 : vector<1x16xf32> to vector<16xf32>
      %get3A_529 = arith.index_cast %add3A_443 : i32 to index
      %get3A_530 = arith.constant 80 : index
      %get3A_531 = tpu.vector_load %arg16[%get3A_529, %get3A_530] {strides = array<i32>} : memref<128x128xf32, #tpu.memory_space<vmem>>, vector<1x16xf32>,
      %get3A_532 = vector.shape_cast %get3A_531 : vector<1x16xf32> to vector<16xf32>
      %sub3A_533 = arith.subf %get3A_532, %get3A_528 : vector<16xf32>
      %mul3A_534 = arith.mulf %get3A_524, %sub3A_533 : vector<16xf32>
      %add3A_535 = arith.addf %add3A_520, %mul3A_534 : vector<16xf32>
      %get3A_536 = arith.index_cast %add3A_443 : i32 to index
      %get3A_537 = arith.constant 96 : index
      %get3A_538 = tpu.vector_load %arg14[%get3A_536, %get3A_537] {strides = array<i32>} : memref<128x128xf32, #tpu.memory_space<vmem>>, vector<1x16xf32>,
      %get3A_539 = vector.shape_cast %get3A_538 : vector<1x16xf32> to vector<16xf32>
      %get3A_540 = arith.index_cast %add3A_443 : i32 to index
      %get3A_541 = arith.constant 96 : index
      %get3A_542 = tpu.vector_load %arg15[%get3A_540, %get3A_541] {strides = array<i32>} : memref<128x128xf32, #tpu.memory_space<vmem>>, vector<1x16xf32>,
      %get3A_543 = vector.shape_cast %get3A_542 : vector<1x16xf32> to vector<16xf32>
      %get3A_544 = arith.index_cast %add3A_443 : i32 to index
      %get3A_545 = arith.constant 96 : index
      %get3A_546 = tpu.vector_load %arg16[%get3A_544, %get3A_545] {strides = array<i32>} : memref<128x128xf32, #tpu.memory_space<vmem>>, vector<1x16xf32>,
      %get3A_547 = vector.shape_cast %get3A_546 : vector<1x16xf32> to vector<16xf32>
      %sub3A_548 = arith.subf %get3A_547, %get3A_543 : vector<16xf32>
      %mul3A_549 = arith.mulf %get3A_539, %sub3A_548 : vector<16xf32>
      %add3A_550 = arith.addf %add3A_535, %mul3A_549 : vector<16xf32>
      %get3A_551 = arith.index_cast %add3A_443 : i32 to index
      %get3A_552 = arith.constant 112 : index
      %get3A_553 = tpu.vector_load %arg14[%get3A_551, %get3A_552] {strides = array<i32>} : memref<128x128xf32, #tpu.memory_space<vmem>>, vector<1x16xf32>,
      %get3A_554 = vector.shape_cast %get3A_553 : vector<1x16xf32> to vector<16xf32>
      %get3A_555 = arith.index_cast %add3A_443 : i32 to index
      %get3A_556 = arith.constant 112 : index
      %get3A_557 = tpu.vector_load %arg15[%get3A_555, %get3A_556] {strides = array<i32>} : memref<128x128xf32, #tpu.memory_space<vmem>>, vector<1x16xf32>,
      %get3A_558 = vector.shape_cast %get3A_557 : vector<1x16xf32> to vector<16xf32>
      %get3A_559 = arith.index_cast %add3A_443 : i32 to index
      %get3A_560 = arith.constant 112 : index
      %get3A_561 = tpu.vector_load %arg16[%get3A_559, %get3A_560] {strides = array<i32>} : memref<128x128xf32, #tpu.memory_space<vmem>>, vector<1x16xf32>,
      %get3A_562 = vector.shape_cast %get3A_561 : vector<1x16xf32> to vector<16xf32>
      %sub3A_563 = arith.subf %get3A_562, %get3A_558 : vector<16xf32>
      %mul3A_564 = arith.mulf %get3A_554, %sub3A_563 : vector<16xf32>
      %add3A_565 = arith.addf %add3A_550, %mul3A_564 : vector<16xf32>
      %swap3A_566 = arith.index_cast %scan3A_180 : i32 to index
      %swap3A_567 = arith.constant 32 : index
      %swap3A_568 = tpu.vector_load %arg17[%swap3A_566, %swap3A_567] {strides = array<i32>} : memref<16x128xf32, #tpu.memory_space<vmem>>, vector<1x16xf32>,
      %swap3A_569 = vector.shape_cast %swap3A_568 : vector<1x16xf32> to vector<16xf32>
      %swap3A_570 = vector.shape_cast %add3A_565 : vector<16xf32> to vector<1x16xf32>
      tpu.vector_store %arg17[%swap3A_566, %swap3A_567], %swap3A_570 {strides = array<i32>} : memref<16x128xf32, #tpu.memory_space<vmem>>, vector<1x16xf32>,
      %mul3A_571 = arith.constant 8 : i32
      %mul3A_572 = arith.muli %scan3A_180, %mul3A_571 : i32
      %add3A_573 = arith.constant 3 : i32
      %add3A_574 = arith.addi %mul3A_572, %add3A_573 : i32
      %broadcast_in_dim3A_575 = arith.constant 0.000000e+00 : f32
      %broadcast_in_dim3A_576 = vector.broadcast %broadcast_in_dim3A_575 : f32 to vector<16xf32>
      %get3A_577 = arith.index_cast %add3A_574 : i32 to index
      %get3A_578 = arith.constant 0 : index
      %get3A_579 = tpu.vector_load %arg14[%get3A_577, %get3A_578] {strides = array<i32>} : memref<128x128xf32, #tpu.memory_space<vmem>>, vector<1x16xf32>,
      %get3A_580 = vector.shape_cast %get3A_579 : vector<1x16xf32> to vector<16xf32>
      %get3A_581 = arith.index_cast %add3A_574 : i32 to index
      %get3A_582 = arith.constant 0 : index
      %get3A_583 = tpu.vector_load %arg15[%get3A_581, %get3A_582] {strides = array<i32>} : memref<128x128xf32, #tpu.memory_space<vmem>>, vector<1x16xf32>,
      %get3A_584 = vector.shape_cast %get3A_583 : vector<1x16xf32> to vector<16xf32>
      %get3A_585 = arith.index_cast %add3A_574 : i32 to index
      %get3A_586 = arith.constant 0 : index
      %get3A_587 = tpu.vector_load %arg16[%get3A_585, %get3A_586] {strides = array<i32>} : memref<128x128xf32, #tpu.memory_space<vmem>>, vector<1x16xf32>,
      %get3A_588 = vector.shape_cast %get3A_587 : vector<1x16xf32> to vector<16xf32>
      %sub3A_589 = arith.subf %get3A_588, %get3A_584 : vector<16xf32>
      %mul3A_590 = arith.mulf %get3A_580, %sub3A_589 : vector<16xf32>
      %add3A_591 = arith.addf %broadcast_in_dim3A_576, %mul3A_590 : vector<16xf32>
      %get3A_592 = arith.index_cast %add3A_574 : i32 to index
      %get3A_593 = arith.constant 16 : index
      %get3A_594 = tpu.vector_load %arg14[%get3A_592, %get3A_593] {strides = array<i32>} : memref<128x128xf32, #tpu.memory_space<vmem>>, vector<1x16xf32>,
      %get3A_595 = vector.shape_cast %get3A_594 : vector<1x16xf32> to vector<16xf32>
      %get3A_596 = arith.index_cast %add3A_574 : i32 to index
      %get3A_597 = arith.constant 16 : index
      %get3A_598 = tpu.vector_load %arg15[%get3A_596, %get3A_597] {strides = array<i32>} : memref<128x128xf32, #tpu.memory_space<vmem>>, vector<1x16xf32>,
      %get3A_599 = vector.shape_cast %get3A_598 : vector<1x16xf32> to vector<16xf32>
      %get3A_600 = arith.index_cast %add3A_574 : i32 to index
      %get3A_601 = arith.constant 16 : index
      %get3A_602 = tpu.vector_load %arg16[%get3A_600, %get3A_601] {strides = array<i32>} : memref<128x128xf32, #tpu.memory_space<vmem>>, vector<1x16xf32>,
      %get3A_603 = vector.shape_cast %get3A_602 : vector<1x16xf32> to vector<16xf32>
      %sub3A_604 = arith.subf %get3A_603, %get3A_599 : vector<16xf32>
      %mul3A_605 = arith.mulf %get3A_595, %sub3A_604 : vector<16xf32>
      %add3A_606 = arith.addf %add3A_591, %mul3A_605 : vector<16xf32>
      %get3A_607 = arith.index_cast %add3A_574 : i32 to index
      %get3A_608 = arith.constant 32 : index
      %get3A_609 = tpu.vector_load %arg14[%get3A_607, %get3A_608] {strides = array<i32>} : memref<128x128xf32, #tpu.memory_space<vmem>>, vector<1x16xf32>,
      %get3A_610 = vector.shape_cast %get3A_609 : vector<1x16xf32> to vector<16xf32>
      %get3A_611 = arith.index_cast %add3A_574 : i32 to index
      %get3A_612 = arith.constant 32 : index
      %get3A_613 = tpu.vector_load %arg15[%get3A_611, %get3A_612] {strides = array<i32>} : memref<128x128xf32, #tpu.memory_space<vmem>>, vector<1x16xf32>,
      %get3A_614 = vector.shape_cast %get3A_613 : vector<1x16xf32> to vector<16xf32>
      %get3A_615 = arith.index_cast %add3A_574 : i32 to index
      %get3A_616 = arith.constant 32 : index
      %get3A_617 = tpu.vector_load %arg16[%get3A_615, %get3A_616] {strides = array<i32>} : memref<128x128xf32, #tpu.memory_space<vmem>>, vector<1x16xf32>,
      %get3A_618 = vector.shape_cast %get3A_617 : vector<1x16xf32> to vector<16xf32>
      %sub3A_619 = arith.subf %get3A_618, %get3A_614 : vector<16xf32>
      %mul3A_620 = arith.mulf %get3A_610, %sub3A_619 : vector<16xf32>
      %add3A_621 = arith.addf %add3A_606, %mul3A_620 : vector<16xf32>
      %get3A_622 = arith.index_cast %add3A_574 : i32 to index
      %get3A_623 = arith.constant 48 : index
      %get3A_624 = tpu.vector_load %arg14[%get3A_622, %get3A_623] {strides = array<i32>} : memref<128x128xf32, #tpu.memory_space<vmem>>, vector<1x16xf32>,
      %get3A_625 = vector.shape_cast %get3A_624 : vector<1x16xf32> to vector<16xf32>
      %get3A_626 = arith.index_cast %add3A_574 : i32 to index
      %get3A_627 = arith.constant 48 : index
      %get3A_628 = tpu.vector_load %arg15[%get3A_626, %get3A_627] {strides = array<i32>} : memref<128x128xf32, #tpu.memory_space<vmem>>, vector<1x16xf32>,
      %get3A_629 = vector.shape_cast %get3A_628 : vector<1x16xf32> to vector<16xf32>
      %get3A_630 = arith.index_cast %add3A_574 : i32 to index
      %get3A_631 = arith.constant 48 : index
      %get3A_632 = tpu.vector_load %arg16[%get3A_630, %get3A_631] {strides = array<i32>} : memref<128x128xf32, #tpu.memory_space<vmem>>, vector<1x16xf32>,
      %get3A_633 = vector.shape_cast %get3A_632 : vector<1x16xf32> to vector<16xf32>
      %sub3A_634 = arith.subf %get3A_633, %get3A_629 : vector<16xf32>
      %mul3A_635 = arith.mulf %get3A_625, %sub3A_634 : vector<16xf32>
      %add3A_636 = arith.addf %add3A_621, %mul3A_635 : vector<16xf32>
      %get3A_637 = arith.index_cast %add3A_574 : i32 to index
      %get3A_638 = arith.constant 64 : index
      %get3A_639 = tpu.vector_load %arg14[%get3A_637, %get3A_638] {strides = array<i32>} : memref<128x128xf32, #tpu.memory_space<vmem>>, vector<1x16xf32>,
      %get3A_640 = vector.shape_cast %get3A_639 : vector<1x16xf32> to vector<16xf32>
      %get3A_641 = arith.index_cast %add3A_574 : i32 to index
      %get3A_642 = arith.constant 64 : index
      %get3A_643 = tpu.vector_load %arg15[%get3A_641, %get3A_642] {strides = array<i32>} : memref<128x128xf32, #tpu.memory_space<vmem>>, vector<1x16xf32>,
      %get3A_644 = vector.shape_cast %get3A_643 : vector<1x16xf32> to vector<16xf32>
      %get3A_645 = arith.index_cast %add3A_574 : i32 to index
      %get3A_646 = arith.constant 64 : index
      %get3A_647 = tpu.vector_load %arg16[%get3A_645, %get3A_646] {strides = array<i32>} : memref<128x128xf32, #tpu.memory_space<vmem>>, vector<1x16xf32>,
      %get3A_648 = vector.shape_cast %get3A_647 : vector<1x16xf32> to vector<16xf32>
      %sub3A_649 = arith.subf %get3A_648, %get3A_644 : vector<16xf32>
      %mul3A_650 = arith.mulf %get3A_640, %sub3A_649 : vector<16xf32>
      %add3A_651 = arith.addf %add3A_636, %mul3A_650 : vector<16xf32>
      %get3A_652 = arith.index_cast %add3A_574 : i32 to index
      %get3A_653 = arith.constant 80 : index
      %get3A_654 = tpu.vector_load %arg14[%get3A_652, %get3A_653] {strides = array<i32>} : memref<128x128xf32, #tpu.memory_space<vmem>>, vector<1x16xf32>,
      %get3A_655 = vector.shape_cast %get3A_654 : vector<1x16xf32> to vector<16xf32>
      %get3A_656 = arith.index_cast %add3A_574 : i32 to index
      %get3A_657 = arith.constant 80 : index
      %get3A_658 = tpu.vector_load %arg15[%get3A_656, %get3A_657] {strides = array<i32>} : memref<128x128xf32, #tpu.memory_space<vmem>>, vector<1x16xf32>,
      %get3A_659 = vector.shape_cast %get3A_658 : vector<1x16xf32> to vector<16xf32>
      %get3A_660 = arith.index_cast %add3A_574 : i32 to index
      %get3A_661 = arith.constant 80 : index
      %get3A_662 = tpu.vector_load %arg16[%get3A_660, %get3A_661] {strides = array<i32>} : memref<128x128xf32, #tpu.memory_space<vmem>>, vector<1x16xf32>,
      %get3A_663 = vector.shape_cast %get3A_662 : vector<1x16xf32> to vector<16xf32>
      %sub3A_664 = arith.subf %get3A_663, %get3A_659 : vector<16xf32>
      %mul3A_665 = arith.mulf %get3A_655, %sub3A_664 : vector<16xf32>
      %add3A_666 = arith.addf %add3A_651, %mul3A_665 : vector<16xf32>
      %get3A_667 = arith.index_cast %add3A_574 : i32 to index
      %get3A_668 = arith.constant 96 : index
      %get3A_669 = tpu.vector_load %arg14[%get3A_667, %get3A_668] {strides = array<i32>} : memref<128x128xf32, #tpu.memory_space<vmem>>, vector<1x16xf32>,
      %get3A_670 = vector.shape_cast %get3A_669 : vector<1x16xf32> to vector<16xf32>
      %get3A_671 = arith.index_cast %add3A_574 : i32 to index
      %get3A_672 = arith.constant 96 : index
      %get3A_673 = tpu.vector_load %arg15[%get3A_671, %get3A_672] {strides = array<i32>} : memref<128x128xf32, #tpu.memory_space<vmem>>, vector<1x16xf32>,
      %get3A_674 = vector.shape_cast %get3A_673 : vector<1x16xf32> to vector<16xf32>
      %get3A_675 = arith.index_cast %add3A_574 : i32 to index
      %get3A_676 = arith.constant 96 : index
      %get3A_677 = tpu.vector_load %arg16[%get3A_675, %get3A_676] {strides = array<i32>} : memref<128x128xf32, #tpu.memory_space<vmem>>, vector<1x16xf32>,
      %get3A_678 = vector.shape_cast %get3A_677 : vector<1x16xf32> to vector<16xf32>
      %sub3A_679 = arith.subf %get3A_678, %get3A_674 : vector<16xf32>
      %mul3A_680 = arith.mulf %get3A_670, %sub3A_679 : vector<16xf32>
      %add3A_681 = arith.addf %add3A_666, %mul3A_680 : vector<16xf32>
      %get3A_682 = arith.index_cast %add3A_574 : i32 to index
      %get3A_683 = arith.constant 112 : index
      %get3A_684 = tpu.vector_load %arg14[%get3A_682, %get3A_683] {strides = array<i32>} : memref<128x128xf32, #tpu.memory_space<vmem>>, vector<1x16xf32>,
      %get3A_685 = vector.shape_cast %get3A_684 : vector<1x16xf32> to vector<16xf32>
      %get3A_686 = arith.index_cast %add3A_574 : i32 to index
      %get3A_687 = arith.constant 112 : index
      %get3A_688 = tpu.vector_load %arg15[%get3A_686, %get3A_687] {strides = array<i32>} : memref<128x128xf32, #tpu.memory_space<vmem>>, vector<1x16xf32>,
      %get3A_689 = vector.shape_cast %get3A_688 : vector<1x16xf32> to vector<16xf32>
      %get3A_690 = arith.index_cast %add3A_574 : i32 to index
      %get3A_691 = arith.constant 112 : index
      %get3A_692 = tpu.vector_load %arg16[%get3A_690, %get3A_691] {strides = array<i32>} : memref<128x128xf32, #tpu.memory_space<vmem>>, vector<1x16xf32>,
      %get3A_693 = vector.shape_cast %get3A_692 : vector<1x16xf32> to vector<16xf32>
      %sub3A_694 = arith.subf %get3A_693, %get3A_689 : vector<16xf32>
      %mul3A_695 = arith.mulf %get3A_685, %sub3A_694 : vector<16xf32>
      %add3A_696 = arith.addf %add3A_681, %mul3A_695 : vector<16xf32>
      %swap3A_697 = arith.index_cast %scan3A_180 : i32 to index
      %swap3A_698 = arith.constant 48 : index
      %swap3A_699 = tpu.vector_load %arg17[%swap3A_697, %swap3A_698] {strides = array<i32>} : memref<16x128xf32, #tpu.memory_space<vmem>>, vector<1x16xf32>,
      %swap3A_700 = vector.shape_cast %swap3A_699 : vector<1x16xf32> to vector<16xf32>
      %swap3A_701 = vector.shape_cast %add3A_696 : vector<16xf32> to vector<1x16xf32>
      tpu.vector_store %arg17[%swap3A_697, %swap3A_698], %swap3A_701 {strides = array<i32>} : memref<16x128xf32, #tpu.memory_space<vmem>>, vector<1x16xf32>,
      %mul3A_702 = arith.constant 8 : i32
      %mul3A_703 = arith.muli %scan3A_180, %mul3A_702 : i32
      %add3A_704 = arith.constant 4 : i32
      %add3A_705 = arith.addi %mul3A_703, %add3A_704 : i32
      %broadcast_in_dim3A_706 = arith.constant 0.000000e+00 : f32
      %broadcast_in_dim3A_707 = vector.broadcast %broadcast_in_dim3A_706 : f32 to vector<16xf32>
      %get3A_708 = arith.index_cast %add3A_705 : i32 to index
      %get3A_709 = arith.constant 0 : index
      %get3A_710 = tpu.vector_load %arg14[%get3A_708, %get3A_709] {strides = array<i32>} : memref<128x128xf32, #tpu.memory_space<vmem>>, vector<1x16xf32>,
      %get3A_711 = vector.shape_cast %get3A_710 : vector<1x16xf32> to vector<16xf32>
      %get3A_712 = arith.index_cast %add3A_705 : i32 to index
      %get3A_713 = arith.constant 0 : index
      %get3A_714 = tpu.vector_load %arg15[%get3A_712, %get3A_713] {strides = array<i32>} : memref<128x128xf32, #tpu.memory_space<vmem>>, vector<1x16xf32>,
      %get3A_715 = vector.shape_cast %get3A_714 : vector<1x16xf32> to vector<16xf32>
      %get3A_716 = arith.index_cast %add3A_705 : i32 to index
      %get3A_717 = arith.constant 0 : index
      %get3A_718 = tpu.vector_load %arg16[%get3A_716, %get3A_717] {strides = array<i32>} : memref<128x128xf32, #tpu.memory_space<vmem>>, vector<1x16xf32>,
      %get3A_719 = vector.shape_cast %get3A_718 : vector<1x16xf32> to vector<16xf32>
      %sub3A_720 = arith.subf %get3A_719, %get3A_715 : vector<16xf32>
      %mul3A_721 = arith.mulf %get3A_711, %sub3A_720 : vector<16xf32>
      %add3A_722 = arith.addf %broadcast_in_dim3A_707, %mul3A_721 : vector<16xf32>
      %get3A_723 = arith.index_cast %add3A_705 : i32 to index
      %get3A_724 = arith.constant 16 : index
      %get3A_725 = tpu.vector_load %arg14[%get3A_723, %get3A_724] {strides = array<i32>} : memref<128x128xf32, #tpu.memory_space<vmem>>, vector<1x16xf32>,
      %get3A_726 = vector.shape_cast %get3A_725 : vector<1x16xf32> to vector<16xf32>
      %get3A_727 = arith.index_cast %add3A_705 : i32 to index
      %get3A_728 = arith.constant 16 : index
      %get3A_729 = tpu.vector_load %arg15[%get3A_727, %get3A_728] {strides = array<i32>} : memref<128x128xf32, #tpu.memory_space<vmem>>, vector<1x16xf32>,
      %get3A_730 = vector.shape_cast %get3A_729 : vector<1x16xf32> to vector<16xf32>
      %get3A_731 = arith.index_cast %add3A_705 : i32 to index
      %get3A_732 = arith.constant 16 : index
      %get3A_733 = tpu.vector_load %arg16[%get3A_731, %get3A_732] {strides = array<i32>} : memref<128x128xf32, #tpu.memory_space<vmem>>, vector<1x16xf32>,
      %get3A_734 = vector.shape_cast %get3A_733 : vector<1x16xf32> to vector<16xf32>
      %sub3A_735 = arith.subf %get3A_734, %get3A_730 : vector<16xf32>
      %mul3A_736 = arith.mulf %get3A_726, %sub3A_735 : vector<16xf32>
      %add3A_737 = arith.addf %add3A_722, %mul3A_736 : vector<16xf32>
      %get3A_738 = arith.index_cast %add3A_705 : i32 to index
      %get3A_739 = arith.constant 32 : index
      %get3A_740 = tpu.vector_load %arg14[%get3A_738, %get3A_739] {strides = array<i32>} : memref<128x128xf32, #tpu.memory_space<vmem>>, vector<1x16xf32>,
      %get3A_741 = vector.shape_cast %get3A_740 : vector<1x16xf32> to vector<16xf32>
      %get3A_742 = arith.index_cast %add3A_705 : i32 to index
      %get3A_743 = arith.constant 32 : index
      %get3A_744 = tpu.vector_load %arg15[%get3A_742, %get3A_743] {strides = array<i32>} : memref<128x128xf32, #tpu.memory_space<vmem>>, vector<1x16xf32>,
      %get3A_745 = vector.shape_cast %get3A_744 : vector<1x16xf32> to vector<16xf32>
      %get3A_746 = arith.index_cast %add3A_705 : i32 to index
      %get3A_747 = arith.constant 32 : index
      %get3A_748 = tpu.vector_load %arg16[%get3A_746, %get3A_747] {strides = array<i32>} : memref<128x128xf32, #tpu.memory_space<vmem>>, vector<1x16xf32>,
      %get3A_749 = vector.shape_cast %get3A_748 : vector<1x16xf32> to vector<16xf32>
      %sub3A_750 = arith.subf %get3A_749, %get3A_745 : vector<16xf32>
      %mul3A_751 = arith.mulf %get3A_741, %sub3A_750 : vector<16xf32>
      %add3A_752 = arith.addf %add3A_737, %mul3A_751 : vector<16xf32>
      %get3A_753 = arith.index_cast %add3A_705 : i32 to index
      %get3A_754 = arith.constant 48 : index
      %get3A_755 = tpu.vector_load %arg14[%get3A_753, %get3A_754] {strides = array<i32>} : memref<128x128xf32, #tpu.memory_space<vmem>>, vector<1x16xf32>,
      %get3A_756 = vector.shape_cast %get3A_755 : vector<1x16xf32> to vector<16xf32>
      %get3A_757 = arith.index_cast %add3A_705 : i32 to index
      %get3A_758 = arith.constant 48 : index
      %get3A_759 = tpu.vector_load %arg15[%get3A_757, %get3A_758] {strides = array<i32>} : memref<128x128xf32, #tpu.memory_space<vmem>>, vector<1x16xf32>,
      %get3A_760 = vector.shape_cast %get3A_759 : vector<1x16xf32> to vector<16xf32>
      %get3A_761 = arith.index_cast %add3A_705 : i32 to index
      %get3A_762 = arith.constant 48 : index
      %get3A_763 = tpu.vector_load %arg16[%get3A_761, %get3A_762] {strides = array<i32>} : memref<128x128xf32, #tpu.memory_space<vmem>>, vector<1x16xf32>,
      %get3A_764 = vector.shape_cast %get3A_763 : vector<1x16xf32> to vector<16xf32>
      %sub3A_765 = arith.subf %get3A_764, %get3A_760 : vector<16xf32>
      %mul3A_766 = arith.mulf %get3A_756, %sub3A_765 : vector<16xf32>
      %add3A_767 = arith.addf %add3A_752, %mul3A_766 : vector<16xf32>
      %get3A_768 = arith.index_cast %add3A_705 : i32 to index
      %get3A_769 = arith.constant 64 : index
      %get3A_770 = tpu.vector_load %arg14[%get3A_768, %get3A_769] {strides = array<i32>} : memref<128x128xf32, #tpu.memory_space<vmem>>, vector<1x16xf32>,
      %get3A_771 = vector.shape_cast %get3A_770 : vector<1x16xf32> to vector<16xf32>
      %get3A_772 = arith.index_cast %add3A_705 : i32 to index
      %get3A_773 = arith.constant 64 : index
      %get3A_774 = tpu.vector_load %arg15[%get3A_772, %get3A_773] {strides = array<i32>} : memref<128x128xf32, #tpu.memory_space<vmem>>, vector<1x16xf32>,
      %get3A_775 = vector.shape_cast %get3A_774 : vector<1x16xf32> to vector<16xf32>
      %get3A_776 = arith.index_cast %add3A_705 : i32 to index
      %get3A_777 = arith.constant 64 : index
      %get3A_778 = tpu.vector_load %arg16[%get3A_776, %get3A_777] {strides = array<i32>} : memref<128x128xf32, #tpu.memory_space<vmem>>, vector<1x16xf32>,
      %get3A_779 = vector.shape_cast %get3A_778 : vector<1x16xf32> to vector<16xf32>
      %sub3A_780 = arith.subf %get3A_779, %get3A_775 : vector<16xf32>
      %mul3A_781 = arith.mulf %get3A_771, %sub3A_780 : vector<16xf32>
      %add3A_782 = arith.addf %add3A_767, %mul3A_781 : vector<16xf32>
      %get3A_783 = arith.index_cast %add3A_705 : i32 to index
      %get3A_784 = arith.constant 80 : index
      %get3A_785 = tpu.vector_load %arg14[%get3A_783, %get3A_784] {strides = array<i32>} : memref<128x128xf32, #tpu.memory_space<vmem>>, vector<1x16xf32>,
      %get3A_786 = vector.shape_cast %get3A_785 : vector<1x16xf32> to vector<16xf32>
      %get3A_787 = arith.index_cast %add3A_705 : i32 to index
      %get3A_788 = arith.constant 80 : index
      %get3A_789 = tpu.vector_load %arg15[%get3A_787, %get3A_788] {strides = array<i32>} : memref<128x128xf32, #tpu.memory_space<vmem>>, vector<1x16xf32>,
      %get3A_790 = vector.shape_cast %get3A_789 : vector<1x16xf32> to vector<16xf32>
      %get3A_791 = arith.index_cast %add3A_705 : i32 to index
      %get3A_792 = arith.constant 80 : index
      %get3A_793 = tpu.vector_load %arg16[%get3A_791, %get3A_792] {strides = array<i32>} : memref<128x128xf32, #tpu.memory_space<vmem>>, vector<1x16xf32>,
      %get3A_794 = vector.shape_cast %get3A_793 : vector<1x16xf32> to vector<16xf32>
      %sub3A_795 = arith.subf %get3A_794, %get3A_790 : vector<16xf32>
      %mul3A_796 = arith.mulf %get3A_786, %sub3A_795 : vector<16xf32>
      %add3A_797 = arith.addf %add3A_782, %mul3A_796 : vector<16xf32>
      %get3A_798 = arith.index_cast %add3A_705 : i32 to index
      %get3A_799 = arith.constant 96 : index
      %get3A_800 = tpu.vector_load %arg14[%get3A_798, %get3A_799] {strides = array<i32>} : memref<128x128xf32, #tpu.memory_space<vmem>>, vector<1x16xf32>,
      %get3A_801 = vector.shape_cast %get3A_800 : vector<1x16xf32> to vector<16xf32>
      %get3A_802 = arith.index_cast %add3A_705 : i32 to index
      %get3A_803 = arith.constant 96 : index
      %get3A_804 = tpu.vector_load %arg15[%get3A_802, %get3A_803] {strides = array<i32>} : memref<128x128xf32, #tpu.memory_space<vmem>>, vector<1x16xf32>,
      %get3A_805 = vector.shape_cast %get3A_804 : vector<1x16xf32> to vector<16xf32>
      %get3A_806 = arith.index_cast %add3A_705 : i32 to index
      %get3A_807 = arith.constant 96 : index
      %get3A_808 = tpu.vector_load %arg16[%get3A_806, %get3A_807] {strides = array<i32>} : memref<128x128xf32, #tpu.memory_space<vmem>>, vector<1x16xf32>,
      %get3A_809 = vector.shape_cast %get3A_808 : vector<1x16xf32> to vector<16xf32>
      %sub3A_810 = arith.subf %get3A_809, %get3A_805 : vector<16xf32>
      %mul3A_811 = arith.mulf %get3A_801, %sub3A_810 : vector<16xf32>
      %add3A_812 = arith.addf %add3A_797, %mul3A_811 : vector<16xf32>
      %get3A_813 = arith.index_cast %add3A_705 : i32 to index
      %get3A_814 = arith.constant 112 : index
      %get3A_815 = tpu.vector_load %arg14[%get3A_813, %get3A_814] {strides = array<i32>} : memref<128x128xf32, #tpu.memory_space<vmem>>, vector<1x16xf32>,
      %get3A_816 = vector.shape_cast %get3A_815 : vector<1x16xf32> to vector<16xf32>
      %get3A_817 = arith.index_cast %add3A_705 : i32 to index
      %get3A_818 = arith.constant 112 : index
      %get3A_819 = tpu.vector_load %arg15[%get3A_817, %get3A_818] {strides = array<i32>} : memref<128x128xf32, #tpu.memory_space<vmem>>, vector<1x16xf32>,
      %get3A_820 = vector.shape_cast %get3A_819 : vector<1x16xf32> to vector<16xf32>
      %get3A_821 = arith.index_cast %add3A_705 : i32 to index
      %get3A_822 = arith.constant 112 : index
      %get3A_823 = tpu.vector_load %arg16[%get3A_821, %get3A_822] {strides = array<i32>} : memref<128x128xf32, #tpu.memory_space<vmem>>, vector<1x16xf32>,
      %get3A_824 = vector.shape_cast %get3A_823 : vector<1x16xf32> to vector<16xf32>
      %sub3A_825 = arith.subf %get3A_824, %get3A_820 : vector<16xf32>
      %mul3A_826 = arith.mulf %get3A_816, %sub3A_825 : vector<16xf32>
      %add3A_827 = arith.addf %add3A_812, %mul3A_826 : vector<16xf32>
      %swap3A_828 = arith.index_cast %scan3A_180 : i32 to index
      %swap3A_829 = arith.constant 64 : index
      %swap3A_830 = tpu.vector_load %arg17[%swap3A_828, %swap3A_829] {strides = array<i32>} : memref<16x128xf32, #tpu.memory_space<vmem>>, vector<1x16xf32>,
      %swap3A_831 = vector.shape_cast %swap3A_830 : vector<1x16xf32> to vector<16xf32>
      %swap3A_832 = vector.shape_cast %add3A_827 : vector<16xf32> to vector<1x16xf32>
      tpu.vector_store %arg17[%swap3A_828, %swap3A_829], %swap3A_832 {strides = array<i32>} : memref<16x128xf32, #tpu.memory_space<vmem>>, vector<1x16xf32>,
      %mul3A_833 = arith.constant 8 : i32
      %mul3A_834 = arith.muli %scan3A_180, %mul3A_833 : i32
      %add3A_835 = arith.constant 5 : i32
      %add3A_836 = arith.addi %mul3A_834, %add3A_835 : i32
      %broadcast_in_dim3A_837 = arith.constant 0.000000e+00 : f32
      %broadcast_in_dim3A_838 = vector.broadcast %broadcast_in_dim3A_837 : f32 to vector<16xf32>
      %get3A_839 = arith.index_cast %add3A_836 : i32 to index
      %get3A_840 = arith.constant 0 : index
      %get3A_841 = tpu.vector_load %arg14[%get3A_839, %get3A_840] {strides = array<i32>} : memref<128x128xf32, #tpu.memory_space<vmem>>, vector<1x16xf32>,
      %get3A_842 = vector.shape_cast %get3A_841 : vector<1x16xf32> to vector<16xf32>
      %get3A_843 = arith.index_cast %add3A_836 : i32 to index
      %get3A_844 = arith.constant 0 : index
      %get3A_845 = tpu.vector_load %arg15[%get3A_843, %get3A_844] {strides = array<i32>} : memref<128x128xf32, #tpu.memory_space<vmem>>, vector<1x16xf32>,
      %get3A_846 = vector.shape_cast %get3A_845 : vector<1x16xf32> to vector<16xf32>
      %get3A_847 = arith.index_cast %add3A_836 : i32 to index
      %get3A_848 = arith.constant 0 : index
      %get3A_849 = tpu.vector_load %arg16[%get3A_847, %get3A_848] {strides = array<i32>} : memref<128x128xf32, #tpu.memory_space<vmem>>, vector<1x16xf32>,
      %get3A_850 = vector.shape_cast %get3A_849 : vector<1x16xf32> to vector<16xf32>
      %sub3A_851 = arith.subf %get3A_850, %get3A_846 : vector<16xf32>
      %mul3A_852 = arith.mulf %get3A_842, %sub3A_851 : vector<16xf32>
      %add3A_853 = arith.addf %broadcast_in_dim3A_838, %mul3A_852 : vector<16xf32>
      %get3A_854 = arith.index_cast %add3A_836 : i32 to index
      %get3A_855 = arith.constant 16 : index
      %get3A_856 = tpu.vector_load %arg14[%get3A_854, %get3A_855] {strides = array<i32>} : memref<128x128xf32, #tpu.memory_space<vmem>>, vector<1x16xf32>,
      %get3A_857 = vector.shape_cast %get3A_856 : vector<1x16xf32> to vector<16xf32>
      %get3A_858 = arith.index_cast %add3A_836 : i32 to index
      %get3A_859 = arith.constant 16 : index
      %get3A_860 = tpu.vector_load %arg15[%get3A_858, %get3A_859] {strides = array<i32>} : memref<128x128xf32, #tpu.memory_space<vmem>>, vector<1x16xf32>,
      %get3A_861 = vector.shape_cast %get3A_860 : vector<1x16xf32> to vector<16xf32>
      %get3A_862 = arith.index_cast %add3A_836 : i32 to index
      %get3A_863 = arith.constant 16 : index
      %get3A_864 = tpu.vector_load %arg16[%get3A_862, %get3A_863] {strides = array<i32>} : memref<128x128xf32, #tpu.memory_space<vmem>>, vector<1x16xf32>,
      %get3A_865 = vector.shape_cast %get3A_864 : vector<1x16xf32> to vector<16xf32>
      %sub3A_866 = arith.subf %get3A_865, %get3A_861 : vector<16xf32>
      %mul3A_867 = arith.mulf %get3A_857, %sub3A_866 : vector<16xf32>
      %add3A_868 = arith.addf %add3A_853, %mul3A_867 : vector<16xf32>
      %get3A_869 = arith.index_cast %add3A_836 : i32 to index
      %get3A_870 = arith.constant 32 : index
      %get3A_871 = tpu.vector_load %arg14[%get3A_869, %get3A_870] {strides = array<i32>} : memref<128x128xf32, #tpu.memory_space<vmem>>, vector<1x16xf32>,
      %get3A_872 = vector.shape_cast %get3A_871 : vector<1x16xf32> to vector<16xf32>
      %get3A_873 = arith.index_cast %add3A_836 : i32 to index
      %get3A_874 = arith.constant 32 : index
      %get3A_875 = tpu.vector_load %arg15[%get3A_873, %get3A_874] {strides = array<i32>} : memref<128x128xf32, #tpu.memory_space<vmem>>, vector<1x16xf32>,
      %get3A_876 = vector.shape_cast %get3A_875 : vector<1x16xf32> to vector<16xf32>
      %get3A_877 = arith.index_cast %add3A_836 : i32 to index
      %get3A_878 = arith.constant 32 : index
      %get3A_879 = tpu.vector_load %arg16[%get3A_877, %get3A_878] {strides = array<i32>} : memref<128x128xf32, #tpu.memory_space<vmem>>, vector<1x16xf32>,
      %get3A_880 = vector.shape_cast %get3A_879 : vector<1x16xf32> to vector<16xf32>
      %sub3A_881 = arith.subf %get3A_880, %get3A_876 : vector<16xf32>
      %mul3A_882 = arith.mulf %get3A_872, %sub3A_881 : vector<16xf32>
      %add3A_883 = arith.addf %add3A_868, %mul3A_882 : vector<16xf32>
      %get3A_884 = arith.index_cast %add3A_836 : i32 to index
      %get3A_885 = arith.constant 48 : index
      %get3A_886 = tpu.vector_load %arg14[%get3A_884, %get3A_885] {strides = array<i32>} : memref<128x128xf32, #tpu.memory_space<vmem>>, vector<1x16xf32>,
      %get3A_887 = vector.shape_cast %get3A_886 : vector<1x16xf32> to vector<16xf32>
      %get3A_888 = arith.index_cast %add3A_836 : i32 to index
      %get3A_889 = arith.constant 48 : index
      %get3A_890 = tpu.vector_load %arg15[%get3A_888, %get3A_889] {strides = array<i32>} : memref<128x128xf32, #tpu.memory_space<vmem>>, vector<1x16xf32>,
      %get3A_891 = vector.shape_cast %get3A_890 : vector<1x16xf32> to vector<16xf32>
      %get3A_892 = arith.index_cast %add3A_836 : i32 to index
      %get3A_893 = arith.constant 48 : index
      %get3A_894 = tpu.vector_load %arg16[%get3A_892, %get3A_893] {strides = array<i32>} : memref<128x128xf32, #tpu.memory_space<vmem>>, vector<1x16xf32>,
      %get3A_895 = vector.shape_cast %get3A_894 : vector<1x16xf32> to vector<16xf32>
      %sub3A_896 = arith.subf %get3A_895, %get3A_891 : vector<16xf32>
      %mul3A_897 = arith.mulf %get3A_887, %sub3A_896 : vector<16xf32>
      %add3A_898 = arith.addf %add3A_883, %mul3A_897 : vector<16xf32>
      %get3A_899 = arith.index_cast %add3A_836 : i32 to index
      %get3A_900 = arith.constant 64 : index
      %get3A_901 = tpu.vector_load %arg14[%get3A_899, %get3A_900] {strides = array<i32>} : memref<128x128xf32, #tpu.memory_space<vmem>>, vector<1x16xf32>,
      %get3A_902 = vector.shape_cast %get3A_901 : vector<1x16xf32> to vector<16xf32>
      %get3A_903 = arith.index_cast %add3A_836 : i32 to index
      %get3A_904 = arith.constant 64 : index
      %get3A_905 = tpu.vector_load %arg15[%get3A_903, %get3A_904] {strides = array<i32>} : memref<128x128xf32, #tpu.memory_space<vmem>>, vector<1x16xf32>,
      %get3A_906 = vector.shape_cast %get3A_905 : vector<1x16xf32> to vector<16xf32>
      %get3A_907 = arith.index_cast %add3A_836 : i32 to index
      %get3A_908 = arith.constant 64 : index
      %get3A_909 = tpu.vector_load %arg16[%get3A_907, %get3A_908] {strides = array<i32>} : memref<128x128xf32, #tpu.memory_space<vmem>>, vector<1x16xf32>,
      %get3A_910 = vector.shape_cast %get3A_909 : vector<1x16xf32> to vector<16xf32>
      %sub3A_911 = arith.subf %get3A_910, %get3A_906 : vector<16xf32>
      %mul3A_912 = arith.mulf %get3A_902, %sub3A_911 : vector<16xf32>
      %add3A_913 = arith.addf %add3A_898, %mul3A_912 : vector<16xf32>
      %get3A_914 = arith.index_cast %add3A_836 : i32 to index
      %get3A_915 = arith.constant 80 : index
      %get3A_916 = tpu.vector_load %arg14[%get3A_914, %get3A_915] {strides = array<i32>} : memref<128x128xf32, #tpu.memory_space<vmem>>, vector<1x16xf32>,
      %get3A_917 = vector.shape_cast %get3A_916 : vector<1x16xf32> to vector<16xf32>
      %get3A_918 = arith.index_cast %add3A_836 : i32 to index
      %get3A_919 = arith.constant 80 : index
      %get3A_920 = tpu.vector_load %arg15[%get3A_918, %get3A_919] {strides = array<i32>} : memref<128x128xf32, #tpu.memory_space<vmem>>, vector<1x16xf32>,
      %get3A_921 = vector.shape_cast %get3A_920 : vector<1x16xf32> to vector<16xf32>
      %get3A_922 = arith.index_cast %add3A_836 : i32 to index
      %get3A_923 = arith.constant 80 : index
      %get3A_924 = tpu.vector_load %arg16[%get3A_922, %get3A_923] {strides = array<i32>} : memref<128x128xf32, #tpu.memory_space<vmem>>, vector<1x16xf32>,
      %get3A_925 = vector.shape_cast %get3A_924 : vector<1x16xf32> to vector<16xf32>
      %sub3A_926 = arith.subf %get3A_925, %get3A_921 : vector<16xf32>
      %mul3A_927 = arith.mulf %get3A_917, %sub3A_926 : vector<16xf32>
      %add3A_928 = arith.addf %add3A_913, %mul3A_927 : vector<16xf32>
      %get3A_929 = arith.index_cast %add3A_836 : i32 to index
      %get3A_930 = arith.constant 96 : index
      %get3A_931 = tpu.vector_load %arg14[%get3A_929, %get3A_930] {strides = array<i32>} : memref<128x128xf32, #tpu.memory_space<vmem>>, vector<1x16xf32>,
      %get3A_932 = vector.shape_cast %get3A_931 : vector<1x16xf32> to vector<16xf32>
      %get3A_933 = arith.index_cast %add3A_836 : i32 to index
      %get3A_934 = arith.constant 96 : index
      %get3A_935 = tpu.vector_load %arg15[%get3A_933, %get3A_934] {strides = array<i32>} : memref<128x128xf32, #tpu.memory_space<vmem>>, vector<1x16xf32>,
      %get3A_936 = vector.shape_cast %get3A_935 : vector<1x16xf32> to vector<16xf32>
      %get3A_937 = arith.index_cast %add3A_836 : i32 to index
      %get3A_938 = arith.constant 96 : index
      %get3A_939 = tpu.vector_load %arg16[%get3A_937, %get3A_938] {strides = array<i32>} : memref<128x128xf32, #tpu.memory_space<vmem>>, vector<1x16xf32>,
      %get3A_940 = vector.shape_cast %get3A_939 : vector<1x16xf32> to vector<16xf32>
      %sub3A_941 = arith.subf %get3A_940, %get3A_936 : vector<16xf32>
      %mul3A_942 = arith.mulf %get3A_932, %sub3A_941 : vector<16xf32>
      %add3A_943 = arith.addf %add3A_928, %mul3A_942 : vector<16xf32>
      %get3A_944 = arith.index_cast %add3A_836 : i32 to index
      %get3A_945 = arith.constant 112 : index
      %get3A_946 = tpu.vector_load %arg14[%get3A_944, %get3A_945] {strides = array<i32>} : memref<128x128xf32, #tpu.memory_space<vmem>>, vector<1x16xf32>,
      %get3A_947 = vector.shape_cast %get3A_946 : vector<1x16xf32> to vector<16xf32>
      %get3A_948 = arith.index_cast %add3A_836 : i32 to index
      %get3A_949 = arith.constant 112 : index
      %get3A_950 = tpu.vector_load %arg15[%get3A_948, %get3A_949] {strides = array<i32>} : memref<128x128xf32, #tpu.memory_space<vmem>>, vector<1x16xf32>,
      %get3A_951 = vector.shape_cast %get3A_950 : vector<1x16xf32> to vector<16xf32>
      %get3A_952 = arith.index_cast %add3A_836 : i32 to index
      %get3A_953 = arith.constant 112 : index
      %get3A_954 = tpu.vector_load %arg16[%get3A_952, %get3A_953] {strides = array<i32>} : memref<128x128xf32, #tpu.memory_space<vmem>>, vector<1x16xf32>,
      %get3A_955 = vector.shape_cast %get3A_954 : vector<1x16xf32> to vector<16xf32>
      %sub3A_956 = arith.subf %get3A_955, %get3A_951 : vector<16xf32>
      %mul3A_957 = arith.mulf %get3A_947, %sub3A_956 : vector<16xf32>
      %add3A_958 = arith.addf %add3A_943, %mul3A_957 : vector<16xf32>
      %swap3A_959 = arith.index_cast %scan3A_180 : i32 to index
      %swap3A_960 = arith.constant 80 : index
      %swap3A_961 = tpu.vector_load %arg17[%swap3A_959, %swap3A_960] {strides = array<i32>} : memref<16x128xf32, #tpu.memory_space<vmem>>, vector<1x16xf32>,
      %swap3A_962 = vector.shape_cast %swap3A_961 : vector<1x16xf32> to vector<16xf32>
      %swap3A_963 = vector.shape_cast %add3A_958 : vector<16xf32> to vector<1x16xf32>
      tpu.vector_store %arg17[%swap3A_959, %swap3A_960], %swap3A_963 {strides = array<i32>} : memref<16x128xf32, #tpu.memory_space<vmem>>, vector<1x16xf32>,
      %mul3A_964 = arith.constant 8 : i32
      %mul3A_965 = arith.muli %scan3A_180, %mul3A_964 : i32
      %add3A_966 = arith.constant 6 : i32
      %add3A_967 = arith.addi %mul3A_965, %add3A_966 : i32
      %broadcast_in_dim3A_968 = arith.constant 0.000000e+00 : f32
      %broadcast_in_dim3A_969 = vector.broadcast %broadcast_in_dim3A_968 : f32 to vector<16xf32>
      %get3A_970 = arith.index_cast %add3A_967 : i32 to index
      %get3A_971 = arith.constant 0 : index
      %get3A_972 = tpu.vector_load %arg14[%get3A_970, %get3A_971] {strides = array<i32>} : memref<128x128xf32, #tpu.memory_space<vmem>>, vector<1x16xf32>,
      %get3A_973 = vector.shape_cast %get3A_972 : vector<1x16xf32> to vector<16xf32>
      %get3A_974 = arith.index_cast %add3A_967 : i32 to index
      %get3A_975 = arith.constant 0 : index
      %get3A_976 = tpu.vector_load %arg15[%get3A_974, %get3A_975] {strides = array<i32>} : memref<128x128xf32, #tpu.memory_space<vmem>>, vector<1x16xf32>,
      %get3A_977 = vector.shape_cast %get3A_976 : vector<1x16xf32> to vector<16xf32>
      %get3A_978 = arith.index_cast %add3A_967 : i32 to index
      %get3A_979 = arith.constant 0 : index
      %get3A_980 = tpu.vector_load %arg16[%get3A_978, %get3A_979] {strides = array<i32>} : memref<128x128xf32, #tpu.memory_space<vmem>>, vector<1x16xf32>,
      %get3A_981 = vector.shape_cast %get3A_980 : vector<1x16xf32> to vector<16xf32>
      %sub3A_982 = arith.subf %get3A_981, %get3A_977 : vector<16xf32>
      %mul3A_983 = arith.mulf %get3A_973, %sub3A_982 : vector<16xf32>
      %add3A_984 = arith.addf %broadcast_in_dim3A_969, %mul3A_983 : vector<16xf32>
      %get3A_985 = arith.index_cast %add3A_967 : i32 to index
      %get3A_986 = arith.constant 16 : index
      %get3A_987 = tpu.vector_load %arg14[%get3A_985, %get3A_986] {strides = array<i32>} : memref<128x128xf32, #tpu.memory_space<vmem>>, vector<1x16xf32>,
      %get3A_988 = vector.shape_cast %get3A_987 : vector<1x16xf32> to vector<16xf32>
      %get3A_989 = arith.index_cast %add3A_967 : i32 to index
      %get3A_990 = arith.constant 16 : index
      %get3A_991 = tpu.vector_load %arg15[%get3A_989, %get3A_990] {strides = array<i32>} : memref<128x128xf32, #tpu.memory_space<vmem>>, vector<1x16xf32>,
      %get3A_992 = vector.shape_cast %get3A_991 : vector<1x16xf32> to vector<16xf32>
      %get3A_993 = arith.index_cast %add3A_967 : i32 to index
      %get3A_994 = arith.constant 16 : index
      %get3A_995 = tpu.vector_load %arg16[%get3A_993, %get3A_994] {strides = array<i32>} : memref<128x128xf32, #tpu.memory_space<vmem>>, vector<1x16xf32>,
      %get3A_996 = vector.shape_cast %get3A_995 : vector<1x16xf32> to vector<16xf32>
      %sub3A_997 = arith.subf %get3A_996, %get3A_992 : vector<16xf32>
      %mul3A_998 = arith.mulf %get3A_988, %sub3A_997 : vector<16xf32>
      %add3A_999 = arith.addf %add3A_984, %mul3A_998 : vector<16xf32>
      %get3A_1000 = arith.index_cast %add3A_967 : i32 to index
      %get3A_1001 = arith.constant 32 : index
      %get3A_1002 = tpu.vector_load %arg14[%get3A_1000, %get3A_1001] {strides = array<i32>} : memref<128x128xf32, #tpu.memory_space<vmem>>, vector<1x16xf32>,
      %get3A_1003 = vector.shape_cast %get3A_1002 : vector<1x16xf32> to vector<16xf32>
      %get3A_1004 = arith.index_cast %add3A_967 : i32 to index
      %get3A_1005 = arith.constant 32 : index
      %get3A_1006 = tpu.vector_load %arg15[%get3A_1004, %get3A_1005] {strides = array<i32>} : memref<128x128xf32, #tpu.memory_space<vmem>>, vector<1x16xf32>,
      %get3A_1007 = vector.shape_cast %get3A_1006 : vector<1x16xf32> to vector<16xf32>
      %get3A_1008 = arith.index_cast %add3A_967 : i32 to index
      %get3A_1009 = arith.constant 32 : index
      %get3A_1010 = tpu.vector_load %arg16[%get3A_1008, %get3A_1009] {strides = array<i32>} : memref<128x128xf32, #tpu.memory_space<vmem>>, vector<1x16xf32>,
      %get3A_1011 = vector.shape_cast %get3A_1010 : vector<1x16xf32> to vector<16xf32>
      %sub3A_1012 = arith.subf %get3A_1011, %get3A_1007 : vector<16xf32>
      %mul3A_1013 = arith.mulf %get3A_1003, %sub3A_1012 : vector<16xf32>
      %add3A_1014 = arith.addf %add3A_999, %mul3A_1013 : vector<16xf32>
      %get3A_1015 = arith.index_cast %add3A_967 : i32 to index
      %get3A_1016 = arith.constant 48 : index
      %get3A_1017 = tpu.vector_load %arg14[%get3A_1015, %get3A_1016] {strides = array<i32>} : memref<128x128xf32, #tpu.memory_space<vmem>>, vector<1x16xf32>,
      %get3A_1018 = vector.shape_cast %get3A_1017 : vector<1x16xf32> to vector<16xf32>
      %get3A_1019 = arith.index_cast %add3A_967 : i32 to index
      %get3A_1020 = arith.constant 48 : index
      %get3A_1021 = tpu.vector_load %arg15[%get3A_1019, %get3A_1020] {strides = array<i32>} : memref<128x128xf32, #tpu.memory_space<vmem>>, vector<1x16xf32>,
      %get3A_1022 = vector.shape_cast %get3A_1021 : vector<1x16xf32> to vector<16xf32>
      %get3A_1023 = arith.index_cast %add3A_967 : i32 to index
      %get3A_1024 = arith.constant 48 : index
      %get3A_1025 = tpu.vector_load %arg16[%get3A_1023, %get3A_1024] {strides = array<i32>} : memref<128x128xf32, #tpu.memory_space<vmem>>, vector<1x16xf32>,
      %get3A_1026 = vector.shape_cast %get3A_1025 : vector<1x16xf32> to vector<16xf32>
      %sub3A_1027 = arith.subf %get3A_1026, %get3A_1022 : vector<16xf32>
      %mul3A_1028 = arith.mulf %get3A_1018, %sub3A_1027 : vector<16xf32>
      %add3A_1029 = arith.addf %add3A_1014, %mul3A_1028 : vector<16xf32>
      %get3A_1030 = arith.index_cast %add3A_967 : i32 to index
      %get3A_1031 = arith.constant 64 : index
      %get3A_1032 = tpu.vector_load %arg14[%get3A_1030, %get3A_1031] {strides = array<i32>} : memref<128x128xf32, #tpu.memory_space<vmem>>, vector<1x16xf32>,
      %get3A_1033 = vector.shape_cast %get3A_1032 : vector<1x16xf32> to vector<16xf32>
      %get3A_1034 = arith.index_cast %add3A_967 : i32 to index
      %get3A_1035 = arith.constant 64 : index
      %get3A_1036 = tpu.vector_load %arg15[%get3A_1034, %get3A_1035] {strides = array<i32>} : memref<128x128xf32, #tpu.memory_space<vmem>>, vector<1x16xf32>,
      %get3A_1037 = vector.shape_cast %get3A_1036 : vector<1x16xf32> to vector<16xf32>
      %get3A_1038 = arith.index_cast %add3A_967 : i32 to index
      %get3A_1039 = arith.constant 64 : index
      %get3A_1040 = tpu.vector_load %arg16[%get3A_1038, %get3A_1039] {strides = array<i32>} : memref<128x128xf32, #tpu.memory_space<vmem>>, vector<1x16xf32>,
      %get3A_1041 = vector.shape_cast %get3A_1040 : vector<1x16xf32> to vector<16xf32>
      %sub3A_1042 = arith.subf %get3A_1041, %get3A_1037 : vector<16xf32>
      %mul3A_1043 = arith.mulf %get3A_1033, %sub3A_1042 : vector<16xf32>
      %add3A_1044 = arith.addf %add3A_1029, %mul3A_1043 : vector<16xf32>
      %get3A_1045 = arith.index_cast %add3A_967 : i32 to index
      %get3A_1046 = arith.constant 80 : index
      %get3A_1047 = tpu.vector_load %arg14[%get3A_1045, %get3A_1046] {strides = array<i32>} : memref<128x128xf32, #tpu.memory_space<vmem>>, vector<1x16xf32>,
      %get3A_1048 = vector.shape_cast %get3A_1047 : vector<1x16xf32> to vector<16xf32>
      %get3A_1049 = arith.index_cast %add3A_967 : i32 to index
      %get3A_1050 = arith.constant 80 : index
      %get3A_1051 = tpu.vector_load %arg15[%get3A_1049, %get3A_1050] {strides = array<i32>} : memref<128x128xf32, #tpu.memory_space<vmem>>, vector<1x16xf32>,
      %get3A_1052 = vector.shape_cast %get3A_1051 : vector<1x16xf32> to vector<16xf32>
      %get3A_1053 = arith.index_cast %add3A_967 : i32 to index
      %get3A_1054 = arith.constant 80 : index
      %get3A_1055 = tpu.vector_load %arg16[%get3A_1053, %get3A_1054] {strides = array<i32>} : memref<128x128xf32, #tpu.memory_space<vmem>>, vector<1x16xf32>,
      %get3A_1056 = vector.shape_cast %get3A_1055 : vector<1x16xf32> to vector<16xf32>
      %sub3A_1057 = arith.subf %get3A_1056, %get3A_1052 : vector<16xf32>
      %mul3A_1058 = arith.mulf %get3A_1048, %sub3A_1057 : vector<16xf32>
      %add3A_1059 = arith.addf %add3A_1044, %mul3A_1058 : vector<16xf32>
      %get3A_1060 = arith.index_cast %add3A_967 : i32 to index
      %get3A_1061 = arith.constant 96 : index
      %get3A_1062 = tpu.vector_load %arg14[%get3A_1060, %get3A_1061] {strides = array<i32>} : memref<128x128xf32, #tpu.memory_space<vmem>>, vector<1x16xf32>,
      %get3A_1063 = vector.shape_cast %get3A_1062 : vector<1x16xf32> to vector<16xf32>
      %get3A_1064 = arith.index_cast %add3A_967 : i32 to index
      %get3A_1065 = arith.constant 96 : index
      %get3A_1066 = tpu.vector_load %arg15[%get3A_1064, %get3A_1065] {strides = array<i32>} : memref<128x128xf32, #tpu.memory_space<vmem>>, vector<1x16xf32>,
      %get3A_1067 = vector.shape_cast %get3A_1066 : vector<1x16xf32> to vector<16xf32>
      %get3A_1068 = arith.index_cast %add3A_967 : i32 to index
      %get3A_1069 = arith.constant 96 : index
      %get3A_1070 = tpu.vector_load %arg16[%get3A_1068, %get3A_1069] {strides = array<i32>} : memref<128x128xf32, #tpu.memory_space<vmem>>, vector<1x16xf32>,
      %get3A_1071 = vector.shape_cast %get3A_1070 : vector<1x16xf32> to vector<16xf32>
      %sub3A_1072 = arith.subf %get3A_1071, %get3A_1067 : vector<16xf32>
      %mul3A_1073 = arith.mulf %get3A_1063, %sub3A_1072 : vector<16xf32>
      %add3A_1074 = arith.addf %add3A_1059, %mul3A_1073 : vector<16xf32>
      %get3A_1075 = arith.index_cast %add3A_967 : i32 to index
      %get3A_1076 = arith.constant 112 : index
      %get3A_1077 = tpu.vector_load %arg14[%get3A_1075, %get3A_1076] {strides = array<i32>} : memref<128x128xf32, #tpu.memory_space<vmem>>, vector<1x16xf32>,
      %get3A_1078 = vector.shape_cast %get3A_1077 : vector<1x16xf32> to vector<16xf32>
      %get3A_1079 = arith.index_cast %add3A_967 : i32 to index
      %get3A_1080 = arith.constant 112 : index
      %get3A_1081 = tpu.vector_load %arg15[%get3A_1079, %get3A_1080] {strides = array<i32>} : memref<128x128xf32, #tpu.memory_space<vmem>>, vector<1x16xf32>,
      %get3A_1082 = vector.shape_cast %get3A_1081 : vector<1x16xf32> to vector<16xf32>
      %get3A_1083 = arith.index_cast %add3A_967 : i32 to index
      %get3A_1084 = arith.constant 112 : index
      %get3A_1085 = tpu.vector_load %arg16[%get3A_1083, %get3A_1084] {strides = array<i32>} : memref<128x128xf32, #tpu.memory_space<vmem>>, vector<1x16xf32>,
      %get3A_1086 = vector.shape_cast %get3A_1085 : vector<1x16xf32> to vector<16xf32>
      %sub3A_1087 = arith.subf %get3A_1086, %get3A_1082 : vector<16xf32>
      %mul3A_1088 = arith.mulf %get3A_1078, %sub3A_1087 : vector<16xf32>
      %add3A_1089 = arith.addf %add3A_1074, %mul3A_1088 : vector<16xf32>
      %swap3A_1090 = arith.index_cast %scan3A_180 : i32 to index
      %swap3A_1091 = arith.constant 96 : index
      %swap3A_1092 = tpu.vector_load %arg17[%swap3A_1090, %swap3A_1091] {strides = array<i32>} : memref<16x128xf32, #tpu.memory_space<vmem>>, vector<1x16xf32>,
      %swap3A_1093 = vector.shape_cast %swap3A_1092 : vector<1x16xf32> to vector<16xf32>
      %swap3A_1094 = vector.shape_cast %add3A_1089 : vector<16xf32> to vector<1x16xf32>
      tpu.vector_store %arg17[%swap3A_1090, %swap3A_1091], %swap3A_1094 {strides = array<i32>} : memref<16x128xf32, #tpu.memory_space<vmem>>, vector<1x16xf32>,
      %mul3A_1095 = arith.constant 8 : i32
      %mul3A_1096 = arith.muli %scan3A_180, %mul3A_1095 : i32
      %add3A_1097 = arith.constant 7 : i32
      %add3A_1098 = arith.addi %mul3A_1096, %add3A_1097 : i32
      %broadcast_in_dim3A_1099 = arith.constant 0.000000e+00 : f32
      %broadcast_in_dim3A_1100 = vector.broadcast %broadcast_in_dim3A_1099 : f32 to vector<16xf32>
      %get3A_1101 = arith.index_cast %add3A_1098 : i32 to index
      %get3A_1102 = arith.constant 0 : index
      %get3A_1103 = tpu.vector_load %arg14[%get3A_1101, %get3A_1102] {strides = array<i32>} : memref<128x128xf32, #tpu.memory_space<vmem>>, vector<1x16xf32>,
      %get3A_1104 = vector.shape_cast %get3A_1103 : vector<1x16xf32> to vector<16xf32>
      %get3A_1105 = arith.index_cast %add3A_1098 : i32 to index
      %get3A_1106 = arith.constant 0 : index
      %get3A_1107 = tpu.vector_load %arg15[%get3A_1105, %get3A_1106] {strides = array<i32>} : memref<128x128xf32, #tpu.memory_space<vmem>>, vector<1x16xf32>,
      %get3A_1108 = vector.shape_cast %get3A_1107 : vector<1x16xf32> to vector<16xf32>
      %get3A_1109 = arith.index_cast %add3A_1098 : i32 to index
      %get3A_1110 = arith.constant 0 : index
      %get3A_1111 = tpu.vector_load %arg16[%get3A_1109, %get3A_1110] {strides = array<i32>} : memref<128x128xf32, #tpu.memory_space<vmem>>, vector<1x16xf32>,
      %get3A_1112 = vector.shape_cast %get3A_1111 : vector<1x16xf32> to vector<16xf32>
      %sub3A_1113 = arith.subf %get3A_1112, %get3A_1108 : vector<16xf32>
      %mul3A_1114 = arith.mulf %get3A_1104, %sub3A_1113 : vector<16xf32>
      %add3A_1115 = arith.addf %broadcast_in_dim3A_1100, %mul3A_1114 : vector<16xf32>
      %get3A_1116 = arith.index_cast %add3A_1098 : i32 to index
      %get3A_1117 = arith.constant 16 : index
      %get3A_1118 = tpu.vector_load %arg14[%get3A_1116, %get3A_1117] {strides = array<i32>} : memref<128x128xf32, #tpu.memory_space<vmem>>, vector<1x16xf32>,
      %get3A_1119 = vector.shape_cast %get3A_1118 : vector<1x16xf32> to vector<16xf32>
      %get3A_1120 = arith.index_cast %add3A_1098 : i32 to index
      %get3A_1121 = arith.constant 16 : index
      %get3A_1122 = tpu.vector_load %arg15[%get3A_1120, %get3A_1121] {strides = array<i32>} : memref<128x128xf32, #tpu.memory_space<vmem>>, vector<1x16xf32>,
      %get3A_1123 = vector.shape_cast %get3A_1122 : vector<1x16xf32> to vector<16xf32>
      %get3A_1124 = arith.index_cast %add3A_1098 : i32 to index
      %get3A_1125 = arith.constant 16 : index
      %get3A_1126 = tpu.vector_load %arg16[%get3A_1124, %get3A_1125] {strides = array<i32>} : memref<128x128xf32, #tpu.memory_space<vmem>>, vector<1x16xf32>,
      %get3A_1127 = vector.shape_cast %get3A_1126 : vector<1x16xf32> to vector<16xf32>
      %sub3A_1128 = arith.subf %get3A_1127, %get3A_1123 : vector<16xf32>
      %mul3A_1129 = arith.mulf %get3A_1119, %sub3A_1128 : vector<16xf32>
      %add3A_1130 = arith.addf %add3A_1115, %mul3A_1129 : vector<16xf32>
      %get3A_1131 = arith.index_cast %add3A_1098 : i32 to index
      %get3A_1132 = arith.constant 32 : index
      %get3A_1133 = tpu.vector_load %arg14[%get3A_1131, %get3A_1132] {strides = array<i32>} : memref<128x128xf32, #tpu.memory_space<vmem>>, vector<1x16xf32>,
      %get3A_1134 = vector.shape_cast %get3A_1133 : vector<1x16xf32> to vector<16xf32>
      %get3A_1135 = arith.index_cast %add3A_1098 : i32 to index
      %get3A_1136 = arith.constant 32 : index
      %get3A_1137 = tpu.vector_load %arg15[%get3A_1135, %get3A_1136] {strides = array<i32>} : memref<128x128xf32, #tpu.memory_space<vmem>>, vector<1x16xf32>,
      %get3A_1138 = vector.shape_cast %get3A_1137 : vector<1x16xf32> to vector<16xf32>
      %get3A_1139 = arith.index_cast %add3A_1098 : i32 to index
      %get3A_1140 = arith.constant 32 : index
      %get3A_1141 = tpu.vector_load %arg16[%get3A_1139, %get3A_1140] {strides = array<i32>} : memref<128x128xf32, #tpu.memory_space<vmem>>, vector<1x16xf32>,
      %get3A_1142 = vector.shape_cast %get3A_1141 : vector<1x16xf32> to vector<16xf32>
      %sub3A_1143 = arith.subf %get3A_1142, %get3A_1138 : vector<16xf32>
      %mul3A_1144 = arith.mulf %get3A_1134, %sub3A_1143 : vector<16xf32>
      %add3A_1145 = arith.addf %add3A_1130, %mul3A_1144 : vector<16xf32>
      %get3A_1146 = arith.index_cast %add3A_1098 : i32 to index
      %get3A_1147 = arith.constant 48 : index
      %get3A_1148 = tpu.vector_load %arg14[%get3A_1146, %get3A_1147] {strides = array<i32>} : memref<128x128xf32, #tpu.memory_space<vmem>>, vector<1x16xf32>,
      %get3A_1149 = vector.shape_cast %get3A_1148 : vector<1x16xf32> to vector<16xf32>
      %get3A_1150 = arith.index_cast %add3A_1098 : i32 to index
      %get3A_1151 = arith.constant 48 : index
      %get3A_1152 = tpu.vector_load %arg15[%get3A_1150, %get3A_1151] {strides = array<i32>} : memref<128x128xf32, #tpu.memory_space<vmem>>, vector<1x16xf32>,
      %get3A_1153 = vector.shape_cast %get3A_1152 : vector<1x16xf32> to vector<16xf32>
      %get3A_1154 = arith.index_cast %add3A_1098 : i32 to index
      %get3A_1155 = arith.constant 48 : index
      %get3A_1156 = tpu.vector_load %arg16[%get3A_1154, %get3A_1155] {strides = array<i32>} : memref<128x128xf32, #tpu.memory_space<vmem>>, vector<1x16xf32>,
      %get3A_1157 = vector.shape_cast %get3A_1156 : vector<1x16xf32> to vector<16xf32>
      %sub3A_1158 = arith.subf %get3A_1157, %get3A_1153 : vector<16xf32>
      %mul3A_1159 = arith.mulf %get3A_1149, %sub3A_1158 : vector<16xf32>
      %add3A_1160 = arith.addf %add3A_1145, %mul3A_1159 : vector<16xf32>
      %get3A_1161 = arith.index_cast %add3A_1098 : i32 to index
      %get3A_1162 = arith.constant 64 : index
      %get3A_1163 = tpu.vector_load %arg14[%get3A_1161, %get3A_1162] {strides = array<i32>} : memref<128x128xf32, #tpu.memory_space<vmem>>, vector<1x16xf32>,
      %get3A_1164 = vector.shape_cast %get3A_1163 : vector<1x16xf32> to vector<16xf32>
      %get3A_1165 = arith.index_cast %add3A_1098 : i32 to index
      %get3A_1166 = arith.constant 64 : index
      %get3A_1167 = tpu.vector_load %arg15[%get3A_1165, %get3A_1166] {strides = array<i32>} : memref<128x128xf32, #tpu.memory_space<vmem>>, vector<1x16xf32>,
      %get3A_1168 = vector.shape_cast %get3A_1167 : vector<1x16xf32> to vector<16xf32>
      %get3A_1169 = arith.index_cast %add3A_1098 : i32 to index
      %get3A_1170 = arith.constant 64 : index
      %get3A_1171 = tpu.vector_load %arg16[%get3A_1169, %get3A_1170] {strides = array<i32>} : memref<128x128xf32, #tpu.memory_space<vmem>>, vector<1x16xf32>,
      %get3A_1172 = vector.shape_cast %get3A_1171 : vector<1x16xf32> to vector<16xf32>
      %sub3A_1173 = arith.subf %get3A_1172, %get3A_1168 : vector<16xf32>
      %mul3A_1174 = arith.mulf %get3A_1164, %sub3A_1173 : vector<16xf32>
      %add3A_1175 = arith.addf %add3A_1160, %mul3A_1174 : vector<16xf32>
      %get3A_1176 = arith.index_cast %add3A_1098 : i32 to index
      %get3A_1177 = arith.constant 80 : index
      %get3A_1178 = tpu.vector_load %arg14[%get3A_1176, %get3A_1177] {strides = array<i32>} : memref<128x128xf32, #tpu.memory_space<vmem>>, vector<1x16xf32>,
      %get3A_1179 = vector.shape_cast %get3A_1178 : vector<1x16xf32> to vector<16xf32>
      %get3A_1180 = arith.index_cast %add3A_1098 : i32 to index
      %get3A_1181 = arith.constant 80 : index
      %get3A_1182 = tpu.vector_load %arg15[%get3A_1180, %get3A_1181] {strides = array<i32>} : memref<128x128xf32, #tpu.memory_space<vmem>>, vector<1x16xf32>,
      %get3A_1183 = vector.shape_cast %get3A_1182 : vector<1x16xf32> to vector<16xf32>
      %get3A_1184 = arith.index_cast %add3A_1098 : i32 to index
      %get3A_1185 = arith.constant 80 : index
      %get3A_1186 = tpu.vector_load %arg16[%get3A_1184, %get3A_1185] {strides = array<i32>} : memref<128x128xf32, #tpu.memory_space<vmem>>, vector<1x16xf32>,
      %get3A_1187 = vector.shape_cast %get3A_1186 : vector<1x16xf32> to vector<16xf32>
      %sub3A_1188 = arith.subf %get3A_1187, %get3A_1183 : vector<16xf32>
      %mul3A_1189 = arith.mulf %get3A_1179, %sub3A_1188 : vector<16xf32>
      %add3A_1190 = arith.addf %add3A_1175, %mul3A_1189 : vector<16xf32>
      %get3A_1191 = arith.index_cast %add3A_1098 : i32 to index
      %get3A_1192 = arith.constant 96 : index
      %get3A_1193 = tpu.vector_load %arg14[%get3A_1191, %get3A_1192] {strides = array<i32>} : memref<128x128xf32, #tpu.memory_space<vmem>>, vector<1x16xf32>,
      %get3A_1194 = vector.shape_cast %get3A_1193 : vector<1x16xf32> to vector<16xf32>
      %get3A_1195 = arith.index_cast %add3A_1098 : i32 to index
      %get3A_1196 = arith.constant 96 : index
      %get3A_1197 = tpu.vector_load %arg15[%get3A_1195, %get3A_1196] {strides = array<i32>} : memref<128x128xf32, #tpu.memory_space<vmem>>, vector<1x16xf32>,
      %get3A_1198 = vector.shape_cast %get3A_1197 : vector<1x16xf32> to vector<16xf32>
      %get3A_1199 = arith.index_cast %add3A_1098 : i32 to index
      %get3A_1200 = arith.constant 96 : index
      %get3A_1201 = tpu.vector_load %arg16[%get3A_1199, %get3A_1200] {strides = array<i32>} : memref<128x128xf32, #tpu.memory_space<vmem>>, vector<1x16xf32>,
      %get3A_1202 = vector.shape_cast %get3A_1201 : vector<1x16xf32> to vector<16xf32>
      %sub3A_1203 = arith.subf %get3A_1202, %get3A_1198 : vector<16xf32>
      %mul3A_1204 = arith.mulf %get3A_1194, %sub3A_1203 : vector<16xf32>
      %add3A_1205 = arith.addf %add3A_1190, %mul3A_1204 : vector<16xf32>
      %get3A_1206 = arith.index_cast %add3A_1098 : i32 to index
      %get3A_1207 = arith.constant 112 : index
      %get3A_1208 = tpu.vector_load %arg14[%get3A_1206, %get3A_1207] {strides = array<i32>} : memref<128x128xf32, #tpu.memory_space<vmem>>, vector<1x16xf32>,
      %get3A_1209 = vector.shape_cast %get3A_1208 : vector<1x16xf32> to vector<16xf32>
      %get3A_1210 = arith.index_cast %add3A_1098 : i32 to index
      %get3A_1211 = arith.constant 112 : index
      %get3A_1212 = tpu.vector_load %arg15[%get3A_1210, %get3A_1211] {strides = array<i32>} : memref<128x128xf32, #tpu.memory_space<vmem>>, vector<1x16xf32>,
      %get3A_1213 = vector.shape_cast %get3A_1212 : vector<1x16xf32> to vector<16xf32>
      %get3A_1214 = arith.index_cast %add3A_1098 : i32 to index
      %get3A_1215 = arith.constant 112 : index
      %get3A_1216 = tpu.vector_load %arg16[%get3A_1214, %get3A_1215] {strides = array<i32>} : memref<128x128xf32, #tpu.memory_space<vmem>>, vector<1x16xf32>,
      %get3A_1217 = vector.shape_cast %get3A_1216 : vector<1x16xf32> to vector<16xf32>
      %sub3A_1218 = arith.subf %get3A_1217, %get3A_1213 : vector<16xf32>
      %mul3A_1219 = arith.mulf %get3A_1209, %sub3A_1218 : vector<16xf32>
      %add3A_1220 = arith.addf %add3A_1205, %mul3A_1219 : vector<16xf32>
      %swap3A_1221 = arith.index_cast %scan3A_180 : i32 to index
      %swap3A_1222 = arith.constant 112 : index
      %swap3A_1223 = tpu.vector_load %arg17[%swap3A_1221, %swap3A_1222] {strides = array<i32>} : memref<16x128xf32, #tpu.memory_space<vmem>>, vector<1x16xf32>,
      %swap3A_1224 = vector.shape_cast %swap3A_1223 : vector<1x16xf32> to vector<16xf32>
      %swap3A_1225 = vector.shape_cast %add3A_1220 : vector<16xf32> to vector<1x16xf32>
      tpu.vector_store %arg17[%swap3A_1221, %swap3A_1222], %swap3A_1225 {strides = array<i32>} : memref<16x128xf32, #tpu.memory_space<vmem>>, vector<1x16xf32>,
      %scan3A_1226 = arith.constant 0 : i32
      scf.yield %scan3A_1226 : i32
    }
    %scan3A_174 = arith.constant 16 : i32
    %mul3A_175 = arith.constant 64 : i32
    %mul3A_176 = arith.muli %add3A, %mul3A_175 : i32
    %add3A_177 = arith.constant 48 : i32
    %add3A_178 = arith.addi %mul3A_176, %add3A_177 : i32
    %multiple_of3A_179 = tpu.assume_multiple %add3A_178, 8 : i32
    "tpu.region"() ({
      %run_scoped3A = tpu.sem_alloc : memref<!tpu.dma_semaphore, #tpu.memory_space<semaphore_mem>>
      %dma_start3A_180 = arith.constant 0 : i32
      %dma_start3A_181 = tpu.memref_slice %arg7[%multiple_of3A_179, %dma_start3A_180] : memref<2048x128xf32, #tpu.memory_space<hbm>> -> memref<16x128xf32, #tpu.memory_space<hbm>>
      %dma_start3A_182 = arith.constant 0 : i32
      %dma_start3A_183 = tpu.memref_slice %arg7[%multiple_of3A_179, %dma_start3A_182] : memref<2048x128xf32, #tpu.memory_space<hbm>> -> memref<16x128xf32, #tpu.memory_space<hbm>>
      tpu.enqueue_dma source(%arg17 : memref<16x128xf32, #tpu.memory_space<vmem>>) target(%dma_start3A_183 : memref<16x128xf32, #tpu.memory_space<hbm>>) target_semaphore(%run_scoped3A : memref<!tpu.dma_semaphore, #tpu.memory_space<semaphore_mem>>)
      %dma_wait3A_184 = arith.constant 0 : i32
      %dma_wait3A_185 = tpu.memref_slice %arg7[%multiple_of3A_179, %dma_wait3A_184] : memref<2048x128xf32, #tpu.memory_space<hbm>> -> memref<16x128xf32, #tpu.memory_space<hbm>>
      %dma_wait3A_186 = arith.constant 0 : i32
      %dma_wait3A_187 = tpu.memref_slice %arg7[%multiple_of3A_179, %dma_wait3A_186] : memref<2048x128xf32, #tpu.memory_space<hbm>> -> memref<16x128xf32, #tpu.memory_space<hbm>>
      tpu.wait_dma2 semaphore(%run_scoped3A : memref<!tpu.dma_semaphore, #tpu.memory_space<semaphore_mem>>) src(%arg17 : memref<16x128xf32, #tpu.memory_space<vmem>>) dst(%dma_wait3A_187 : memref<16x128xf32, #tpu.memory_space<hbm>>)
      tpu.yield
    }) : () -> ()
    return
  }
}

module attributes {stable_mosaic.version = 14 : i64} {
  func.func @_softplus_mean_body(%arg0: memref<2048x128xf32, #tpu.memory_space<vmem>>, %arg1: memref<1x1xf32, #tpu.memory_space<smem>>) attributes {dimension_semantics = [], scalar_prefetch = 0 : i64, scratch_operands = 0 : i64, tpu.core_type = #tpu.core_type<tc>} {
    %get3A = arith.constant 0 : index
    %get3A_0 = arith.constant 0 : index
    %get3A_1 = vector.load %arg0[%get3A, %get3A_0] : memref<2048x128xf32, #tpu.memory_space<vmem>>, vector<2048x128xf32>
    %iota3A = tpu.iota {dimensions = array<i32: 0>} : vector<128x8xi32>
    %iota3A_2 = tpu.iota {dimensions = array<i32: 1>} : vector<128x8xi32>
    %jit3A = arith.constant 16 : i32
    %div3A = vector.broadcast %jit3A : i32 to vector<128x8xi32>
    %div3A_3 = arith.divsi %iota3A, %div3A : vector<128x8xi32>
    %sign3A = arith.constant 0 : i32
    %sign3A_4 = vector.broadcast %sign3A : i32 to vector<128x8xi32>
    %sign3A_5 = arith.cmpi sgt, %iota3A, %sign3A_4 : vector<128x8xi32>
    %sign3A_6 = arith.extui %sign3A_5 : vector<128x8xi1> to vector<128x8xi32>
    %sign3A_7 = arith.constant 0 : i32
    %sign3A_8 = vector.broadcast %sign3A_7 : i32 to vector<128x8xi32>
    %sign3A_9 = arith.cmpi slt, %iota3A, %sign3A_8 : vector<128x8xi32>
    %sign3A_10 = arith.extui %sign3A_9 : vector<128x8xi1> to vector<128x8xi32>
    %sign3A_11 = arith.subi %sign3A_6, %sign3A_10 : vector<128x8xi32>
    %sign3A_12 = arith.constant 0 : i32
    %sign3A_13 = arith.cmpi sgt, %jit3A, %sign3A_12 : i32
    %sign3A_14 = arith.extui %sign3A_13 : i1 to i32
    %sign3A_15 = arith.constant 0 : i32
    %sign3A_16 = arith.cmpi slt, %jit3A, %sign3A_15 : i32
    %sign3A_17 = arith.extui %sign3A_16 : i1 to i32
    %sign3A_18 = arith.subi %sign3A_14, %sign3A_17 : i32
    %ne3A = vector.broadcast %sign3A_18 : i32 to vector<128x8xi32>
    %ne3A_19 = arith.cmpi ne, %sign3A_11, %ne3A : vector<128x8xi32>
    %rem3A = vector.broadcast %jit3A : i32 to vector<128x8xi32>
    %rem3A_20 = arith.remsi %iota3A, %rem3A : vector<128x8xi32>
    %ne3A_21 = arith.constant 0 : i32
    %ne3A_22 = vector.broadcast %ne3A_21 : i32 to vector<128x8xi32>
    %ne3A_23 = arith.cmpi ne, %rem3A_20, %ne3A_22 : vector<128x8xi32>
    %and3A = arith.andi %ne3A_19, %ne3A_23 : vector<128x8xi1>
    %sub3A = arith.constant 1 : i32
    %sub3A_24 = vector.broadcast %sub3A : i32 to vector<128x8xi32>
    %sub3A_25 = arith.subi %div3A_3, %sub3A_24 : vector<128x8xi32>
    %select_n3A = arith.select %and3A, %sub3A_25, %div3A_3 : vector<128x8xi1>, vector<128x8xi32>
    %eq3A = arith.cmpi eq, %select_n3A, %iota3A_2 : vector<128x8xi32>
    %convert_element_type3A = arith.extui %eq3A : vector<128x8xi1> to vector<128x8xi32>
    %convert_element_type3A_26 = arith.sitofp %convert_element_type3A : vector<128x8xi32> to vector<128x8xf32>
    %dot_general3A = arith.constant dense<0.000000e+00> : vector<2048x8xf32>
    %dot_general3A_27 = tpu.matmul %get3A_1, %convert_element_type3A_26, %dot_general3A {dimension_numbers = #tpu.dot_dimension_numbers<[1], [0], [0], [1], [0, 0, 1, 1], [], []>, transpose_lhs_hint = false} : vector<2048x128xf32>, vector<128x8xf32>, vector<2048x8xf32> -> vector<2048x8xf32>
    %max3A = arith.constant 0.000000e+00 : f32
    %max3A_28 = vector.broadcast %max3A : f32 to vector<2048x8xf32>
    %max3A_29 = arith.maximumf %dot_general3A_27, %max3A_28 : vector<2048x8xf32>
    %abs3A = math.absf %dot_general3A_27 : vector<2048x8xf32>
    %neg3A = arith.constant 0.000000e+00 : f32
    %neg3A_30 = vector.broadcast %neg3A : f32 to vector<2048x8xf32>
    %neg3A_31 = arith.subf %neg3A_30, %abs3A : vector<2048x8xf32>
    %exp3A = math.exp %neg3A_31 : vector<2048x8xf32>
    %log1p3A = math.log1p %exp3A : vector<2048x8xf32>
    %add3A = arith.addf %max3A_29, %log1p3A : vector<2048x8xf32>
    %reduce_sum3A = vector.shape_cast %add3A : vector<2048x8xf32> to vector<1x2048x8xf32>
    %reduce_sum3A_32 = arith.constant dense<0.000000e+00> : vector<1xf32>
    %reduce_sum3A_33 = vector.multi_reduction <add>, %reduce_sum3A, %reduce_sum3A_32 [1, 2] : vector<1x2048x8xf32> to vector<1xf32>
    %reduce_sum3A_34 = vector.shape_cast %reduce_sum3A_33 : vector<1xf32> to vector<1x1x1xf32>
    %reduce_sum3A_35 = vector.extract %reduce_sum3A_34[0, 0, 0] : f32 from vector<1x1x1xf32>
    %mul3A = arith.constant 6.10351563E-5 : f32
    %mul3A_36 = arith.mulf %reduce_sum3A_35, %mul3A : f32
    %swap3A = arith.constant 0 : index
    %swap3A_37 = arith.constant 0 : index
    %swap3A_38 = memref.load %arg1[%swap3A, %swap3A_37] : memref<1x1xf32, #tpu.memory_space<smem>>
    memref.store %mul3A_36, %arg1[%swap3A, %swap3A_37] : memref<1x1xf32, #tpu.memory_space<smem>>
    return
  }
}

</mosaic_0001>

<sc_bundles>
// kernel: kernel.4.cloned.1.call-start
scs
__scs_entry_jumppad:
0x0: {  	(pc) =	sbr.rel $0x88, $3  }
0x1: {  	(tag) =	ssettag $0x0;
	lr =	simm.s32 $0x1  }
0x2: {  	[smem:$0x3F9C] =	sst lr;
	_ =	strace $0xD0000000  }
0x3: {  	_ = 	snop  }
0x4: {  	_ = 	snop  }
0x5: {  	_ = 	snop  }
0x6: {  	_ = 	snop  }
0x7: {  	_ = 	snop  }
__scs_overlays_trampoline_lowered:
0x8: {  	[smem:$0x3FAB] =	sst s0  }
0x9: {  	[smem:$0x3FAC] =	sst s1  }
0xa: {  	[smem:$0x3FAD] =	sst s2  }
0xb: {  	[smem:$0x3FAE] =	sst s3  }
0xc: {  	[smem:$0x3FAF] =	sst s4  }
0xd: {  	[smem:$0x3FB0] =	sst s5  }
0xe: {  	[smem:$0x3FB1] =	sst s6  }
0xf: {  	[smem:$0x3FB2] =	sst s7  }
0x10: {  	[smem:$0x3FB3] =	sst s8  }
0x11: {  	[smem:$0x3FB4] =	sst s9;
	s0 =	simm.s32 @!p0 $0x0  }
0x12: {  	s1 =	sld [smem:$0x3F9A];
	s0 =	simm.s32 @p0 $0x1  }
0x13: {  	[smem:$0x3FB5] =	sst s0;
	s0 =	simm.s32 @!p1 $0x0  }
0x14: {  	s2 =	sld [smem:$0x3F99];
	s0 =	simm.s32 @p1 $0x1  }
0x15: {  	[smem:$0x3FB6] =	sst s0;
	s0 =	simm.s32 @!p2 $0x0  }
0x16: {  	s3 =	sld [smem:$0x3FDB];
	s0 =	simm.s32 @p2 $0x1  }
0x17: {  	s4 =	simm.s32 $0x1BF5;
	[smem:$0x3FB8] =	sst s0  }
0x18: {  	s0 =	sld [smem:$0x3F9B];
	_ =	swait.ge [sflag:s4], $0x0  }
0x19: {  	s7 =	sld [smem:$0x3F9C]  }
0x1a: {  	s8 =	sadd.s32 $0xFFFFE003, lr  }
0x1b: {  	s9 =	sadd.s32 $0xFFFFFEF7, lr;
	s5 =	simm.s32 $0xFFFFFFFF;
	p2 =	slt.u32 s8, $0xFFFFF086  }
0x1c: {  	p1 =	slt.u32 s9, $0xF7A;
	s5 =	simm.s32 @!p2 $0x0  }
0x1d: {  	s5 =	simm.s32 @p1 $0x1;
	p0 =	seq.s32 s7, s2  }
0x1e: {  	s7 =	smul.u32 @!p0 $0xF7A, s2;
	p2 =	seq.s32 @!p0 s5, $0x0  }
0x1f: {  	s9 =	smul.u32 $0xF7A, s1;
	s8 =	simm.s32 @!p0 $0x1BF5;
	p2 =	por !p2, p0  }
0x20: {  	[sflag:s8] =	ssyncset.s32 @!p0 $0xFFFFF086;
	s6 =	sadd.s32 @!p0 s3, s7;
	s7 =	simm.s32 @!p0 $0x108  }
0x21: {  	s3 =	sadd.s32 s3, s9;
	s6 =	sadd.s32 @!p0 $0x88, s6;
	s7 =	simm.s32 @p2 $0x1082  }
0x22: {  	[simem:s7], [sflag:s8] =	dma.local @!p0 [hbm:s6], $0xF7A  }
0x23: {  	s9 =	sor.u32 $0xD0000000, s2;
	s6 =	simm.s32 $0x108;
	_ =	swait.ge @!p0 [sflag:s8], $0x0  }
0x24: {  	s3 =	sadd.s32 $0x88, s3;
	s6 =	simm.s32 @!p1 $0x1082;
	[sflag:s4] =	ssyncset.s32 $0xFFFFF086  }
0x25: {  	[simem:s6], [sflag:s4] =	dma.local [hbm:s3], $0xF7A  }
0x26: {  	[smem:$0x3F9C] =	sst s1;
	(tag) =	ssettag s2;
	_ =	strace s9  }
0x27: {  	s1 =	sld [smem:$0x3FAC]  }
0x28: {  	s2 =	sld [smem:$0x3FAD]  }
0x29: {  	s4 =	sld [smem:$0x3FAF]  }
0x2a: {  	p0 =	seq.s32 s5, $0x0;
	s5 =	sld [smem:$0x3FB0]  }
0x2b: {  	s6 =	sld [smem:$0x3FB1]  }
0x2c: {  	s7 =	sld [smem:$0x3FB2]  }
0x2d: {  	s3 =	simm.s32 $0x108;
	s8 =	sld [smem:$0x3FB3]  }
0x2e: {  	s3 =	simm.s32 @!p0 $0x1082;
	s9 =	sld [smem:$0x3FB4]  }
0x2f: {  	lr =	sadd.s32 s0, s3;
	s0 =	sld [smem:$0x3FAB]  }
0x30: {  	s3 =	sld [smem:$0x3FAE]  }
0x31: {  	[smem:$0x3FB7] =	sst s10  }
0x32: {  	s10 =	sld [smem:$0x3FB5];
	_ =	sdelay $0x3  }
0x33: {  	p0 =	seq.s32 s10, $0x1;
	s10 =	sld [smem:$0x3FB7];
	_ =	sdelay $0x3  }
0x34: {  	[smem:$0x3FB7] =	sst s10  }
0x35: {  	s10 =	sld [smem:$0x3FB6];
	_ =	sdelay $0x3  }
0x36: {  	p1 =	seq.s32 s10, $0x1;
	s10 =	sld [smem:$0x3FB7];
	_ =	sdelay $0x3  }
0x37: {  	[smem:$0x3FB7] =	sst s10  }
0x38: {  	s10 =	sld [smem:$0x3FB8]  }
0x39: {  	_ = 	snop;
	(pc) =	sbr.ind lr, $3  }
0x3a: {  	_ = 	snop  }
0x3b: {  	_ = 	snop  }
0x3c: {  	p2 =	seq.s32 s10, $0x1;
	s10 =	sld [smem:$0x3FB7]  }
0x3d: {  	_ =	shalt  }
0x3e: {  	_ =	shalt  }
0x3f: {  	_ =	shalt  }
0x40: {  	_ =	shalt  }
0x41: {  	_ =	shalt  }
0x42: {  	_ =	shalt  }
0x43: {  	_ =	shalt  }
0x44: {  	_ =	shalt  }
0x45: {  	_ =	shalt  }
0x46: {  	_ =	shalt  }
0x47: {  	_ =	shalt  }
0x48: {  	_ =	shalt  }
0x49: {  	_ =	shalt  }
0x4a: {  	_ =	shalt  }
0x4b: {  	_ =	shalt  }
0x4c: {  	_ =	shalt  }
0x4d: {  	_ =	shalt  }
0x4e: {  	_ =	shalt  }
0x4f: {  	_ =	shalt  }
0x50: {  	_ =	shalt  }
0x51: {  	_ =	shalt  }
0x52: {  	_ =	shalt  }
0x53: {  	_ =	shalt  }
0x54: {  	_ =	shalt  }
0x55: {  	_ =	shalt  }
0x56: {  	_ =	shalt  }
0x57: {  	_ =	shalt  }
0x58: {  	_ =	shalt  }
0x59: {  	_ =	shalt  }
0x5a: {  	_ =	shalt  }
0x5b: {  	_ =	shalt  }
0x5c: {  	_ =	shalt  }
0x5d: {  	_ =	shalt  }
0x5e: {  	_ =	shalt  }
0x5f: {  	_ =	shalt  }
0x60: {  	_ =	shalt  }
0x61: {  	_ =	shalt  }
0x62: {  	_ =	shalt  }
0x63: {  	_ =	shalt  }
0x64: {  	_ =	shalt  }
0x65: {  	_ =	shalt  }
0x66: {  	_ =	shalt  }
0x67: {  	_ =	shalt  }
0x68: {  	_ =	shalt  }
0x69: {  	_ =	shalt  }
0x6a: {  	_ =	shalt  }
0x6b: {  	_ =	shalt  }
0x6c: {  	_ =	shalt  }
0x6d: {  	_ =	shalt  }
0x6e: {  	_ =	shalt  }
0x6f: {  	_ =	shalt  }
0x70: {  	_ =	shalt  }
0x71: {  	_ =	shalt  }
0x72: {  	_ =	shalt  }
0x73: {  	_ =	shalt  }
0x74: {  	_ =	shalt  }
0x75: {  	_ =	shalt  }
0x76: {  	_ =	shalt  }
0x77: {  	_ =	shalt  }
0x78: {  	_ =	shalt  }
0x79: {  	_ =	shalt  }
0x7a: {  	_ =	shalt  }
0x7b: {  	_ =	shalt  }
0x7c: {  	_ =	shalt  }
0x7d: {  	_ =	shalt  }
0x7e: {  	_ =	shalt  }
0x7f: {  	_ =	shalt  }
0x80: {  	_ =	shalt  }
0x81: {  	_ =	shalt  }
0x82: {  	_ =	shalt  }
0x83: {  	_ =	shalt  }
0x84: {  	_ =	shalt  }
0x85: {  	_ =	shalt  }
0x86: {  	_ =	shalt  }
0x87: {  	_ =	shalt  }
.Lfunc_end0:
.L_simem_size_0:
called_computation_lowered:
.L_overlay_start_0:
0x88: {  	s2 =	sld [smem:$0x3FD9]  }
0x89: {  	s3 =	sld [smem:$0x3FFE];
	_ =	sdelay $0x1  }
0x8a: {  	s1 =	srdreg.scid  }
0x8b: {  	s0 =	sand.u32 $0x1, s1  }
0x8c: {  	s17 =	sshll.u32 s0, $0xA;
	s2 =	sadd.s32 s3, s2  }
0x8d: {  	s2 =	sadd.s32 s2, s17  }
0x8e: {  	[smem:$0x3FC3] =	sst s2  }
0x8f: {  	_ = 	snop  }
0x90: {  	s2 =	sld [smem:$0x3FC9]  }
0x91: {  	s18 =	sld [smem:$0x3FC8]  }
0x92: {  	s4 =	sld [smem:$0x3FC7]  }
0x93: {  	s5 =	sld [smem:$0x3FC6]  }
0x94: {  	s6 =	sld [smem:$0x3FC5];
	(tm) =	ssettm $0x1  }
0x95: {  	s7 =	sld [smem:$0x3FFB];
	_ =	sdelay $0x3  }
0x96: {  	_ =	strace s7  }
0x97: {  	s7 =	sld [smem:$0x3FFC];
	_ =	sdelay $0x3  }
0x98: {  	_ =	strace s7  }
0x99: {  	s7 =	sld [smem:$0x3FFD];
	_ =	sdelay $0x3  }
0x9a: {  	_ =	strace s7  }
0x9b: {  	_ =	strace $0x8FFFFFFF  }
0x9c: {  	s19 =	sld [smem:$0x3FDB];
	_ =	sdelay $0x1  }
0x9d: {  	s8 =	simm.s32 $_scs_section_size  }
0x9e: {  	s9 =	simm.s32 $_size__tile_overlayer_lowered;
	s10 =	simm.s32 $_tile_overlayer_lowered  }
0x9f: {  	s22 =	simm.s32 $0x1BFF;
	s21 =	sshll.u32 s10, $0x1;
	s7 =	sadd.s32 s8, s19  }
0xa0: {  	s11 =	simm.s32 $0x0;
	s20 =	sshll.u32 s9, $0x1;
	s9 =	sadd.s32 s21, s7  }
0xa1: {  	[timem:s11], [sflag:s22] =	dma.local [hbm:s9], s20  }
0xa2: {  	_ =	swait.ge [sflag:s22], s20  }
0xa3: {  	s8 =	ssub.s32 $0x0, s20;
	[sflag:s22] =	ssyncset.done $0x0  }
0xa4: {  	[sflag:s22] =	ssyncadd.s32 s8;
	_ =	sdelay $0x1  }
0xa5: {  	s23 =	simm.s32 $0x1B8B  }
0xa6: {  	_ =	swait.ge [sflag:s23], $0x1  }
0xa7: {  	[sflag:s23] =	ssyncset.done $0x0  }
0xa8: {  	s25 =	simm.s32 $0x1B8E;
	s24 =	sld [smem:$0x3FFE];
	[sflag:s23] =	ssyncadd.s32 $0xFFFFFFFF  }
0xa9: {  	s26 =	simm.s32 $execute0_lowered;
	[smem:$0x3FD2] =	sst s25  }
0xaa: {  	s9 =	sshll.u32 s26, $0x1;
	_ =	strace $0x80000046;
	[dreg:$0x1] =	wrdreg $0xFFFFFFFF  }
0xab: {  	s28 =	simm.s32 $_size_execute0_lowered;
	s7 =	sadd.s32 s7, s9;
	[dreg:$0x0] =	wrdreg $0x0  }
0xac: {  	s9 =	sshll.u32 s28, $0x1;
	[dreg:$0x2] =	wrdreg s7  }
0xad: {  	[dreg:$0x3] =	wrdreg s9  }
0xae: {  	[dreg:$0x4] =	wrdreg $0xC0  }
0xaf: {  	_ =	task [dreg:s11], $0x5FFFF  }
0xb0: {  	[dreg:$0x1] =	wrdreg $0xFFFFFFFF  }
0xb1: {  	[dreg:$0x0] =	wrdreg $0x60  }
0xb2: {  	[dreg:$0x2] =	wrdreg s2  }
0xb3: {  	[dreg:$0x3] =	wrdreg s18  }
0xb4: {  	[dreg:$0x4] =	wrdreg s4  }
0xb5: {  	[dreg:$0x5] =	wrdreg s5  }
0xb6: {  	[dreg:$0x6] =	wrdreg s6  }
0xb7: {  	[dreg:$0x7] =	wrdreg s24  }
0xb8: {  	[dreg:$0x8] =	wrdreg $0x9  }
0xb9: {  	_ =	task.clear_ibuf [dreg:s11], $0x9FFFF;
	_ =	strace $0x90000046  }
0xba: {  	s29 =	simm.s32 $0x9;
	_ =	strace $0x80000048  }
0xbb: {  	_ =	swait.ge [sflag:s29], $0x1  }
0xbc: {  	[sflag:s29] =	ssyncadd.s32 $0xFFFFFFFF  }
0xbd: {  	_ =	strace $0x90000048  }
0xbe: {  	_ =	sfence  }
0xbf: {  	s30 =	sld [smem:$0x0];
	_ =	sdelay $0x2  }
0xc0: {  	s31 =	sshll.u32 s1, $0xD;
	s1 =	sshrl.u32 s1, $0x2  }
0xc1: {  	s3 =	sand.u32 $0x4000, s31;
	s1 =	sadd.s32 s1, s30  }
0xc2: {  	s0 =	sor.u32 s3, s0;
	s1 =	sshll.u32 s1, $0x11  }
0xc3: {  	s0 =	sor.u32 s1, s0  }
0xc4: {  	s0 =	sadd.s32 $0x8F2B, s0  }
0xc5: {  	[sflag:s0] =	ssyncadd.remote.s32 $0x1  }
0xc6: {  	_ =	sfence.sel $0xFFFF  }
0xc7: {  	[dreg:$0x0] =	wrdreg $0xFFFFFFFF;
	(pc) =	sbr.abs _section_cstart, $3  }
0xc8: {  	[dreg:$0x1] =	wrdreg $0xFFFFFFFF  }
0xc9: {  	_ =	task.clear_ibuf [dreg:s11], $0x2FFFF;
	_ =	strace $0x9FFFFFFF  }
0xca: {  	(tm) =	ssettm $0x7FFFFFFF  }
0xcb: {  	_ =	shalt  }
tec
execute0_lowered:
.L_overlay_start_1:
0x0: {  	(tag) =	ssettag $0x1  }
0x1: {  	s1 =	rddreg [dreg:$0x0]  }
0x2: {  	s2 =	rddreg [dreg:$0x1]  }
0x3: {  	s0 =	rddreg [dreg:$0x2]  }
0x4: {  	s3 =	rddreg [dreg:$0x3]  }
0x5: {  	s7 =	rddreg [dreg:$0x4]  }
0x6: {  	s5 =	rddreg [dreg:$0x5]  }
0x7: {  	s6 =	srdreg.scid;
	s8 =	stileid.u32;
	s4 =	simm.s32 $0x0  }
0x8: {  	s13 =	simm.s32 $0x200;
	s14 =	simm.s32 $0x400;
	s15 =	simm.s32 $0x1  }
0x9: {  	s16 =	simm.s32 $0x80;
	s17 =	simm.s32 $0x600;
	s18 =	simm.s32 $0x4600  }
0xa: {  	s19 =	simm.s32 $0x8600;
	s20 =	simm.s32 $0xC600;
	s22 =	simm.s32 $0x10600  }
0xb: {  	s24 =	simm.s32 $0x14600;
	s25 =	simm.s32 $0x18600;
	s26 =	simm.s32 $0x3  }
0xc: {  	s31 =	simm.s32 $0x2;
	s21 =	simm.s32 $0x580;
	s23 =	simm.s32 $0x0  }
0xd: {  	s6 =	sand.u32 $0x1, s6;
	s8 =	sshll.u32 s8, $0x1;
	[smem:$0x7FF] =	sst s4  }
0xe: {  	s8 =	sor.u32 s6, s8;
	s6 =	ssub.s32 $0x2, s6;
	_ =	strace $0x80000047  }
0xf: {  	s9 =	sshll.u32 s8, $0xA;
	s10 =	sshrl.u32 s6, $0x1;
	s8 =	sshll.u32 s8, $0x6  }
0x10: {  	s11 =	sadd.s32 s9, s5;
	s12 =	ssub.s32 s6, s10;
	s5 =	sadd.s32 s0, s8  }
0x11: {  	s6 =	sadd.s32 s3, s8;
	s7 =	sadd.s32 s7, s8;
	s0 =	simm.s32 $0x180  }
0x12: {  	s3 =	simm.s32 $0x380;
	s8 =	sadd.s32 $0x600, s11;
	s9 =	sadd.s32 $0x700, s11  }
0x13: {  	s10 =	sadd.s32 $0x800, s11;
	s11 =	sadd.s32 $0x900, s11;
	s12 =	smax.u32 s12, $0x1  }
.LBB2_1:
0x14: {  	[tilespmem:s4], [sflag:$0x1] =	stream.linear.gather [hbm4b:s5+s4], $0x200, $0x38;
	[tilespmem:$0x18E00] =	vst v63  }
0x15: {  	_ = 	snop  }
0x16: {  	[tilespmem:s13], [sflag:$0x1] =	stream.linear.gather [hbm4b:s6+s4], $0x200, $0x38;
	[tilespmem:$0x18E00] =	vst v63  }
0x17: {  	_ = 	snop  }
0x18: {  	[tilespmem:s14], [sflag:$0x1] =	stream.linear.gather [hbm4b:s7+s4], $0x200, $0x38;
	[tilespmem:$0x18E00] =	vst v63  }
0x19: {  	_ =	swait.ge [sflag:s15], $0x200  }
0x1a: {  	[sflag:s15] =	ssyncset.done $0x0  }
0x1b: {  	[sflag:s15] =	ssyncadd.s32 $0xFFFFFE00  }
0x1c: {  	_ =	swait.ge [sflag:s15], $0x200  }
0x1d: {  	[sflag:s15] =	ssyncset.done $0x0  }
0x1e: {  	[sflag:s15] =	ssyncadd.s32 $0xFFFFFE00  }
0x1f: {  	_ =	swait.ge [sflag:s15], $0x200  }
0x20: {  	[sflag:s15] =	ssyncset.done $0x0  }
0x21: {  	[sflag:s15] =	ssyncadd.s32 $0xFFFFFE00  }
0x22: {  	[tilespmem:s17], [sflag:$0x1] =	stream.indirect.gather [hbm4b:s1+s16], $0x80, s4, s16, $0xb8;
	[tilespmem:$0x18E00] =	vst v63  }
0x23: {  	_ = 	snop  }
0x24: {  	[tilespmem:s18], [sflag:$0x1] =	stream.indirect.gather [hbm4b:s2+s16], $0x80, s13, s16, $0xb8;
	[tilespmem:$0x18E00] =	vst v63  }
0x25: {  	_ = 	snop  }
0x26: {  	[tilespmem:s19], [sflag:$0x1] =	stream.indirect.gather [hbm4b:s2+s16], $0x80, s14, s16, $0xb8;
	[tilespmem:$0x18E00] =	vst v63  }
0x27: {  	_ = 	snop  }
0x28: {  	[tilespmem:s20], [sflag:$0x2] =	stream.indirect.gather [hbm4b:s1+s16], $0x80, s16, s16, $0xb8;
	[tilespmem:$0x18E00] =	vst v63  }
0x29: {  	s28 =	simm.s32 $0x280  }
0x2a: {  	[tilespmem:s22], [sflag:$0x2] =	stream.indirect.gather [hbm4b:s2+s16], $0x80, s28, s16, $0xb8;
	[tilespmem:$0x18E00] =	vst v63  }
0x2b: {  	s28 =	simm.s32 $0x480  }
0x2c: {  	[tilespmem:s24], [sflag:$0x2] =	stream.indirect.gather [hbm4b:s2+s16], $0x80, s28, s16, $0xb8;
	[tilespmem:$0x18E00] =	vst v63  }
0x2d: {  	_ =	swait.ge [sflag:s15], $0x4000  }
0x2e: {  	[sflag:s15] =	ssyncset.done $0x0  }
0x2f: {  	[sflag:s15] =	ssyncadd.s32 $0xFFFFC000  }
0x30: {  	_ =	swait.ge [sflag:s15], $0x4000  }
0x31: {  	[sflag:s15] =	ssyncset.done $0x0  }
0x32: {  	[sflag:s15] =	ssyncadd.s32 $0xFFFFC000  }
0x33: {  	_ =	swait.ge [sflag:s15], $0x4000  }
0x34: {  	[sflag:s15] =	ssyncset.done $0x0  }
0x35: {  	s28 =	simm.s32 $0x0;
	[sflag:s15] =	ssyncadd.s32 $0xFFFFC000  }
.LBB2_2:
0x36: {  	s29 =	sshll.u32 s28, $0xA  }
0x37: {  	v0 =	vld [tilespmem:s29+$0x600]  }
0x38: {  	v1 =	vld [tilespmem:s29+$0x4600]  }
0x39: {  	v2 =	vld [tilespmem:s29+$0x8600]  }
0x3a: {  	v3 =	vld [tilespmem:s29+$0x610]  }
0x3b: {  	v4 =	vld [tilespmem:s29+$0x4610]  }
0x3c: {  	v5 =	vld [tilespmem:s29+$0x8610]  }
0x3d: {  	v6 =	vld [tilespmem:s29+$0x620]  }
0x3e: {  	v7 =	vld [tilespmem:s29+$0x4620]  }
0x3f: {  	v8 =	vld [tilespmem:s29+$0x8620]  }
0x40: {  	v9 =	vld [tilespmem:s29+$0x630]  }
0x41: {  	v10 =	vld [tilespmem:s29+$0x4630]  }
0x42: {  	v11 =	vld [tilespmem:s29+$0x8630]  }
0x43: {  	v12 =	vld [tilespmem:s29+$0x640]  }
0x44: {  	v47 =	vld [tilespmem:s29+$0x4640];
	v1 =	vsub.f32 v2, v1  }
0x45: {  	v13 =	vld [tilespmem:s29+$0x8640]  }
0x46: {  	v49 =	vld [tilespmem:s29+$0x650];
	v48 =	vsub.f32 v5, v4;
	v0 =	vmul.f32 v1, v0  }
0x47: {  	v50 =	vld [tilespmem:s29+$0x4650]  }
0x48: {  	v52 =	vld [tilespmem:s29+$0x8650];
	v51 =	vsub.f32 v8, v7;
	v1 =	vmul.f32 v48, v3;
	v0 =	vadd.f32 $0.0e+00, v0  }
0x49: {  	v53 =	vld [tilespmem:s29+$0x660]  }
0x4a: {  	v56 =	vld [tilespmem:s29+$0x4660];
	v55 =	vsub.f32 v11, v10;
	v54 =	vmul.f32 v51, v6;
	v0 =	vadd.f32 v1, v0  }
0x4b: {  	v57 =	vld [tilespmem:s29+$0x8660]  }
0x4c: {  	v59 =	vld [tilespmem:s29+$0x4670];
	v2 =	vsub.f32 v13, v47;
	v58 =	vmul.f32 v55, v9;
	v0 =	vadd.f32 v54, v0  }
0x4d: {  	v60 =	vld [tilespmem:s29+$0x8670]  }
0x4e: {  	v62 =	vsub.f32 v52, v50;
	v61 =	vmul.f32 v2, v12;
	v0 =	vadd.f32 v58, v0  }
0x4f: {  	v63 =	vld [tilespmem:s29+$0x670]  }
0x50: {  	v11 =	vmul.f32 v62, v49;
	v12 =	vsub.f32 v57, v56;
	v0 =	vadd.f32 v61, v0;
	_ =	sdelay $0x1  }
0x51: {  	v14 =	vsub.f32 v60, v59;
	v13 =	vmul.f32 v12, v53;
	v0 =	vadd.f32 v11, v0;
	_ =	sdelay $0x1  }
0x52: {  	v15 =	vmul.f32 v14, v63;
	v0 =	vadd.f32 v13, v0;
	_ =	sdelay $0x1  }
0x53: {  	s30 =	sshll.u32 s28, $0x7;
	v0 =	vadd.f32 v15, v0  }
0x54: {  	s30 =	sand.u32 $0x3FFFFF80, s30  }
0x55: {  	[tilespmem:s30+$0x18600] =	vst v0  }
0x56: {  	v0 =	vld [tilespmem:s29+$0x680]  }
0x57: {  	v16 =	vld [tilespmem:s29+$0x4680]  }
0x58: {  	v17 =	vld [tilespmem:s29+$0x8680]  }
0x59: {  	v18 =	vld [tilespmem:s29+$0x690]  }
0x5a: {  	v19 =	vld [tilespmem:s29+$0x4690]  }
0x5b: {  	v20 =	vld [tilespmem:s29+$0x8690]  }
0x5c: {  	v21 =	vld [tilespmem:s29+$0x6A0]  }
0x5d: {  	v22 =	vld [tilespmem:s29+$0x46A0]  }
0x5e: {  	v23 =	vld [tilespmem:s29+$0x86A0]  }
0x5f: {  	v24 =	vld [tilespmem:s29+$0x6B0]  }
0x60: {  	v25 =	vld [tilespmem:s29+$0x46B0]  }
0x61: {  	v26 =	vld [tilespmem:s29+$0x86B0]  }
0x62: {  	v27 =	vld [tilespmem:s29+$0x6C0]  }
0x63: {  	v28 =	vld [tilespmem:s29+$0x46C0];
	v1 =	vsub.f32 v17, v16  }
0x64: {  	v29 =	vld [tilespmem:s29+$0x86C0]  }
0x65: {  	v31 =	vld [tilespmem:s29+$0x6D0];
	v30 =	vsub.f32 v20, v19;
	v0 =	vmul.f32 v1, v0  }
0x66: {  	v32 =	vld [tilespmem:s29+$0x46D0]  }
0x67: {  	v34 =	vld [tilespmem:s29+$0x86D0];
	v33 =	vsub.f32 v23, v22;
	v1 =	vmul.f32 v30, v18;
	v0 =	vadd.f32 $0.0e+00, v0  }
0x68: {  	v35 =	vld [tilespmem:s29+$0x6E0]  }
0x69: {  	v38 =	vld [tilespmem:s29+$0x46E0];
	v37 =	vsub.f32 v26, v25;
	v36 =	vmul.f32 v33, v21;
	v0 =	vadd.f32 v1, v0  }
0x6a: {  	v39 =	vld [tilespmem:s29+$0x86E0]  }
0x6b: {  	v41 =	vld [tilespmem:s29+$0x46F0];
	v2 =	vsub.f32 v29, v28;
	v40 =	vmul.f32 v37, v24;
	v0 =	vadd.f32 v36, v0  }
0x6c: {  	v42 =	vld [tilespmem:s29+$0x86F0]  }
0x6d: {  	v44 =	vsub.f32 v34, v32;
	v43 =	vmul.f32 v2, v27;
	v0 =	vadd.f32 v40, v0  }
0x6e: {  	v45 =	vld [tilespmem:s29+$0x6F0]  }
0x6f: {  	v47 =	vsub.f32 v39, v38;
	v46 =	vmul.f32 v44, v31;
	v0 =	vadd.f32 v43, v0;
	_ =	sdelay $0x1  }
0x70: {  	v49 =	vsub.f32 v42, v41;
	v48 =	vmul.f32 v47, v35;
	v0 =	vadd.f32 v46, v0;
	_ =	sdelay $0x1  }
0x71: {  	v50 =	vmul.f32 v49, v45;
	v0 =	vadd.f32 v48, v0;
	_ =	sdelay $0x1  }
0x72: {  	v0 =	vadd.f32 v50, v0;
	_ =	sdelay $0x1  }
0x73: {  	[tilespmem:s30+$0x18610] =	vst v0  }
0x74: {  	v0 =	vld [tilespmem:s29+$0x700]  }
0x75: {  	v51 =	vld [tilespmem:s29+$0x4700]  }
0x76: {  	v52 =	vld [tilespmem:s29+$0x8700]  }
0x77: {  	v53 =	vld [tilespmem:s29+$0x710]  }
0x78: {  	v54 =	vld [tilespmem:s29+$0x4710]  }
0x79: {  	v55 =	vld [tilespmem:s29+$0x8710]  }
0x7a: {  	v56 =	vld [tilespmem:s29+$0x720]  }
0x7b: {  	v57 =	vld [tilespmem:s29+$0x4720]  }
0x7c: {  	v58 =	vld [tilespmem:s29+$0x8720]  }
0x7d: {  	v59 =	vld [tilespmem:s29+$0x730]  }
0x7e: {  	v60 =	vld [tilespmem:s29+$0x4730]  }
0x7f: {  	v61 =	vld [tilespmem:s29+$0x8730]  }
0x80: {  	v62 =	vld [tilespmem:s29+$0x740]  }
0x81: {  	v63 =	vld [tilespmem:s29+$0x4740];
	v1 =	vsub.f32 v52, v51  }
0x82: {  	v16 =	vld [tilespmem:s29+$0x8740]  }
0x83: {  	v18 =	vld [tilespmem:s29+$0x750];
	v17 =	vsub.f32 v55, v54;
	v0 =	vmul.f32 v1, v0  }
0x84: {  	v19 =	vld [tilespmem:s29+$0x4750]  }
0x85: {  	v21 =	vld [tilespmem:s29+$0x8750];
	v20 =	vsub.f32 v58, v57;
	v1 =	vmul.f32 v17, v53;
	v0 =	vadd.f32 $0.0e+00, v0  }
0x86: {  	v22 =	vld [tilespmem:s29+$0x760]  }
0x87: {  	v25 =	vld [tilespmem:s29+$0x4760];
	v24 =	vsub.f32 v61, v60;
	v23 =	vmul.f32 v20, v56;
	v0 =	vadd.f32 v1, v0  }
0x88: {  	v26 =	vld [tilespmem:s29+$0x8760]  }
0x89: {  	v28 =	vld [tilespmem:s29+$0x4770];
	v2 =	vsub.f32 v16, v63;
	v27 =	vmul.f32 v24, v59;
	v0 =	vadd.f32 v23, v0  }
0x8a: {  	v29 =	vld [tilespmem:s29+$0x8770]  }
0x8b: {  	v31 =	vsub.f32 v21, v19;
	v30 =	vmul.f32 v2, v62;
	v0 =	vadd.f32 v27, v0  }
0x8c: {  	v32 =	vld [tilespmem:s29+$0x770]  }
0x8d: {  	v34 =	vsub.f32 v26, v25;
	v33 =	vmul.f32 v31, v18;
	v0 =	vadd.f32 v30, v0;
	_ =	sdelay $0x1  }
0x8e: {  	v36 =	vsub.f32 v29, v28;
	v35 =	vmul.f32 v34, v22;
	v0 =	vadd.f32 v33, v0;
	_ =	sdelay $0x1  }
0x8f: {  	v37 =	vmul.f32 v36, v32;
	v0 =	vadd.f32 v35, v0;
	_ =	sdelay $0x1  }
0x90: {  	v0 =	vadd.f32 v37, v0;
	_ =	sdelay $0x1  }
0x91: {  	[tilespmem:s30+$0x18620] =	vst v0  }
0x92: {  	v0 =	vld [tilespmem:s29+$0x780]  }
0x93: {  	v38 =	vld [tilespmem:s29+$0x4780]  }
0x94: {  	v39 =	vld [tilespmem:s29+$0x8780]  }
0x95: {  	v40 =	vld [tilespmem:s29+$0x790]  }
0x96: {  	v41 =	vld [tilespmem:s29+$0x4790]  }
0x97: {  	v42 =	vld [tilespmem:s29+$0x8790]  }
0x98: {  	v43 =	vld [tilespmem:s29+$0x7A0]  }
0x99: {  	v44 =	vld [tilespmem:s29+$0x47A0]  }
0x9a: {  	v45 =	vld [tilespmem:s29+$0x87A0]  }
0x9b: {  	v46 =	vld [tilespmem:s29+$0x7B0]  }
0x9c: {  	v47 =	vld [tilespmem:s29+$0x47B0]  }
0x9d: {  	v48 =	vld [tilespmem:s29+$0x87B0]  }
0x9e: {  	v49 =	vld [tilespmem:s29+$0x7C0]  }
0x9f: {  	v50 =	vld [tilespmem:s29+$0x47C0];
	v1 =	vsub.f32 v39, v38  }
0xa0: {  	v51 =	vld [tilespmem:s29+$0x87C0]  }
0xa1: {  	v53 =	vld [tilespmem:s29+$0x7D0];
	v52 =	vsub.f32 v42, v41;
	v0 =	vmul.f32 v1, v0  }
0xa2: {  	v54 =	vld [tilespmem:s29+$0x47D0]  }
0xa3: {  	v56 =	vld [tilespmem:s29+$0x87D0];
	v55 =	vsub.f32 v45, v44;
	v1 =	vmul.f32 v52, v40;
	v0 =	vadd.f32 $0.0e+00, v0  }
0xa4: {  	v57 =	vld [tilespmem:s29+$0x7E0]  }
0xa5: {  	v60 =	vld [tilespmem:s29+$0x47E0];
	v59 =	vsub.f32 v48, v47;
	v58 =	vmul.f32 v55, v43;
	v0 =	vadd.f32 v1, v0  }
0xa6: {  	v61 =	vld [tilespmem:s29+$0x87E0]  }
0xa7: {  	v63 =	vld [tilespmem:s29+$0x47F0];
	v2 =	vsub.f32 v51, v50;
	v62 =	vmul.f32 v59, v46;
	v0 =	vadd.f32 v58, v0  }
0xa8: {  	v13 =	vld [tilespmem:s29+$0x87F0]  }
0xa9: {  	v15 =	vsub.f32 v56, v54;
	v14 =	vmul.f32 v2, v49;
	v0 =	vadd.f32 v62, v0  }
0xaa: {  	v16 =	vld [tilespmem:s29+$0x7F0]  }
0xab: {  	v18 =	vsub.f32 v61, v60;
	v17 =	vmul.f32 v15, v53;
	v0 =	vadd.f32 v14, v0;
	_ =	sdelay $0x1  }
0xac: {  	v20 =	vsub.f32 v13, v63;
	v19 =	vmul.f32 v18, v57;
	v0 =	vadd.f32 v17, v0;
	_ =	sdelay $0x1  }
0xad: {  	v21 =	vmul.f32 v20, v16;
	v0 =	vadd.f32 v19, v0;
	_ =	sdelay $0x1  }
0xae: {  	v0 =	vadd.f32 v21, v0;
	_ =	sdelay $0x1  }
0xaf: {  	[tilespmem:s30+$0x18630] =	vst v0  }
0xb0: {  	v0 =	vld [tilespmem:s29+$0x800]  }
0xb1: {  	v22 =	vld [tilespmem:s29+$0x4800]  }
0xb2: {  	v23 =	vld [tilespmem:s29+$0x8800]  }
0xb3: {  	v24 =	vld [tilespmem:s29+$0x810]  }
0xb4: {  	v25 =	vld [tilespmem:s29+$0x4810]  }
0xb5: {  	v26 =	vld [tilespmem:s29+$0x8810]  }
0xb6: {  	v27 =	vld [tilespmem:s29+$0x820]  }
0xb7: {  	v28 =	vld [tilespmem:s29+$0x4820]  }
0xb8: {  	v29 =	vld [tilespmem:s29+$0x8820]  }
0xb9: {  	v30 =	vld [tilespmem:s29+$0x830]  }
0xba: {  	v31 =	vld [tilespmem:s29+$0x4830]  }
0xbb: {  	v32 =	vld [tilespmem:s29+$0x8830]  }
0xbc: {  	v33 =	vld [tilespmem:s29+$0x840]  }
0xbd: {  	v34 =	vld [tilespmem:s29+$0x4840];
	v1 =	vsub.f32 v23, v22  }
0xbe: {  	v35 =	vld [tilespmem:s29+$0x8840]  }
0xbf: {  	v37 =	vld [tilespmem:s29+$0x850];
	v36 =	vsub.f32 v26, v25;
	v0 =	vmul.f32 v1, v0  }
0xc0: {  	v38 =	vld [tilespmem:s29+$0x4850]  }
0xc1: {  	v40 =	vld [tilespmem:s29+$0x8850];
	v39 =	vsub.f32 v29, v28;
	v1 =	vmul.f32 v36, v24;
	v0 =	vadd.f32 $0.0e+00, v0  }
0xc2: {  	v41 =	vld [tilespmem:s29+$0x860]  }
0xc3: {  	v44 =	vld [tilespmem:s29+$0x4860];
	v43 =	vsub.f32 v32, v31;
	v42 =	vmul.f32 v39, v27;
	v0 =	vadd.f32 v1, v0  }
0xc4: {  	v45 =	vld [tilespmem:s29+$0x8860]  }
0xc5: {  	v47 =	vld [tilespmem:s29+$0x4870];
	v2 =	vsub.f32 v35, v34;
	v46 =	vmul.f32 v43, v30;
	v0 =	vadd.f32 v42, v0  }
0xc6: {  	v48 =	vld [tilespmem:s29+$0x8870]  }
0xc7: {  	v50 =	vsub.f32 v40, v38;
	v49 =	vmul.f32 v2, v33;
	v0 =	vadd.f32 v46, v0  }
0xc8: {  	v51 =	vld [tilespmem:s29+$0x870]  }
0xc9: {  	v53 =	vsub.f32 v45, v44;
	v52 =	vmul.f32 v50, v37;
	v0 =	vadd.f32 v49, v0;
	_ =	sdelay $0x1  }
0xca: {  	v55 =	vsub.f32 v48, v47;
	v54 =	vmul.f32 v53, v41;
	v0 =	vadd.f32 v52, v0;
	_ =	sdelay $0x1  }
0xcb: {  	v56 =	vmul.f32 v55, v51;
	v0 =	vadd.f32 v54, v0;
	_ =	sdelay $0x1  }
0xcc: {  	v0 =	vadd.f32 v56, v0;
	_ =	sdelay $0x1  }
0xcd: {  	[tilespmem:s30+$0x18640] =	vst v0  }
0xce: {  	v0 =	vld [tilespmem:s29+$0x880]  }
0xcf: {  	v57 =	vld [tilespmem:s29+$0x4880]  }
0xd0: {  	v58 =	vld [tilespmem:s29+$0x8880]  }
0xd1: {  	v59 =	vld [tilespmem:s29+$0x890]  }
0xd2: {  	v60 =	vld [tilespmem:s29+$0x4890]  }
0xd3: {  	v61 =	vld [tilespmem:s29+$0x8890]  }
0xd4: {  	v62 =	vld [tilespmem:s29+$0x8A0]  }
0xd5: {  	v63 =	vld [tilespmem:s29+$0x48A0]  }
0xd6: {  	v16 =	vld [tilespmem:s29+$0x88A0]  }
0xd7: {  	v17 =	vld [tilespmem:s29+$0x8B0]  }
0xd8: {  	v18 =	vld [tilespmem:s29+$0x48B0]  }
0xd9: {  	v19 =	vld [tilespmem:s29+$0x88B0]  }
0xda: {  	v20 =	vld [tilespmem:s29+$0x8C0]  }
0xdb: {  	v21 =	vld [tilespmem:s29+$0x48C0];
	v1 =	vsub.f32 v58, v57  }
0xdc: {  	v22 =	vld [tilespmem:s29+$0x88C0]  }
0xdd: {  	v24 =	vld [tilespmem:s29+$0x8D0];
	v23 =	vsub.f32 v61, v60;
	v0 =	vmul.f32 v1, v0  }
0xde: {  	v25 =	vld [tilespmem:s29+$0x48D0]  }
0xdf: {  	v27 =	vld [tilespmem:s29+$0x88D0];
	v26 =	vsub.f32 v16, v63;
	v1 =	vmul.f32 v23, v59;
	v0 =	vadd.f32 $0.0e+00, v0  }
0xe0: {  	v28 =	vld [tilespmem:s29+$0x8E0]  }
0xe1: {  	v31 =	vld [tilespmem:s29+$0x48E0];
	v30 =	vsub.f32 v19, v18;
	v29 =	vmul.f32 v26, v62;
	v0 =	vadd.f32 v1, v0  }
0xe2: {  	v32 =	vld [tilespmem:s29+$0x88E0]  }
0xe3: {  	v34 =	vld [tilespmem:s29+$0x48F0];
	v2 =	vsub.f32 v22, v21;
	v33 =	vmul.f32 v30, v17;
	v0 =	vadd.f32 v29, v0  }
0xe4: {  	v35 =	vld [tilespmem:s29+$0x88F0]  }
0xe5: {  	v37 =	vsub.f32 v27, v25;
	v36 =	vmul.f32 v2, v20;
	v0 =	vadd.f32 v33, v0  }
0xe6: {  	v38 =	vld [tilespmem:s29+$0x8F0]  }
0xe7: {  	v40 =	vsub.f32 v32, v31;
	v39 =	vmul.f32 v37, v24;
	v0 =	vadd.f32 v36, v0;
	_ =	sdelay $0x1  }
0xe8: {  	v42 =	vsub.f32 v35, v34;
	v41 =	vmul.f32 v40, v28;
	v0 =	vadd.f32 v39, v0;
	_ =	sdelay $0x1  }
0xe9: {  	v43 =	vmul.f32 v42, v38;
	v0 =	vadd.f32 v41, v0;
	_ =	sdelay $0x1  }
0xea: {  	v0 =	vadd.f32 v43, v0;
	_ =	sdelay $0x1  }
0xeb: {  	[tilespmem:s30+$0x18650] =	vst v0  }
0xec: {  	v0 =	vld [tilespmem:s29+$0x900]  }
0xed: {  	v44 =	vld [tilespmem:s29+$0x4900]  }
0xee: {  	v45 =	vld [tilespmem:s29+$0x8900]  }
0xef: {  	v46 =	vld [tilespmem:s29+$0x910]  }
0xf0: {  	v47 =	vld [tilespmem:s29+$0x4910]  }
0xf1: {  	v48 =	vld [tilespmem:s29+$0x8910]  }
0xf2: {  	v49 =	vld [tilespmem:s29+$0x920]  }
0xf3: {  	v50 =	vld [tilespmem:s29+$0x4920]  }
0xf4: {  	v51 =	vld [tilespmem:s29+$0x8920]  }
0xf5: {  	v52 =	vld [tilespmem:s29+$0x930]  }
0xf6: {  	v53 =	vld [tilespmem:s29+$0x4930]  }
0xf7: {  	v54 =	vld [tilespmem:s29+$0x8930]  }
0xf8: {  	v55 =	vld [tilespmem:s29+$0x940]  }
0xf9: {  	v56 =	vld [tilespmem:s29+$0x4940];
	v1 =	vsub.f32 v45, v44  }
0xfa: {  	v57 =	vld [tilespmem:s29+$0x8940]  }
0xfb: {  	v59 =	vld [tilespmem:s29+$0x950];
	v58 =	vsub.f32 v48, v47;
	v0 =	vmul.f32 v1, v0  }
0xfc: {  	v60 =	vld [tilespmem:s29+$0x4950]  }
0xfd: {  	v62 =	vld [tilespmem:s29+$0x8950];
	v61 =	vsub.f32 v51, v50;
	v1 =	vmul.f32 v58, v46;
	v0 =	vadd.f32 $0.0e+00, v0  }
0xfe: {  	v63 =	vld [tilespmem:s29+$0x960]  }
0xff: {  	v16 =	vld [tilespmem:s29+$0x4960];
	v15 =	vsub.f32 v54, v53;
	v14 =	vmul.f32 v61, v49;
	v0 =	vadd.f32 v1, v0  }
0x100: {  	v17 =	vld [tilespmem:s29+$0x8960]  }
0x101: {  	v19 =	vld [tilespmem:s29+$0x4970];
	v2 =	vsub.f32 v57, v56;
	v18 =	vmul.f32 v15, v52;
	v0 =	vadd.f32 v14, v0  }
0x102: {  	v20 =	vld [tilespmem:s29+$0x8970]  }
0x103: {  	v22 =	vsub.f32 v62, v60;
	v21 =	vmul.f32 v2, v55;
	v0 =	vadd.f32 v18, v0  }
0x104: {  	v23 =	vld [tilespmem:s29+$0x970]  }
0x105: {  	v25 =	vsub.f32 v17, v16;
	v24 =	vmul.f32 v22, v59;
	v0 =	vadd.f32 v21, v0;
	_ =	sdelay $0x1  }
0x106: {  	v27 =	vsub.f32 v20, v19;
	v26 =	vmul.f32 v25, v63;
	v0 =	vadd.f32 v24, v0;
	_ =	sdelay $0x1  }
0x107: {  	v28 =	vmul.f32 v27, v23;
	v0 =	vadd.f32 v26, v0;
	_ =	sdelay $0x1  }
0x108: {  	v0 =	vadd.f32 v28, v0;
	_ =	sdelay $0x1  }
0x109: {  	[tilespmem:s30+$0x18660] =	vst v0  }
0x10a: {  	v0 =	vld [tilespmem:s29+$0x980]  }
0x10b: {  	v29 =	vld [tilespmem:s29+$0x4980]  }
0x10c: {  	v30 =	vld [tilespmem:s29+$0x8980]  }
0x10d: {  	v31 =	vld [tilespmem:s29+$0x990]  }
0x10e: {  	v32 =	vld [tilespmem:s29+$0x4990]  }
0x10f: {  	v33 =	vld [tilespmem:s29+$0x8990]  }
0x110: {  	v34 =	vld [tilespmem:s29+$0x9A0]  }
0x111: {  	v35 =	vld [tilespmem:s29+$0x49A0]  }
0x112: {  	v36 =	vld [tilespmem:s29+$0x89A0]  }
0x113: {  	v37 =	vld [tilespmem:s29+$0x9B0]  }
0x114: {  	v38 =	vld [tilespmem:s29+$0x49B0]  }
0x115: {  	v39 =	vld [tilespmem:s29+$0x89B0]  }
0x116: {  	v40 =	vld [tilespmem:s29+$0x9C0]  }
0x117: {  	v41 =	vld [tilespmem:s29+$0x49C0];
	v1 =	vsub.f32 v30, v29  }
0x118: {  	v42 =	vld [tilespmem:s29+$0x89C0]  }
0x119: {  	v44 =	vld [tilespmem:s29+$0x9D0];
	v43 =	vsub.f32 v33, v32;
	v0 =	vmul.f32 v1, v0  }
0x11a: {  	v45 =	vld [tilespmem:s29+$0x49D0]  }
0x11b: {  	v47 =	vld [tilespmem:s29+$0x89D0];
	v46 =	vsub.f32 v36, v35;
	v1 =	vmul.f32 v43, v31;
	v0 =	vadd.f32 $0.0e+00, v0  }
0x11c: {  	v48 =	vld [tilespmem:s29+$0x9E0]  }
0x11d: {  	v51 =	vld [tilespmem:s29+$0x49E0];
	v50 =	vsub.f32 v39, v38;
	v49 =	vmul.f32 v46, v34;
	v0 =	vadd.f32 v1, v0  }
0x11e: {  	v52 =	vld [tilespmem:s29+$0x89E0]  }
0x11f: {  	v54 =	vld [tilespmem:s29+$0x49F0];
	v2 =	vsub.f32 v42, v41;
	v53 =	vmul.f32 v50, v37;
	v0 =	vadd.f32 v49, v0  }
0x120: {  	v55 =	vld [tilespmem:s29+$0x89F0]  }
0x121: {  	v57 =	vsub.f32 v47, v45;
	v56 =	vmul.f32 v2, v40;
	v0 =	vadd.f32 v53, v0  }
0x122: {  	v58 =	vld [tilespmem:s29+$0x9F0]  }
0x123: {  	v60 =	vsub.f32 v52, v51;
	v59 =	vmul.f32 v57, v44;
	v0 =	vadd.f32 v56, v0;
	_ =	sdelay $0x1  }
0x124: {  	v62 =	vsub.f32 v55, v54;
	v61 =	vmul.f32 v60, v48;
	v0 =	vadd.f32 v59, v0  }
0x125: {  	p0 =	sne.s32 s28, $0xF  }
.Ltmp0:
0x126: {  	v63 =	vmul.f32 v62, v58;
	v0 =	vadd.f32 v61, v0;
	(pc) =	sbr.rel @p0 .LBB2_2-.Ltmp0, $3  }
0x127: {  	_ = 	snop  }
0x128: {  	v0 =	vadd.f32 v63, v0;
	_ =	sdelay $0x1  }
0x129: {  	s28 =	sadd.s32 $0x1, s28;
	[tilespmem:s30+$0x18670] =	vst v0  }
0x12a: {  	s28 =	simm.s32 $0x0  }
0x12b: {  	[hbm4b:s8+s28] =	stream.linear.scatter [tilespmem:s25], [sflag:$0x3], $0x800, $0x38;
	[tilespmem:$0x18E00] =	vst v63  }
0x12c: {  	_ =	swait.ge [sflag:s26], $0x800  }
0x12d: {  	[sflag:s26] =	ssyncset.done $0x0  }
0x12e: {  	s29 =	simm.s32 $0x100;
	[sflag:s26] =	ssyncadd.s32 $0xFFFFF800  }
0x12f: {  	[tilespmem:s17], [sflag:$0x1] =	stream.indirect.gather [hbm4b:s1+s16], $0x80, s29, s16, $0xb8;
	[tilespmem:$0x18E00] =	vst v63  }
0x130: {  	s30 =	simm.s32 $0x300  }
0x131: {  	[tilespmem:s18], [sflag:$0x1] =	stream.indirect.gather [hbm4b:s2+s16], $0x80, s30, s16, $0xb8;
	[tilespmem:$0x18E00] =	vst v63  }
0x132: {  	s30 =	simm.s32 $0x500  }
0x133: {  	[tilespmem:s19], [sflag:$0x1] =	stream.indirect.gather [hbm4b:s2+s16], $0x80, s30, s16, $0xb8;
	[tilespmem:$0x18E00] =	vst v63  }
0x134: {  	_ =	swait.ge [sflag:s31], $0x4000  }
0x135: {  	[sflag:s31] =	ssyncset.done $0x0  }
0x136: {  	[sflag:s31] =	ssyncadd.s32 $0xFFFFC000  }
0x137: {  	_ =	swait.ge [sflag:s31], $0x4000  }
0x138: {  	[sflag:s31] =	ssyncset.done $0x0  }
0x139: {  	[sflag:s31] =	ssyncadd.s32 $0xFFFFC000  }
0x13a: {  	_ =	swait.ge [sflag:s31], $0x4000  }
0x13b: {  	[sflag:s31] =	ssyncset.done $0x0  }
0x13c: {  	[sflag:s31] =	ssyncadd.s32 $0xFFFFC000  }
.LBB2_4:
0x13d: {  	s29 =	sshll.u32 s28, $0xA  }
0x13e: {  	v0 =	vld [tilespmem:s29+$0xC600]  }
0x13f: {  	v1 =	vld [tilespmem:s29+$0x10600]  }
0x140: {  	v2 =	vld [tilespmem:s29+$0x14600]  }
0x141: {  	v3 =	vld [tilespmem:s29+$0xC610]  }
0x142: {  	v4 =	vld [tilespmem:s29+$0x10610]  }
0x143: {  	v5 =	vld [tilespmem:s29+$0x14610]  }
0x144: {  	v6 =	vld [tilespmem:s29+$0xC620]  }
0x145: {  	v7 =	vld [tilespmem:s29+$0x10620]  }
0x146: {  	v8 =	vld [tilespmem:s29+$0x14620]  }
0x147: {  	v9 =	vld [tilespmem:s29+$0xC630]  }
0x148: {  	v10 =	vld [tilespmem:s29+$0x10630]  }
0x149: {  	v11 =	vld [tilespmem:s29+$0x14630]  }
0x14a: {  	v12 =	vld [tilespmem:s29+$0xC640]  }
0x14b: {  	v47 =	vld [tilespmem:s29+$0x10640];
	v1 =	vsub.f32 v2, v1  }
0x14c: {  	v13 =	vld [tilespmem:s29+$0x14640]  }
0x14d: {  	v49 =	vld [tilespmem:s29+$0xC650];
	v48 =	vsub.f32 v5, v4;
	v0 =	vmul.f32 v1, v0  }
0x14e: {  	v50 =	vld [tilespmem:s29+$0x10650]  }
0x14f: {  	v52 =	vld [tilespmem:s29+$0x14650];
	v51 =	vsub.f32 v8, v7;
	v1 =	vmul.f32 v48, v3;
	v0 =	vadd.f32 $0.0e+00, v0  }
0x150: {  	v53 =	vld [tilespmem:s29+$0xC660]  }
0x151: {  	v56 =	vld [tilespmem:s29+$0x10660];
	v55 =	vsub.f32 v11, v10;
	v54 =	vmul.f32 v51, v6;
	v0 =	vadd.f32 v1, v0  }
0x152: {  	v57 =	vld [tilespmem:s29+$0x14660]  }
0x153: {  	v59 =	vld [tilespmem:s29+$0x10670];
	v2 =	vsub.f32 v13, v47;
	v58 =	vmul.f32 v55, v9;
	v0 =	vadd.f32 v54, v0  }
0x154: {  	v60 =	vld [tilespmem:s29+$0x14670]  }
0x155: {  	v62 =	vsub.f32 v52, v50;
	v61 =	vmul.f32 v2, v12;
	v0 =	vadd.f32 v58, v0  }
0x156: {  	v63 =	vld [tilespmem:s29+$0xC670]  }
0x157: {  	v11 =	vmul.f32 v62, v49;
	v12 =	vsub.f32 v57, v56;
	v0 =	vadd.f32 v61, v0;
	_ =	sdelay $0x1  }
0x158: {  	v14 =	vsub.f32 v60, v59;
	v13 =	vmul.f32 v12, v53;
	v0 =	vadd.f32 v11, v0;
	_ =	sdelay $0x1  }
0x159: {  	v15 =	vmul.f32 v14, v63;
	v0 =	vadd.f32 v13, v0;
	_ =	sdelay $0x1  }
0x15a: {  	s30 =	sshll.u32 s28, $0x7;
	v0 =	vadd.f32 v15, v0  }
0x15b: {  	s30 =	sand.u32 $0x3FFFFF80, s30  }
0x15c: {  	[tilespmem:s30+$0x18600] =	vst v0  }
0x15d: {  	v0 =	vld [tilespmem:s29+$0xC680]  }
0x15e: {  	v16 =	vld [tilespmem:s29+$0x10680]  }
0x15f: {  	v17 =	vld [tilespmem:s29+$0x14680]  }
0x160: {  	v18 =	vld [tilespmem:s29+$0xC690]  }
0x161: {  	v19 =	vld [tilespmem:s29+$0x10690]  }
0x162: {  	v20 =	vld [tilespmem:s29+$0x14690]  }
0x163: {  	v21 =	vld [tilespmem:s29+$0xC6A0]  }
0x164: {  	v22 =	vld [tilespmem:s29+$0x106A0]  }
0x165: {  	v23 =	vld [tilespmem:s29+$0x146A0]  }
0x166: {  	v24 =	vld [tilespmem:s29+$0xC6B0]  }
0x167: {  	v25 =	vld [tilespmem:s29+$0x106B0]  }
0x168: {  	v26 =	vld [tilespmem:s29+$0x146B0]  }
0x169: {  	v27 =	vld [tilespmem:s29+$0xC6C0]  }
0x16a: {  	v28 =	vld [tilespmem:s29+$0x106C0];
	v1 =	vsub.f32 v17, v16  }
0x16b: {  	v29 =	vld [tilespmem:s29+$0x146C0]  }
0x16c: {  	v31 =	vld [tilespmem:s29+$0xC6D0];
	v30 =	vsub.f32 v20, v19;
	v0 =	vmul.f32 v1, v0  }
0x16d: {  	v32 =	vld [tilespmem:s29+$0x106D0]  }
0x16e: {  	v34 =	vld [tilespmem:s29+$0x146D0];
	v33 =	vsub.f32 v23, v22;
	v1 =	vmul.f32 v30, v18;
	v0 =	vadd.f32 $0.0e+00, v0  }
0x16f: {  	v35 =	vld [tilespmem:s29+$0xC6E0]  }
0x170: {  	v38 =	vld [tilespmem:s29+$0x106E0];
	v37 =	vsub.f32 v26, v25;
	v36 =	vmul.f32 v33, v21;
	v0 =	vadd.f32 v1, v0  }
0x171: {  	v39 =	vld [tilespmem:s29+$0x146E0]  }
0x172: {  	v41 =	vld [tilespmem:s29+$0x106F0];
	v2 =	vsub.f32 v29, v28;
	v40 =	vmul.f32 v37, v24;
	v0 =	vadd.f32 v36, v0  }
0x173: {  	v42 =	vld [tilespmem:s29+$0x146F0]  }
0x174: {  	v44 =	vsub.f32 v34, v32;
	v43 =	vmul.f32 v2, v27;
	v0 =	vadd.f32 v40, v0  }
0x175: {  	v45 =	vld [tilespmem:s29+$0xC6F0]  }
0x176: {  	v47 =	vsub.f32 v39, v38;
	v46 =	vmul.f32 v44, v31;
	v0 =	vadd.f32 v43, v0;
	_ =	sdelay $0x1  }
0x177: {  	v49 =	vsub.f32 v42, v41;
	v48 =	vmul.f32 v47, v35;
	v0 =	vadd.f32 v46, v0;
	_ =	sdelay $0x1  }
0x178: {  	v50 =	vmul.f32 v49, v45;
	v0 =	vadd.f32 v48, v0;
	_ =	sdelay $0x1  }
0x179: {  	v0 =	vadd.f32 v50, v0;
	_ =	sdelay $0x1  }
0x17a: {  	[tilespmem:s30+$0x18610] =	vst v0  }
0x17b: {  	v0 =	vld [tilespmem:s29+$0xC700]  }
0x17c: {  	v51 =	vld [tilespmem:s29+$0x10700]  }
0x17d: {  	v52 =	vld [tilespmem:s29+$0x14700]  }
0x17e: {  	v53 =	vld [tilespmem:s29+$0xC710]  }
0x17f: {  	v54 =	vld [tilespmem:s29+$0x10710]  }
0x180: {  	v55 =	vld [tilespmem:s29+$0x14710]  }
0x181: {  	v56 =	vld [tilespmem:s29+$0xC720]  }
0x182: {  	v57 =	vld [tilespmem:s29+$0x10720]  }
0x183: {  	v58 =	vld [tilespmem:s29+$0x14720]  }
0x184: {  	v59 =	vld [tilespmem:s29+$0xC730]  }
0x185: {  	v60 =	vld [tilespmem:s29+$0x10730]  }
0x186: {  	v61 =	vld [tilespmem:s29+$0x14730]  }
0x187: {  	v62 =	vld [tilespmem:s29+$0xC740]  }
0x188: {  	v63 =	vld [tilespmem:s29+$0x10740];
	v1 =	vsub.f32 v52, v51  }
0x189: {  	v16 =	vld [tilespmem:s29+$0x14740]  }
0x18a: {  	v18 =	vld [tilespmem:s29+$0xC750];
	v17 =	vsub.f32 v55, v54;
	v0 =	vmul.f32 v1, v0  }
0x18b: {  	v19 =	vld [tilespmem:s29+$0x10750]  }
0x18c: {  	v21 =	vld [tilespmem:s29+$0x14750];
	v20 =	vsub.f32 v58, v57;
	v1 =	vmul.f32 v17, v53;
	v0 =	vadd.f32 $0.0e+00, v0  }
0x18d: {  	v22 =	vld [tilespmem:s29+$0xC760]  }
0x18e: {  	v25 =	vld [tilespmem:s29+$0x10760];
	v24 =	vsub.f32 v61, v60;
	v23 =	vmul.f32 v20, v56;
	v0 =	vadd.f32 v1, v0  }
0x18f: {  	v26 =	vld [tilespmem:s29+$0x14760]  }
0x190: {  	v28 =	vld [tilespmem:s29+$0x10770];
	v2 =	vsub.f32 v16, v63;
	v27 =	vmul.f32 v24, v59;
	v0 =	vadd.f32 v23, v0  }
0x191: {  	v29 =	vld [tilespmem:s29+$0x14770]  }
0x192: {  	v31 =	vsub.f32 v21, v19;
	v30 =	vmul.f32 v2, v62;
	v0 =	vadd.f32 v27, v0  }
0x193: {  	v32 =	vld [tilespmem:s29+$0xC770]  }
0x194: {  	v34 =	vsub.f32 v26, v25;
	v33 =	vmul.f32 v31, v18;
	v0 =	vadd.f32 v30, v0;
	_ =	sdelay $0x1  }
0x195: {  	v36 =	vsub.f32 v29, v28;
	v35 =	vmul.f32 v34, v22;
	v0 =	vadd.f32 v33, v0;
	_ =	sdelay $0x1  }
0x196: {  	v37 =	vmul.f32 v36, v32;
	v0 =	vadd.f32 v35, v0;
	_ =	sdelay $0x1  }
0x197: {  	v0 =	vadd.f32 v37, v0;
	_ =	sdelay $0x1  }
0x198: {  	[tilespmem:s30+$0x18620] =	vst v0  }
0x199: {  	v0 =	vld [tilespmem:s29+$0xC780]  }
0x19a: {  	v38 =	vld [tilespmem:s29+$0x10780]  }
0x19b: {  	v39 =	vld [tilespmem:s29+$0x14780]  }
0x19c: {  	v40 =	vld [tilespmem:s29+$0xC790]  }
0x19d: {  	v41 =	vld [tilespmem:s29+$0x10790]  }
0x19e: {  	v42 =	vld [tilespmem:s29+$0x14790]  }
0x19f: {  	v43 =	vld [tilespmem:s29+$0xC7A0]  }
0x1a0: {  	v44 =	vld [tilespmem:s29+$0x107A0]  }
0x1a1: {  	v45 =	vld [tilespmem:s29+$0x147A0]  }
0x1a2: {  	v46 =	vld [tilespmem:s29+$0xC7B0]  }
0x1a3: {  	v47 =	vld [tilespmem:s29+$0x107B0]  }
0x1a4: {  	v48 =	vld [tilespmem:s29+$0x147B0]  }
0x1a5: {  	v49 =	vld [tilespmem:s29+$0xC7C0]  }
0x1a6: {  	v50 =	vld [tilespmem:s29+$0x107C0];
	v1 =	vsub.f32 v39, v38  }
0x1a7: {  	v51 =	vld [tilespmem:s29+$0x147C0]  }
0x1a8: {  	v53 =	vld [tilespmem:s29+$0xC7D0];
	v52 =	vsub.f32 v42, v41;
	v0 =	vmul.f32 v1, v0  }
0x1a9: {  	v54 =	vld [tilespmem:s29+$0x107D0]  }
0x1aa: {  	v56 =	vld [tilespmem:s29+$0x147D0];
	v55 =	vsub.f32 v45, v44;
	v1 =	vmul.f32 v52, v40;
	v0 =	vadd.f32 $0.0e+00, v0  }
0x1ab: {  	v57 =	vld [tilespmem:s29+$0xC7E0]  }
0x1ac: {  	v60 =	vld [tilespmem:s29+$0x107E0];
	v59 =	vsub.f32 v48, v47;
	v58 =	vmul.f32 v55, v43;
	v0 =	vadd.f32 v1, v0  }
0x1ad: {  	v61 =	vld [tilespmem:s29+$0x147E0]  }
0x1ae: {  	v63 =	vld [tilespmem:s29+$0x107F0];
	v2 =	vsub.f32 v51, v50;
	v62 =	vmul.f32 v59, v46;
	v0 =	vadd.f32 v58, v0  }
0x1af: {  	v13 =	vld [tilespmem:s29+$0x147F0]  }
0x1b0: {  	v15 =	vsub.f32 v56, v54;
	v14 =	vmul.f32 v2, v49;
	v0 =	vadd.f32 v62, v0  }
0x1b1: {  	v16 =	vld [tilespmem:s29+$0xC7F0]  }
0x1b2: {  	v18 =	vsub.f32 v61, v60;
	v17 =	vmul.f32 v15, v53;
	v0 =	vadd.f32 v14, v0;
	_ =	sdelay $0x1  }
0x1b3: {  	v20 =	vsub.f32 v13, v63;
	v19 =	vmul.f32 v18, v57;
	v0 =	vadd.f32 v17, v0;
	_ =	sdelay $0x1  }
0x1b4: {  	v21 =	vmul.f32 v20, v16;
	v0 =	vadd.f32 v19, v0;
	_ =	sdelay $0x1  }
0x1b5: {  	v0 =	vadd.f32 v21, v0;
	_ =	sdelay $0x1  }
0x1b6: {  	[tilespmem:s30+$0x18630] =	vst v0  }
0x1b7: {  	v0 =	vld [tilespmem:s29+$0xC800]  }
0x1b8: {  	v22 =	vld [tilespmem:s29+$0x10800]  }
0x1b9: {  	v23 =	vld [tilespmem:s29+$0x14800]  }
0x1ba: {  	v24 =	vld [tilespmem:s29+$0xC810]  }
0x1bb: {  	v25 =	vld [tilespmem:s29+$0x10810]  }
0x1bc: {  	v26 =	vld [tilespmem:s29+$0x14810]  }
0x1bd: {  	v27 =	vld [tilespmem:s29+$0xC820]  }
0x1be: {  	v28 =	vld [tilespmem:s29+$0x10820]  }
0x1bf: {  	v29 =	vld [tilespmem:s29+$0x14820]  }
0x1c0: {  	v30 =	vld [tilespmem:s29+$0xC830]  }
0x1c1: {  	v31 =	vld [tilespmem:s29+$0x10830]  }
0x1c2: {  	v32 =	vld [tilespmem:s29+$0x14830]  }
0x1c3: {  	v33 =	vld [tilespmem:s29+$0xC840]  }
0x1c4: {  	v34 =	vld [tilespmem:s29+$0x10840];
	v1 =	vsub.f32 v23, v22  }
0x1c5: {  	v35 =	vld [tilespmem:s29+$0x14840]  }
0x1c6: {  	v37 =	vld [tilespmem:s29+$0xC850];
	v36 =	vsub.f32 v26, v25;
	v0 =	vmul.f32 v1, v0  }
0x1c7: {  	v38 =	vld [tilespmem:s29+$0x10850]  }
0x1c8: {  	v40 =	vld [tilespmem:s29+$0x14850];
	v39 =	vsub.f32 v29, v28;
	v1 =	vmul.f32 v36, v24;
	v0 =	vadd.f32 $0.0e+00, v0  }
0x1c9: {  	v41 =	vld [tilespmem:s29+$0xC860]  }
0x1ca: {  	v44 =	vld [tilespmem:s29+$0x10860];
	v43 =	vsub.f32 v32, v31;
	v42 =	vmul.f32 v39, v27;
	v0 =	vadd.f32 v1, v0  }
0x1cb: {  	v45 =	vld [tilespmem:s29+$0x14860]  }
0x1cc: {  	v47 =	vld [tilespmem:s29+$0x10870];
	v2 =	vsub.f32 v35, v34;
	v46 =	vmul.f32 v43, v30;
	v0 =	vadd.f32 v42, v0  }
0x1cd: {  	v48 =	vld [tilespmem:s29+$0x14870]  }
0x1ce: {  	v50 =	vsub.f32 v40, v38;
	v49 =	vmul.f32 v2, v33;
	v0 =	vadd.f32 v46, v0  }
0x1cf: {  	v51 =	vld [tilespmem:s29+$0xC870]  }
0x1d0: {  	v53 =	vsub.f32 v45, v44;
	v52 =	vmul.f32 v50, v37;
	v0 =	vadd.f32 v49, v0;
	_ =	sdelay $0x1  }
0x1d1: {  	v55 =	vsub.f32 v48, v47;
	v54 =	vmul.f32 v53, v41;
	v0 =	vadd.f32 v52, v0;
	_ =	sdelay $0x1  }
0x1d2: {  	v56 =	vmul.f32 v55, v51;
	v0 =	vadd.f32 v54, v0;
	_ =	sdelay $0x1  }
0x1d3: {  	v0 =	vadd.f32 v56, v0;
	_ =	sdelay $0x1  }
0x1d4: {  	[tilespmem:s30+$0x18640] =	vst v0  }
0x1d5: {  	v0 =	vld [tilespmem:s29+$0xC880]  }
0x1d6: {  	v57 =	vld [tilespmem:s29+$0x10880]  }
0x1d7: {  	v58 =	vld [tilespmem:s29+$0x14880]  }
0x1d8: {  	v59 =	vld [tilespmem:s29+$0xC890]  }
0x1d9: {  	v60 =	vld [tilespmem:s29+$0x10890]  }
0x1da: {  	v61 =	vld [tilespmem:s29+$0x14890]  }
0x1db: {  	v62 =	vld [tilespmem:s29+$0xC8A0]  }
0x1dc: {  	v63 =	vld [tilespmem:s29+$0x108A0]  }
0x1dd: {  	v16 =	vld [tilespmem:s29+$0x148A0]  }
0x1de: {  	v17 =	vld [tilespmem:s29+$0xC8B0]  }
0x1df: {  	v18 =	vld [tilespmem:s29+$0x108B0]  }
0x1e0: {  	v19 =	vld [tilespmem:s29+$0x148B0]  }
0x1e1: {  	v20 =	vld [tilespmem:s29+$0xC8C0]  }
0x1e2: {  	v21 =	vld [tilespmem:s29+$0x108C0];
	v1 =	vsub.f32 v58, v57  }
0x1e3: {  	v22 =	vld [tilespmem:s29+$0x148C0]  }
0x1e4: {  	v24 =	vld [tilespmem:s29+$0xC8D0];
	v23 =	vsub.f32 v61, v60;
	v0 =	vmul.f32 v1, v0  }
0x1e5: {  	v25 =	vld [tilespmem:s29+$0x108D0]  }
0x1e6: {  	v27 =	vld [tilespmem:s29+$0x148D0];
	v26 =	vsub.f32 v16, v63;
	v1 =	vmul.f32 v23, v59;
	v0 =	vadd.f32 $0.0e+00, v0  }
0x1e7: {  	v28 =	vld [tilespmem:s29+$0xC8E0]  }
0x1e8: {  	v31 =	vld [tilespmem:s29+$0x108E0];
	v30 =	vsub.f32 v19, v18;
	v29 =	vmul.f32 v26, v62;
	v0 =	vadd.f32 v1, v0  }
0x1e9: {  	v32 =	vld [tilespmem:s29+$0x148E0]  }
0x1ea: {  	v34 =	vld [tilespmem:s29+$0x108F0];
	v2 =	vsub.f32 v22, v21;
	v33 =	vmul.f32 v30, v17;
	v0 =	vadd.f32 v29, v0  }
0x1eb: {  	v35 =	vld [tilespmem:s29+$0x148F0]  }
0x1ec: {  	v37 =	vsub.f32 v27, v25;
	v36 =	vmul.f32 v2, v20;
	v0 =	vadd.f32 v33, v0  }
0x1ed: {  	v38 =	vld [tilespmem:s29+$0xC8F0]  }
0x1ee: {  	v40 =	vsub.f32 v32, v31;
	v39 =	vmul.f32 v37, v24;
	v0 =	vadd.f32 v36, v0;
	_ =	sdelay $0x1  }
0x1ef: {  	v42 =	vsub.f32 v35, v34;
	v41 =	vmul.f32 v40, v28;
	v0 =	vadd.f32 v39, v0;
	_ =	sdelay $0x1  }
0x1f0: {  	v43 =	vmul.f32 v42, v38;
	v0 =	vadd.f32 v41, v0;
	_ =	sdelay $0x1  }
0x1f1: {  	v0 =	vadd.f32 v43, v0;
	_ =	sdelay $0x1  }
0x1f2: {  	[tilespmem:s30+$0x18650] =	vst v0  }
0x1f3: {  	v0 =	vld [tilespmem:s29+$0xC900]  }
0x1f4: {  	v44 =	vld [tilespmem:s29+$0x10900]  }
0x1f5: {  	v45 =	vld [tilespmem:s29+$0x14900]  }
0x1f6: {  	v46 =	vld [tilespmem:s29+$0xC910]  }
0x1f7: {  	v47 =	vld [tilespmem:s29+$0x10910]  }
0x1f8: {  	v48 =	vld [tilespmem:s29+$0x14910]  }
0x1f9: {  	v49 =	vld [tilespmem:s29+$0xC920]  }
0x1fa: {  	v50 =	vld [tilespmem:s29+$0x10920]  }
0x1fb: {  	v51 =	vld [tilespmem:s29+$0x14920]  }
0x1fc: {  	v52 =	vld [tilespmem:s29+$0xC930]  }
0x1fd: {  	v53 =	vld [tilespmem:s29+$0x10930]  }
0x1fe: {  	v54 =	vld [tilespmem:s29+$0x14930]  }
0x1ff: {  	v55 =	vld [tilespmem:s29+$0xC940]  }
0x200: {  	v56 =	vld [tilespmem:s29+$0x10940];
	v1 =	vsub.f32 v45, v44  }
0x201: {  	v57 =	vld [tilespmem:s29+$0x14940]  }
0x202: {  	v59 =	vld [tilespmem:s29+$0xC950];
	v58 =	vsub.f32 v48, v47;
	v0 =	vmul.f32 v1, v0  }
0x203: {  	v60 =	vld [tilespmem:s29+$0x10950]  }
0x204: {  	v62 =	vld [tilespmem:s29+$0x14950];
	v61 =	vsub.f32 v51, v50;
	v1 =	vmul.f32 v58, v46;
	v0 =	vadd.f32 $0.0e+00, v0  }
0x205: {  	v63 =	vld [tilespmem:s29+$0xC960]  }
0x206: {  	v16 =	vld [tilespmem:s29+$0x10960];
	v15 =	vsub.f32 v54, v53;
	v14 =	vmul.f32 v61, v49;
	v0 =	vadd.f32 v1, v0  }
0x207: {  	v17 =	vld [tilespmem:s29+$0x14960]  }
0x208: {  	v19 =	vld [tilespmem:s29+$0x10970];
	v2 =	vsub.f32 v57, v56;
	v18 =	vmul.f32 v15, v52;
	v0 =	vadd.f32 v14, v0  }
0x209: {  	v20 =	vld [tilespmem:s29+$0x14970]  }
0x20a: {  	v22 =	vsub.f32 v62, v60;
	v21 =	vmul.f32 v2, v55;
	v0 =	vadd.f32 v18, v0  }
0x20b: {  	v23 =	vld [tilespmem:s29+$0xC970]  }
0x20c: {  	v25 =	vsub.f32 v17, v16;
	v24 =	vmul.f32 v22, v59;
	v0 =	vadd.f32 v21, v0;
	_ =	sdelay $0x1  }
0x20d: {  	v27 =	vsub.f32 v20, v19;
	v26 =	vmul.f32 v25, v63;
	v0 =	vadd.f32 v24, v0;
	_ =	sdelay $0x1  }
0x20e: {  	v28 =	vmul.f32 v27, v23;
	v0 =	vadd.f32 v26, v0;
	_ =	sdelay $0x1  }
0x20f: {  	v0 =	vadd.f32 v28, v0;
	_ =	sdelay $0x1  }
0x210: {  	[tilespmem:s30+$0x18660] =	vst v0  }
0x211: {  	v0 =	vld [tilespmem:s29+$0xC980]  }
0x212: {  	v29 =	vld [tilespmem:s29+$0x10980]  }
0x213: {  	v30 =	vld [tilespmem:s29+$0x14980]  }
0x214: {  	v31 =	vld [tilespmem:s29+$0xC990]  }
0x215: {  	v32 =	vld [tilespmem:s29+$0x10990]  }
0x216: {  	v33 =	vld [tilespmem:s29+$0x14990]  }
0x217: {  	v34 =	vld [tilespmem:s29+$0xC9A0]  }
0x218: {  	v35 =	vld [tilespmem:s29+$0x109A0]  }
0x219: {  	v36 =	vld [tilespmem:s29+$0x149A0]  }
0x21a: {  	v37 =	vld [tilespmem:s29+$0xC9B0]  }
0x21b: {  	v38 =	vld [tilespmem:s29+$0x109B0]  }
0x21c: {  	v39 =	vld [tilespmem:s29+$0x149B0]  }
0x21d: {  	v40 =	vld [tilespmem:s29+$0xC9C0]  }
0x21e: {  	v41 =	vld [tilespmem:s29+$0x109C0];
	v1 =	vsub.f32 v30, v29  }
0x21f: {  	v42 =	vld [tilespmem:s29+$0x149C0]  }
0x220: {  	v44 =	vld [tilespmem:s29+$0xC9D0];
	v43 =	vsub.f32 v33, v32;
	v0 =	vmul.f32 v1, v0  }
0x221: {  	v45 =	vld [tilespmem:s29+$0x109D0]  }
0x222: {  	v47 =	vld [tilespmem:s29+$0x149D0];
	v46 =	vsub.f32 v36, v35;
	v1 =	vmul.f32 v43, v31;
	v0 =	vadd.f32 $0.0e+00, v0  }
0x223: {  	v48 =	vld [tilespmem:s29+$0xC9E0]  }
0x224: {  	v51 =	vld [tilespmem:s29+$0x109E0];
	v50 =	vsub.f32 v39, v38;
	v49 =	vmul.f32 v46, v34;
	v0 =	vadd.f32 v1, v0  }
0x225: {  	v52 =	vld [tilespmem:s29+$0x149E0]  }
0x226: {  	v54 =	vld [tilespmem:s29+$0x109F0];
	v2 =	vsub.f32 v42, v41;
	v53 =	vmul.f32 v50, v37;
	v0 =	vadd.f32 v49, v0  }
0x227: {  	v55 =	vld [tilespmem:s29+$0x149F0]  }
0x228: {  	v57 =	vsub.f32 v47, v45;
	v56 =	vmul.f32 v2, v40;
	v0 =	vadd.f32 v53, v0  }
0x229: {  	v58 =	vld [tilespmem:s29+$0xC9F0]  }
0x22a: {  	v60 =	vsub.f32 v52, v51;
	v59 =	vmul.f32 v57, v44;
	v0 =	vadd.f32 v56, v0;
	_ =	sdelay $0x1  }
0x22b: {  	v62 =	vsub.f32 v55, v54;
	v61 =	vmul.f32 v60, v48;
	v0 =	vadd.f32 v59, v0  }
0x22c: {  	p0 =	sne.s32 s28, $0xF  }
.Ltmp1:
0x22d: {  	v63 =	vmul.f32 v62, v58;
	v0 =	vadd.f32 v61, v0;
	(pc) =	sbr.rel @p0 .LBB2_4-.Ltmp1, $3  }
0x22e: {  	_ = 	snop  }
0x22f: {  	v0 =	vadd.f32 v63, v0;
	_ =	sdelay $0x1  }
0x230: {  	s28 =	sadd.s32 $0x1, s28;
	[tilespmem:s30+$0x18670] =	vst v0  }
0x231: {  	s28 =	simm.s32 $0x0  }
0x232: {  	[hbm4b:s9+s28] =	stream.linear.scatter [tilespmem:s25], [sflag:$0x3], $0x800, $0x38;
	[tilespmem:$0x18E00] =	vst v63  }
0x233: {  	_ =	swait.ge [sflag:s26], $0x800  }
0x234: {  	[sflag:s26] =	ssyncset.done $0x0  }
0x235: {  	[sflag:s26] =	ssyncadd.s32 $0xFFFFF800  }
0x236: {  	[tilespmem:s20], [sflag:$0x2] =	stream.indirect.gather [hbm4b:s1+s16], $0x80, s0, s16, $0xb8;
	[tilespmem:$0x18E00] =	vst v63  }
0x237: {  	_ = 	snop  }
0x238: {  	[tilespmem:s22], [sflag:$0x2] =	stream.indirect.gather [hbm4b:s2+s16], $0x80, s3, s16, $0xb8;
	[tilespmem:$0x18E00] =	vst v63  }
0x239: {  	_ = 	snop  }
0x23a: {  	[tilespmem:s24], [sflag:$0x2] =	stream.indirect.gather [hbm4b:s2+s16], $0x80, s21, s16, $0xb8;
	[tilespmem:$0x18E00] =	vst v63  }
0x23b: {  	_ =	swait.ge [sflag:s15], $0x4000  }
0x23c: {  	[sflag:s15] =	ssyncset.done $0x0  }
0x23d: {  	[sflag:s15] =	ssyncadd.s32 $0xFFFFC000  }
0x23e: {  	_ =	swait.ge [sflag:s15], $0x4000  }
0x23f: {  	[sflag:s15] =	ssyncset.done $0x0  }
0x240: {  	[sflag:s15] =	ssyncadd.s32 $0xFFFFC000  }
0x241: {  	_ =	swait.ge [sflag:s15], $0x4000  }
0x242: {  	[sflag:s15] =	ssyncset.done $0x0  }
0x243: {  	[sflag:s15] =	ssyncadd.s32 $0xFFFFC000  }
.LBB2_6:
0x244: {  	s29 =	sshll.u32 s28, $0xA  }
0x245: {  	v0 =	vld [tilespmem:s29+$0x600]  }
0x246: {  	v1 =	vld [tilespmem:s29+$0x4600]  }
0x247: {  	v2 =	vld [tilespmem:s29+$0x8600]  }
0x248: {  	v3 =	vld [tilespmem:s29+$0x610]  }
0x249: {  	v4 =	vld [tilespmem:s29+$0x4610]  }
0x24a: {  	v5 =	vld [tilespmem:s29+$0x8610]  }
0x24b: {  	v6 =	vld [tilespmem:s29+$0x620]  }
0x24c: {  	v7 =	vld [tilespmem:s29+$0x4620]  }
0x24d: {  	v8 =	vld [tilespmem:s29+$0x8620]  }
0x24e: {  	v9 =	vld [tilespmem:s29+$0x630]  }
0x24f: {  	v10 =	vld [tilespmem:s29+$0x4630]  }
0x250: {  	v11 =	vld [tilespmem:s29+$0x8630]  }
0x251: {  	v12 =	vld [tilespmem:s29+$0x640]  }
0x252: {  	v47 =	vld [tilespmem:s29+$0x4640];
	v1 =	vsub.f32 v2, v1  }
0x253: {  	v13 =	vld [tilespmem:s29+$0x8640]  }
0x254: {  	v49 =	vld [tilespmem:s29+$0x650];
	v48 =	vsub.f32 v5, v4;
	v0 =	vmul.f32 v1, v0  }
0x255: {  	v50 =	vld [tilespmem:s29+$0x4650]  }
0x256: {  	v52 =	vld [tilespmem:s29+$0x8650];
	v51 =	vsub.f32 v8, v7;
	v1 =	vmul.f32 v48, v3;
	v0 =	vadd.f32 $0.0e+00, v0  }
0x257: {  	v53 =	vld [tilespmem:s29+$0x660]  }
0x258: {  	v56 =	vld [tilespmem:s29+$0x4660];
	v55 =	vsub.f32 v11, v10;
	v54 =	vmul.f32 v51, v6;
	v0 =	vadd.f32 v1, v0  }
0x259: {  	v57 =	vld [tilespmem:s29+$0x8660]  }
0x25a: {  	v59 =	vld [tilespmem:s29+$0x4670];
	v2 =	vsub.f32 v13, v47;
	v58 =	vmul.f32 v55, v9;
	v0 =	vadd.f32 v54, v0  }
0x25b: {  	v60 =	vld [tilespmem:s29+$0x8670]  }
0x25c: {  	v62 =	vsub.f32 v52, v50;
	v61 =	vmul.f32 v2, v12;
	v0 =	vadd.f32 v58, v0  }
0x25d: {  	v63 =	vld [tilespmem:s29+$0x670]  }
0x25e: {  	v11 =	vmul.f32 v62, v49;
	v12 =	vsub.f32 v57, v56;
	v0 =	vadd.f32 v61, v0;
	_ =	sdelay $0x1  }
0x25f: {  	v14 =	vsub.f32 v60, v59;
	v13 =	vmul.f32 v12, v53;
	v0 =	vadd.f32 v11, v0;
	_ =	sdelay $0x1  }
0x260: {  	v15 =	vmul.f32 v14, v63;
	v0 =	vadd.f32 v13, v0;
	_ =	sdelay $0x1  }
0x261: {  	s30 =	sshll.u32 s28, $0x7;
	v0 =	vadd.f32 v15, v0  }
0x262: {  	s30 =	sand.u32 $0x3FFFFF80, s30  }
0x263: {  	[tilespmem:s30+$0x18600] =	vst v0  }
0x264: {  	v0 =	vld [tilespmem:s29+$0x680]  }
0x265: {  	v16 =	vld [tilespmem:s29+$0x4680]  }
0x266: {  	v17 =	vld [tilespmem:s29+$0x8680]  }
0x267: {  	v18 =	vld [tilespmem:s29+$0x690]  }
0x268: {  	v19 =	vld [tilespmem:s29+$0x4690]  }
0x269: {  	v20 =	vld [tilespmem:s29+$0x8690]  }
0x26a: {  	v21 =	vld [tilespmem:s29+$0x6A0]  }
0x26b: {  	v22 =	vld [tilespmem:s29+$0x46A0]  }
0x26c: {  	v23 =	vld [tilespmem:s29+$0x86A0]  }
0x26d: {  	v24 =	vld [tilespmem:s29+$0x6B0]  }
0x26e: {  	v25 =	vld [tilespmem:s29+$0x46B0]  }
0x26f: {  	v26 =	vld [tilespmem:s29+$0x86B0]  }
0x270: {  	v27 =	vld [tilespmem:s29+$0x6C0]  }
0x271: {  	v28 =	vld [tilespmem:s29+$0x46C0];
	v1 =	vsub.f32 v17, v16  }
0x272: {  	v29 =	vld [tilespmem:s29+$0x86C0]  }
0x273: {  	v31 =	vld [tilespmem:s29+$0x6D0];
	v30 =	vsub.f32 v20, v19;
	v0 =	vmul.f32 v1, v0  }
0x274: {  	v32 =	vld [tilespmem:s29+$0x46D0]  }
0x275: {  	v34 =	vld [tilespmem:s29+$0x86D0];
	v33 =	vsub.f32 v23, v22;
	v1 =	vmul.f32 v30, v18;
	v0 =	vadd.f32 $0.0e+00, v0  }
0x276: {  	v35 =	vld [tilespmem:s29+$0x6E0]  }
0x277: {  	v38 =	vld [tilespmem:s29+$0x46E0];
	v37 =	vsub.f32 v26, v25;
	v36 =	vmul.f32 v33, v21;
	v0 =	vadd.f32 v1, v0  }
0x278: {  	v39 =	vld [tilespmem:s29+$0x86E0]  }
0x279: {  	v41 =	vld [tilespmem:s29+$0x46F0];
	v2 =	vsub.f32 v29, v28;
	v40 =	vmul.f32 v37, v24;
	v0 =	vadd.f32 v36, v0  }
0x27a: {  	v42 =	vld [tilespmem:s29+$0x86F0]  }
0x27b: {  	v44 =	vsub.f32 v34, v32;
	v43 =	vmul.f32 v2, v27;
	v0 =	vadd.f32 v40, v0  }
0x27c: {  	v45 =	vld [tilespmem:s29+$0x6F0]  }
0x27d: {  	v47 =	vsub.f32 v39, v38;
	v46 =	vmul.f32 v44, v31;
	v0 =	vadd.f32 v43, v0;
	_ =	sdelay $0x1  }
0x27e: {  	v49 =	vsub.f32 v42, v41;
	v48 =	vmul.f32 v47, v35;
	v0 =	vadd.f32 v46, v0;
	_ =	sdelay $0x1  }
0x27f: {  	v50 =	vmul.f32 v49, v45;
	v0 =	vadd.f32 v48, v0;
	_ =	sdelay $0x1  }
0x280: {  	v0 =	vadd.f32 v50, v0;
	_ =	sdelay $0x1  }
0x281: {  	[tilespmem:s30+$0x18610] =	vst v0  }
0x282: {  	v0 =	vld [tilespmem:s29+$0x700]  }
0x283: {  	v51 =	vld [tilespmem:s29+$0x4700]  }
0x284: {  	v52 =	vld [tilespmem:s29+$0x8700]  }
0x285: {  	v53 =	vld [tilespmem:s29+$0x710]  }
0x286: {  	v54 =	vld [tilespmem:s29+$0x4710]  }
0x287: {  	v55 =	vld [tilespmem:s29+$0x8710]  }
0x288: {  	v56 =	vld [tilespmem:s29+$0x720]  }
0x289: {  	v57 =	vld [tilespmem:s29+$0x4720]  }
0x28a: {  	v58 =	vld [tilespmem:s29+$0x8720]  }
0x28b: {  	v59 =	vld [tilespmem:s29+$0x730]  }
0x28c: {  	v60 =	vld [tilespmem:s29+$0x4730]  }
0x28d: {  	v61 =	vld [tilespmem:s29+$0x8730]  }
0x28e: {  	v62 =	vld [tilespmem:s29+$0x740]  }
0x28f: {  	v63 =	vld [tilespmem:s29+$0x4740];
	v1 =	vsub.f32 v52, v51  }
0x290: {  	v16 =	vld [tilespmem:s29+$0x8740]  }
0x291: {  	v18 =	vld [tilespmem:s29+$0x750];
	v17 =	vsub.f32 v55, v54;
	v0 =	vmul.f32 v1, v0  }
0x292: {  	v19 =	vld [tilespmem:s29+$0x4750]  }
0x293: {  	v21 =	vld [tilespmem:s29+$0x8750];
	v20 =	vsub.f32 v58, v57;
	v1 =	vmul.f32 v17, v53;
	v0 =	vadd.f32 $0.0e+00, v0  }
0x294: {  	v22 =	vld [tilespmem:s29+$0x760]  }
0x295: {  	v25 =	vld [tilespmem:s29+$0x4760];
	v24 =	vsub.f32 v61, v60;
	v23 =	vmul.f32 v20, v56;
	v0 =	vadd.f32 v1, v0  }
0x296: {  	v26 =	vld [tilespmem:s29+$0x8760]  }
0x297: {  	v28 =	vld [tilespmem:s29+$0x4770];
	v2 =	vsub.f32 v16, v63;
	v27 =	vmul.f32 v24, v59;
	v0 =	vadd.f32 v23, v0  }
0x298: {  	v29 =	vld [tilespmem:s29+$0x8770]  }
0x299: {  	v31 =	vsub.f32 v21, v19;
	v30 =	vmul.f32 v2, v62;
	v0 =	vadd.f32 v27, v0  }
0x29a: {  	v32 =	vld [tilespmem:s29+$0x770]  }
0x29b: {  	v34 =	vsub.f32 v26, v25;
	v33 =	vmul.f32 v31, v18;
	v0 =	vadd.f32 v30, v0;
	_ =	sdelay $0x1  }
0x29c: {  	v36 =	vsub.f32 v29, v28;
	v35 =	vmul.f32 v34, v22;
	v0 =	vadd.f32 v33, v0;
	_ =	sdelay $0x1  }
0x29d: {  	v37 =	vmul.f32 v36, v32;
	v0 =	vadd.f32 v35, v0;
	_ =	sdelay $0x1  }
0x29e: {  	v0 =	vadd.f32 v37, v0;
	_ =	sdelay $0x1  }
0x29f: {  	[tilespmem:s30+$0x18620] =	vst v0  }
0x2a0: {  	v0 =	vld [tilespmem:s29+$0x780]  }
0x2a1: {  	v38 =	vld [tilespmem:s29+$0x4780]  }
0x2a2: {  	v39 =	vld [tilespmem:s29+$0x8780]  }
0x2a3: {  	v40 =	vld [tilespmem:s29+$0x790]  }
0x2a4: {  	v41 =	vld [tilespmem:s29+$0x4790]  }
0x2a5: {  	v42 =	vld [tilespmem:s29+$0x8790]  }
0x2a6: {  	v43 =	vld [tilespmem:s29+$0x7A0]  }
0x2a7: {  	v44 =	vld [tilespmem:s29+$0x47A0]  }
0x2a8: {  	v45 =	vld [tilespmem:s29+$0x87A0]  }
0x2a9: {  	v46 =	vld [tilespmem:s29+$0x7B0]  }
0x2aa: {  	v47 =	vld [tilespmem:s29+$0x47B0]  }
0x2ab: {  	v48 =	vld [tilespmem:s29+$0x87B0]  }
0x2ac: {  	v49 =	vld [tilespmem:s29+$0x7C0]  }
0x2ad: {  	v50 =	vld [tilespmem:s29+$0x47C0];
	v1 =	vsub.f32 v39, v38  }
0x2ae: {  	v51 =	vld [tilespmem:s29+$0x87C0]  }
0x2af: {  	v53 =	vld [tilespmem:s29+$0x7D0];
	v52 =	vsub.f32 v42, v41;
	v0 =	vmul.f32 v1, v0  }
0x2b0: {  	v54 =	vld [tilespmem:s29+$0x47D0]  }
0x2b1: {  	v56 =	vld [tilespmem:s29+$0x87D0];
	v55 =	vsub.f32 v45, v44;
	v1 =	vmul.f32 v52, v40;
	v0 =	vadd.f32 $0.0e+00, v0  }
0x2b2: {  	v57 =	vld [tilespmem:s29+$0x7E0]  }
0x2b3: {  	v60 =	vld [tilespmem:s29+$0x47E0];
	v59 =	vsub.f32 v48, v47;
	v58 =	vmul.f32 v55, v43;
	v0 =	vadd.f32 v1, v0  }
0x2b4: {  	v61 =	vld [tilespmem:s29+$0x87E0]  }
0x2b5: {  	v63 =	vld [tilespmem:s29+$0x47F0];
	v2 =	vsub.f32 v51, v50;
	v62 =	vmul.f32 v59, v46;
	v0 =	vadd.f32 v58, v0  }
0x2b6: {  	v13 =	vld [tilespmem:s29+$0x87F0]  }
0x2b7: {  	v15 =	vsub.f32 v56, v54;
	v14 =	vmul.f32 v2, v49;
	v0 =	vadd.f32 v62, v0  }
0x2b8: {  	v16 =	vld [tilespmem:s29+$0x7F0]  }
0x2b9: {  	v18 =	vsub.f32 v61, v60;
	v17 =	vmul.f32 v15, v53;
	v0 =	vadd.f32 v14, v0;
	_ =	sdelay $0x1  }
0x2ba: {  	v20 =	vsub.f32 v13, v63;
	v19 =	vmul.f32 v18, v57;
	v0 =	vadd.f32 v17, v0;
	_ =	sdelay $0x1  }
0x2bb: {  	v21 =	vmul.f32 v20, v16;
	v0 =	vadd.f32 v19, v0;
	_ =	sdelay $0x1  }
0x2bc: {  	v0 =	vadd.f32 v21, v0;
	_ =	sdelay $0x1  }
0x2bd: {  	[tilespmem:s30+$0x18630] =	vst v0  }
0x2be: {  	v0 =	vld [tilespmem:s29+$0x800]  }
0x2bf: {  	v22 =	vld [tilespmem:s29+$0x4800]  }
0x2c0: {  	v23 =	vld [tilespmem:s29+$0x8800]  }
0x2c1: {  	v24 =	vld [tilespmem:s29+$0x810]  }
0x2c2: {  	v25 =	vld [tilespmem:s29+$0x4810]  }
0x2c3: {  	v26 =	vld [tilespmem:s29+$0x8810]  }
0x2c4: {  	v27 =	vld [tilespmem:s29+$0x820]  }
0x2c5: {  	v28 =	vld [tilespmem:s29+$0x4820]  }
0x2c6: {  	v29 =	vld [tilespmem:s29+$0x8820]  }
0x2c7: {  	v30 =	vld [tilespmem:s29+$0x830]  }
0x2c8: {  	v31 =	vld [tilespmem:s29+$0x4830]  }
0x2c9: {  	v32 =	vld [tilespmem:s29+$0x8830]  }
0x2ca: {  	v33 =	vld [tilespmem:s29+$0x840]  }
0x2cb: {  	v34 =	vld [tilespmem:s29+$0x4840];
	v1 =	vsub.f32 v23, v22  }
0x2cc: {  	v35 =	vld [tilespmem:s29+$0x8840]  }
0x2cd: {  	v37 =	vld [tilespmem:s29+$0x850];
	v36 =	vsub.f32 v26, v25;
	v0 =	vmul.f32 v1, v0  }
0x2ce: {  	v38 =	vld [tilespmem:s29+$0x4850]  }
0x2cf: {  	v40 =	vld [tilespmem:s29+$0x8850];
	v39 =	vsub.f32 v29, v28;
	v1 =	vmul.f32 v36, v24;
	v0 =	vadd.f32 $0.0e+00, v0  }
0x2d0: {  	v41 =	vld [tilespmem:s29+$0x860]  }
0x2d1: {  	v44 =	vld [tilespmem:s29+$0x4860];
	v43 =	vsub.f32 v32, v31;
	v42 =	vmul.f32 v39, v27;
	v0 =	vadd.f32 v1, v0  }
0x2d2: {  	v45 =	vld [tilespmem:s29+$0x8860]  }
0x2d3: {  	v47 =	vld [tilespmem:s29+$0x4870];
	v2 =	vsub.f32 v35, v34;
	v46 =	vmul.f32 v43, v30;
	v0 =	vadd.f32 v42, v0  }
0x2d4: {  	v48 =	vld [tilespmem:s29+$0x8870]  }
0x2d5: {  	v50 =	vsub.f32 v40, v38;
	v49 =	vmul.f32 v2, v33;
	v0 =	vadd.f32 v46, v0  }
0x2d6: {  	v51 =	vld [tilespmem:s29+$0x870]  }
0x2d7: {  	v53 =	vsub.f32 v45, v44;
	v52 =	vmul.f32 v50, v37;
	v0 =	vadd.f32 v49, v0;
	_ =	sdelay $0x1  }
0x2d8: {  	v55 =	vsub.f32 v48, v47;
	v54 =	vmul.f32 v53, v41;
	v0 =	vadd.f32 v52, v0;
	_ =	sdelay $0x1  }
0x2d9: {  	v56 =	vmul.f32 v55, v51;
	v0 =	vadd.f32 v54, v0;
	_ =	sdelay $0x1  }
0x2da: {  	v0 =	vadd.f32 v56, v0;
	_ =	sdelay $0x1  }
0x2db: {  	[tilespmem:s30+$0x18640] =	vst v0  }
0x2dc: {  	v0 =	vld [tilespmem:s29+$0x880]  }
0x2dd: {  	v57 =	vld [tilespmem:s29+$0x4880]  }
0x2de: {  	v58 =	vld [tilespmem:s29+$0x8880]  }
0x2df: {  	v59 =	vld [tilespmem:s29+$0x890]  }
0x2e0: {  	v60 =	vld [tilespmem:s29+$0x4890]  }
0x2e1: {  	v61 =	vld [tilespmem:s29+$0x8890]  }
0x2e2: {  	v62 =	vld [tilespmem:s29+$0x8A0]  }
0x2e3: {  	v63 =	vld [tilespmem:s29+$0x48A0]  }
0x2e4: {  	v16 =	vld [tilespmem:s29+$0x88A0]  }
0x2e5: {  	v17 =	vld [tilespmem:s29+$0x8B0]  }
0x2e6: {  	v18 =	vld [tilespmem:s29+$0x48B0]  }
0x2e7: {  	v19 =	vld [tilespmem:s29+$0x88B0]  }
0x2e8: {  	v20 =	vld [tilespmem:s29+$0x8C0]  }
0x2e9: {  	v21 =	vld [tilespmem:s29+$0x48C0];
	v1 =	vsub.f32 v58, v57  }
0x2ea: {  	v22 =	vld [tilespmem:s29+$0x88C0]  }
0x2eb: {  	v24 =	vld [tilespmem:s29+$0x8D0];
	v23 =	vsub.f32 v61, v60;
	v0 =	vmul.f32 v1, v0  }
0x2ec: {  	v25 =	vld [tilespmem:s29+$0x48D0]  }
0x2ed: {  	v27 =	vld [tilespmem:s29+$0x88D0];
	v26 =	vsub.f32 v16, v63;
	v1 =	vmul.f32 v23, v59;
	v0 =	vadd.f32 $0.0e+00, v0  }
0x2ee: {  	v28 =	vld [tilespmem:s29+$0x8E0]  }
0x2ef: {  	v31 =	vld [tilespmem:s29+$0x48E0];
	v30 =	vsub.f32 v19, v18;
	v29 =	vmul.f32 v26, v62;
	v0 =	vadd.f32 v1, v0  }
0x2f0: {  	v32 =	vld [tilespmem:s29+$0x88E0]  }
0x2f1: {  	v34 =	vld [tilespmem:s29+$0x48F0];
	v2 =	vsub.f32 v22, v21;
	v33 =	vmul.f32 v30, v17;
	v0 =	vadd.f32 v29, v0  }
0x2f2: {  	v35 =	vld [tilespmem:s29+$0x88F0]  }
0x2f3: {  	v37 =	vsub.f32 v27, v25;
	v36 =	vmul.f32 v2, v20;
	v0 =	vadd.f32 v33, v0  }
0x2f4: {  	v38 =	vld [tilespmem:s29+$0x8F0]  }
0x2f5: {  	v40 =	vsub.f32 v32, v31;
	v39 =	vmul.f32 v37, v24;
	v0 =	vadd.f32 v36, v0;
	_ =	sdelay $0x1  }
0x2f6: {  	v42 =	vsub.f32 v35, v34;
	v41 =	vmul.f32 v40, v28;
	v0 =	vadd.f32 v39, v0;
	_ =	sdelay $0x1  }
0x2f7: {  	v43 =	vmul.f32 v42, v38;
	v0 =	vadd.f32 v41, v0;
	_ =	sdelay $0x1  }
0x2f8: {  	v0 =	vadd.f32 v43, v0;
	_ =	sdelay $0x1  }
0x2f9: {  	[tilespmem:s30+$0x18650] =	vst v0  }
0x2fa: {  	v0 =	vld [tilespmem:s29+$0x900]  }
0x2fb: {  	v44 =	vld [tilespmem:s29+$0x4900]  }
0x2fc: {  	v45 =	vld [tilespmem:s29+$0x8900]  }
0x2fd: {  	v46 =	vld [tilespmem:s29+$0x910]  }
0x2fe: {  	v47 =	vld [tilespmem:s29+$0x4910]  }
0x2ff: {  	v48 =	vld [tilespmem:s29+$0x8910]  }
0x300: {  	v49 =	vld [tilespmem:s29+$0x920]  }
0x301: {  	v50 =	vld [tilespmem:s29+$0x4920]  }
0x302: {  	v51 =	vld [tilespmem:s29+$0x8920]  }
0x303: {  	v52 =	vld [tilespmem:s29+$0x930]  }
0x304: {  	v53 =	vld [tilespmem:s29+$0x4930]  }
0x305: {  	v54 =	vld [tilespmem:s29+$0x8930]  }
0x306: {  	v55 =	vld [tilespmem:s29+$0x940]  }
0x307: {  	v56 =	vld [tilespmem:s29+$0x4940];
	v1 =	vsub.f32 v45, v44  }
0x308: {  	v57 =	vld [tilespmem:s29+$0x8940]  }
0x309: {  	v59 =	vld [tilespmem:s29+$0x950];
	v58 =	vsub.f32 v48, v47;
	v0 =	vmul.f32 v1, v0  }
0x30a: {  	v60 =	vld [tilespmem:s29+$0x4950]  }
0x30b: {  	v62 =	vld [tilespmem:s29+$0x8950];
	v61 =	vsub.f32 v51, v50;
	v1 =	vmul.f32 v58, v46;
	v0 =	vadd.f32 $0.0e+00, v0  }
0x30c: {  	v63 =	vld [tilespmem:s29+$0x960]  }
0x30d: {  	v16 =	vld [tilespmem:s29+$0x4960];
	v15 =	vsub.f32 v54, v53;
	v14 =	vmul.f32 v61, v49;
	v0 =	vadd.f32 v1, v0  }
0x30e: {  	v17 =	vld [tilespmem:s29+$0x8960]  }
0x30f: {  	v19 =	vld [tilespmem:s29+$0x4970];
	v2 =	vsub.f32 v57, v56;
	v18 =	vmul.f32 v15, v52;
	v0 =	vadd.f32 v14, v0  }
0x310: {  	v20 =	vld [tilespmem:s29+$0x8970]  }
0x311: {  	v22 =	vsub.f32 v62, v60;
	v21 =	vmul.f32 v2, v55;
	v0 =	vadd.f32 v18, v0  }
0x312: {  	v23 =	vld [tilespmem:s29+$0x970]  }
0x313: {  	v25 =	vsub.f32 v17, v16;
	v24 =	vmul.f32 v22, v59;
	v0 =	vadd.f32 v21, v0;
	_ =	sdelay $0x1  }
0x314: {  	v27 =	vsub.f32 v20, v19;
	v26 =	vmul.f32 v25, v63;
	v0 =	vadd.f32 v24, v0;
	_ =	sdelay $0x1  }
0x315: {  	v28 =	vmul.f32 v27, v23;
	v0 =	vadd.f32 v26, v0;
	_ =	sdelay $0x1  }
0x316: {  	v0 =	vadd.f32 v28, v0;
	_ =	sdelay $0x1  }
0x317: {  	[tilespmem:s30+$0x18660] =	vst v0  }
0x318: {  	v0 =	vld [tilespmem:s29+$0x980]  }
0x319: {  	v29 =	vld [tilespmem:s29+$0x4980]  }
0x31a: {  	v30 =	vld [tilespmem:s29+$0x8980]  }
0x31b: {  	v31 =	vld [tilespmem:s29+$0x990]  }
0x31c: {  	v32 =	vld [tilespmem:s29+$0x4990]  }
0x31d: {  	v33 =	vld [tilespmem:s29+$0x8990]  }
0x31e: {  	v34 =	vld [tilespmem:s29+$0x9A0]  }
0x31f: {  	v35 =	vld [tilespmem:s29+$0x49A0]  }
0x320: {  	v36 =	vld [tilespmem:s29+$0x89A0]  }
0x321: {  	v37 =	vld [tilespmem:s29+$0x9B0]  }
0x322: {  	v38 =	vld [tilespmem:s29+$0x49B0]  }
0x323: {  	v39 =	vld [tilespmem:s29+$0x89B0]  }
0x324: {  	v40 =	vld [tilespmem:s29+$0x9C0]  }
0x325: {  	v41 =	vld [tilespmem:s29+$0x49C0];
	v1 =	vsub.f32 v30, v29  }
0x326: {  	v42 =	vld [tilespmem:s29+$0x89C0]  }
0x327: {  	v44 =	vld [tilespmem:s29+$0x9D0];
	v43 =	vsub.f32 v33, v32;
	v0 =	vmul.f32 v1, v0  }
0x328: {  	v45 =	vld [tilespmem:s29+$0x49D0]  }
0x329: {  	v47 =	vld [tilespmem:s29+$0x89D0];
	v46 =	vsub.f32 v36, v35;
	v1 =	vmul.f32 v43, v31;
	v0 =	vadd.f32 $0.0e+00, v0  }
0x32a: {  	v48 =	vld [tilespmem:s29+$0x9E0]  }
0x32b: {  	v51 =	vld [tilespmem:s29+$0x49E0];
	v50 =	vsub.f32 v39, v38;
	v49 =	vmul.f32 v46, v34;
	v0 =	vadd.f32 v1, v0  }
0x32c: {  	v52 =	vld [tilespmem:s29+$0x89E0]  }
0x32d: {  	v54 =	vld [tilespmem:s29+$0x49F0];
	v2 =	vsub.f32 v42, v41;
	v53 =	vmul.f32 v50, v37;
	v0 =	vadd.f32 v49, v0  }
0x32e: {  	v55 =	vld [tilespmem:s29+$0x89F0]  }
0x32f: {  	v57 =	vsub.f32 v47, v45;
	v56 =	vmul.f32 v2, v40;
	v0 =	vadd.f32 v53, v0  }
0x330: {  	v58 =	vld [tilespmem:s29+$0x9F0]  }
0x331: {  	v60 =	vsub.f32 v52, v51;
	v59 =	vmul.f32 v57, v44;
	v0 =	vadd.f32 v56, v0;
	_ =	sdelay $0x1  }
0x332: {  	v62 =	vsub.f32 v55, v54;
	v61 =	vmul.f32 v60, v48;
	v0 =	vadd.f32 v59, v0  }
0x333: {  	p0 =	sne.s32 s28, $0xF  }
.Ltmp2:
0x334: {  	v63 =	vmul.f32 v62, v58;
	v0 =	vadd.f32 v61, v0;
	(pc) =	sbr.rel @p0 .LBB2_6-.Ltmp2, $3  }
0x335: {  	_ = 	snop  }
0x336: {  	v0 =	vadd.f32 v63, v0;
	_ =	sdelay $0x1  }
0x337: {  	s28 =	sadd.s32 $0x1, s28;
	[tilespmem:s30+$0x18670] =	vst v0  }
0x338: {  	s28 =	simm.s32 $0x0  }
0x339: {  	[hbm4b:s10+s28] =	stream.linear.scatter [tilespmem:s25], [sflag:$0x3], $0x800, $0x38;
	[tilespmem:$0x18E00] =	vst v63  }
0x33a: {  	_ =	swait.ge [sflag:s26], $0x800  }
0x33b: {  	[sflag:s26] =	ssyncset.done $0x0  }
0x33c: {  	[sflag:s26] =	ssyncadd.s32 $0xFFFFF800  }
0x33d: {  	_ =	swait.ge [sflag:s31], $0x4000  }
0x33e: {  	[sflag:s31] =	ssyncset.done $0x0  }
0x33f: {  	[sflag:s31] =	ssyncadd.s32 $0xFFFFC000  }
0x340: {  	_ =	swait.ge [sflag:s31], $0x4000  }
0x341: {  	[sflag:s31] =	ssyncset.done $0x0  }
0x342: {  	[sflag:s31] =	ssyncadd.s32 $0xFFFFC000  }
0x343: {  	_ =	swait.ge [sflag:s31], $0x4000  }
0x344: {  	[sflag:s31] =	ssyncset.done $0x0  }
0x345: {  	[sflag:s31] =	ssyncadd.s32 $0xFFFFC000  }
.LBB2_8:
0x346: {  	s29 =	sshll.u32 s28, $0xA  }
0x347: {  	v0 =	vld [tilespmem:s29+$0xC600]  }
0x348: {  	v1 =	vld [tilespmem:s29+$0x10600]  }
0x349: {  	v2 =	vld [tilespmem:s29+$0x14600]  }
0x34a: {  	v3 =	vld [tilespmem:s29+$0xC610]  }
0x34b: {  	v4 =	vld [tilespmem:s29+$0x10610]  }
0x34c: {  	v5 =	vld [tilespmem:s29+$0x14610]  }
0x34d: {  	v6 =	vld [tilespmem:s29+$0xC620]  }
0x34e: {  	v7 =	vld [tilespmem:s29+$0x10620]  }
0x34f: {  	v8 =	vld [tilespmem:s29+$0x14620]  }
0x350: {  	v9 =	vld [tilespmem:s29+$0xC630]  }
0x351: {  	v10 =	vld [tilespmem:s29+$0x10630]  }
0x352: {  	v11 =	vld [tilespmem:s29+$0x14630]  }
0x353: {  	v12 =	vld [tilespmem:s29+$0xC640]  }
0x354: {  	v47 =	vld [tilespmem:s29+$0x10640];
	v1 =	vsub.f32 v2, v1  }
0x355: {  	v13 =	vld [tilespmem:s29+$0x14640]  }
0x356: {  	v49 =	vld [tilespmem:s29+$0xC650];
	v48 =	vsub.f32 v5, v4;
	v0 =	vmul.f32 v1, v0  }
0x357: {  	v50 =	vld [tilespmem:s29+$0x10650]  }
0x358: {  	v52 =	vld [tilespmem:s29+$0x14650];
	v51 =	vsub.f32 v8, v7;
	v1 =	vmul.f32 v48, v3;
	v0 =	vadd.f32 $0.0e+00, v0  }
0x359: {  	v53 =	vld [tilespmem:s29+$0xC660]  }
0x35a: {  	v56 =	vld [tilespmem:s29+$0x10660];
	v55 =	vsub.f32 v11, v10;
	v54 =	vmul.f32 v51, v6;
	v0 =	vadd.f32 v1, v0  }
0x35b: {  	v57 =	vld [tilespmem:s29+$0x14660]  }
0x35c: {  	v59 =	vld [tilespmem:s29+$0x10670];
	v2 =	vsub.f32 v13, v47;
	v58 =	vmul.f32 v55, v9;
	v0 =	vadd.f32 v54, v0  }
0x35d: {  	v60 =	vld [tilespmem:s29+$0x14670]  }
0x35e: {  	v62 =	vsub.f32 v52, v50;
	v61 =	vmul.f32 v2, v12;
	v0 =	vadd.f32 v58, v0  }
0x35f: {  	v63 =	vld [tilespmem:s29+$0xC670]  }
0x360: {  	v11 =	vmul.f32 v62, v49;
	v12 =	vsub.f32 v57, v56;
	v0 =	vadd.f32 v61, v0;
	_ =	sdelay $0x1  }
0x361: {  	v14 =	vsub.f32 v60, v59;
	v13 =	vmul.f32 v12, v53;
	v0 =	vadd.f32 v11, v0;
	_ =	sdelay $0x1  }
0x362: {  	v15 =	vmul.f32 v14, v63;
	v0 =	vadd.f32 v13, v0;
	_ =	sdelay $0x1  }
0x363: {  	s30 =	sshll.u32 s28, $0x7;
	v0 =	vadd.f32 v15, v0  }
0x364: {  	s30 =	sand.u32 $0x3FFFFF80, s30  }
0x365: {  	[tilespmem:s30+$0x18600] =	vst v0  }
0x366: {  	v0 =	vld [tilespmem:s29+$0xC680]  }
0x367: {  	v16 =	vld [tilespmem:s29+$0x10680]  }
0x368: {  	v17 =	vld [tilespmem:s29+$0x14680]  }
0x369: {  	v18 =	vld [tilespmem:s29+$0xC690]  }
0x36a: {  	v19 =	vld [tilespmem:s29+$0x10690]  }
0x36b: {  	v20 =	vld [tilespmem:s29+$0x14690]  }
0x36c: {  	v21 =	vld [tilespmem:s29+$0xC6A0]  }
0x36d: {  	v22 =	vld [tilespmem:s29+$0x106A0]  }
0x36e: {  	v23 =	vld [tilespmem:s29+$0x146A0]  }
0x36f: {  	v24 =	vld [tilespmem:s29+$0xC6B0]  }
0x370: {  	v25 =	vld [tilespmem:s29+$0x106B0]  }
0x371: {  	v26 =	vld [tilespmem:s29+$0x146B0]  }
0x372: {  	v27 =	vld [tilespmem:s29+$0xC6C0]  }
0x373: {  	v28 =	vld [tilespmem:s29+$0x106C0];
	v1 =	vsub.f32 v17, v16  }
0x374: {  	v29 =	vld [tilespmem:s29+$0x146C0]  }
0x375: {  	v31 =	vld [tilespmem:s29+$0xC6D0];
	v30 =	vsub.f32 v20, v19;
	v0 =	vmul.f32 v1, v0  }
0x376: {  	v32 =	vld [tilespmem:s29+$0x106D0]  }
0x377: {  	v34 =	vld [tilespmem:s29+$0x146D0];
	v33 =	vsub.f32 v23, v22;
	v1 =	vmul.f32 v30, v18;
	v0 =	vadd.f32 $0.0e+00, v0  }
0x378: {  	v35 =	vld [tilespmem:s29+$0xC6E0]  }
0x379: {  	v38 =	vld [tilespmem:s29+$0x106E0];
	v37 =	vsub.f32 v26, v25;
	v36 =	vmul.f32 v33, v21;
	v0 =	vadd.f32 v1, v0  }
0x37a: {  	v39 =	vld [tilespmem:s29+$0x146E0]  }
0x37b: {  	v41 =	vld [tilespmem:s29+$0x106F0];
	v2 =	vsub.f32 v29, v28;
	v40 =	vmul.f32 v37, v24;
	v0 =	vadd.f32 v36, v0  }
0x37c: {  	v42 =	vld [tilespmem:s29+$0x146F0]  }
0x37d: {  	v44 =	vsub.f32 v34, v32;
	v43 =	vmul.f32 v2, v27;
	v0 =	vadd.f32 v40, v0  }
0x37e: {  	v45 =	vld [tilespmem:s29+$0xC6F0]  }
0x37f: {  	v47 =	vsub.f32 v39, v38;
	v46 =	vmul.f32 v44, v31;
	v0 =	vadd.f32 v43, v0;
	_ =	sdelay $0x1  }
0x380: {  	v49 =	vsub.f32 v42, v41;
	v48 =	vmul.f32 v47, v35;
	v0 =	vadd.f32 v46, v0;
	_ =	sdelay $0x1  }
0x381: {  	v50 =	vmul.f32 v49, v45;
	v0 =	vadd.f32 v48, v0;
	_ =	sdelay $0x1  }
0x382: {  	v0 =	vadd.f32 v50, v0;
	_ =	sdelay $0x1  }
0x383: {  	[tilespmem:s30+$0x18610] =	vst v0  }
0x384: {  	v0 =	vld [tilespmem:s29+$0xC700]  }
0x385: {  	v51 =	vld [tilespmem:s29+$0x10700]  }
0x386: {  	v52 =	vld [tilespmem:s29+$0x14700]  }
0x387: {  	v53 =	vld [tilespmem:s29+$0xC710]  }
0x388: {  	v54 =	vld [tilespmem:s29+$0x10710]  }
0x389: {  	v55 =	vld [tilespmem:s29+$0x14710]  }
0x38a: {  	v56 =	vld [tilespmem:s29+$0xC720]  }
0x38b: {  	v57 =	vld [tilespmem:s29+$0x10720]  }
0x38c: {  	v58 =	vld [tilespmem:s29+$0x14720]  }
0x38d: {  	v59 =	vld [tilespmem:s29+$0xC730]  }
0x38e: {  	v60 =	vld [tilespmem:s29+$0x10730]  }
0x38f: {  	v61 =	vld [tilespmem:s29+$0x14730]  }
0x390: {  	v62 =	vld [tilespmem:s29+$0xC740]  }
0x391: {  	v63 =	vld [tilespmem:s29+$0x10740];
	v1 =	vsub.f32 v52, v51  }
0x392: {  	v16 =	vld [tilespmem:s29+$0x14740]  }
0x393: {  	v18 =	vld [tilespmem:s29+$0xC750];
	v17 =	vsub.f32 v55, v54;
	v0 =	vmul.f32 v1, v0  }
0x394: {  	v19 =	vld [tilespmem:s29+$0x10750]  }
0x395: {  	v21 =	vld [tilespmem:s29+$0x14750];
	v20 =	vsub.f32 v58, v57;
	v1 =	vmul.f32 v17, v53;
	v0 =	vadd.f32 $0.0e+00, v0  }
0x396: {  	v22 =	vld [tilespmem:s29+$0xC760]  }
0x397: {  	v25 =	vld [tilespmem:s29+$0x10760];
	v24 =	vsub.f32 v61, v60;
	v23 =	vmul.f32 v20, v56;
	v0 =	vadd.f32 v1, v0  }
0x398: {  	v26 =	vld [tilespmem:s29+$0x14760]  }
0x399: {  	v28 =	vld [tilespmem:s29+$0x10770];
	v2 =	vsub.f32 v16, v63;
	v27 =	vmul.f32 v24, v59;
	v0 =	vadd.f32 v23, v0  }
0x39a: {  	v29 =	vld [tilespmem:s29+$0x14770]  }
0x39b: {  	v31 =	vsub.f32 v21, v19;
	v30 =	vmul.f32 v2, v62;
	v0 =	vadd.f32 v27, v0  }
0x39c: {  	v32 =	vld [tilespmem:s29+$0xC770]  }
0x39d: {  	v34 =	vsub.f32 v26, v25;
	v33 =	vmul.f32 v31, v18;
	v0 =	vadd.f32 v30, v0;
	_ =	sdelay $0x1  }
0x39e: {  	v36 =	vsub.f32 v29, v28;
	v35 =	vmul.f32 v34, v22;
	v0 =	vadd.f32 v33, v0;
	_ =	sdelay $0x1  }
0x39f: {  	v37 =	vmul.f32 v36, v32;
	v0 =	vadd.f32 v35, v0;
	_ =	sdelay $0x1  }
0x3a0: {  	v0 =	vadd.f32 v37, v0;
	_ =	sdelay $0x1  }
0x3a1: {  	[tilespmem:s30+$0x18620] =	vst v0  }
0x3a2: {  	v0 =	vld [tilespmem:s29+$0xC780]  }
0x3a3: {  	v38 =	vld [tilespmem:s29+$0x10780]  }
0x3a4: {  	v39 =	vld [tilespmem:s29+$0x14780]  }
0x3a5: {  	v40 =	vld [tilespmem:s29+$0xC790]  }
0x3a6: {  	v41 =	vld [tilespmem:s29+$0x10790]  }
0x3a7: {  	v42 =	vld [tilespmem:s29+$0x14790]  }
0x3a8: {  	v43 =	vld [tilespmem:s29+$0xC7A0]  }
0x3a9: {  	v44 =	vld [tilespmem:s29+$0x107A0]  }
0x3aa: {  	v45 =	vld [tilespmem:s29+$0x147A0]  }
0x3ab: {  	v46 =	vld [tilespmem:s29+$0xC7B0]  }
0x3ac: {  	v47 =	vld [tilespmem:s29+$0x107B0]  }
0x3ad: {  	v48 =	vld [tilespmem:s29+$0x147B0]  }
0x3ae: {  	v49 =	vld [tilespmem:s29+$0xC7C0]  }
0x3af: {  	v50 =	vld [tilespmem:s29+$0x107C0];
	v1 =	vsub.f32 v39, v38  }
0x3b0: {  	v51 =	vld [tilespmem:s29+$0x147C0]  }
0x3b1: {  	v53 =	vld [tilespmem:s29+$0xC7D0];
	v52 =	vsub.f32 v42, v41;
	v0 =	vmul.f32 v1, v0  }
0x3b2: {  	v54 =	vld [tilespmem:s29+$0x107D0]  }
0x3b3: {  	v56 =	vld [tilespmem:s29+$0x147D0];
	v55 =	vsub.f32 v45, v44;
	v1 =	vmul.f32 v52, v40;
	v0 =	vadd.f32 $0.0e+00, v0  }
0x3b4: {  	v57 =	vld [tilespmem:s29+$0xC7E0]  }
0x3b5: {  	v60 =	vld [tilespmem:s29+$0x107E0];
	v59 =	vsub.f32 v48, v47;
	v58 =	vmul.f32 v55, v43;
	v0 =	vadd.f32 v1, v0  }
0x3b6: {  	v61 =	vld [tilespmem:s29+$0x147E0]  }
0x3b7: {  	v63 =	vld [tilespmem:s29+$0x107F0];
	v2 =	vsub.f32 v51, v50;
	v62 =	vmul.f32 v59, v46;
	v0 =	vadd.f32 v58, v0  }
0x3b8: {  	v13 =	vld [tilespmem:s29+$0x147F0]  }
0x3b9: {  	v15 =	vsub.f32 v56, v54;
	v14 =	vmul.f32 v2, v49;
	v0 =	vadd.f32 v62, v0  }
0x3ba: {  	v16 =	vld [tilespmem:s29+$0xC7F0]  }
0x3bb: {  	v18 =	vsub.f32 v61, v60;
	v17 =	vmul.f32 v15, v53;
	v0 =	vadd.f32 v14, v0;
	_ =	sdelay $0x1  }
0x3bc: {  	v20 =	vsub.f32 v13, v63;
	v19 =	vmul.f32 v18, v57;
	v0 =	vadd.f32 v17, v0;
	_ =	sdelay $0x1  }
0x3bd: {  	v21 =	vmul.f32 v20, v16;
	v0 =	vadd.f32 v19, v0;
	_ =	sdelay $0x1  }
0x3be: {  	v0 =	vadd.f32 v21, v0;
	_ =	sdelay $0x1  }
0x3bf: {  	[tilespmem:s30+$0x18630] =	vst v0  }
0x3c0: {  	v0 =	vld [tilespmem:s29+$0xC800]  }
0x3c1: {  	v22 =	vld [tilespmem:s29+$0x10800]  }
0x3c2: {  	v23 =	vld [tilespmem:s29+$0x14800]  }
0x3c3: {  	v24 =	vld [tilespmem:s29+$0xC810]  }
0x3c4: {  	v25 =	vld [tilespmem:s29+$0x10810]  }
0x3c5: {  	v26 =	vld [tilespmem:s29+$0x14810]  }
0x3c6: {  	v27 =	vld [tilespmem:s29+$0xC820]  }
0x3c7: {  	v28 =	vld [tilespmem:s29+$0x10820]  }
0x3c8: {  	v29 =	vld [tilespmem:s29+$0x14820]  }
0x3c9: {  	v30 =	vld [tilespmem:s29+$0xC830]  }
0x3ca: {  	v31 =	vld [tilespmem:s29+$0x10830]  }
0x3cb: {  	v32 =	vld [tilespmem:s29+$0x14830]  }
0x3cc: {  	v33 =	vld [tilespmem:s29+$0xC840]  }
0x3cd: {  	v34 =	vld [tilespmem:s29+$0x10840];
	v1 =	vsub.f32 v23, v22  }
0x3ce: {  	v35 =	vld [tilespmem:s29+$0x14840]  }
0x3cf: {  	v37 =	vld [tilespmem:s29+$0xC850];
	v36 =	vsub.f32 v26, v25;
	v0 =	vmul.f32 v1, v0  }
0x3d0: {  	v38 =	vld [tilespmem:s29+$0x10850]  }
0x3d1: {  	v40 =	vld [tilespmem:s29+$0x14850];
	v39 =	vsub.f32 v29, v28;
	v1 =	vmul.f32 v36, v24;
	v0 =	vadd.f32 $0.0e+00, v0  }
0x3d2: {  	v41 =	vld [tilespmem:s29+$0xC860]  }
0x3d3: {  	v44 =	vld [tilespmem:s29+$0x10860];
	v43 =	vsub.f32 v32, v31;
	v42 =	vmul.f32 v39, v27;
	v0 =	vadd.f32 v1, v0  }
0x3d4: {  	v45 =	vld [tilespmem:s29+$0x14860]  }
0x3d5: {  	v47 =	vld [tilespmem:s29+$0x10870];
	v2 =	vsub.f32 v35, v34;
	v46 =	vmul.f32 v43, v30;
	v0 =	vadd.f32 v42, v0  }
0x3d6: {  	v48 =	vld [tilespmem:s29+$0x14870]  }
0x3d7: {  	v50 =	vsub.f32 v40, v38;
	v49 =	vmul.f32 v2, v33;
	v0 =	vadd.f32 v46, v0  }
0x3d8: {  	v51 =	vld [tilespmem:s29+$0xC870]  }
0x3d9: {  	v53 =	vsub.f32 v45, v44;
	v52 =	vmul.f32 v50, v37;
	v0 =	vadd.f32 v49, v0;
	_ =	sdelay $0x1  }
0x3da: {  	v55 =	vsub.f32 v48, v47;
	v54 =	vmul.f32 v53, v41;
	v0 =	vadd.f32 v52, v0;
	_ =	sdelay $0x1  }
0x3db: {  	v56 =	vmul.f32 v55, v51;
	v0 =	vadd.f32 v54, v0;
	_ =	sdelay $0x1  }
0x3dc: {  	v0 =	vadd.f32 v56, v0;
	_ =	sdelay $0x1  }
0x3dd: {  	[tilespmem:s30+$0x18640] =	vst v0  }
0x3de: {  	v0 =	vld [tilespmem:s29+$0xC880]  }
0x3df: {  	v57 =	vld [tilespmem:s29+$0x10880]  }
0x3e0: {  	v58 =	vld [tilespmem:s29+$0x14880]  }
0x3e1: {  	v59 =	vld [tilespmem:s29+$0xC890]  }
0x3e2: {  	v60 =	vld [tilespmem:s29+$0x10890]  }
0x3e3: {  	v61 =	vld [tilespmem:s29+$0x14890]  }
0x3e4: {  	v62 =	vld [tilespmem:s29+$0xC8A0]  }
0x3e5: {  	v63 =	vld [tilespmem:s29+$0x108A0]  }
0x3e6: {  	v16 =	vld [tilespmem:s29+$0x148A0]  }
0x3e7: {  	v17 =	vld [tilespmem:s29+$0xC8B0]  }
0x3e8: {  	v18 =	vld [tilespmem:s29+$0x108B0]  }
0x3e9: {  	v19 =	vld [tilespmem:s29+$0x148B0]  }
0x3ea: {  	v20 =	vld [tilespmem:s29+$0xC8C0]  }
0x3eb: {  	v21 =	vld [tilespmem:s29+$0x108C0];
	v1 =	vsub.f32 v58, v57  }
0x3ec: {  	v22 =	vld [tilespmem:s29+$0x148C0]  }
0x3ed: {  	v24 =	vld [tilespmem:s29+$0xC8D0];
	v23 =	vsub.f32 v61, v60;
	v0 =	vmul.f32 v1, v0  }
0x3ee: {  	v25 =	vld [tilespmem:s29+$0x108D0]  }
0x3ef: {  	v27 =	vld [tilespmem:s29+$0x148D0];
	v26 =	vsub.f32 v16, v63;
	v1 =	vmul.f32 v23, v59;
	v0 =	vadd.f32 $0.0e+00, v0  }
0x3f0: {  	v28 =	vld [tilespmem:s29+$0xC8E0]  }
0x3f1: {  	v31 =	vld [tilespmem:s29+$0x108E0];
	v30 =	vsub.f32 v19, v18;
	v29 =	vmul.f32 v26, v62;
	v0 =	vadd.f32 v1, v0  }
0x3f2: {  	v32 =	vld [tilespmem:s29+$0x148E0]  }
0x3f3: {  	v34 =	vld [tilespmem:s29+$0x108F0];
	v2 =	vsub.f32 v22, v21;
	v33 =	vmul.f32 v30, v17;
	v0 =	vadd.f32 v29, v0  }
0x3f4: {  	v35 =	vld [tilespmem:s29+$0x148F0]  }
0x3f5: {  	v37 =	vsub.f32 v27, v25;
	v36 =	vmul.f32 v2, v20;
	v0 =	vadd.f32 v33, v0  }
0x3f6: {  	v38 =	vld [tilespmem:s29+$0xC8F0]  }
0x3f7: {  	v40 =	vsub.f32 v32, v31;
	v39 =	vmul.f32 v37, v24;
	v0 =	vadd.f32 v36, v0;
	_ =	sdelay $0x1  }
0x3f8: {  	v42 =	vsub.f32 v35, v34;
	v41 =	vmul.f32 v40, v28;
	v0 =	vadd.f32 v39, v0;
	_ =	sdelay $0x1  }
0x3f9: {  	v43 =	vmul.f32 v42, v38;
	v0 =	vadd.f32 v41, v0;
	_ =	sdelay $0x1  }
0x3fa: {  	v0 =	vadd.f32 v43, v0;
	_ =	sdelay $0x1  }
0x3fb: {  	[tilespmem:s30+$0x18650] =	vst v0  }
0x3fc: {  	v0 =	vld [tilespmem:s29+$0xC900]  }
0x3fd: {  	v44 =	vld [tilespmem:s29+$0x10900]  }
0x3fe: {  	v45 =	vld [tilespmem:s29+$0x14900]  }
0x3ff: {  	v46 =	vld [tilespmem:s29+$0xC910]  }
0x400: {  	v47 =	vld [tilespmem:s29+$0x10910]  }
0x401: {  	v48 =	vld [tilespmem:s29+$0x14910]  }
0x402: {  	v49 =	vld [tilespmem:s29+$0xC920]  }
0x403: {  	v50 =	vld [tilespmem:s29+$0x10920]  }
0x404: {  	v51 =	vld [tilespmem:s29+$0x14920]  }
0x405: {  	v52 =	vld [tilespmem:s29+$0xC930]  }
0x406: {  	v53 =	vld [tilespmem:s29+$0x10930]  }
0x407: {  	v54 =	vld [tilespmem:s29+$0x14930]  }
0x408: {  	v55 =	vld [tilespmem:s29+$0xC940]  }
0x409: {  	v56 =	vld [tilespmem:s29+$0x10940];
	v1 =	vsub.f32 v45, v44  }
0x40a: {  	v57 =	vld [tilespmem:s29+$0x14940]  }
0x40b: {  	v59 =	vld [tilespmem:s29+$0xC950];
	v58 =	vsub.f32 v48, v47;
	v0 =	vmul.f32 v1, v0  }
0x40c: {  	v60 =	vld [tilespmem:s29+$0x10950]  }
0x40d: {  	v62 =	vld [tilespmem:s29+$0x14950];
	v61 =	vsub.f32 v51, v50;
	v1 =	vmul.f32 v58, v46;
	v0 =	vadd.f32 $0.0e+00, v0  }
0x40e: {  	v63 =	vld [tilespmem:s29+$0xC960]  }
0x40f: {  	v16 =	vld [tilespmem:s29+$0x10960];
	v15 =	vsub.f32 v54, v53;
	v14 =	vmul.f32 v61, v49;
	v0 =	vadd.f32 v1, v0  }
0x410: {  	v17 =	vld [tilespmem:s29+$0x14960]  }
0x411: {  	v19 =	vld [tilespmem:s29+$0x10970];
	v2 =	vsub.f32 v57, v56;
	v18 =	vmul.f32 v15, v52;
	v0 =	vadd.f32 v14, v0  }
0x412: {  	v20 =	vld [tilespmem:s29+$0x14970]  }
0x413: {  	v22 =	vsub.f32 v62, v60;
	v21 =	vmul.f32 v2, v55;
	v0 =	vadd.f32 v18, v0  }
0x414: {  	v23 =	vld [tilespmem:s29+$0xC970]  }
0x415: {  	v25 =	vsub.f32 v17, v16;
	v24 =	vmul.f32 v22, v59;
	v0 =	vadd.f32 v21, v0;
	_ =	sdelay $0x1  }
0x416: {  	v27 =	vsub.f32 v20, v19;
	v26 =	vmul.f32 v25, v63;
	v0 =	vadd.f32 v24, v0;
	_ =	sdelay $0x1  }
0x417: {  	v28 =	vmul.f32 v27, v23;
	v0 =	vadd.f32 v26, v0;
	_ =	sdelay $0x1  }
0x418: {  	v0 =	vadd.f32 v28, v0;
	_ =	sdelay $0x1  }
0x419: {  	[tilespmem:s30+$0x18660] =	vst v0  }
0x41a: {  	v0 =	vld [tilespmem:s29+$0xC980]  }
0x41b: {  	v29 =	vld [tilespmem:s29+$0x10980]  }
0x41c: {  	v30 =	vld [tilespmem:s29+$0x14980]  }
0x41d: {  	v31 =	vld [tilespmem:s29+$0xC990]  }
0x41e: {  	v32 =	vld [tilespmem:s29+$0x10990]  }
0x41f: {  	v33 =	vld [tilespmem:s29+$0x14990]  }
0x420: {  	v34 =	vld [tilespmem:s29+$0xC9A0]  }
0x421: {  	v35 =	vld [tilespmem:s29+$0x109A0]  }
0x422: {  	v36 =	vld [tilespmem:s29+$0x149A0]  }
0x423: {  	v37 =	vld [tilespmem:s29+$0xC9B0]  }
0x424: {  	v38 =	vld [tilespmem:s29+$0x109B0]  }
0x425: {  	v39 =	vld [tilespmem:s29+$0x149B0]  }
0x426: {  	v40 =	vld [tilespmem:s29+$0xC9C0]  }
0x427: {  	v41 =	vld [tilespmem:s29+$0x109C0];
	v1 =	vsub.f32 v30, v29  }
0x428: {  	v42 =	vld [tilespmem:s29+$0x149C0]  }
0x429: {  	v44 =	vld [tilespmem:s29+$0xC9D0];
	v43 =	vsub.f32 v33, v32;
	v0 =	vmul.f32 v1, v0  }
0x42a: {  	v45 =	vld [tilespmem:s29+$0x109D0]  }
0x42b: {  	v47 =	vld [tilespmem:s29+$0x149D0];
	v46 =	vsub.f32 v36, v35;
	v1 =	vmul.f32 v43, v31;
	v0 =	vadd.f32 $0.0e+00, v0  }
0x42c: {  	v48 =	vld [tilespmem:s29+$0xC9E0]  }
0x42d: {  	v51 =	vld [tilespmem:s29+$0x109E0];
	v50 =	vsub.f32 v39, v38;
	v49 =	vmul.f32 v46, v34;
	v0 =	vadd.f32 v1, v0  }
0x42e: {  	v52 =	vld [tilespmem:s29+$0x149E0]  }
0x42f: {  	v54 =	vld [tilespmem:s29+$0x109F0];
	v2 =	vsub.f32 v42, v41;
	v53 =	vmul.f32 v50, v37;
	v0 =	vadd.f32 v49, v0  }
0x430: {  	v55 =	vld [tilespmem:s29+$0x149F0]  }
0x431: {  	v57 =	vsub.f32 v47, v45;
	v56 =	vmul.f32 v2, v40;
	v0 =	vadd.f32 v53, v0  }
0x432: {  	v58 =	vld [tilespmem:s29+$0xC9F0]  }
0x433: {  	v60 =	vsub.f32 v52, v51;
	v59 =	vmul.f32 v57, v44;
	v0 =	vadd.f32 v56, v0;
	_ =	sdelay $0x1  }
0x434: {  	v62 =	vsub.f32 v55, v54;
	v61 =	vmul.f32 v60, v48;
	v0 =	vadd.f32 v59, v0  }
0x435: {  	p0 =	sne.s32 s28, $0xF  }
.Ltmp3:
0x436: {  	v63 =	vmul.f32 v62, v58;
	v0 =	vadd.f32 v61, v0;
	(pc) =	sbr.rel @p0 .LBB2_8-.Ltmp3, $3  }
0x437: {  	_ = 	snop  }
0x438: {  	v0 =	vadd.f32 v63, v0;
	_ =	sdelay $0x1  }
0x439: {  	s28 =	sadd.s32 $0x1, s28;
	[tilespmem:s30+$0x18670] =	vst v0  }
0x43a: {  	s23 =	sadd.s32 $0x1, s23  }
0x43b: {  	p0 =	sne.s32 s23, s12  }
.Ltmp4:
0x43c: {  	_ = 	snop;
	(pc) =	sbr.rel @p0 .LBB2_1-.Ltmp4, $4  }
0x43d: {  	[hbm4b:s11+s4] =	stream.linear.scatter [tilespmem:s25], [sflag:$0x3], $0x800, $0x38;
	[tilespmem:$0x18E00] =	vst v63  }
0x43e: {  	_ =	swait.ge [sflag:s26], $0x800  }
0x43f: {  	[sflag:s26] =	ssyncset.done $0x0  }
0x440: {  	[sflag:s26] =	ssyncadd.s32 $0xFFFFF800  }
0x441: {  	_ =	sfence.sel $0x180000  }
0x442: {  	[bflag:$0x0] =	sbarrier.arrive $0xFFFF  }
0x443: {  	_ =	strace $0x90000047  }
0x444: {  	s0 =	stileid.u32;
	[bflag:$0x2] =	sbarrier.arrive $0xFFFF  }
0x445: {  	p0 =	sne.s32 s0, $0x0;
	s0 =	rddreg [dreg:$0x6]  }
0x446: {  	s0 =	sadd.s32 @!p0 $0x100000, s0  }
0x447: {  	[sflag:s0] =	ssyncadd.tile.s32 @!p0 $0x1;
	_ =	shalt  }
.Lfunc_end2:
_tile_overlayer_lowered:
.L_overlay_start_2:
0x448: {  	(tag) =	ssettag $0x2  }
0x449: {  	s0 =	rddreg [dreg:$0x0];
	s2 =	stileid.u32  }
0x44a: {  	s1 =	rddreg [dreg:$0x1];
	p0 =	sne.s32 s2, $0x0  }
0x44b: {  	s3 =	rddreg [dreg:$0x2];
	[bflag:$0x3] =	sbarrier.arrive $0xFFFF;
	s2 =	simm.s32 @!p0 $0x1C03  }
0x44c: {  	[timem:s3], [sflag:s2] =	dma.local @!p0 [hbm:s0], s1  }
0x44d: {  	s0 =	simm.s32 @!p0 $0x3  }
0x44e: {  	_ =	swait.ge @!p0 [sflag:s0], s1  }
0x44f: {  	s1 =	ssub.s32 @!p0 $0x0, s1;
	[sflag:s0] =	ssyncset.done @!p0 $0x0  }
0x450: {  	[sflag:s0] =	ssyncadd.s32 @!p0 s1  }
0x451: {  	[bflag:$0x3] =	sbarrier.arrive $0xFFFF  }
0x452: {  	_ =	shalt  }

</sc_bundles>
